<compile_context>
chip_gen: v7x
topology: tpu7x:2x2x1
jax: 0.10.2.dev20260603
libtpu: 0.0.44.dev20260713+nightly
codegen_flags: <defaults>
</compile_context>

<pallas_src>
import functools

import jax
import jax.numpy as jnp
from jax import lax
from jax.experimental import pallas as pl
from jax.experimental.pallas import tpu as pltpu
from jax.experimental.pallas import tpu_sc as plsc

DIM = 128
NCTX = 20
ROWPAD = 128
NW = 32
CH = 16
LANES = 16
DCH = DIM // LANES
NPAIR = CH * NCTX
NGRP = NPAIR // LANES

def _body(cid_hbm, ctxp_hbm, win_hbm, wout_hbm, out_hbm,
          cid_v, idp0, idp1, idx0, idx1, cr0, cr1, xr0, xr1, lg0, lg1,
          sid0, sid1, sr0, sr1, so0, so1):
    b_per_w = cid_v.shape[0]
    n_chunks = b_per_w // CH
    n_rounds = n_chunks // 2
    wid = lax.axis_index("s") * 2 + lax.axis_index("c")
    base = wid * b_per_w

    pltpu.sync_copy(cid_hbm.at[pl.ds(base, b_per_w)], cid_v)

    lane = lax.iota(jnp.int32, LANES)
    zeros = jnp.zeros((LANES,), jnp.float32)
    offs = []
    for g in range(NGRP):
        p = lane + (LANES * g)
        offs.append((p // NCTX) * ROWPAD + p % NCTX)

    def fire_ids(c, idp, sid):
        pltpu.async_copy(
            ctxp_hbm.at[pl.ds((base + c * CH) * ROWPAD, CH * ROWPAD)], idp, sid)

    def build_fire_rows(c, idp, sid, idx, crb, xrb, sr):
        pltpu.make_async_copy(
            ctxp_hbm.at[pl.ds(0, CH * ROWPAD)], idp, sid).wait()
        for g in range(NGRP):
            idx[pl.ds(LANES * g, LANES)] = plsc.load_gather(idp, [offs[g]])
        pltpu.async_copy(win_hbm.at[cid_v.at[pl.ds(c * CH, CH)]], crb, sr)
        pltpu.async_copy(wout_hbm.at[idx.at[pl.ds(0, 128)]],
                         xrb.at[pl.ds(0, 128)], sr)
        pltpu.async_copy(wout_hbm.at[idx.at[pl.ds(128, 128)]],
                         xrb.at[pl.ds(128, 128)], sr)
        pltpu.async_copy(wout_hbm.at[idx.at[pl.ds(256, 64)]],
                         xrb.at[pl.ds(256, 64)], sr)

    def compute(c, r, crb, xrb, lgb, sr, so):
        pltpu.make_async_copy(win_hbm.at[pl.ds(0, CH)], crb, sr).wait()
        pltpu.make_async_copy(wout_hbm.at[pl.ds(0, NPAIR)], xrb, sr).wait()

        @pl.when(r > 0)
        def _():
            pltpu.make_async_copy(
                lgb, out_hbm.at[pl.ds(0, CH * ROWPAD)], so).wait()

        def elem_body(b, carry2):
            cvecs = [crb[b, pl.ds(LANES * k, LANES)] for k in range(DCH)]
            outs = [zeros, zeros]
            for n in range(NCTX):
                p = b * NCTX + n
                acc = cvecs[0] * xrb[p, pl.ds(0, LANES)]
                for k in range(1, DCH):
                    acc = acc + cvecs[k] * xrb[p, pl.ds(LANES * k, LANES)]
                s = jnp.sum(acc)
                g, j = divmod(n, LANES)
                outs[g] = jnp.where(lane == j, s, outs[g])
            lgb[pl.ds(b * ROWPAD, LANES)] = outs[0]
            lgb[pl.ds(b * ROWPAD + LANES, LANES)] = outs[1]
            return carry2

        lax.fori_loop(0, CH, elem_body, 0)
        pltpu.async_copy(
            lgb, out_hbm.at[pl.ds((base + c * CH) * ROWPAD, CH * ROWPAD)], so)

    fire_ids(0, idp0, sid0)
    fire_ids(1, idp1, sid1)
    build_fire_rows(0, idp0, sid0, idx0, cr0, xr0, sr0)

    def round_body(r, carry):
        c0 = 2 * r
        build_fire_rows(c0 + 1, idp1, sid1, idx1, cr1, xr1, sr1)

        @pl.when(c0 + 2 < n_chunks)
        def _():
            fire_ids(c0 + 2, idp0, sid0)

        compute(c0, r, cr0, xr0, lg0, sr0, so0)

        @pl.when(c0 + 2 < n_chunks)
        def _():
            build_fire_rows(c0 + 2, idp0, sid0, idx0, cr0, xr0, sr0)

        @pl.when(c0 + 3 < n_chunks)
        def _():
            fire_ids(c0 + 3, idp1, sid1)

        compute(c0 + 1, r, cr1, xr1, lg1, sr1, so1)
        return carry

    lax.fori_loop(0, n_rounds, round_body, 0)

    pltpu.make_async_copy(lg0, out_hbm.at[pl.ds(0, CH * ROWPAD)], so0).wait()
    pltpu.make_async_copy(lg1, out_hbm.at[pl.ds(0, CH * ROWPAD)], so1).wait()


def kernel(center_ids, context_ids, W_in, W_out):
    B = center_ids.shape[0]
    b_per_w = B // NW
    ctx_pad = jnp.pad(context_ids, ((0, 0), (0, ROWPAD - NCTX)))
    ctx_flat = ctx_pad.reshape(-1)

    run = functools.partial(
        pl.kernel,
        out_type=jax.ShapeDtypeStruct((B * ROWPAD,), jnp.float32),
        mesh=plsc.VectorSubcoreMesh(core_axis_name="c", subcore_axis_name="s"),
        compiler_params=pltpu.CompilerParams(needs_layout_passes=False),
        scratch_types=[
            pltpu.VMEM((b_per_w,), jnp.int32),
            pltpu.VMEM((CH * ROWPAD,), jnp.int32),
            pltpu.VMEM((CH * ROWPAD,), jnp.int32),
            pltpu.VMEM((NPAIR,), jnp.int32),
            pltpu.VMEM((NPAIR,), jnp.int32),
            pltpu.VMEM((CH, DIM), jnp.float32),
            pltpu.VMEM((CH, DIM), jnp.float32),
            pltpu.VMEM((NPAIR, DIM), jnp.float32),
            pltpu.VMEM((NPAIR, DIM), jnp.float32),
            pltpu.VMEM((CH * ROWPAD,), jnp.float32),
            pltpu.VMEM((CH * ROWPAD,), jnp.float32),
            pltpu.SemaphoreType.DMA,
            pltpu.SemaphoreType.DMA,
            pltpu.SemaphoreType.DMA,
            pltpu.SemaphoreType.DMA,
            pltpu.SemaphoreType.DMA,
            pltpu.SemaphoreType.DMA,
        ],
    )(_body)
    out = run(center_ids, ctx_flat, W_in, W_out)
    return out.reshape(B, ROWPAD)[:, :NCTX]

# --- scband reference (transcript-rebuilt; emitter-appended) ---
"""Pipeline reference for scband-skip-gram-5317169512628 (READ-ONLY COPY).

The authoritative reference and input builder live on the scoring server;
editing this copy changes nothing except your own understanding.
"""

import jax, jax.numpy as jnp
import numpy as np

VOCAB = 100000
DIM = 128
B = 16384
NCTX = 20

def setup_inputs(seed: int = 0) -> dict:
    key = jax.random.key(seed)
    k1, k2, k3, k4 = jax.random.split(key, 4)
    center_ids = jax.random.randint(k1, (B,), 0, VOCAB, dtype=jnp.int64 if jax.config.jax_enable_x64 else jnp.int32).astype(jnp.int32)
    context_ids = jax.random.randint(k2, (B, NCTX), 0, VOCAB).astype(jnp.int32)
    # Learned parameters. Original inits W_in ~ U(-0.5/dim, 0.5/dim), W_out = zeros.
    # We use small random values for W_out too so the reference output is nontrivial.
    W_in = jax.random.uniform(k3, (VOCAB, DIM), dtype=jnp.float32, minval=-0.5 / DIM, maxval=0.5 / DIM)
    W_out = jax.random.normal(k4, (VOCAB, DIM), dtype=jnp.float32) * (0.5 / DIM)
    return {"center_ids": center_ids, "context_ids": context_ids, "W_in": W_in, "W_out": W_out}

def reference(center_ids, context_ids, W_in, W_out):
    # center_vecs: (B, D) gather from input embedding table
    center_vecs = jnp.take(W_in, center_ids, axis=0)
    # context_vecs: (B, N, D) gather from output embedding table
    context_vecs = jnp.take(W_out, context_ids, axis=0)
    # logits: (B, N) batched inner products
    logits = jnp.einsum('bd,bnd->bn', center_vecs, context_vecs)
    return logits

if __name__ == "__main__":
    import jax
    _d = setup_inputs()
    print(jax.jit(kernel)(*tuple(_d.values())))

</pallas_src>

<mosaic_0001>
#map = affine_map<(d0, d1) -> (0)>
#map1 = affine_map<(d0, d1) -> (0, 0)>
module attributes {stable_mosaic.version = 14 : i64} {
  func.func @_body(%arg0: i32, %arg1: i32, %arg2: memref<16384xi32, #tpu.memory_space<hbm>>, %arg3: memref<2097152xi32, #tpu.memory_space<hbm>>, %arg4: memref<100000x128xf32, #tpu.memory_space<hbm>>, %arg5: memref<100000x128xf32, #tpu.memory_space<hbm>>, %arg6: memref<2097152xf32, #tpu.memory_space<hbm>>, %arg7: memref<512xi32, #tpu.memory_space<vmem>>, %arg8: memref<2048xi32, #tpu.memory_space<vmem>>, %arg9: memref<2048xi32, #tpu.memory_space<vmem>>, %arg10: memref<320xi32, #tpu.memory_space<vmem>>, %arg11: memref<320xi32, #tpu.memory_space<vmem>>, %arg12: memref<16x128xf32, #tpu.memory_space<vmem>>, %arg13: memref<16x128xf32, #tpu.memory_space<vmem>>, %arg14: memref<320x128xf32, #tpu.memory_space<vmem>>, %arg15: memref<320x128xf32, #tpu.memory_space<vmem>>, %arg16: memref<2048xf32, #tpu.memory_space<vmem>>, %arg17: memref<2048xf32, #tpu.memory_space<vmem>>, %arg18: memref<!tpu.dma_semaphore, #tpu.memory_space<semaphore_mem>>, %arg19: memref<!tpu.dma_semaphore, #tpu.memory_space<semaphore_mem>>, %arg20: memref<!tpu.dma_semaphore, #tpu.memory_space<semaphore_mem>>, %arg21: memref<!tpu.dma_semaphore, #tpu.memory_space<semaphore_mem>>, %arg22: memref<!tpu.dma_semaphore, #tpu.memory_space<semaphore_mem>>, %arg23: memref<!tpu.dma_semaphore, #tpu.memory_space<semaphore_mem>>) attributes {dimension_semantics = [#tpu.dimension_semantics<core_parallel>, #tpu.dimension_semantics<subcore_parallel>], iteration_bounds = array<i64: 2, 16>, scalar_prefetch = 0 : i64, scratch_operands = 17 : i64, tpu.core_type = #tpu.core_type<sc_vector_subcore>, window_params = [{transform_indices = #map}, {transform_indices = #map}, {transform_indices = #map1}, {transform_indices = #map1}, {transform_indices = #map}]} {
    %mul3A = arith.constant 2 : i32
    %mul3A_0 = arith.muli %arg1, %mul3A : i32
    %add3A = arith.addi %mul3A_0, %arg0 : i32
    %mul3A_1 = arith.constant 512 : i32
    %mul3A_2 = arith.muli %add3A, %mul3A_1 : i32
    "tpu.region"() ({
      %run_scoped3A = tpu.sem_alloc : memref<!tpu.dma_semaphore, #tpu.memory_space<semaphore_mem>>
      %dma_start3A_1308 = tpu.memref_slice %arg2[%mul3A_2] : memref<16384xi32, #tpu.memory_space<hbm>> -> memref<512xi32, #tpu.memory_space<hbm>>
      %dma_start3A_1309 = tpu.memref_slice %arg2[%mul3A_2] : memref<16384xi32, #tpu.memory_space<hbm>> -> memref<512xi32, #tpu.memory_space<hbm>>
      tpu.enqueue_dma source(%dma_start3A_1309 : memref<512xi32, #tpu.memory_space<hbm>>) target(%arg7 : memref<512xi32, #tpu.memory_space<vmem>>) target_semaphore(%run_scoped3A : memref<!tpu.dma_semaphore, #tpu.memory_space<semaphore_mem>>)
      %dma_wait3A_1310 = tpu.memref_slice %arg2[%mul3A_2] : memref<16384xi32, #tpu.memory_space<hbm>> -> memref<512xi32, #tpu.memory_space<hbm>>
      %dma_wait3A_1311 = tpu.memref_slice %arg2[%mul3A_2] : memref<16384xi32, #tpu.memory_space<hbm>> -> memref<512xi32, #tpu.memory_space<hbm>>
      tpu.wait_dma2 semaphore(%run_scoped3A : memref<!tpu.dma_semaphore, #tpu.memory_space<semaphore_mem>>) src(%dma_wait3A_1311 : memref<512xi32, #tpu.memory_space<hbm>>) dst(%arg7 : memref<512xi32, #tpu.memory_space<vmem>>)
      tpu.yield
    }) : () -> ()
    %iota3A = tpu.iota {dimensions = array<i32: 0>} : vector<16xi32>
    %broadcast_in_dim3A = arith.constant 0.000000e+00 : f32
    %broadcast_in_dim3A_3 = vector.broadcast %broadcast_in_dim3A : f32 to vector<16xf32>
    %add3A_4 = arith.constant 0 : i32
    %add3A_5 = vector.broadcast %add3A_4 : i32 to vector<16xi32>
    %add3A_6 = arith.addi %iota3A, %add3A_5 : vector<16xi32>
    %jit3A = arith.constant 20 : i32
    %div3A = vector.broadcast %jit3A : i32 to vector<16xi32>
    %div3A_7 = arith.divsi %add3A_6, %div3A : vector<16xi32>
    %sign3A = arith.constant 0 : i32
    %sign3A_8 = vector.broadcast %sign3A : i32 to vector<16xi32>
    %sign3A_9 = arith.cmpi sgt, %add3A_6, %sign3A_8 : vector<16xi32>
    %sign3A_10 = arith.extui %sign3A_9 : vector<16xi1> to vector<16xi32>
    %sign3A_11 = arith.constant 0 : i32
    %sign3A_12 = vector.broadcast %sign3A_11 : i32 to vector<16xi32>
    %sign3A_13 = arith.cmpi slt, %add3A_6, %sign3A_12 : vector<16xi32>
    %sign3A_14 = arith.extui %sign3A_13 : vector<16xi1> to vector<16xi32>
    %sign3A_15 = arith.subi %sign3A_10, %sign3A_14 : vector<16xi32>
    %sign3A_16 = arith.constant 0 : i32
    %sign3A_17 = arith.cmpi sgt, %jit3A, %sign3A_16 : i32
    %sign3A_18 = arith.extui %sign3A_17 : i1 to i32
    %sign3A_19 = arith.constant 0 : i32
    %sign3A_20 = arith.cmpi slt, %jit3A, %sign3A_19 : i32
    %sign3A_21 = arith.extui %sign3A_20 : i1 to i32
    %sign3A_22 = arith.subi %sign3A_18, %sign3A_21 : i32
    %ne3A = vector.broadcast %sign3A_22 : i32 to vector<16xi32>
    %ne3A_23 = arith.cmpi ne, %sign3A_15, %ne3A : vector<16xi32>
    %rem3A = vector.broadcast %jit3A : i32 to vector<16xi32>
    %rem3A_24 = arith.remsi %add3A_6, %rem3A : vector<16xi32>
    %ne3A_25 = arith.constant 0 : i32
    %ne3A_26 = vector.broadcast %ne3A_25 : i32 to vector<16xi32>
    %ne3A_27 = arith.cmpi ne, %rem3A_24, %ne3A_26 : vector<16xi32>
    %and3A = arith.andi %ne3A_23, %ne3A_27 : vector<16xi1>
    %sub3A = arith.constant 1 : i32
    %sub3A_28 = vector.broadcast %sub3A : i32 to vector<16xi32>
    %sub3A_29 = arith.subi %div3A_7, %sub3A_28 : vector<16xi32>
    %select_n3A = arith.select %and3A, %sub3A_29, %div3A_7 : vector<16xi1>, vector<16xi32>
    %mul3A_30 = arith.constant 128 : i32
    %mul3A_31 = vector.broadcast %mul3A_30 : i32 to vector<16xi32>
    %mul3A_32 = arith.muli %select_n3A, %mul3A_31 : vector<16xi32>
    %jit3A_33 = arith.constant 20 : i32
    %eq3A = arith.constant 0 : i32
    %eq3A_34 = arith.cmpi eq, %jit3A_33, %eq3A : i32
    %jit3A_35 = arith.constant 1 : i32
    %select_n3A_36 = arith.select %eq3A_34, %jit3A_35, %jit3A_33 : i32
    %rem3A_37 = vector.broadcast %select_n3A_36 : i32 to vector<16xi32>
    %rem3A_38 = arith.remsi %add3A_6, %rem3A_37 : vector<16xi32>
    %ne3A_39 = arith.constant 0 : i32
    %ne3A_40 = vector.broadcast %ne3A_39 : i32 to vector<16xi32>
    %ne3A_41 = arith.cmpi ne, %rem3A_38, %ne3A_40 : vector<16xi32>
    %lt3A = arith.constant 0 : i32
    %lt3A_42 = vector.broadcast %lt3A : i32 to vector<16xi32>
    %lt3A_43 = arith.cmpi slt, %rem3A_38, %lt3A_42 : vector<16xi32>
    %lt3A_44 = arith.constant 0 : i32
    %lt3A_45 = arith.cmpi slt, %select_n3A_36, %lt3A_44 : i32
    %ne3A_46 = vector.broadcast %lt3A_45 : i1 to vector<16xi1>
    %ne3A_47 = vector.broadcast %ne3A_46 : vector<16xi1> to vector<16xi1>
    %ne3A_48 = arith.xori %lt3A_43, %ne3A_47 : vector<16xi1>
    %and3A_49 = arith.andi %ne3A_48, %ne3A_41 : vector<16xi1>
    %add3A_50 = vector.broadcast %select_n3A_36 : i32 to vector<16xi32>
    %add3A_51 = arith.addi %rem3A_38, %add3A_50 : vector<16xi32>
    %select_n3A_52 = arith.select %and3A_49, %add3A_51, %rem3A_38 : vector<16xi1>, vector<16xi32>
    %add3A_53 = arith.addi %mul3A_32, %select_n3A_52 : vector<16xi32>
    %add3A_54 = arith.constant 16 : i32
    %add3A_55 = vector.broadcast %add3A_54 : i32 to vector<16xi32>
    %add3A_56 = arith.addi %iota3A, %add3A_55 : vector<16xi32>
    %jit3A_57 = arith.constant 20 : i32
    %div3A_58 = vector.broadcast %jit3A_57 : i32 to vector<16xi32>
    %div3A_59 = arith.divsi %add3A_56, %div3A_58 : vector<16xi32>
    %sign3A_60 = arith.constant 0 : i32
    %sign3A_61 = vector.broadcast %sign3A_60 : i32 to vector<16xi32>
    %sign3A_62 = arith.cmpi sgt, %add3A_56, %sign3A_61 : vector<16xi32>
    %sign3A_63 = arith.extui %sign3A_62 : vector<16xi1> to vector<16xi32>
    %sign3A_64 = arith.constant 0 : i32
    %sign3A_65 = vector.broadcast %sign3A_64 : i32 to vector<16xi32>
    %sign3A_66 = arith.cmpi slt, %add3A_56, %sign3A_65 : vector<16xi32>
    %sign3A_67 = arith.extui %sign3A_66 : vector<16xi1> to vector<16xi32>
    %sign3A_68 = arith.subi %sign3A_63, %sign3A_67 : vector<16xi32>
    %sign3A_69 = arith.constant 0 : i32
    %sign3A_70 = arith.cmpi sgt, %jit3A_57, %sign3A_69 : i32
    %sign3A_71 = arith.extui %sign3A_70 : i1 to i32
    %sign3A_72 = arith.constant 0 : i32
    %sign3A_73 = arith.cmpi slt, %jit3A_57, %sign3A_72 : i32
    %sign3A_74 = arith.extui %sign3A_73 : i1 to i32
    %sign3A_75 = arith.subi %sign3A_71, %sign3A_74 : i32
    %ne3A_76 = vector.broadcast %sign3A_75 : i32 to vector<16xi32>
    %ne3A_77 = arith.cmpi ne, %sign3A_68, %ne3A_76 : vector<16xi32>
    %rem3A_78 = vector.broadcast %jit3A_57 : i32 to vector<16xi32>
    %rem3A_79 = arith.remsi %add3A_56, %rem3A_78 : vector<16xi32>
    %ne3A_80 = arith.constant 0 : i32
    %ne3A_81 = vector.broadcast %ne3A_80 : i32 to vector<16xi32>
    %ne3A_82 = arith.cmpi ne, %rem3A_79, %ne3A_81 : vector<16xi32>
    %and3A_83 = arith.andi %ne3A_77, %ne3A_82 : vector<16xi1>
    %sub3A_84 = arith.constant 1 : i32
    %sub3A_85 = vector.broadcast %sub3A_84 : i32 to vector<16xi32>
    %sub3A_86 = arith.subi %div3A_59, %sub3A_85 : vector<16xi32>
    %select_n3A_87 = arith.select %and3A_83, %sub3A_86, %div3A_59 : vector<16xi1>, vector<16xi32>
    %mul3A_88 = arith.constant 128 : i32
    %mul3A_89 = vector.broadcast %mul3A_88 : i32 to vector<16xi32>
    %mul3A_90 = arith.muli %select_n3A_87, %mul3A_89 : vector<16xi32>
    %jit3A_91 = arith.constant 20 : i32
    %eq3A_92 = arith.constant 0 : i32
    %eq3A_93 = arith.cmpi eq, %jit3A_91, %eq3A_92 : i32
    %jit3A_94 = arith.constant 1 : i32
    %select_n3A_95 = arith.select %eq3A_93, %jit3A_94, %jit3A_91 : i32
    %rem3A_96 = vector.broadcast %select_n3A_95 : i32 to vector<16xi32>
    %rem3A_97 = arith.remsi %add3A_56, %rem3A_96 : vector<16xi32>
    %ne3A_98 = arith.constant 0 : i32
    %ne3A_99 = vector.broadcast %ne3A_98 : i32 to vector<16xi32>
    %ne3A_100 = arith.cmpi ne, %rem3A_97, %ne3A_99 : vector<16xi32>
    %lt3A_101 = arith.constant 0 : i32
    %lt3A_102 = vector.broadcast %lt3A_101 : i32 to vector<16xi32>
    %lt3A_103 = arith.cmpi slt, %rem3A_97, %lt3A_102 : vector<16xi32>
    %lt3A_104 = arith.constant 0 : i32
    %lt3A_105 = arith.cmpi slt, %select_n3A_95, %lt3A_104 : i32
    %ne3A_106 = vector.broadcast %lt3A_105 : i1 to vector<16xi1>
    %ne3A_107 = vector.broadcast %ne3A_106 : vector<16xi1> to vector<16xi1>
    %ne3A_108 = arith.xori %lt3A_103, %ne3A_107 : vector<16xi1>
    %and3A_109 = arith.andi %ne3A_108, %ne3A_100 : vector<16xi1>
    %add3A_110 = vector.broadcast %select_n3A_95 : i32 to vector<16xi32>
    %add3A_111 = arith.addi %rem3A_97, %add3A_110 : vector<16xi32>
    %select_n3A_112 = arith.select %and3A_109, %add3A_111, %rem3A_97 : vector<16xi1>, vector<16xi32>
    %add3A_113 = arith.addi %mul3A_90, %select_n3A_112 : vector<16xi32>
    %add3A_114 = arith.constant 32 : i32
    %add3A_115 = vector.broadcast %add3A_114 : i32 to vector<16xi32>
    %add3A_116 = arith.addi %iota3A, %add3A_115 : vector<16xi32>
    %jit3A_117 = arith.constant 20 : i32
    %div3A_118 = vector.broadcast %jit3A_117 : i32 to vector<16xi32>
    %div3A_119 = arith.divsi %add3A_116, %div3A_118 : vector<16xi32>
    %sign3A_120 = arith.constant 0 : i32
    %sign3A_121 = vector.broadcast %sign3A_120 : i32 to vector<16xi32>
    %sign3A_122 = arith.cmpi sgt, %add3A_116, %sign3A_121 : vector<16xi32>
    %sign3A_123 = arith.extui %sign3A_122 : vector<16xi1> to vector<16xi32>
    %sign3A_124 = arith.constant 0 : i32
    %sign3A_125 = vector.broadcast %sign3A_124 : i32 to vector<16xi32>
    %sign3A_126 = arith.cmpi slt, %add3A_116, %sign3A_125 : vector<16xi32>
    %sign3A_127 = arith.extui %sign3A_126 : vector<16xi1> to vector<16xi32>
    %sign3A_128 = arith.subi %sign3A_123, %sign3A_127 : vector<16xi32>
    %sign3A_129 = arith.constant 0 : i32
    %sign3A_130 = arith.cmpi sgt, %jit3A_117, %sign3A_129 : i32
    %sign3A_131 = arith.extui %sign3A_130 : i1 to i32
    %sign3A_132 = arith.constant 0 : i32
    %sign3A_133 = arith.cmpi slt, %jit3A_117, %sign3A_132 : i32
    %sign3A_134 = arith.extui %sign3A_133 : i1 to i32
    %sign3A_135 = arith.subi %sign3A_131, %sign3A_134 : i32
    %ne3A_136 = vector.broadcast %sign3A_135 : i32 to vector<16xi32>
    %ne3A_137 = arith.cmpi ne, %sign3A_128, %ne3A_136 : vector<16xi32>
    %rem3A_138 = vector.broadcast %jit3A_117 : i32 to vector<16xi32>
    %rem3A_139 = arith.remsi %add3A_116, %rem3A_138 : vector<16xi32>
    %ne3A_140 = arith.constant 0 : i32
    %ne3A_141 = vector.broadcast %ne3A_140 : i32 to vector<16xi32>
    %ne3A_142 = arith.cmpi ne, %rem3A_139, %ne3A_141 : vector<16xi32>
    %and3A_143 = arith.andi %ne3A_137, %ne3A_142 : vector<16xi1>
    %sub3A_144 = arith.constant 1 : i32
    %sub3A_145 = vector.broadcast %sub3A_144 : i32 to vector<16xi32>
    %sub3A_146 = arith.subi %div3A_119, %sub3A_145 : vector<16xi32>
    %select_n3A_147 = arith.select %and3A_143, %sub3A_146, %div3A_119 : vector<16xi1>, vector<16xi32>
    %mul3A_148 = arith.constant 128 : i32
    %mul3A_149 = vector.broadcast %mul3A_148 : i32 to vector<16xi32>
    %mul3A_150 = arith.muli %select_n3A_147, %mul3A_149 : vector<16xi32>
    %jit3A_151 = arith.constant 20 : i32
    %eq3A_152 = arith.constant 0 : i32
    %eq3A_153 = arith.cmpi eq, %jit3A_151, %eq3A_152 : i32
    %jit3A_154 = arith.constant 1 : i32
    %select_n3A_155 = arith.select %eq3A_153, %jit3A_154, %jit3A_151 : i32
    %rem3A_156 = vector.broadcast %select_n3A_155 : i32 to vector<16xi32>
    %rem3A_157 = arith.remsi %add3A_116, %rem3A_156 : vector<16xi32>
    %ne3A_158 = arith.constant 0 : i32
    %ne3A_159 = vector.broadcast %ne3A_158 : i32 to vector<16xi32>
    %ne3A_160 = arith.cmpi ne, %rem3A_157, %ne3A_159 : vector<16xi32>
    %lt3A_161 = arith.constant 0 : i32
    %lt3A_162 = vector.broadcast %lt3A_161 : i32 to vector<16xi32>
    %lt3A_163 = arith.cmpi slt, %rem3A_157, %lt3A_162 : vector<16xi32>
    %lt3A_164 = arith.constant 0 : i32
    %lt3A_165 = arith.cmpi slt, %select_n3A_155, %lt3A_164 : i32
    %ne3A_166 = vector.broadcast %lt3A_165 : i1 to vector<16xi1>
    %ne3A_167 = vector.broadcast %ne3A_166 : vector<16xi1> to vector<16xi1>
    %ne3A_168 = arith.xori %lt3A_163, %ne3A_167 : vector<16xi1>
    %and3A_169 = arith.andi %ne3A_168, %ne3A_160 : vector<16xi1>
    %add3A_170 = vector.broadcast %select_n3A_155 : i32 to vector<16xi32>
    %add3A_171 = arith.addi %rem3A_157, %add3A_170 : vector<16xi32>
    %select_n3A_172 = arith.select %and3A_169, %add3A_171, %rem3A_157 : vector<16xi1>, vector<16xi32>
    %add3A_173 = arith.addi %mul3A_150, %select_n3A_172 : vector<16xi32>
    %add3A_174 = arith.constant 48 : i32
    %add3A_175 = vector.broadcast %add3A_174 : i32 to vector<16xi32>
    %add3A_176 = arith.addi %iota3A, %add3A_175 : vector<16xi32>
    %jit3A_177 = arith.constant 20 : i32
    %div3A_178 = vector.broadcast %jit3A_177 : i32 to vector<16xi32>
    %div3A_179 = arith.divsi %add3A_176, %div3A_178 : vector<16xi32>
    %sign3A_180 = arith.constant 0 : i32
    %sign3A_181 = vector.broadcast %sign3A_180 : i32 to vector<16xi32>
    %sign3A_182 = arith.cmpi sgt, %add3A_176, %sign3A_181 : vector<16xi32>
    %sign3A_183 = arith.extui %sign3A_182 : vector<16xi1> to vector<16xi32>
    %sign3A_184 = arith.constant 0 : i32
    %sign3A_185 = vector.broadcast %sign3A_184 : i32 to vector<16xi32>
    %sign3A_186 = arith.cmpi slt, %add3A_176, %sign3A_185 : vector<16xi32>
    %sign3A_187 = arith.extui %sign3A_186 : vector<16xi1> to vector<16xi32>
    %sign3A_188 = arith.subi %sign3A_183, %sign3A_187 : vector<16xi32>
    %sign3A_189 = arith.constant 0 : i32
    %sign3A_190 = arith.cmpi sgt, %jit3A_177, %sign3A_189 : i32
    %sign3A_191 = arith.extui %sign3A_190 : i1 to i32
    %sign3A_192 = arith.constant 0 : i32
    %sign3A_193 = arith.cmpi slt, %jit3A_177, %sign3A_192 : i32
    %sign3A_194 = arith.extui %sign3A_193 : i1 to i32
    %sign3A_195 = arith.subi %sign3A_191, %sign3A_194 : i32
    %ne3A_196 = vector.broadcast %sign3A_195 : i32 to vector<16xi32>
    %ne3A_197 = arith.cmpi ne, %sign3A_188, %ne3A_196 : vector<16xi32>
    %rem3A_198 = vector.broadcast %jit3A_177 : i32 to vector<16xi32>
    %rem3A_199 = arith.remsi %add3A_176, %rem3A_198 : vector<16xi32>
    %ne3A_200 = arith.constant 0 : i32
    %ne3A_201 = vector.broadcast %ne3A_200 : i32 to vector<16xi32>
    %ne3A_202 = arith.cmpi ne, %rem3A_199, %ne3A_201 : vector<16xi32>
    %and3A_203 = arith.andi %ne3A_197, %ne3A_202 : vector<16xi1>
    %sub3A_204 = arith.constant 1 : i32
    %sub3A_205 = vector.broadcast %sub3A_204 : i32 to vector<16xi32>
    %sub3A_206 = arith.subi %div3A_179, %sub3A_205 : vector<16xi32>
    %select_n3A_207 = arith.select %and3A_203, %sub3A_206, %div3A_179 : vector<16xi1>, vector<16xi32>
    %mul3A_208 = arith.constant 128 : i32
    %mul3A_209 = vector.broadcast %mul3A_208 : i32 to vector<16xi32>
    %mul3A_210 = arith.muli %select_n3A_207, %mul3A_209 : vector<16xi32>
    %jit3A_211 = arith.constant 20 : i32
    %eq3A_212 = arith.constant 0 : i32
    %eq3A_213 = arith.cmpi eq, %jit3A_211, %eq3A_212 : i32
    %jit3A_214 = arith.constant 1 : i32
    %select_n3A_215 = arith.select %eq3A_213, %jit3A_214, %jit3A_211 : i32
    %rem3A_216 = vector.broadcast %select_n3A_215 : i32 to vector<16xi32>
    %rem3A_217 = arith.remsi %add3A_176, %rem3A_216 : vector<16xi32>
    %ne3A_218 = arith.constant 0 : i32
    %ne3A_219 = vector.broadcast %ne3A_218 : i32 to vector<16xi32>
    %ne3A_220 = arith.cmpi ne, %rem3A_217, %ne3A_219 : vector<16xi32>
    %lt3A_221 = arith.constant 0 : i32
    %lt3A_222 = vector.broadcast %lt3A_221 : i32 to vector<16xi32>
    %lt3A_223 = arith.cmpi slt, %rem3A_217, %lt3A_222 : vector<16xi32>
    %lt3A_224 = arith.constant 0 : i32
    %lt3A_225 = arith.cmpi slt, %select_n3A_215, %lt3A_224 : i32
    %ne3A_226 = vector.broadcast %lt3A_225 : i1 to vector<16xi1>
    %ne3A_227 = vector.broadcast %ne3A_226 : vector<16xi1> to vector<16xi1>
    %ne3A_228 = arith.xori %lt3A_223, %ne3A_227 : vector<16xi1>
    %and3A_229 = arith.andi %ne3A_228, %ne3A_220 : vector<16xi1>
    %add3A_230 = vector.broadcast %select_n3A_215 : i32 to vector<16xi32>
    %add3A_231 = arith.addi %rem3A_217, %add3A_230 : vector<16xi32>
    %select_n3A_232 = arith.select %and3A_229, %add3A_231, %rem3A_217 : vector<16xi1>, vector<16xi32>
    %add3A_233 = arith.addi %mul3A_210, %select_n3A_232 : vector<16xi32>
    %add3A_234 = arith.constant 64 : i32
    %add3A_235 = vector.broadcast %add3A_234 : i32 to vector<16xi32>
    %add3A_236 = arith.addi %iota3A, %add3A_235 : vector<16xi32>
    %jit3A_237 = arith.constant 20 : i32
    %div3A_238 = vector.broadcast %jit3A_237 : i32 to vector<16xi32>
    %div3A_239 = arith.divsi %add3A_236, %div3A_238 : vector<16xi32>
    %sign3A_240 = arith.constant 0 : i32
    %sign3A_241 = vector.broadcast %sign3A_240 : i32 to vector<16xi32>
    %sign3A_242 = arith.cmpi sgt, %add3A_236, %sign3A_241 : vector<16xi32>
    %sign3A_243 = arith.extui %sign3A_242 : vector<16xi1> to vector<16xi32>
    %sign3A_244 = arith.constant 0 : i32
    %sign3A_245 = vector.broadcast %sign3A_244 : i32 to vector<16xi32>
    %sign3A_246 = arith.cmpi slt, %add3A_236, %sign3A_245 : vector<16xi32>
    %sign3A_247 = arith.extui %sign3A_246 : vector<16xi1> to vector<16xi32>
    %sign3A_248 = arith.subi %sign3A_243, %sign3A_247 : vector<16xi32>
    %sign3A_249 = arith.constant 0 : i32
    %sign3A_250 = arith.cmpi sgt, %jit3A_237, %sign3A_249 : i32
    %sign3A_251 = arith.extui %sign3A_250 : i1 to i32
    %sign3A_252 = arith.constant 0 : i32
    %sign3A_253 = arith.cmpi slt, %jit3A_237, %sign3A_252 : i32
    %sign3A_254 = arith.extui %sign3A_253 : i1 to i32
    %sign3A_255 = arith.subi %sign3A_251, %sign3A_254 : i32
    %ne3A_256 = vector.broadcast %sign3A_255 : i32 to vector<16xi32>
    %ne3A_257 = arith.cmpi ne, %sign3A_248, %ne3A_256 : vector<16xi32>
    %rem3A_258 = vector.broadcast %jit3A_237 : i32 to vector<16xi32>
    %rem3A_259 = arith.remsi %add3A_236, %rem3A_258 : vector<16xi32>
    %ne3A_260 = arith.constant 0 : i32
    %ne3A_261 = vector.broadcast %ne3A_260 : i32 to vector<16xi32>
    %ne3A_262 = arith.cmpi ne, %rem3A_259, %ne3A_261 : vector<16xi32>
    %and3A_263 = arith.andi %ne3A_257, %ne3A_262 : vector<16xi1>
    %sub3A_264 = arith.constant 1 : i32
    %sub3A_265 = vector.broadcast %sub3A_264 : i32 to vector<16xi32>
    %sub3A_266 = arith.subi %div3A_239, %sub3A_265 : vector<16xi32>
    %select_n3A_267 = arith.select %and3A_263, %sub3A_266, %div3A_239 : vector<16xi1>, vector<16xi32>
    %mul3A_268 = arith.constant 128 : i32
    %mul3A_269 = vector.broadcast %mul3A_268 : i32 to vector<16xi32>
    %mul3A_270 = arith.muli %select_n3A_267, %mul3A_269 : vector<16xi32>
    %jit3A_271 = arith.constant 20 : i32
    %eq3A_272 = arith.constant 0 : i32
    %eq3A_273 = arith.cmpi eq, %jit3A_271, %eq3A_272 : i32
    %jit3A_274 = arith.constant 1 : i32
    %select_n3A_275 = arith.select %eq3A_273, %jit3A_274, %jit3A_271 : i32
    %rem3A_276 = vector.broadcast %select_n3A_275 : i32 to vector<16xi32>
    %rem3A_277 = arith.remsi %add3A_236, %rem3A_276 : vector<16xi32>
    %ne3A_278 = arith.constant 0 : i32
    %ne3A_279 = vector.broadcast %ne3A_278 : i32 to vector<16xi32>
    %ne3A_280 = arith.cmpi ne, %rem3A_277, %ne3A_279 : vector<16xi32>
    %lt3A_281 = arith.constant 0 : i32
    %lt3A_282 = vector.broadcast %lt3A_281 : i32 to vector<16xi32>
    %lt3A_283 = arith.cmpi slt, %rem3A_277, %lt3A_282 : vector<16xi32>
    %lt3A_284 = arith.constant 0 : i32
    %lt3A_285 = arith.cmpi slt, %select_n3A_275, %lt3A_284 : i32
    %ne3A_286 = vector.broadcast %lt3A_285 : i1 to vector<16xi1>
    %ne3A_287 = vector.broadcast %ne3A_286 : vector<16xi1> to vector<16xi1>
    %ne3A_288 = arith.xori %lt3A_283, %ne3A_287 : vector<16xi1>
    %and3A_289 = arith.andi %ne3A_288, %ne3A_280 : vector<16xi1>
    %add3A_290 = vector.broadcast %select_n3A_275 : i32 to vector<16xi32>
    %add3A_291 = arith.addi %rem3A_277, %add3A_290 : vector<16xi32>
    %select_n3A_292 = arith.select %and3A_289, %add3A_291, %rem3A_277 : vector<16xi1>, vector<16xi32>
    %add3A_293 = arith.addi %mul3A_270, %select_n3A_292 : vector<16xi32>
    %add3A_294 = arith.constant 80 : i32
    %add3A_295 = vector.broadcast %add3A_294 : i32 to vector<16xi32>
    %add3A_296 = arith.addi %iota3A, %add3A_295 : vector<16xi32>
    %jit3A_297 = arith.constant 20 : i32
    %div3A_298 = vector.broadcast %jit3A_297 : i32 to vector<16xi32>
    %div3A_299 = arith.divsi %add3A_296, %div3A_298 : vector<16xi32>
    %sign3A_300 = arith.constant 0 : i32
    %sign3A_301 = vector.broadcast %sign3A_300 : i32 to vector<16xi32>
    %sign3A_302 = arith.cmpi sgt, %add3A_296, %sign3A_301 : vector<16xi32>
    %sign3A_303 = arith.extui %sign3A_302 : vector<16xi1> to vector<16xi32>
    %sign3A_304 = arith.constant 0 : i32
    %sign3A_305 = vector.broadcast %sign3A_304 : i32 to vector<16xi32>
    %sign3A_306 = arith.cmpi slt, %add3A_296, %sign3A_305 : vector<16xi32>
    %sign3A_307 = arith.extui %sign3A_306 : vector<16xi1> to vector<16xi32>
    %sign3A_308 = arith.subi %sign3A_303, %sign3A_307 : vector<16xi32>
    %sign3A_309 = arith.constant 0 : i32
    %sign3A_310 = arith.cmpi sgt, %jit3A_297, %sign3A_309 : i32
    %sign3A_311 = arith.extui %sign3A_310 : i1 to i32
    %sign3A_312 = arith.constant 0 : i32
    %sign3A_313 = arith.cmpi slt, %jit3A_297, %sign3A_312 : i32
    %sign3A_314 = arith.extui %sign3A_313 : i1 to i32
    %sign3A_315 = arith.subi %sign3A_311, %sign3A_314 : i32
    %ne3A_316 = vector.broadcast %sign3A_315 : i32 to vector<16xi32>
    %ne3A_317 = arith.cmpi ne, %sign3A_308, %ne3A_316 : vector<16xi32>
    %rem3A_318 = vector.broadcast %jit3A_297 : i32 to vector<16xi32>
    %rem3A_319 = arith.remsi %add3A_296, %rem3A_318 : vector<16xi32>
    %ne3A_320 = arith.constant 0 : i32
    %ne3A_321 = vector.broadcast %ne3A_320 : i32 to vector<16xi32>
    %ne3A_322 = arith.cmpi ne, %rem3A_319, %ne3A_321 : vector<16xi32>
    %and3A_323 = arith.andi %ne3A_317, %ne3A_322 : vector<16xi1>
    %sub3A_324 = arith.constant 1 : i32
    %sub3A_325 = vector.broadcast %sub3A_324 : i32 to vector<16xi32>
    %sub3A_326 = arith.subi %div3A_299, %sub3A_325 : vector<16xi32>
    %select_n3A_327 = arith.select %and3A_323, %sub3A_326, %div3A_299 : vector<16xi1>, vector<16xi32>
    %mul3A_328 = arith.constant 128 : i32
    %mul3A_329 = vector.broadcast %mul3A_328 : i32 to vector<16xi32>
    %mul3A_330 = arith.muli %select_n3A_327, %mul3A_329 : vector<16xi32>
    %jit3A_331 = arith.constant 20 : i32
    %eq3A_332 = arith.constant 0 : i32
    %eq3A_333 = arith.cmpi eq, %jit3A_331, %eq3A_332 : i32
    %jit3A_334 = arith.constant 1 : i32
    %select_n3A_335 = arith.select %eq3A_333, %jit3A_334, %jit3A_331 : i32
    %rem3A_336 = vector.broadcast %select_n3A_335 : i32 to vector<16xi32>
    %rem3A_337 = arith.remsi %add3A_296, %rem3A_336 : vector<16xi32>
    %ne3A_338 = arith.constant 0 : i32
    %ne3A_339 = vector.broadcast %ne3A_338 : i32 to vector<16xi32>
    %ne3A_340 = arith.cmpi ne, %rem3A_337, %ne3A_339 : vector<16xi32>
    %lt3A_341 = arith.constant 0 : i32
    %lt3A_342 = vector.broadcast %lt3A_341 : i32 to vector<16xi32>
    %lt3A_343 = arith.cmpi slt, %rem3A_337, %lt3A_342 : vector<16xi32>
    %lt3A_344 = arith.constant 0 : i32
    %lt3A_345 = arith.cmpi slt, %select_n3A_335, %lt3A_344 : i32
    %ne3A_346 = vector.broadcast %lt3A_345 : i1 to vector<16xi1>
    %ne3A_347 = vector.broadcast %ne3A_346 : vector<16xi1> to vector<16xi1>
    %ne3A_348 = arith.xori %lt3A_343, %ne3A_347 : vector<16xi1>
    %and3A_349 = arith.andi %ne3A_348, %ne3A_340 : vector<16xi1>
    %add3A_350 = vector.broadcast %select_n3A_335 : i32 to vector<16xi32>
    %add3A_351 = arith.addi %rem3A_337, %add3A_350 : vector<16xi32>
    %select_n3A_352 = arith.select %and3A_349, %add3A_351, %rem3A_337 : vector<16xi1>, vector<16xi32>
    %add3A_353 = arith.addi %mul3A_330, %select_n3A_352 : vector<16xi32>
    %add3A_354 = arith.constant 96 : i32
    %add3A_355 = vector.broadcast %add3A_354 : i32 to vector<16xi32>
    %add3A_356 = arith.addi %iota3A, %add3A_355 : vector<16xi32>
    %jit3A_357 = arith.constant 20 : i32
    %div3A_358 = vector.broadcast %jit3A_357 : i32 to vector<16xi32>
    %div3A_359 = arith.divsi %add3A_356, %div3A_358 : vector<16xi32>
    %sign3A_360 = arith.constant 0 : i32
    %sign3A_361 = vector.broadcast %sign3A_360 : i32 to vector<16xi32>
    %sign3A_362 = arith.cmpi sgt, %add3A_356, %sign3A_361 : vector<16xi32>
    %sign3A_363 = arith.extui %sign3A_362 : vector<16xi1> to vector<16xi32>
    %sign3A_364 = arith.constant 0 : i32
    %sign3A_365 = vector.broadcast %sign3A_364 : i32 to vector<16xi32>
    %sign3A_366 = arith.cmpi slt, %add3A_356, %sign3A_365 : vector<16xi32>
    %sign3A_367 = arith.extui %sign3A_366 : vector<16xi1> to vector<16xi32>
    %sign3A_368 = arith.subi %sign3A_363, %sign3A_367 : vector<16xi32>
    %sign3A_369 = arith.constant 0 : i32
    %sign3A_370 = arith.cmpi sgt, %jit3A_357, %sign3A_369 : i32
    %sign3A_371 = arith.extui %sign3A_370 : i1 to i32
    %sign3A_372 = arith.constant 0 : i32
    %sign3A_373 = arith.cmpi slt, %jit3A_357, %sign3A_372 : i32
    %sign3A_374 = arith.extui %sign3A_373 : i1 to i32
    %sign3A_375 = arith.subi %sign3A_371, %sign3A_374 : i32
    %ne3A_376 = vector.broadcast %sign3A_375 : i32 to vector<16xi32>
    %ne3A_377 = arith.cmpi ne, %sign3A_368, %ne3A_376 : vector<16xi32>
    %rem3A_378 = vector.broadcast %jit3A_357 : i32 to vector<16xi32>
    %rem3A_379 = arith.remsi %add3A_356, %rem3A_378 : vector<16xi32>
    %ne3A_380 = arith.constant 0 : i32
    %ne3A_381 = vector.broadcast %ne3A_380 : i32 to vector<16xi32>
    %ne3A_382 = arith.cmpi ne, %rem3A_379, %ne3A_381 : vector<16xi32>
    %and3A_383 = arith.andi %ne3A_377, %ne3A_382 : vector<16xi1>
    %sub3A_384 = arith.constant 1 : i32
    %sub3A_385 = vector.broadcast %sub3A_384 : i32 to vector<16xi32>
    %sub3A_386 = arith.subi %div3A_359, %sub3A_385 : vector<16xi32>
    %select_n3A_387 = arith.select %and3A_383, %sub3A_386, %div3A_359 : vector<16xi1>, vector<16xi32>
    %mul3A_388 = arith.constant 128 : i32
    %mul3A_389 = vector.broadcast %mul3A_388 : i32 to vector<16xi32>
    %mul3A_390 = arith.muli %select_n3A_387, %mul3A_389 : vector<16xi32>
    %jit3A_391 = arith.constant 20 : i32
    %eq3A_392 = arith.constant 0 : i32
    %eq3A_393 = arith.cmpi eq, %jit3A_391, %eq3A_392 : i32
    %jit3A_394 = arith.constant 1 : i32
    %select_n3A_395 = arith.select %eq3A_393, %jit3A_394, %jit3A_391 : i32
    %rem3A_396 = vector.broadcast %select_n3A_395 : i32 to vector<16xi32>
    %rem3A_397 = arith.remsi %add3A_356, %rem3A_396 : vector<16xi32>
    %ne3A_398 = arith.constant 0 : i32
    %ne3A_399 = vector.broadcast %ne3A_398 : i32 to vector<16xi32>
    %ne3A_400 = arith.cmpi ne, %rem3A_397, %ne3A_399 : vector<16xi32>
    %lt3A_401 = arith.constant 0 : i32
    %lt3A_402 = vector.broadcast %lt3A_401 : i32 to vector<16xi32>
    %lt3A_403 = arith.cmpi slt, %rem3A_397, %lt3A_402 : vector<16xi32>
    %lt3A_404 = arith.constant 0 : i32
    %lt3A_405 = arith.cmpi slt, %select_n3A_395, %lt3A_404 : i32
    %ne3A_406 = vector.broadcast %lt3A_405 : i1 to vector<16xi1>
    %ne3A_407 = vector.broadcast %ne3A_406 : vector<16xi1> to vector<16xi1>
    %ne3A_408 = arith.xori %lt3A_403, %ne3A_407 : vector<16xi1>
    %and3A_409 = arith.andi %ne3A_408, %ne3A_400 : vector<16xi1>
    %add3A_410 = vector.broadcast %select_n3A_395 : i32 to vector<16xi32>
    %add3A_411 = arith.addi %rem3A_397, %add3A_410 : vector<16xi32>
    %select_n3A_412 = arith.select %and3A_409, %add3A_411, %rem3A_397 : vector<16xi1>, vector<16xi32>
    %add3A_413 = arith.addi %mul3A_390, %select_n3A_412 : vector<16xi32>
    %add3A_414 = arith.constant 112 : i32
    %add3A_415 = vector.broadcast %add3A_414 : i32 to vector<16xi32>
    %add3A_416 = arith.addi %iota3A, %add3A_415 : vector<16xi32>
    %jit3A_417 = arith.constant 20 : i32
    %div3A_418 = vector.broadcast %jit3A_417 : i32 to vector<16xi32>
    %div3A_419 = arith.divsi %add3A_416, %div3A_418 : vector<16xi32>
    %sign3A_420 = arith.constant 0 : i32
    %sign3A_421 = vector.broadcast %sign3A_420 : i32 to vector<16xi32>
    %sign3A_422 = arith.cmpi sgt, %add3A_416, %sign3A_421 : vector<16xi32>
    %sign3A_423 = arith.extui %sign3A_422 : vector<16xi1> to vector<16xi32>
    %sign3A_424 = arith.constant 0 : i32
    %sign3A_425 = vector.broadcast %sign3A_424 : i32 to vector<16xi32>
    %sign3A_426 = arith.cmpi slt, %add3A_416, %sign3A_425 : vector<16xi32>
    %sign3A_427 = arith.extui %sign3A_426 : vector<16xi1> to vector<16xi32>
    %sign3A_428 = arith.subi %sign3A_423, %sign3A_427 : vector<16xi32>
    %sign3A_429 = arith.constant 0 : i32
    %sign3A_430 = arith.cmpi sgt, %jit3A_417, %sign3A_429 : i32
    %sign3A_431 = arith.extui %sign3A_430 : i1 to i32
    %sign3A_432 = arith.constant 0 : i32
    %sign3A_433 = arith.cmpi slt, %jit3A_417, %sign3A_432 : i32
    %sign3A_434 = arith.extui %sign3A_433 : i1 to i32
    %sign3A_435 = arith.subi %sign3A_431, %sign3A_434 : i32
    %ne3A_436 = vector.broadcast %sign3A_435 : i32 to vector<16xi32>
    %ne3A_437 = arith.cmpi ne, %sign3A_428, %ne3A_436 : vector<16xi32>
    %rem3A_438 = vector.broadcast %jit3A_417 : i32 to vector<16xi32>
    %rem3A_439 = arith.remsi %add3A_416, %rem3A_438 : vector<16xi32>
    %ne3A_440 = arith.constant 0 : i32
    %ne3A_441 = vector.broadcast %ne3A_440 : i32 to vector<16xi32>
    %ne3A_442 = arith.cmpi ne, %rem3A_439, %ne3A_441 : vector<16xi32>
    %and3A_443 = arith.andi %ne3A_437, %ne3A_442 : vector<16xi1>
    %sub3A_444 = arith.constant 1 : i32
    %sub3A_445 = vector.broadcast %sub3A_444 : i32 to vector<16xi32>
    %sub3A_446 = arith.subi %div3A_419, %sub3A_445 : vector<16xi32>
    %select_n3A_447 = arith.select %and3A_443, %sub3A_446, %div3A_419 : vector<16xi1>, vector<16xi32>
    %mul3A_448 = arith.constant 128 : i32
    %mul3A_449 = vector.broadcast %mul3A_448 : i32 to vector<16xi32>
    %mul3A_450 = arith.muli %select_n3A_447, %mul3A_449 : vector<16xi32>
    %jit3A_451 = arith.constant 20 : i32
    %eq3A_452 = arith.constant 0 : i32
    %eq3A_453 = arith.cmpi eq, %jit3A_451, %eq3A_452 : i32
    %jit3A_454 = arith.constant 1 : i32
    %select_n3A_455 = arith.select %eq3A_453, %jit3A_454, %jit3A_451 : i32
    %rem3A_456 = vector.broadcast %select_n3A_455 : i32 to vector<16xi32>
    %rem3A_457 = arith.remsi %add3A_416, %rem3A_456 : vector<16xi32>
    %ne3A_458 = arith.constant 0 : i32
    %ne3A_459 = vector.broadcast %ne3A_458 : i32 to vector<16xi32>
    %ne3A_460 = arith.cmpi ne, %rem3A_457, %ne3A_459 : vector<16xi32>
    %lt3A_461 = arith.constant 0 : i32
    %lt3A_462 = vector.broadcast %lt3A_461 : i32 to vector<16xi32>
    %lt3A_463 = arith.cmpi slt, %rem3A_457, %lt3A_462 : vector<16xi32>
    %lt3A_464 = arith.constant 0 : i32
    %lt3A_465 = arith.cmpi slt, %select_n3A_455, %lt3A_464 : i32
    %ne3A_466 = vector.broadcast %lt3A_465 : i1 to vector<16xi1>
    %ne3A_467 = vector.broadcast %ne3A_466 : vector<16xi1> to vector<16xi1>
    %ne3A_468 = arith.xori %lt3A_463, %ne3A_467 : vector<16xi1>
    %and3A_469 = arith.andi %ne3A_468, %ne3A_460 : vector<16xi1>
    %add3A_470 = vector.broadcast %select_n3A_455 : i32 to vector<16xi32>
    %add3A_471 = arith.addi %rem3A_457, %add3A_470 : vector<16xi32>
    %select_n3A_472 = arith.select %and3A_469, %add3A_471, %rem3A_457 : vector<16xi1>, vector<16xi32>
    %add3A_473 = arith.addi %mul3A_450, %select_n3A_472 : vector<16xi32>
    %add3A_474 = arith.constant 128 : i32
    %add3A_475 = vector.broadcast %add3A_474 : i32 to vector<16xi32>
    %add3A_476 = arith.addi %iota3A, %add3A_475 : vector<16xi32>
    %jit3A_477 = arith.constant 20 : i32
    %div3A_478 = vector.broadcast %jit3A_477 : i32 to vector<16xi32>
    %div3A_479 = arith.divsi %add3A_476, %div3A_478 : vector<16xi32>
    %sign3A_480 = arith.constant 0 : i32
    %sign3A_481 = vector.broadcast %sign3A_480 : i32 to vector<16xi32>
    %sign3A_482 = arith.cmpi sgt, %add3A_476, %sign3A_481 : vector<16xi32>
    %sign3A_483 = arith.extui %sign3A_482 : vector<16xi1> to vector<16xi32>
    %sign3A_484 = arith.constant 0 : i32
    %sign3A_485 = vector.broadcast %sign3A_484 : i32 to vector<16xi32>
    %sign3A_486 = arith.cmpi slt, %add3A_476, %sign3A_485 : vector<16xi32>
    %sign3A_487 = arith.extui %sign3A_486 : vector<16xi1> to vector<16xi32>
    %sign3A_488 = arith.subi %sign3A_483, %sign3A_487 : vector<16xi32>
    %sign3A_489 = arith.constant 0 : i32
    %sign3A_490 = arith.cmpi sgt, %jit3A_477, %sign3A_489 : i32
    %sign3A_491 = arith.extui %sign3A_490 : i1 to i32
    %sign3A_492 = arith.constant 0 : i32
    %sign3A_493 = arith.cmpi slt, %jit3A_477, %sign3A_492 : i32
    %sign3A_494 = arith.extui %sign3A_493 : i1 to i32
    %sign3A_495 = arith.subi %sign3A_491, %sign3A_494 : i32
    %ne3A_496 = vector.broadcast %sign3A_495 : i32 to vector<16xi32>
    %ne3A_497 = arith.cmpi ne, %sign3A_488, %ne3A_496 : vector<16xi32>
    %rem3A_498 = vector.broadcast %jit3A_477 : i32 to vector<16xi32>
    %rem3A_499 = arith.remsi %add3A_476, %rem3A_498 : vector<16xi32>
    %ne3A_500 = arith.constant 0 : i32
    %ne3A_501 = vector.broadcast %ne3A_500 : i32 to vector<16xi32>
    %ne3A_502 = arith.cmpi ne, %rem3A_499, %ne3A_501 : vector<16xi32>
    %and3A_503 = arith.andi %ne3A_497, %ne3A_502 : vector<16xi1>
    %sub3A_504 = arith.constant 1 : i32
    %sub3A_505 = vector.broadcast %sub3A_504 : i32 to vector<16xi32>
    %sub3A_506 = arith.subi %div3A_479, %sub3A_505 : vector<16xi32>
    %select_n3A_507 = arith.select %and3A_503, %sub3A_506, %div3A_479 : vector<16xi1>, vector<16xi32>
    %mul3A_508 = arith.constant 128 : i32
    %mul3A_509 = vector.broadcast %mul3A_508 : i32 to vector<16xi32>
    %mul3A_510 = arith.muli %select_n3A_507, %mul3A_509 : vector<16xi32>
    %jit3A_511 = arith.constant 20 : i32
    %eq3A_512 = arith.constant 0 : i32
    %eq3A_513 = arith.cmpi eq, %jit3A_511, %eq3A_512 : i32
    %jit3A_514 = arith.constant 1 : i32
    %select_n3A_515 = arith.select %eq3A_513, %jit3A_514, %jit3A_511 : i32
    %rem3A_516 = vector.broadcast %select_n3A_515 : i32 to vector<16xi32>
    %rem3A_517 = arith.remsi %add3A_476, %rem3A_516 : vector<16xi32>
    %ne3A_518 = arith.constant 0 : i32
    %ne3A_519 = vector.broadcast %ne3A_518 : i32 to vector<16xi32>
    %ne3A_520 = arith.cmpi ne, %rem3A_517, %ne3A_519 : vector<16xi32>
    %lt3A_521 = arith.constant 0 : i32
    %lt3A_522 = vector.broadcast %lt3A_521 : i32 to vector<16xi32>
    %lt3A_523 = arith.cmpi slt, %rem3A_517, %lt3A_522 : vector<16xi32>
    %lt3A_524 = arith.constant 0 : i32
    %lt3A_525 = arith.cmpi slt, %select_n3A_515, %lt3A_524 : i32
    %ne3A_526 = vector.broadcast %lt3A_525 : i1 to vector<16xi1>
    %ne3A_527 = vector.broadcast %ne3A_526 : vector<16xi1> to vector<16xi1>
    %ne3A_528 = arith.xori %lt3A_523, %ne3A_527 : vector<16xi1>
    %and3A_529 = arith.andi %ne3A_528, %ne3A_520 : vector<16xi1>
    %add3A_530 = vector.broadcast %select_n3A_515 : i32 to vector<16xi32>
    %add3A_531 = arith.addi %rem3A_517, %add3A_530 : vector<16xi32>
    %select_n3A_532 = arith.select %and3A_529, %add3A_531, %rem3A_517 : vector<16xi1>, vector<16xi32>
    %add3A_533 = arith.addi %mul3A_510, %select_n3A_532 : vector<16xi32>
    %add3A_534 = arith.constant 144 : i32
    %add3A_535 = vector.broadcast %add3A_534 : i32 to vector<16xi32>
    %add3A_536 = arith.addi %iota3A, %add3A_535 : vector<16xi32>
    %jit3A_537 = arith.constant 20 : i32
    %div3A_538 = vector.broadcast %jit3A_537 : i32 to vector<16xi32>
    %div3A_539 = arith.divsi %add3A_536, %div3A_538 : vector<16xi32>
    %sign3A_540 = arith.constant 0 : i32
    %sign3A_541 = vector.broadcast %sign3A_540 : i32 to vector<16xi32>
    %sign3A_542 = arith.cmpi sgt, %add3A_536, %sign3A_541 : vector<16xi32>
    %sign3A_543 = arith.extui %sign3A_542 : vector<16xi1> to vector<16xi32>
    %sign3A_544 = arith.constant 0 : i32
    %sign3A_545 = vector.broadcast %sign3A_544 : i32 to vector<16xi32>
    %sign3A_546 = arith.cmpi slt, %add3A_536, %sign3A_545 : vector<16xi32>
    %sign3A_547 = arith.extui %sign3A_546 : vector<16xi1> to vector<16xi32>
    %sign3A_548 = arith.subi %sign3A_543, %sign3A_547 : vector<16xi32>
    %sign3A_549 = arith.constant 0 : i32
    %sign3A_550 = arith.cmpi sgt, %jit3A_537, %sign3A_549 : i32
    %sign3A_551 = arith.extui %sign3A_550 : i1 to i32
    %sign3A_552 = arith.constant 0 : i32
    %sign3A_553 = arith.cmpi slt, %jit3A_537, %sign3A_552 : i32
    %sign3A_554 = arith.extui %sign3A_553 : i1 to i32
    %sign3A_555 = arith.subi %sign3A_551, %sign3A_554 : i32
    %ne3A_556 = vector.broadcast %sign3A_555 : i32 to vector<16xi32>
    %ne3A_557 = arith.cmpi ne, %sign3A_548, %ne3A_556 : vector<16xi32>
    %rem3A_558 = vector.broadcast %jit3A_537 : i32 to vector<16xi32>
    %rem3A_559 = arith.remsi %add3A_536, %rem3A_558 : vector<16xi32>
    %ne3A_560 = arith.constant 0 : i32
    %ne3A_561 = vector.broadcast %ne3A_560 : i32 to vector<16xi32>
    %ne3A_562 = arith.cmpi ne, %rem3A_559, %ne3A_561 : vector<16xi32>
    %and3A_563 = arith.andi %ne3A_557, %ne3A_562 : vector<16xi1>
    %sub3A_564 = arith.constant 1 : i32
    %sub3A_565 = vector.broadcast %sub3A_564 : i32 to vector<16xi32>
    %sub3A_566 = arith.subi %div3A_539, %sub3A_565 : vector<16xi32>
    %select_n3A_567 = arith.select %and3A_563, %sub3A_566, %div3A_539 : vector<16xi1>, vector<16xi32>
    %mul3A_568 = arith.constant 128 : i32
    %mul3A_569 = vector.broadcast %mul3A_568 : i32 to vector<16xi32>
    %mul3A_570 = arith.muli %select_n3A_567, %mul3A_569 : vector<16xi32>
    %jit3A_571 = arith.constant 20 : i32
    %eq3A_572 = arith.constant 0 : i32
    %eq3A_573 = arith.cmpi eq, %jit3A_571, %eq3A_572 : i32
    %jit3A_574 = arith.constant 1 : i32
    %select_n3A_575 = arith.select %eq3A_573, %jit3A_574, %jit3A_571 : i32
    %rem3A_576 = vector.broadcast %select_n3A_575 : i32 to vector<16xi32>
    %rem3A_577 = arith.remsi %add3A_536, %rem3A_576 : vector<16xi32>
    %ne3A_578 = arith.constant 0 : i32
    %ne3A_579 = vector.broadcast %ne3A_578 : i32 to vector<16xi32>
    %ne3A_580 = arith.cmpi ne, %rem3A_577, %ne3A_579 : vector<16xi32>
    %lt3A_581 = arith.constant 0 : i32
    %lt3A_582 = vector.broadcast %lt3A_581 : i32 to vector<16xi32>
    %lt3A_583 = arith.cmpi slt, %rem3A_577, %lt3A_582 : vector<16xi32>
    %lt3A_584 = arith.constant 0 : i32
    %lt3A_585 = arith.cmpi slt, %select_n3A_575, %lt3A_584 : i32
    %ne3A_586 = vector.broadcast %lt3A_585 : i1 to vector<16xi1>
    %ne3A_587 = vector.broadcast %ne3A_586 : vector<16xi1> to vector<16xi1>
    %ne3A_588 = arith.xori %lt3A_583, %ne3A_587 : vector<16xi1>
    %and3A_589 = arith.andi %ne3A_588, %ne3A_580 : vector<16xi1>
    %add3A_590 = vector.broadcast %select_n3A_575 : i32 to vector<16xi32>
    %add3A_591 = arith.addi %rem3A_577, %add3A_590 : vector<16xi32>
    %select_n3A_592 = arith.select %and3A_589, %add3A_591, %rem3A_577 : vector<16xi1>, vector<16xi32>
    %add3A_593 = arith.addi %mul3A_570, %select_n3A_592 : vector<16xi32>
    %add3A_594 = arith.constant 160 : i32
    %add3A_595 = vector.broadcast %add3A_594 : i32 to vector<16xi32>
    %add3A_596 = arith.addi %iota3A, %add3A_595 : vector<16xi32>
    %jit3A_597 = arith.constant 20 : i32
    %div3A_598 = vector.broadcast %jit3A_597 : i32 to vector<16xi32>
    %div3A_599 = arith.divsi %add3A_596, %div3A_598 : vector<16xi32>
    %sign3A_600 = arith.constant 0 : i32
    %sign3A_601 = vector.broadcast %sign3A_600 : i32 to vector<16xi32>
    %sign3A_602 = arith.cmpi sgt, %add3A_596, %sign3A_601 : vector<16xi32>
    %sign3A_603 = arith.extui %sign3A_602 : vector<16xi1> to vector<16xi32>
    %sign3A_604 = arith.constant 0 : i32
    %sign3A_605 = vector.broadcast %sign3A_604 : i32 to vector<16xi32>
    %sign3A_606 = arith.cmpi slt, %add3A_596, %sign3A_605 : vector<16xi32>
    %sign3A_607 = arith.extui %sign3A_606 : vector<16xi1> to vector<16xi32>
    %sign3A_608 = arith.subi %sign3A_603, %sign3A_607 : vector<16xi32>
    %sign3A_609 = arith.constant 0 : i32
    %sign3A_610 = arith.cmpi sgt, %jit3A_597, %sign3A_609 : i32
    %sign3A_611 = arith.extui %sign3A_610 : i1 to i32
    %sign3A_612 = arith.constant 0 : i32
    %sign3A_613 = arith.cmpi slt, %jit3A_597, %sign3A_612 : i32
    %sign3A_614 = arith.extui %sign3A_613 : i1 to i32
    %sign3A_615 = arith.subi %sign3A_611, %sign3A_614 : i32
    %ne3A_616 = vector.broadcast %sign3A_615 : i32 to vector<16xi32>
    %ne3A_617 = arith.cmpi ne, %sign3A_608, %ne3A_616 : vector<16xi32>
    %rem3A_618 = vector.broadcast %jit3A_597 : i32 to vector<16xi32>
    %rem3A_619 = arith.remsi %add3A_596, %rem3A_618 : vector<16xi32>
    %ne3A_620 = arith.constant 0 : i32
    %ne3A_621 = vector.broadcast %ne3A_620 : i32 to vector<16xi32>
    %ne3A_622 = arith.cmpi ne, %rem3A_619, %ne3A_621 : vector<16xi32>
    %and3A_623 = arith.andi %ne3A_617, %ne3A_622 : vector<16xi1>
    %sub3A_624 = arith.constant 1 : i32
    %sub3A_625 = vector.broadcast %sub3A_624 : i32 to vector<16xi32>
    %sub3A_626 = arith.subi %div3A_599, %sub3A_625 : vector<16xi32>
    %select_n3A_627 = arith.select %and3A_623, %sub3A_626, %div3A_599 : vector<16xi1>, vector<16xi32>
    %mul3A_628 = arith.constant 128 : i32
    %mul3A_629 = vector.broadcast %mul3A_628 : i32 to vector<16xi32>
    %mul3A_630 = arith.muli %select_n3A_627, %mul3A_629 : vector<16xi32>
    %jit3A_631 = arith.constant 20 : i32
    %eq3A_632 = arith.constant 0 : i32
    %eq3A_633 = arith.cmpi eq, %jit3A_631, %eq3A_632 : i32
    %jit3A_634 = arith.constant 1 : i32
    %select_n3A_635 = arith.select %eq3A_633, %jit3A_634, %jit3A_631 : i32
    %rem3A_636 = vector.broadcast %select_n3A_635 : i32 to vector<16xi32>
    %rem3A_637 = arith.remsi %add3A_596, %rem3A_636 : vector<16xi32>
    %ne3A_638 = arith.constant 0 : i32
    %ne3A_639 = vector.broadcast %ne3A_638 : i32 to vector<16xi32>
    %ne3A_640 = arith.cmpi ne, %rem3A_637, %ne3A_639 : vector<16xi32>
    %lt3A_641 = arith.constant 0 : i32
    %lt3A_642 = vector.broadcast %lt3A_641 : i32 to vector<16xi32>
    %lt3A_643 = arith.cmpi slt, %rem3A_637, %lt3A_642 : vector<16xi32>
    %lt3A_644 = arith.constant 0 : i32
    %lt3A_645 = arith.cmpi slt, %select_n3A_635, %lt3A_644 : i32
    %ne3A_646 = vector.broadcast %lt3A_645 : i1 to vector<16xi1>
    %ne3A_647 = vector.broadcast %ne3A_646 : vector<16xi1> to vector<16xi1>
    %ne3A_648 = arith.xori %lt3A_643, %ne3A_647 : vector<16xi1>
    %and3A_649 = arith.andi %ne3A_648, %ne3A_640 : vector<16xi1>
    %add3A_650 = vector.broadcast %select_n3A_635 : i32 to vector<16xi32>
    %add3A_651 = arith.addi %rem3A_637, %add3A_650 : vector<16xi32>
    %select_n3A_652 = arith.select %and3A_649, %add3A_651, %rem3A_637 : vector<16xi1>, vector<16xi32>
    %add3A_653 = arith.addi %mul3A_630, %select_n3A_652 : vector<16xi32>
    %add3A_654 = arith.constant 176 : i32
    %add3A_655 = vector.broadcast %add3A_654 : i32 to vector<16xi32>
    %add3A_656 = arith.addi %iota3A, %add3A_655 : vector<16xi32>
    %jit3A_657 = arith.constant 20 : i32
    %div3A_658 = vector.broadcast %jit3A_657 : i32 to vector<16xi32>
    %div3A_659 = arith.divsi %add3A_656, %div3A_658 : vector<16xi32>
    %sign3A_660 = arith.constant 0 : i32
    %sign3A_661 = vector.broadcast %sign3A_660 : i32 to vector<16xi32>
    %sign3A_662 = arith.cmpi sgt, %add3A_656, %sign3A_661 : vector<16xi32>
    %sign3A_663 = arith.extui %sign3A_662 : vector<16xi1> to vector<16xi32>
    %sign3A_664 = arith.constant 0 : i32
    %sign3A_665 = vector.broadcast %sign3A_664 : i32 to vector<16xi32>
    %sign3A_666 = arith.cmpi slt, %add3A_656, %sign3A_665 : vector<16xi32>
    %sign3A_667 = arith.extui %sign3A_666 : vector<16xi1> to vector<16xi32>
    %sign3A_668 = arith.subi %sign3A_663, %sign3A_667 : vector<16xi32>
    %sign3A_669 = arith.constant 0 : i32
    %sign3A_670 = arith.cmpi sgt, %jit3A_657, %sign3A_669 : i32
    %sign3A_671 = arith.extui %sign3A_670 : i1 to i32
    %sign3A_672 = arith.constant 0 : i32
    %sign3A_673 = arith.cmpi slt, %jit3A_657, %sign3A_672 : i32
    %sign3A_674 = arith.extui %sign3A_673 : i1 to i32
    %sign3A_675 = arith.subi %sign3A_671, %sign3A_674 : i32
    %ne3A_676 = vector.broadcast %sign3A_675 : i32 to vector<16xi32>
    %ne3A_677 = arith.cmpi ne, %sign3A_668, %ne3A_676 : vector<16xi32>
    %rem3A_678 = vector.broadcast %jit3A_657 : i32 to vector<16xi32>
    %rem3A_679 = arith.remsi %add3A_656, %rem3A_678 : vector<16xi32>
    %ne3A_680 = arith.constant 0 : i32
    %ne3A_681 = vector.broadcast %ne3A_680 : i32 to vector<16xi32>
    %ne3A_682 = arith.cmpi ne, %rem3A_679, %ne3A_681 : vector<16xi32>
    %and3A_683 = arith.andi %ne3A_677, %ne3A_682 : vector<16xi1>
    %sub3A_684 = arith.constant 1 : i32
    %sub3A_685 = vector.broadcast %sub3A_684 : i32 to vector<16xi32>
    %sub3A_686 = arith.subi %div3A_659, %sub3A_685 : vector<16xi32>
    %select_n3A_687 = arith.select %and3A_683, %sub3A_686, %div3A_659 : vector<16xi1>, vector<16xi32>
    %mul3A_688 = arith.constant 128 : i32
    %mul3A_689 = vector.broadcast %mul3A_688 : i32 to vector<16xi32>
    %mul3A_690 = arith.muli %select_n3A_687, %mul3A_689 : vector<16xi32>
    %jit3A_691 = arith.constant 20 : i32
    %eq3A_692 = arith.constant 0 : i32
    %eq3A_693 = arith.cmpi eq, %jit3A_691, %eq3A_692 : i32
    %jit3A_694 = arith.constant 1 : i32
    %select_n3A_695 = arith.select %eq3A_693, %jit3A_694, %jit3A_691 : i32
    %rem3A_696 = vector.broadcast %select_n3A_695 : i32 to vector<16xi32>
    %rem3A_697 = arith.remsi %add3A_656, %rem3A_696 : vector<16xi32>
    %ne3A_698 = arith.constant 0 : i32
    %ne3A_699 = vector.broadcast %ne3A_698 : i32 to vector<16xi32>
    %ne3A_700 = arith.cmpi ne, %rem3A_697, %ne3A_699 : vector<16xi32>
    %lt3A_701 = arith.constant 0 : i32
    %lt3A_702 = vector.broadcast %lt3A_701 : i32 to vector<16xi32>
    %lt3A_703 = arith.cmpi slt, %rem3A_697, %lt3A_702 : vector<16xi32>
    %lt3A_704 = arith.constant 0 : i32
    %lt3A_705 = arith.cmpi slt, %select_n3A_695, %lt3A_704 : i32
    %ne3A_706 = vector.broadcast %lt3A_705 : i1 to vector<16xi1>
    %ne3A_707 = vector.broadcast %ne3A_706 : vector<16xi1> to vector<16xi1>
    %ne3A_708 = arith.xori %lt3A_703, %ne3A_707 : vector<16xi1>
    %and3A_709 = arith.andi %ne3A_708, %ne3A_700 : vector<16xi1>
    %add3A_710 = vector.broadcast %select_n3A_695 : i32 to vector<16xi32>
    %add3A_711 = arith.addi %rem3A_697, %add3A_710 : vector<16xi32>
    %select_n3A_712 = arith.select %and3A_709, %add3A_711, %rem3A_697 : vector<16xi1>, vector<16xi32>
    %add3A_713 = arith.addi %mul3A_690, %select_n3A_712 : vector<16xi32>
    %add3A_714 = arith.constant 192 : i32
    %add3A_715 = vector.broadcast %add3A_714 : i32 to vector<16xi32>
    %add3A_716 = arith.addi %iota3A, %add3A_715 : vector<16xi32>
    %jit3A_717 = arith.constant 20 : i32
    %div3A_718 = vector.broadcast %jit3A_717 : i32 to vector<16xi32>
    %div3A_719 = arith.divsi %add3A_716, %div3A_718 : vector<16xi32>
    %sign3A_720 = arith.constant 0 : i32
    %sign3A_721 = vector.broadcast %sign3A_720 : i32 to vector<16xi32>
    %sign3A_722 = arith.cmpi sgt, %add3A_716, %sign3A_721 : vector<16xi32>
    %sign3A_723 = arith.extui %sign3A_722 : vector<16xi1> to vector<16xi32>
    %sign3A_724 = arith.constant 0 : i32
    %sign3A_725 = vector.broadcast %sign3A_724 : i32 to vector<16xi32>
    %sign3A_726 = arith.cmpi slt, %add3A_716, %sign3A_725 : vector<16xi32>
    %sign3A_727 = arith.extui %sign3A_726 : vector<16xi1> to vector<16xi32>
    %sign3A_728 = arith.subi %sign3A_723, %sign3A_727 : vector<16xi32>
    %sign3A_729 = arith.constant 0 : i32
    %sign3A_730 = arith.cmpi sgt, %jit3A_717, %sign3A_729 : i32
    %sign3A_731 = arith.extui %sign3A_730 : i1 to i32
    %sign3A_732 = arith.constant 0 : i32
    %sign3A_733 = arith.cmpi slt, %jit3A_717, %sign3A_732 : i32
    %sign3A_734 = arith.extui %sign3A_733 : i1 to i32
    %sign3A_735 = arith.subi %sign3A_731, %sign3A_734 : i32
    %ne3A_736 = vector.broadcast %sign3A_735 : i32 to vector<16xi32>
    %ne3A_737 = arith.cmpi ne, %sign3A_728, %ne3A_736 : vector<16xi32>
    %rem3A_738 = vector.broadcast %jit3A_717 : i32 to vector<16xi32>
    %rem3A_739 = arith.remsi %add3A_716, %rem3A_738 : vector<16xi32>
    %ne3A_740 = arith.constant 0 : i32
    %ne3A_741 = vector.broadcast %ne3A_740 : i32 to vector<16xi32>
    %ne3A_742 = arith.cmpi ne, %rem3A_739, %ne3A_741 : vector<16xi32>
    %and3A_743 = arith.andi %ne3A_737, %ne3A_742 : vector<16xi1>
    %sub3A_744 = arith.constant 1 : i32
    %sub3A_745 = vector.broadcast %sub3A_744 : i32 to vector<16xi32>
    %sub3A_746 = arith.subi %div3A_719, %sub3A_745 : vector<16xi32>
    %select_n3A_747 = arith.select %and3A_743, %sub3A_746, %div3A_719 : vector<16xi1>, vector<16xi32>
    %mul3A_748 = arith.constant 128 : i32
    %mul3A_749 = vector.broadcast %mul3A_748 : i32 to vector<16xi32>
    %mul3A_750 = arith.muli %select_n3A_747, %mul3A_749 : vector<16xi32>
    %jit3A_751 = arith.constant 20 : i32
    %eq3A_752 = arith.constant 0 : i32
    %eq3A_753 = arith.cmpi eq, %jit3A_751, %eq3A_752 : i32
    %jit3A_754 = arith.constant 1 : i32
    %select_n3A_755 = arith.select %eq3A_753, %jit3A_754, %jit3A_751 : i32
    %rem3A_756 = vector.broadcast %select_n3A_755 : i32 to vector<16xi32>
    %rem3A_757 = arith.remsi %add3A_716, %rem3A_756 : vector<16xi32>
    %ne3A_758 = arith.constant 0 : i32
    %ne3A_759 = vector.broadcast %ne3A_758 : i32 to vector<16xi32>
    %ne3A_760 = arith.cmpi ne, %rem3A_757, %ne3A_759 : vector<16xi32>
    %lt3A_761 = arith.constant 0 : i32
    %lt3A_762 = vector.broadcast %lt3A_761 : i32 to vector<16xi32>
    %lt3A_763 = arith.cmpi slt, %rem3A_757, %lt3A_762 : vector<16xi32>
    %lt3A_764 = arith.constant 0 : i32
    %lt3A_765 = arith.cmpi slt, %select_n3A_755, %lt3A_764 : i32
    %ne3A_766 = vector.broadcast %lt3A_765 : i1 to vector<16xi1>
    %ne3A_767 = vector.broadcast %ne3A_766 : vector<16xi1> to vector<16xi1>
    %ne3A_768 = arith.xori %lt3A_763, %ne3A_767 : vector<16xi1>
    %and3A_769 = arith.andi %ne3A_768, %ne3A_760 : vector<16xi1>
    %add3A_770 = vector.broadcast %select_n3A_755 : i32 to vector<16xi32>
    %add3A_771 = arith.addi %rem3A_757, %add3A_770 : vector<16xi32>
    %select_n3A_772 = arith.select %and3A_769, %add3A_771, %rem3A_757 : vector<16xi1>, vector<16xi32>
    %add3A_773 = arith.addi %mul3A_750, %select_n3A_772 : vector<16xi32>
    %add3A_774 = arith.constant 208 : i32
    %add3A_775 = vector.broadcast %add3A_774 : i32 to vector<16xi32>
    %add3A_776 = arith.addi %iota3A, %add3A_775 : vector<16xi32>
    %jit3A_777 = arith.constant 20 : i32
    %div3A_778 = vector.broadcast %jit3A_777 : i32 to vector<16xi32>
    %div3A_779 = arith.divsi %add3A_776, %div3A_778 : vector<16xi32>
    %sign3A_780 = arith.constant 0 : i32
    %sign3A_781 = vector.broadcast %sign3A_780 : i32 to vector<16xi32>
    %sign3A_782 = arith.cmpi sgt, %add3A_776, %sign3A_781 : vector<16xi32>
    %sign3A_783 = arith.extui %sign3A_782 : vector<16xi1> to vector<16xi32>
    %sign3A_784 = arith.constant 0 : i32
    %sign3A_785 = vector.broadcast %sign3A_784 : i32 to vector<16xi32>
    %sign3A_786 = arith.cmpi slt, %add3A_776, %sign3A_785 : vector<16xi32>
    %sign3A_787 = arith.extui %sign3A_786 : vector<16xi1> to vector<16xi32>
    %sign3A_788 = arith.subi %sign3A_783, %sign3A_787 : vector<16xi32>
    %sign3A_789 = arith.constant 0 : i32
    %sign3A_790 = arith.cmpi sgt, %jit3A_777, %sign3A_789 : i32
    %sign3A_791 = arith.extui %sign3A_790 : i1 to i32
    %sign3A_792 = arith.constant 0 : i32
    %sign3A_793 = arith.cmpi slt, %jit3A_777, %sign3A_792 : i32
    %sign3A_794 = arith.extui %sign3A_793 : i1 to i32
    %sign3A_795 = arith.subi %sign3A_791, %sign3A_794 : i32
    %ne3A_796 = vector.broadcast %sign3A_795 : i32 to vector<16xi32>
    %ne3A_797 = arith.cmpi ne, %sign3A_788, %ne3A_796 : vector<16xi32>
    %rem3A_798 = vector.broadcast %jit3A_777 : i32 to vector<16xi32>
    %rem3A_799 = arith.remsi %add3A_776, %rem3A_798 : vector<16xi32>
    %ne3A_800 = arith.constant 0 : i32
    %ne3A_801 = vector.broadcast %ne3A_800 : i32 to vector<16xi32>
    %ne3A_802 = arith.cmpi ne, %rem3A_799, %ne3A_801 : vector<16xi32>
    %and3A_803 = arith.andi %ne3A_797, %ne3A_802 : vector<16xi1>
    %sub3A_804 = arith.constant 1 : i32
    %sub3A_805 = vector.broadcast %sub3A_804 : i32 to vector<16xi32>
    %sub3A_806 = arith.subi %div3A_779, %sub3A_805 : vector<16xi32>
    %select_n3A_807 = arith.select %and3A_803, %sub3A_806, %div3A_779 : vector<16xi1>, vector<16xi32>
    %mul3A_808 = arith.constant 128 : i32
    %mul3A_809 = vector.broadcast %mul3A_808 : i32 to vector<16xi32>
    %mul3A_810 = arith.muli %select_n3A_807, %mul3A_809 : vector<16xi32>
    %jit3A_811 = arith.constant 20 : i32
    %eq3A_812 = arith.constant 0 : i32
    %eq3A_813 = arith.cmpi eq, %jit3A_811, %eq3A_812 : i32
    %jit3A_814 = arith.constant 1 : i32
    %select_n3A_815 = arith.select %eq3A_813, %jit3A_814, %jit3A_811 : i32
    %rem3A_816 = vector.broadcast %select_n3A_815 : i32 to vector<16xi32>
    %rem3A_817 = arith.remsi %add3A_776, %rem3A_816 : vector<16xi32>
    %ne3A_818 = arith.constant 0 : i32
    %ne3A_819 = vector.broadcast %ne3A_818 : i32 to vector<16xi32>
    %ne3A_820 = arith.cmpi ne, %rem3A_817, %ne3A_819 : vector<16xi32>
    %lt3A_821 = arith.constant 0 : i32
    %lt3A_822 = vector.broadcast %lt3A_821 : i32 to vector<16xi32>
    %lt3A_823 = arith.cmpi slt, %rem3A_817, %lt3A_822 : vector<16xi32>
    %lt3A_824 = arith.constant 0 : i32
    %lt3A_825 = arith.cmpi slt, %select_n3A_815, %lt3A_824 : i32
    %ne3A_826 = vector.broadcast %lt3A_825 : i1 to vector<16xi1>
    %ne3A_827 = vector.broadcast %ne3A_826 : vector<16xi1> to vector<16xi1>
    %ne3A_828 = arith.xori %lt3A_823, %ne3A_827 : vector<16xi1>
    %and3A_829 = arith.andi %ne3A_828, %ne3A_820 : vector<16xi1>
    %add3A_830 = vector.broadcast %select_n3A_815 : i32 to vector<16xi32>
    %add3A_831 = arith.addi %rem3A_817, %add3A_830 : vector<16xi32>
    %select_n3A_832 = arith.select %and3A_829, %add3A_831, %rem3A_817 : vector<16xi1>, vector<16xi32>
    %add3A_833 = arith.addi %mul3A_810, %select_n3A_832 : vector<16xi32>
    %add3A_834 = arith.constant 224 : i32
    %add3A_835 = vector.broadcast %add3A_834 : i32 to vector<16xi32>
    %add3A_836 = arith.addi %iota3A, %add3A_835 : vector<16xi32>
    %jit3A_837 = arith.constant 20 : i32
    %div3A_838 = vector.broadcast %jit3A_837 : i32 to vector<16xi32>
    %div3A_839 = arith.divsi %add3A_836, %div3A_838 : vector<16xi32>
    %sign3A_840 = arith.constant 0 : i32
    %sign3A_841 = vector.broadcast %sign3A_840 : i32 to vector<16xi32>
    %sign3A_842 = arith.cmpi sgt, %add3A_836, %sign3A_841 : vector<16xi32>
    %sign3A_843 = arith.extui %sign3A_842 : vector<16xi1> to vector<16xi32>
    %sign3A_844 = arith.constant 0 : i32
    %sign3A_845 = vector.broadcast %sign3A_844 : i32 to vector<16xi32>
    %sign3A_846 = arith.cmpi slt, %add3A_836, %sign3A_845 : vector<16xi32>
    %sign3A_847 = arith.extui %sign3A_846 : vector<16xi1> to vector<16xi32>
    %sign3A_848 = arith.subi %sign3A_843, %sign3A_847 : vector<16xi32>
    %sign3A_849 = arith.constant 0 : i32
    %sign3A_850 = arith.cmpi sgt, %jit3A_837, %sign3A_849 : i32
    %sign3A_851 = arith.extui %sign3A_850 : i1 to i32
    %sign3A_852 = arith.constant 0 : i32
    %sign3A_853 = arith.cmpi slt, %jit3A_837, %sign3A_852 : i32
    %sign3A_854 = arith.extui %sign3A_853 : i1 to i32
    %sign3A_855 = arith.subi %sign3A_851, %sign3A_854 : i32
    %ne3A_856 = vector.broadcast %sign3A_855 : i32 to vector<16xi32>
    %ne3A_857 = arith.cmpi ne, %sign3A_848, %ne3A_856 : vector<16xi32>
    %rem3A_858 = vector.broadcast %jit3A_837 : i32 to vector<16xi32>
    %rem3A_859 = arith.remsi %add3A_836, %rem3A_858 : vector<16xi32>
    %ne3A_860 = arith.constant 0 : i32
    %ne3A_861 = vector.broadcast %ne3A_860 : i32 to vector<16xi32>
    %ne3A_862 = arith.cmpi ne, %rem3A_859, %ne3A_861 : vector<16xi32>
    %and3A_863 = arith.andi %ne3A_857, %ne3A_862 : vector<16xi1>
    %sub3A_864 = arith.constant 1 : i32
    %sub3A_865 = vector.broadcast %sub3A_864 : i32 to vector<16xi32>
    %sub3A_866 = arith.subi %div3A_839, %sub3A_865 : vector<16xi32>
    %select_n3A_867 = arith.select %and3A_863, %sub3A_866, %div3A_839 : vector<16xi1>, vector<16xi32>
    %mul3A_868 = arith.constant 128 : i32
    %mul3A_869 = vector.broadcast %mul3A_868 : i32 to vector<16xi32>
    %mul3A_870 = arith.muli %select_n3A_867, %mul3A_869 : vector<16xi32>
    %jit3A_871 = arith.constant 20 : i32
    %eq3A_872 = arith.constant 0 : i32
    %eq3A_873 = arith.cmpi eq, %jit3A_871, %eq3A_872 : i32
    %jit3A_874 = arith.constant 1 : i32
    %select_n3A_875 = arith.select %eq3A_873, %jit3A_874, %jit3A_871 : i32
    %rem3A_876 = vector.broadcast %select_n3A_875 : i32 to vector<16xi32>
    %rem3A_877 = arith.remsi %add3A_836, %rem3A_876 : vector<16xi32>
    %ne3A_878 = arith.constant 0 : i32
    %ne3A_879 = vector.broadcast %ne3A_878 : i32 to vector<16xi32>
    %ne3A_880 = arith.cmpi ne, %rem3A_877, %ne3A_879 : vector<16xi32>
    %lt3A_881 = arith.constant 0 : i32
    %lt3A_882 = vector.broadcast %lt3A_881 : i32 to vector<16xi32>
    %lt3A_883 = arith.cmpi slt, %rem3A_877, %lt3A_882 : vector<16xi32>
    %lt3A_884 = arith.constant 0 : i32
    %lt3A_885 = arith.cmpi slt, %select_n3A_875, %lt3A_884 : i32
    %ne3A_886 = vector.broadcast %lt3A_885 : i1 to vector<16xi1>
    %ne3A_887 = vector.broadcast %ne3A_886 : vector<16xi1> to vector<16xi1>
    %ne3A_888 = arith.xori %lt3A_883, %ne3A_887 : vector<16xi1>
    %and3A_889 = arith.andi %ne3A_888, %ne3A_880 : vector<16xi1>
    %add3A_890 = vector.broadcast %select_n3A_875 : i32 to vector<16xi32>
    %add3A_891 = arith.addi %rem3A_877, %add3A_890 : vector<16xi32>
    %select_n3A_892 = arith.select %and3A_889, %add3A_891, %rem3A_877 : vector<16xi1>, vector<16xi32>
    %add3A_893 = arith.addi %mul3A_870, %select_n3A_892 : vector<16xi32>
    %add3A_894 = arith.constant 240 : i32
    %add3A_895 = vector.broadcast %add3A_894 : i32 to vector<16xi32>
    %add3A_896 = arith.addi %iota3A, %add3A_895 : vector<16xi32>
    %jit3A_897 = arith.constant 20 : i32
    %div3A_898 = vector.broadcast %jit3A_897 : i32 to vector<16xi32>
    %div3A_899 = arith.divsi %add3A_896, %div3A_898 : vector<16xi32>
    %sign3A_900 = arith.constant 0 : i32
    %sign3A_901 = vector.broadcast %sign3A_900 : i32 to vector<16xi32>
    %sign3A_902 = arith.cmpi sgt, %add3A_896, %sign3A_901 : vector<16xi32>
    %sign3A_903 = arith.extui %sign3A_902 : vector<16xi1> to vector<16xi32>
    %sign3A_904 = arith.constant 0 : i32
    %sign3A_905 = vector.broadcast %sign3A_904 : i32 to vector<16xi32>
    %sign3A_906 = arith.cmpi slt, %add3A_896, %sign3A_905 : vector<16xi32>
    %sign3A_907 = arith.extui %sign3A_906 : vector<16xi1> to vector<16xi32>
    %sign3A_908 = arith.subi %sign3A_903, %sign3A_907 : vector<16xi32>
    %sign3A_909 = arith.constant 0 : i32
    %sign3A_910 = arith.cmpi sgt, %jit3A_897, %sign3A_909 : i32
    %sign3A_911 = arith.extui %sign3A_910 : i1 to i32
    %sign3A_912 = arith.constant 0 : i32
    %sign3A_913 = arith.cmpi slt, %jit3A_897, %sign3A_912 : i32
    %sign3A_914 = arith.extui %sign3A_913 : i1 to i32
    %sign3A_915 = arith.subi %sign3A_911, %sign3A_914 : i32
    %ne3A_916 = vector.broadcast %sign3A_915 : i32 to vector<16xi32>
    %ne3A_917 = arith.cmpi ne, %sign3A_908, %ne3A_916 : vector<16xi32>
    %rem3A_918 = vector.broadcast %jit3A_897 : i32 to vector<16xi32>
    %rem3A_919 = arith.remsi %add3A_896, %rem3A_918 : vector<16xi32>
    %ne3A_920 = arith.constant 0 : i32
    %ne3A_921 = vector.broadcast %ne3A_920 : i32 to vector<16xi32>
    %ne3A_922 = arith.cmpi ne, %rem3A_919, %ne3A_921 : vector<16xi32>
    %and3A_923 = arith.andi %ne3A_917, %ne3A_922 : vector<16xi1>
    %sub3A_924 = arith.constant 1 : i32
    %sub3A_925 = vector.broadcast %sub3A_924 : i32 to vector<16xi32>
    %sub3A_926 = arith.subi %div3A_899, %sub3A_925 : vector<16xi32>
    %select_n3A_927 = arith.select %and3A_923, %sub3A_926, %div3A_899 : vector<16xi1>, vector<16xi32>
    %mul3A_928 = arith.constant 128 : i32
    %mul3A_929 = vector.broadcast %mul3A_928 : i32 to vector<16xi32>
    %mul3A_930 = arith.muli %select_n3A_927, %mul3A_929 : vector<16xi32>
    %jit3A_931 = arith.constant 20 : i32
    %eq3A_932 = arith.constant 0 : i32
    %eq3A_933 = arith.cmpi eq, %jit3A_931, %eq3A_932 : i32
    %jit3A_934 = arith.constant 1 : i32
    %select_n3A_935 = arith.select %eq3A_933, %jit3A_934, %jit3A_931 : i32
    %rem3A_936 = vector.broadcast %select_n3A_935 : i32 to vector<16xi32>
    %rem3A_937 = arith.remsi %add3A_896, %rem3A_936 : vector<16xi32>
    %ne3A_938 = arith.constant 0 : i32
    %ne3A_939 = vector.broadcast %ne3A_938 : i32 to vector<16xi32>
    %ne3A_940 = arith.cmpi ne, %rem3A_937, %ne3A_939 : vector<16xi32>
    %lt3A_941 = arith.constant 0 : i32
    %lt3A_942 = vector.broadcast %lt3A_941 : i32 to vector<16xi32>
    %lt3A_943 = arith.cmpi slt, %rem3A_937, %lt3A_942 : vector<16xi32>
    %lt3A_944 = arith.constant 0 : i32
    %lt3A_945 = arith.cmpi slt, %select_n3A_935, %lt3A_944 : i32
    %ne3A_946 = vector.broadcast %lt3A_945 : i1 to vector<16xi1>
    %ne3A_947 = vector.broadcast %ne3A_946 : vector<16xi1> to vector<16xi1>
    %ne3A_948 = arith.xori %lt3A_943, %ne3A_947 : vector<16xi1>
    %and3A_949 = arith.andi %ne3A_948, %ne3A_940 : vector<16xi1>
    %add3A_950 = vector.broadcast %select_n3A_935 : i32 to vector<16xi32>
    %add3A_951 = arith.addi %rem3A_937, %add3A_950 : vector<16xi32>
    %select_n3A_952 = arith.select %and3A_949, %add3A_951, %rem3A_937 : vector<16xi1>, vector<16xi32>
    %add3A_953 = arith.addi %mul3A_930, %select_n3A_952 : vector<16xi32>
    %add3A_954 = arith.constant 256 : i32
    %add3A_955 = vector.broadcast %add3A_954 : i32 to vector<16xi32>
    %add3A_956 = arith.addi %iota3A, %add3A_955 : vector<16xi32>
    %jit3A_957 = arith.constant 20 : i32
    %div3A_958 = vector.broadcast %jit3A_957 : i32 to vector<16xi32>
    %div3A_959 = arith.divsi %add3A_956, %div3A_958 : vector<16xi32>
    %sign3A_960 = arith.constant 0 : i32
    %sign3A_961 = vector.broadcast %sign3A_960 : i32 to vector<16xi32>
    %sign3A_962 = arith.cmpi sgt, %add3A_956, %sign3A_961 : vector<16xi32>
    %sign3A_963 = arith.extui %sign3A_962 : vector<16xi1> to vector<16xi32>
    %sign3A_964 = arith.constant 0 : i32
    %sign3A_965 = vector.broadcast %sign3A_964 : i32 to vector<16xi32>
    %sign3A_966 = arith.cmpi slt, %add3A_956, %sign3A_965 : vector<16xi32>
    %sign3A_967 = arith.extui %sign3A_966 : vector<16xi1> to vector<16xi32>
    %sign3A_968 = arith.subi %sign3A_963, %sign3A_967 : vector<16xi32>
    %sign3A_969 = arith.constant 0 : i32
    %sign3A_970 = arith.cmpi sgt, %jit3A_957, %sign3A_969 : i32
    %sign3A_971 = arith.extui %sign3A_970 : i1 to i32
    %sign3A_972 = arith.constant 0 : i32
    %sign3A_973 = arith.cmpi slt, %jit3A_957, %sign3A_972 : i32
    %sign3A_974 = arith.extui %sign3A_973 : i1 to i32
    %sign3A_975 = arith.subi %sign3A_971, %sign3A_974 : i32
    %ne3A_976 = vector.broadcast %sign3A_975 : i32 to vector<16xi32>
    %ne3A_977 = arith.cmpi ne, %sign3A_968, %ne3A_976 : vector<16xi32>
    %rem3A_978 = vector.broadcast %jit3A_957 : i32 to vector<16xi32>
    %rem3A_979 = arith.remsi %add3A_956, %rem3A_978 : vector<16xi32>
    %ne3A_980 = arith.constant 0 : i32
    %ne3A_981 = vector.broadcast %ne3A_980 : i32 to vector<16xi32>
    %ne3A_982 = arith.cmpi ne, %rem3A_979, %ne3A_981 : vector<16xi32>
    %and3A_983 = arith.andi %ne3A_977, %ne3A_982 : vector<16xi1>
    %sub3A_984 = arith.constant 1 : i32
    %sub3A_985 = vector.broadcast %sub3A_984 : i32 to vector<16xi32>
    %sub3A_986 = arith.subi %div3A_959, %sub3A_985 : vector<16xi32>
    %select_n3A_987 = arith.select %and3A_983, %sub3A_986, %div3A_959 : vector<16xi1>, vector<16xi32>
    %mul3A_988 = arith.constant 128 : i32
    %mul3A_989 = vector.broadcast %mul3A_988 : i32 to vector<16xi32>
    %mul3A_990 = arith.muli %select_n3A_987, %mul3A_989 : vector<16xi32>
    %jit3A_991 = arith.constant 20 : i32
    %eq3A_992 = arith.constant 0 : i32
    %eq3A_993 = arith.cmpi eq, %jit3A_991, %eq3A_992 : i32
    %jit3A_994 = arith.constant 1 : i32
    %select_n3A_995 = arith.select %eq3A_993, %jit3A_994, %jit3A_991 : i32
    %rem3A_996 = vector.broadcast %select_n3A_995 : i32 to vector<16xi32>
    %rem3A_997 = arith.remsi %add3A_956, %rem3A_996 : vector<16xi32>
    %ne3A_998 = arith.constant 0 : i32
    %ne3A_999 = vector.broadcast %ne3A_998 : i32 to vector<16xi32>
    %ne3A_1000 = arith.cmpi ne, %rem3A_997, %ne3A_999 : vector<16xi32>
    %lt3A_1001 = arith.constant 0 : i32
    %lt3A_1002 = vector.broadcast %lt3A_1001 : i32 to vector<16xi32>
    %lt3A_1003 = arith.cmpi slt, %rem3A_997, %lt3A_1002 : vector<16xi32>
    %lt3A_1004 = arith.constant 0 : i32
    %lt3A_1005 = arith.cmpi slt, %select_n3A_995, %lt3A_1004 : i32
    %ne3A_1006 = vector.broadcast %lt3A_1005 : i1 to vector<16xi1>
    %ne3A_1007 = vector.broadcast %ne3A_1006 : vector<16xi1> to vector<16xi1>
    %ne3A_1008 = arith.xori %lt3A_1003, %ne3A_1007 : vector<16xi1>
    %and3A_1009 = arith.andi %ne3A_1008, %ne3A_1000 : vector<16xi1>
    %add3A_1010 = vector.broadcast %select_n3A_995 : i32 to vector<16xi32>
    %add3A_1011 = arith.addi %rem3A_997, %add3A_1010 : vector<16xi32>
    %select_n3A_1012 = arith.select %and3A_1009, %add3A_1011, %rem3A_997 : vector<16xi1>, vector<16xi32>
    %add3A_1013 = arith.addi %mul3A_990, %select_n3A_1012 : vector<16xi32>
    %add3A_1014 = arith.constant 272 : i32
    %add3A_1015 = vector.broadcast %add3A_1014 : i32 to vector<16xi32>
    %add3A_1016 = arith.addi %iota3A, %add3A_1015 : vector<16xi32>
    %jit3A_1017 = arith.constant 20 : i32
    %div3A_1018 = vector.broadcast %jit3A_1017 : i32 to vector<16xi32>
    %div3A_1019 = arith.divsi %add3A_1016, %div3A_1018 : vector<16xi32>
    %sign3A_1020 = arith.constant 0 : i32
    %sign3A_1021 = vector.broadcast %sign3A_1020 : i32 to vector<16xi32>
    %sign3A_1022 = arith.cmpi sgt, %add3A_1016, %sign3A_1021 : vector<16xi32>
    %sign3A_1023 = arith.extui %sign3A_1022 : vector<16xi1> to vector<16xi32>
    %sign3A_1024 = arith.constant 0 : i32
    %sign3A_1025 = vector.broadcast %sign3A_1024 : i32 to vector<16xi32>
    %sign3A_1026 = arith.cmpi slt, %add3A_1016, %sign3A_1025 : vector<16xi32>
    %sign3A_1027 = arith.extui %sign3A_1026 : vector<16xi1> to vector<16xi32>
    %sign3A_1028 = arith.subi %sign3A_1023, %sign3A_1027 : vector<16xi32>
    %sign3A_1029 = arith.constant 0 : i32
    %sign3A_1030 = arith.cmpi sgt, %jit3A_1017, %sign3A_1029 : i32
    %sign3A_1031 = arith.extui %sign3A_1030 : i1 to i32
    %sign3A_1032 = arith.constant 0 : i32
    %sign3A_1033 = arith.cmpi slt, %jit3A_1017, %sign3A_1032 : i32
    %sign3A_1034 = arith.extui %sign3A_1033 : i1 to i32
    %sign3A_1035 = arith.subi %sign3A_1031, %sign3A_1034 : i32
    %ne3A_1036 = vector.broadcast %sign3A_1035 : i32 to vector<16xi32>
    %ne3A_1037 = arith.cmpi ne, %sign3A_1028, %ne3A_1036 : vector<16xi32>
    %rem3A_1038 = vector.broadcast %jit3A_1017 : i32 to vector<16xi32>
    %rem3A_1039 = arith.remsi %add3A_1016, %rem3A_1038 : vector<16xi32>
    %ne3A_1040 = arith.constant 0 : i32
    %ne3A_1041 = vector.broadcast %ne3A_1040 : i32 to vector<16xi32>
    %ne3A_1042 = arith.cmpi ne, %rem3A_1039, %ne3A_1041 : vector<16xi32>
    %and3A_1043 = arith.andi %ne3A_1037, %ne3A_1042 : vector<16xi1>
    %sub3A_1044 = arith.constant 1 : i32
    %sub3A_1045 = vector.broadcast %sub3A_1044 : i32 to vector<16xi32>
    %sub3A_1046 = arith.subi %div3A_1019, %sub3A_1045 : vector<16xi32>
    %select_n3A_1047 = arith.select %and3A_1043, %sub3A_1046, %div3A_1019 : vector<16xi1>, vector<16xi32>
    %mul3A_1048 = arith.constant 128 : i32
    %mul3A_1049 = vector.broadcast %mul3A_1048 : i32 to vector<16xi32>
    %mul3A_1050 = arith.muli %select_n3A_1047, %mul3A_1049 : vector<16xi32>
    %jit3A_1051 = arith.constant 20 : i32
    %eq3A_1052 = arith.constant 0 : i32
    %eq3A_1053 = arith.cmpi eq, %jit3A_1051, %eq3A_1052 : i32
    %jit3A_1054 = arith.constant 1 : i32
    %select_n3A_1055 = arith.select %eq3A_1053, %jit3A_1054, %jit3A_1051 : i32
    %rem3A_1056 = vector.broadcast %select_n3A_1055 : i32 to vector<16xi32>
    %rem3A_1057 = arith.remsi %add3A_1016, %rem3A_1056 : vector<16xi32>
    %ne3A_1058 = arith.constant 0 : i32
    %ne3A_1059 = vector.broadcast %ne3A_1058 : i32 to vector<16xi32>
    %ne3A_1060 = arith.cmpi ne, %rem3A_1057, %ne3A_1059 : vector<16xi32>
    %lt3A_1061 = arith.constant 0 : i32
    %lt3A_1062 = vector.broadcast %lt3A_1061 : i32 to vector<16xi32>
    %lt3A_1063 = arith.cmpi slt, %rem3A_1057, %lt3A_1062 : vector<16xi32>
    %lt3A_1064 = arith.constant 0 : i32
    %lt3A_1065 = arith.cmpi slt, %select_n3A_1055, %lt3A_1064 : i32
    %ne3A_1066 = vector.broadcast %lt3A_1065 : i1 to vector<16xi1>
    %ne3A_1067 = vector.broadcast %ne3A_1066 : vector<16xi1> to vector<16xi1>
    %ne3A_1068 = arith.xori %lt3A_1063, %ne3A_1067 : vector<16xi1>
    %and3A_1069 = arith.andi %ne3A_1068, %ne3A_1060 : vector<16xi1>
    %add3A_1070 = vector.broadcast %select_n3A_1055 : i32 to vector<16xi32>
    %add3A_1071 = arith.addi %rem3A_1057, %add3A_1070 : vector<16xi32>
    %select_n3A_1072 = arith.select %and3A_1069, %add3A_1071, %rem3A_1057 : vector<16xi1>, vector<16xi32>
    %add3A_1073 = arith.addi %mul3A_1050, %select_n3A_1072 : vector<16xi32>
    %add3A_1074 = arith.constant 288 : i32
    %add3A_1075 = vector.broadcast %add3A_1074 : i32 to vector<16xi32>
    %add3A_1076 = arith.addi %iota3A, %add3A_1075 : vector<16xi32>
    %jit3A_1077 = arith.constant 20 : i32
    %div3A_1078 = vector.broadcast %jit3A_1077 : i32 to vector<16xi32>
    %div3A_1079 = arith.divsi %add3A_1076, %div3A_1078 : vector<16xi32>
    %sign3A_1080 = arith.constant 0 : i32
    %sign3A_1081 = vector.broadcast %sign3A_1080 : i32 to vector<16xi32>
    %sign3A_1082 = arith.cmpi sgt, %add3A_1076, %sign3A_1081 : vector<16xi32>
    %sign3A_1083 = arith.extui %sign3A_1082 : vector<16xi1> to vector<16xi32>
    %sign3A_1084 = arith.constant 0 : i32
    %sign3A_1085 = vector.broadcast %sign3A_1084 : i32 to vector<16xi32>
    %sign3A_1086 = arith.cmpi slt, %add3A_1076, %sign3A_1085 : vector<16xi32>
    %sign3A_1087 = arith.extui %sign3A_1086 : vector<16xi1> to vector<16xi32>
    %sign3A_1088 = arith.subi %sign3A_1083, %sign3A_1087 : vector<16xi32>
    %sign3A_1089 = arith.constant 0 : i32
    %sign3A_1090 = arith.cmpi sgt, %jit3A_1077, %sign3A_1089 : i32
    %sign3A_1091 = arith.extui %sign3A_1090 : i1 to i32
    %sign3A_1092 = arith.constant 0 : i32
    %sign3A_1093 = arith.cmpi slt, %jit3A_1077, %sign3A_1092 : i32
    %sign3A_1094 = arith.extui %sign3A_1093 : i1 to i32
    %sign3A_1095 = arith.subi %sign3A_1091, %sign3A_1094 : i32
    %ne3A_1096 = vector.broadcast %sign3A_1095 : i32 to vector<16xi32>
    %ne3A_1097 = arith.cmpi ne, %sign3A_1088, %ne3A_1096 : vector<16xi32>
    %rem3A_1098 = vector.broadcast %jit3A_1077 : i32 to vector<16xi32>
    %rem3A_1099 = arith.remsi %add3A_1076, %rem3A_1098 : vector<16xi32>
    %ne3A_1100 = arith.constant 0 : i32
    %ne3A_1101 = vector.broadcast %ne3A_1100 : i32 to vector<16xi32>
    %ne3A_1102 = arith.cmpi ne, %rem3A_1099, %ne3A_1101 : vector<16xi32>
    %and3A_1103 = arith.andi %ne3A_1097, %ne3A_1102 : vector<16xi1>
    %sub3A_1104 = arith.constant 1 : i32
    %sub3A_1105 = vector.broadcast %sub3A_1104 : i32 to vector<16xi32>
    %sub3A_1106 = arith.subi %div3A_1079, %sub3A_1105 : vector<16xi32>
    %select_n3A_1107 = arith.select %and3A_1103, %sub3A_1106, %div3A_1079 : vector<16xi1>, vector<16xi32>
    %mul3A_1108 = arith.constant 128 : i32
    %mul3A_1109 = vector.broadcast %mul3A_1108 : i32 to vector<16xi32>
    %mul3A_1110 = arith.muli %select_n3A_1107, %mul3A_1109 : vector<16xi32>
    %jit3A_1111 = arith.constant 20 : i32
    %eq3A_1112 = arith.constant 0 : i32
    %eq3A_1113 = arith.cmpi eq, %jit3A_1111, %eq3A_1112 : i32
    %jit3A_1114 = arith.constant 1 : i32
    %select_n3A_1115 = arith.select %eq3A_1113, %jit3A_1114, %jit3A_1111 : i32
    %rem3A_1116 = vector.broadcast %select_n3A_1115 : i32 to vector<16xi32>
    %rem3A_1117 = arith.remsi %add3A_1076, %rem3A_1116 : vector<16xi32>
    %ne3A_1118 = arith.constant 0 : i32
    %ne3A_1119 = vector.broadcast %ne3A_1118 : i32 to vector<16xi32>
    %ne3A_1120 = arith.cmpi ne, %rem3A_1117, %ne3A_1119 : vector<16xi32>
    %lt3A_1121 = arith.constant 0 : i32
    %lt3A_1122 = vector.broadcast %lt3A_1121 : i32 to vector<16xi32>
    %lt3A_1123 = arith.cmpi slt, %rem3A_1117, %lt3A_1122 : vector<16xi32>
    %lt3A_1124 = arith.constant 0 : i32
    %lt3A_1125 = arith.cmpi slt, %select_n3A_1115, %lt3A_1124 : i32
    %ne3A_1126 = vector.broadcast %lt3A_1125 : i1 to vector<16xi1>
    %ne3A_1127 = vector.broadcast %ne3A_1126 : vector<16xi1> to vector<16xi1>
    %ne3A_1128 = arith.xori %lt3A_1123, %ne3A_1127 : vector<16xi1>
    %and3A_1129 = arith.andi %ne3A_1128, %ne3A_1120 : vector<16xi1>
    %add3A_1130 = vector.broadcast %select_n3A_1115 : i32 to vector<16xi32>
    %add3A_1131 = arith.addi %rem3A_1117, %add3A_1130 : vector<16xi32>
    %select_n3A_1132 = arith.select %and3A_1129, %add3A_1131, %rem3A_1117 : vector<16xi1>, vector<16xi32>
    %add3A_1133 = arith.addi %mul3A_1110, %select_n3A_1132 : vector<16xi32>
    %add3A_1134 = arith.constant 304 : i32
    %add3A_1135 = vector.broadcast %add3A_1134 : i32 to vector<16xi32>
    %add3A_1136 = arith.addi %iota3A, %add3A_1135 : vector<16xi32>
    %jit3A_1137 = arith.constant 20 : i32
    %div3A_1138 = vector.broadcast %jit3A_1137 : i32 to vector<16xi32>
    %div3A_1139 = arith.divsi %add3A_1136, %div3A_1138 : vector<16xi32>
    %sign3A_1140 = arith.constant 0 : i32
    %sign3A_1141 = vector.broadcast %sign3A_1140 : i32 to vector<16xi32>
    %sign3A_1142 = arith.cmpi sgt, %add3A_1136, %sign3A_1141 : vector<16xi32>
    %sign3A_1143 = arith.extui %sign3A_1142 : vector<16xi1> to vector<16xi32>
    %sign3A_1144 = arith.constant 0 : i32
    %sign3A_1145 = vector.broadcast %sign3A_1144 : i32 to vector<16xi32>
    %sign3A_1146 = arith.cmpi slt, %add3A_1136, %sign3A_1145 : vector<16xi32>
    %sign3A_1147 = arith.extui %sign3A_1146 : vector<16xi1> to vector<16xi32>
    %sign3A_1148 = arith.subi %sign3A_1143, %sign3A_1147 : vector<16xi32>
    %sign3A_1149 = arith.constant 0 : i32
    %sign3A_1150 = arith.cmpi sgt, %jit3A_1137, %sign3A_1149 : i32
    %sign3A_1151 = arith.extui %sign3A_1150 : i1 to i32
    %sign3A_1152 = arith.constant 0 : i32
    %sign3A_1153 = arith.cmpi slt, %jit3A_1137, %sign3A_1152 : i32
    %sign3A_1154 = arith.extui %sign3A_1153 : i1 to i32
    %sign3A_1155 = arith.subi %sign3A_1151, %sign3A_1154 : i32
    %ne3A_1156 = vector.broadcast %sign3A_1155 : i32 to vector<16xi32>
    %ne3A_1157 = arith.cmpi ne, %sign3A_1148, %ne3A_1156 : vector<16xi32>
    %rem3A_1158 = vector.broadcast %jit3A_1137 : i32 to vector<16xi32>
    %rem3A_1159 = arith.remsi %add3A_1136, %rem3A_1158 : vector<16xi32>
    %ne3A_1160 = arith.constant 0 : i32
    %ne3A_1161 = vector.broadcast %ne3A_1160 : i32 to vector<16xi32>
    %ne3A_1162 = arith.cmpi ne, %rem3A_1159, %ne3A_1161 : vector<16xi32>
    %and3A_1163 = arith.andi %ne3A_1157, %ne3A_1162 : vector<16xi1>
    %sub3A_1164 = arith.constant 1 : i32
    %sub3A_1165 = vector.broadcast %sub3A_1164 : i32 to vector<16xi32>
    %sub3A_1166 = arith.subi %div3A_1139, %sub3A_1165 : vector<16xi32>
    %select_n3A_1167 = arith.select %and3A_1163, %sub3A_1166, %div3A_1139 : vector<16xi1>, vector<16xi32>
    %mul3A_1168 = arith.constant 128 : i32
    %mul3A_1169 = vector.broadcast %mul3A_1168 : i32 to vector<16xi32>
    %mul3A_1170 = arith.muli %select_n3A_1167, %mul3A_1169 : vector<16xi32>
    %jit3A_1171 = arith.constant 20 : i32
    %eq3A_1172 = arith.constant 0 : i32
    %eq3A_1173 = arith.cmpi eq, %jit3A_1171, %eq3A_1172 : i32
    %jit3A_1174 = arith.constant 1 : i32
    %select_n3A_1175 = arith.select %eq3A_1173, %jit3A_1174, %jit3A_1171 : i32
    %rem3A_1176 = vector.broadcast %select_n3A_1175 : i32 to vector<16xi32>
    %rem3A_1177 = arith.remsi %add3A_1136, %rem3A_1176 : vector<16xi32>
    %ne3A_1178 = arith.constant 0 : i32
    %ne3A_1179 = vector.broadcast %ne3A_1178 : i32 to vector<16xi32>
    %ne3A_1180 = arith.cmpi ne, %rem3A_1177, %ne3A_1179 : vector<16xi32>
    %lt3A_1181 = arith.constant 0 : i32
    %lt3A_1182 = vector.broadcast %lt3A_1181 : i32 to vector<16xi32>
    %lt3A_1183 = arith.cmpi slt, %rem3A_1177, %lt3A_1182 : vector<16xi32>
    %lt3A_1184 = arith.constant 0 : i32
    %lt3A_1185 = arith.cmpi slt, %select_n3A_1175, %lt3A_1184 : i32
    %ne3A_1186 = vector.broadcast %lt3A_1185 : i1 to vector<16xi1>
    %ne3A_1187 = vector.broadcast %ne3A_1186 : vector<16xi1> to vector<16xi1>
    %ne3A_1188 = arith.xori %lt3A_1183, %ne3A_1187 : vector<16xi1>
    %and3A_1189 = arith.andi %ne3A_1188, %ne3A_1180 : vector<16xi1>
    %add3A_1190 = vector.broadcast %select_n3A_1175 : i32 to vector<16xi32>
    %add3A_1191 = arith.addi %rem3A_1177, %add3A_1190 : vector<16xi32>
    %select_n3A_1192 = arith.select %and3A_1189, %add3A_1191, %rem3A_1177 : vector<16xi1>, vector<16xi32>
    %add3A_1193 = arith.addi %mul3A_1170, %select_n3A_1192 : vector<16xi32>
    %add3A_1194 = arith.constant 0 : i32
    %add3A_1195 = arith.addi %mul3A_2, %add3A_1194 : i32
    %mul3A_1196 = arith.constant 128 : i32
    %mul3A_1197 = arith.muli %add3A_1195, %mul3A_1196 : i32
    %dma_start3A = tpu.memref_slice %arg3[%mul3A_1197] : memref<2097152xi32, #tpu.memory_space<hbm>> -> memref<2048xi32, #tpu.memory_space<hbm>>
    %dma_start3A_1198 = tpu.memref_slice %arg3[%mul3A_1197] : memref<2097152xi32, #tpu.memory_space<hbm>> -> memref<2048xi32, #tpu.memory_space<hbm>>
    tpu.enqueue_dma source(%dma_start3A_1198 : memref<2048xi32, #tpu.memory_space<hbm>>) target(%arg8 : memref<2048xi32, #tpu.memory_space<vmem>>) target_semaphore(%arg18 : memref<!tpu.dma_semaphore, #tpu.memory_space<semaphore_mem>>)
    %add3A_1199 = arith.constant 16 : i32
    %add3A_1200 = arith.addi %mul3A_2, %add3A_1199 : i32
    %mul3A_1201 = arith.constant 128 : i32
    %mul3A_1202 = arith.muli %add3A_1200, %mul3A_1201 : i32
    %dma_start3A_1203 = tpu.memref_slice %arg3[%mul3A_1202] : memref<2097152xi32, #tpu.memory_space<hbm>> -> memref<2048xi32, #tpu.memory_space<hbm>>
    %dma_start3A_1204 = tpu.memref_slice %arg3[%mul3A_1202] : memref<2097152xi32, #tpu.memory_space<hbm>> -> memref<2048xi32, #tpu.memory_space<hbm>>
    tpu.enqueue_dma source(%dma_start3A_1204 : memref<2048xi32, #tpu.memory_space<hbm>>) target(%arg9 : memref<2048xi32, #tpu.memory_space<vmem>>) target_semaphore(%arg19 : memref<!tpu.dma_semaphore, #tpu.memory_space<semaphore_mem>>)
    %dma_wait3A = arith.constant 0 : i32
    %dma_wait3A_1205 = tpu.memref_slice %arg3[%dma_wait3A] : memref<2097152xi32, #tpu.memory_space<hbm>> -> memref<2048xi32, #tpu.memory_space<hbm>>
    %dma_wait3A_1206 = arith.constant 0 : i32
    %dma_wait3A_1207 = tpu.memref_slice %arg3[%dma_wait3A_1206] : memref<2097152xi32, #tpu.memory_space<hbm>> -> memref<2048xi32, #tpu.memory_space<hbm>>
    tpu.wait_dma2 semaphore(%arg18 : memref<!tpu.dma_semaphore, #tpu.memory_space<semaphore_mem>>) src(%dma_wait3A_1207 : memref<2048xi32, #tpu.memory_space<hbm>>) dst(%arg8 : memref<2048xi32, #tpu.memory_space<vmem>>)
    %gather3A = tpu.vector_load_idx %arg8[%add3A_53] : memref<2048xi32, #tpu.memory_space<vmem>>[vector<16xi32>], vector<16xi32>,
    %swap3A = arith.constant 0 : index
    %swap3A_1208 = tpu.vector_load %arg10[%swap3A] {strides = array<i32>} : memref<320xi32, #tpu.memory_space<vmem>>, vector<16xi32>,
    tpu.vector_store %arg10[%swap3A], %gather3A {strides = array<i32>} : memref<320xi32, #tpu.memory_space<vmem>>, vector<16xi32>,
    %gather3A_1209 = tpu.vector_load_idx %arg8[%add3A_113] : memref<2048xi32, #tpu.memory_space<vmem>>[vector<16xi32>], vector<16xi32>,
    %swap3A_1210 = arith.constant 16 : index
    %swap3A_1211 = tpu.vector_load %arg10[%swap3A_1210] {strides = array<i32>} : memref<320xi32, #tpu.memory_space<vmem>>, vector<16xi32>,
    tpu.vector_store %arg10[%swap3A_1210], %gather3A_1209 {strides = array<i32>} : memref<320xi32, #tpu.memory_space<vmem>>, vector<16xi32>,
    %gather3A_1212 = tpu.vector_load_idx %arg8[%add3A_173] : memref<2048xi32, #tpu.memory_space<vmem>>[vector<16xi32>], vector<16xi32>,
    %swap3A_1213 = arith.constant 32 : index
    %swap3A_1214 = tpu.vector_load %arg10[%swap3A_1213] {strides = array<i32>} : memref<320xi32, #tpu.memory_space<vmem>>, vector<16xi32>,
    tpu.vector_store %arg10[%swap3A_1213], %gather3A_1212 {strides = array<i32>} : memref<320xi32, #tpu.memory_space<vmem>>, vector<16xi32>,
    %gather3A_1215 = tpu.vector_load_idx %arg8[%add3A_233] : memref<2048xi32, #tpu.memory_space<vmem>>[vector<16xi32>], vector<16xi32>,
    %swap3A_1216 = arith.constant 48 : index
    %swap3A_1217 = tpu.vector_load %arg10[%swap3A_1216] {strides = array<i32>} : memref<320xi32, #tpu.memory_space<vmem>>, vector<16xi32>,
    tpu.vector_store %arg10[%swap3A_1216], %gather3A_1215 {strides = array<i32>} : memref<320xi32, #tpu.memory_space<vmem>>, vector<16xi32>,
    %gather3A_1218 = tpu.vector_load_idx %arg8[%add3A_293] : memref<2048xi32, #tpu.memory_space<vmem>>[vector<16xi32>], vector<16xi32>,
    %swap3A_1219 = arith.constant 64 : index
    %swap3A_1220 = tpu.vector_load %arg10[%swap3A_1219] {strides = array<i32>} : memref<320xi32, #tpu.memory_space<vmem>>, vector<16xi32>,
    tpu.vector_store %arg10[%swap3A_1219], %gather3A_1218 {strides = array<i32>} : memref<320xi32, #tpu.memory_space<vmem>>, vector<16xi32>,
    %gather3A_1221 = tpu.vector_load_idx %arg8[%add3A_353] : memref<2048xi32, #tpu.memory_space<vmem>>[vector<16xi32>], vector<16xi32>,
    %swap3A_1222 = arith.constant 80 : index
    %swap3A_1223 = tpu.vector_load %arg10[%swap3A_1222] {strides = array<i32>} : memref<320xi32, #tpu.memory_space<vmem>>, vector<16xi32>,
    tpu.vector_store %arg10[%swap3A_1222], %gather3A_1221 {strides = array<i32>} : memref<320xi32, #tpu.memory_space<vmem>>, vector<16xi32>,
    %gather3A_1224 = tpu.vector_load_idx %arg8[%add3A_413] : memref<2048xi32, #tpu.memory_space<vmem>>[vector<16xi32>], vector<16xi32>,
    %swap3A_1225 = arith.constant 96 : index
    %swap3A_1226 = tpu.vector_load %arg10[%swap3A_1225] {strides = array<i32>} : memref<320xi32, #tpu.memory_space<vmem>>, vector<16xi32>,
    tpu.vector_store %arg10[%swap3A_1225], %gather3A_1224 {strides = array<i32>} : memref<320xi32, #tpu.memory_space<vmem>>, vector<16xi32>,
    %gather3A_1227 = tpu.vector_load_idx %arg8[%add3A_473] : memref<2048xi32, #tpu.memory_space<vmem>>[vector<16xi32>], vector<16xi32>,
    %swap3A_1228 = arith.constant 112 : index
    %swap3A_1229 = tpu.vector_load %arg10[%swap3A_1228] {strides = array<i32>} : memref<320xi32, #tpu.memory_space<vmem>>, vector<16xi32>,
    tpu.vector_store %arg10[%swap3A_1228], %gather3A_1227 {strides = array<i32>} : memref<320xi32, #tpu.memory_space<vmem>>, vector<16xi32>,
    %gather3A_1230 = tpu.vector_load_idx %arg8[%add3A_533] : memref<2048xi32, #tpu.memory_space<vmem>>[vector<16xi32>], vector<16xi32>,
    %swap3A_1231 = arith.constant 128 : index
    %swap3A_1232 = tpu.vector_load %arg10[%swap3A_1231] {strides = array<i32>} : memref<320xi32, #tpu.memory_space<vmem>>, vector<16xi32>,
    tpu.vector_store %arg10[%swap3A_1231], %gather3A_1230 {strides = array<i32>} : memref<320xi32, #tpu.memory_space<vmem>>, vector<16xi32>,
    %gather3A_1233 = tpu.vector_load_idx %arg8[%add3A_593] : memref<2048xi32, #tpu.memory_space<vmem>>[vector<16xi32>], vector<16xi32>,
    %swap3A_1234 = arith.constant 144 : index
    %swap3A_1235 = tpu.vector_load %arg10[%swap3A_1234] {strides = array<i32>} : memref<320xi32, #tpu.memory_space<vmem>>, vector<16xi32>,
    tpu.vector_store %arg10[%swap3A_1234], %gather3A_1233 {strides = array<i32>} : memref<320xi32, #tpu.memory_space<vmem>>, vector<16xi32>,
    %gather3A_1236 = tpu.vector_load_idx %arg8[%add3A_653] : memref<2048xi32, #tpu.memory_space<vmem>>[vector<16xi32>], vector<16xi32>,
    %swap3A_1237 = arith.constant 160 : index
    %swap3A_1238 = tpu.vector_load %arg10[%swap3A_1237] {strides = array<i32>} : memref<320xi32, #tpu.memory_space<vmem>>, vector<16xi32>,
    tpu.vector_store %arg10[%swap3A_1237], %gather3A_1236 {strides = array<i32>} : memref<320xi32, #tpu.memory_space<vmem>>, vector<16xi32>,
    %gather3A_1239 = tpu.vector_load_idx %arg8[%add3A_713] : memref<2048xi32, #tpu.memory_space<vmem>>[vector<16xi32>], vector<16xi32>,
    %swap3A_1240 = arith.constant 176 : index
    %swap3A_1241 = tpu.vector_load %arg10[%swap3A_1240] {strides = array<i32>} : memref<320xi32, #tpu.memory_space<vmem>>, vector<16xi32>,
    tpu.vector_store %arg10[%swap3A_1240], %gather3A_1239 {strides = array<i32>} : memref<320xi32, #tpu.memory_space<vmem>>, vector<16xi32>,
    %gather3A_1242 = tpu.vector_load_idx %arg8[%add3A_773] : memref<2048xi32, #tpu.memory_space<vmem>>[vector<16xi32>], vector<16xi32>,
    %swap3A_1243 = arith.constant 192 : index
    %swap3A_1244 = tpu.vector_load %arg10[%swap3A_1243] {strides = array<i32>} : memref<320xi32, #tpu.memory_space<vmem>>, vector<16xi32>,
    tpu.vector_store %arg10[%swap3A_1243], %gather3A_1242 {strides = array<i32>} : memref<320xi32, #tpu.memory_space<vmem>>, vector<16xi32>,
    %gather3A_1245 = tpu.vector_load_idx %arg8[%add3A_833] : memref<2048xi32, #tpu.memory_space<vmem>>[vector<16xi32>], vector<16xi32>,
    %swap3A_1246 = arith.constant 208 : index
    %swap3A_1247 = tpu.vector_load %arg10[%swap3A_1246] {strides = array<i32>} : memref<320xi32, #tpu.memory_space<vmem>>, vector<16xi32>,
    tpu.vector_store %arg10[%swap3A_1246], %gather3A_1245 {strides = array<i32>} : memref<320xi32, #tpu.memory_space<vmem>>, vector<16xi32>,
    %gather3A_1248 = tpu.vector_load_idx %arg8[%add3A_893] : memref<2048xi32, #tpu.memory_space<vmem>>[vector<16xi32>], vector<16xi32>,
    %swap3A_1249 = arith.constant 224 : index
    %swap3A_1250 = tpu.vector_load %arg10[%swap3A_1249] {strides = array<i32>} : memref<320xi32, #tpu.memory_space<vmem>>, vector<16xi32>,
    tpu.vector_store %arg10[%swap3A_1249], %gather3A_1248 {strides = array<i32>} : memref<320xi32, #tpu.memory_space<vmem>>, vector<16xi32>,
    %gather3A_1251 = tpu.vector_load_idx %arg8[%add3A_953] : memref<2048xi32, #tpu.memory_space<vmem>>[vector<16xi32>], vector<16xi32>,
    %swap3A_1252 = arith.constant 240 : index
    %swap3A_1253 = tpu.vector_load %arg10[%swap3A_1252] {strides = array<i32>} : memref<320xi32, #tpu.memory_space<vmem>>, vector<16xi32>,
    tpu.vector_store %arg10[%swap3A_1252], %gather3A_1251 {strides = array<i32>} : memref<320xi32, #tpu.memory_space<vmem>>, vector<16xi32>,
    %gather3A_1254 = tpu.vector_load_idx %arg8[%add3A_1013] : memref<2048xi32, #tpu.memory_space<vmem>>[vector<16xi32>], vector<16xi32>,
    %swap3A_1255 = arith.constant 256 : index
    %swap3A_1256 = tpu.vector_load %arg10[%swap3A_1255] {strides = array<i32>} : memref<320xi32, #tpu.memory_space<vmem>>, vector<16xi32>,
    tpu.vector_store %arg10[%swap3A_1255], %gather3A_1254 {strides = array<i32>} : memref<320xi32, #tpu.memory_space<vmem>>, vector<16xi32>,
    %gather3A_1257 = tpu.vector_load_idx %arg8[%add3A_1073] : memref<2048xi32, #tpu.memory_space<vmem>>[vector<16xi32>], vector<16xi32>,
    %swap3A_1258 = arith.constant 272 : index
    %swap3A_1259 = tpu.vector_load %arg10[%swap3A_1258] {strides = array<i32>} : memref<320xi32, #tpu.memory_space<vmem>>, vector<16xi32>,
    tpu.vector_store %arg10[%swap3A_1258], %gather3A_1257 {strides = array<i32>} : memref<320xi32, #tpu.memory_space<vmem>>, vector<16xi32>,
    %gather3A_1260 = tpu.vector_load_idx %arg8[%add3A_1133] : memref<2048xi32, #tpu.memory_space<vmem>>[vector<16xi32>], vector<16xi32>,
    %swap3A_1261 = arith.constant 288 : index
    %swap3A_1262 = tpu.vector_load %arg10[%swap3A_1261] {strides = array<i32>} : memref<320xi32, #tpu.memory_space<vmem>>, vector<16xi32>,
    tpu.vector_store %arg10[%swap3A_1261], %gather3A_1260 {strides = array<i32>} : memref<320xi32, #tpu.memory_space<vmem>>, vector<16xi32>,
    %gather3A_1263 = tpu.vector_load_idx %arg8[%add3A_1193] : memref<2048xi32, #tpu.memory_space<vmem>>[vector<16xi32>], vector<16xi32>,
    %swap3A_1264 = arith.constant 304 : index
    %swap3A_1265 = tpu.vector_load %arg10[%swap3A_1264] {strides = array<i32>} : memref<320xi32, #tpu.memory_space<vmem>>, vector<16xi32>,
    tpu.vector_store %arg10[%swap3A_1264], %gather3A_1263 {strides = array<i32>} : memref<320xi32, #tpu.memory_space<vmem>>, vector<16xi32>,
    %dma_start3A_1266 = arith.constant 0 : i32
    %dma_start3A_1267 = tpu.memref_slice %arg7[%dma_start3A_1266] : memref<512xi32, #tpu.memory_space<vmem>> -> memref<16xi32, #tpu.memory_space<vmem>>
    %dma_start3A_1268 = arith.constant 0 : i32
    %dma_start3A_1269 = arith.constant 0 : i32
    %dma_start3A_1270 = tpu.memref_slice %arg4[%dma_start3A_1268, %dma_start3A_1269] : memref<100000x128xf32, #tpu.memory_space<hbm>> -> memref<100000x128xf32, #tpu.memory_space<hbm>>
    tpu.enqueue_indirect_dma source(%dma_start3A_1270 : memref<100000x128xf32, #tpu.memory_space<hbm>>) target(%arg12 : memref<16x128xf32, #tpu.memory_space<vmem>>) offsets(%dma_start3A_1267 : memref<16xi32, #tpu.memory_space<vmem>>) semaphore(%arg20 : memref<!tpu.dma_semaphore, #tpu.memory_space<semaphore_mem>>)
    %dma_start3A_1271 = arith.constant 0 : i32
    %dma_start3A_1272 = arith.constant 0 : i32
    %dma_start3A_1273 = tpu.memref_slice %arg14[%dma_start3A_1271, %dma_start3A_1272] : memref<320x128xf32, #tpu.memory_space<vmem>> -> memref<128x128xf32, #tpu.memory_space<vmem>>
    %dma_start3A_1274 = arith.constant 0 : i32
    %dma_start3A_1275 = tpu.memref_slice %arg10[%dma_start3A_1274] : memref<320xi32, #tpu.memory_space<vmem>> -> memref<128xi32, #tpu.memory_space<vmem>>
    %dma_start3A_1276 = arith.constant 0 : i32
    %dma_start3A_1277 = arith.constant 0 : i32
    %dma_start3A_1278 = tpu.memref_slice %arg5[%dma_start3A_1276, %dma_start3A_1277] : memref<100000x128xf32, #tpu.memory_space<hbm>> -> memref<100000x128xf32, #tpu.memory_space<hbm>>
    tpu.enqueue_indirect_dma source(%dma_start3A_1278 : memref<100000x128xf32, #tpu.memory_space<hbm>>) target(%dma_start3A_1273 : memref<128x128xf32, #tpu.memory_space<vmem>>) offsets(%dma_start3A_1275 : memref<128xi32, #tpu.memory_space<vmem>>) semaphore(%arg20 : memref<!tpu.dma_semaphore, #tpu.memory_space<semaphore_mem>>)
    %dma_start3A_1279 = arith.constant 128 : i32
    %dma_start3A_1280 = arith.constant 0 : i32
    %dma_start3A_1281 = tpu.memref_slice %arg14[%dma_start3A_1279, %dma_start3A_1280] : memref<320x128xf32, #tpu.memory_space<vmem>> -> memref<128x128xf32, #tpu.memory_space<vmem>>
    %dma_start3A_1282 = arith.constant 128 : i32
    %dma_start3A_1283 = tpu.memref_slice %arg10[%dma_start3A_1282] : memref<320xi32, #tpu.memory_space<vmem>> -> memref<128xi32, #tpu.memory_space<vmem>>
    %dma_start3A_1284 = arith.constant 0 : i32
    %dma_start3A_1285 = arith.constant 0 : i32
    %dma_start3A_1286 = tpu.memref_slice %arg5[%dma_start3A_1284, %dma_start3A_1285] : memref<100000x128xf32, #tpu.memory_space<hbm>> -> memref<100000x128xf32, #tpu.memory_space<hbm>>
    tpu.enqueue_indirect_dma source(%dma_start3A_1286 : memref<100000x128xf32, #tpu.memory_space<hbm>>) target(%dma_start3A_1281 : memref<128x128xf32, #tpu.memory_space<vmem>>) offsets(%dma_start3A_1283 : memref<128xi32, #tpu.memory_space<vmem>>) semaphore(%arg20 : memref<!tpu.dma_semaphore, #tpu.memory_space<semaphore_mem>>)
    %dma_start3A_1287 = arith.constant 256 : i32
    %dma_start3A_1288 = arith.constant 0 : i32
    %dma_start3A_1289 = tpu.memref_slice %arg14[%dma_start3A_1287, %dma_start3A_1288] : memref<320x128xf32, #tpu.memory_space<vmem>> -> memref<64x128xf32, #tpu.memory_space<vmem>>
    %dma_start3A_1290 = arith.constant 256 : i32
    %dma_start3A_1291 = tpu.memref_slice %arg10[%dma_start3A_1290] : memref<320xi32, #tpu.memory_space<vmem>> -> memref<64xi32, #tpu.memory_space<vmem>>
    %dma_start3A_1292 = arith.constant 0 : i32
    %dma_start3A_1293 = arith.constant 0 : i32
    %dma_start3A_1294 = tpu.memref_slice %arg5[%dma_start3A_1292, %dma_start3A_1293] : memref<100000x128xf32, #tpu.memory_space<hbm>> -> memref<100000x128xf32, #tpu.memory_space<hbm>>
    tpu.enqueue_indirect_dma source(%dma_start3A_1294 : memref<100000x128xf32, #tpu.memory_space<hbm>>) target(%dma_start3A_1289 : memref<64x128xf32, #tpu.memory_space<vmem>>) offsets(%dma_start3A_1291 : memref<64xi32, #tpu.memory_space<vmem>>) semaphore(%arg20 : memref<!tpu.dma_semaphore, #tpu.memory_space<semaphore_mem>>)
    %scan3A = arith.constant 0 : i32
    %scan3A_1295 = arith.constant 0 : i32
    %scan3A_1296 = arith.constant 16 : i32
    %scan3A_1297 = arith.addi %scan3A_1295, %scan3A_1296 : i32
    %scan3A_1298 = arith.constant 1 : i32
    scf.for %scan3A_1308 = %scan3A_1295 to %scan3A_1297 step %scan3A_1298  : i32 {
      %mul3A_1309 = arith.constant 2 : i32
      %mul3A_1310 = arith.muli %mul3A_1309, %scan3A_1308 : i32
      %add3A_1311 = arith.constant 1 : i32
      %add3A_1312 = arith.addi %mul3A_1310, %add3A_1311 : i32
      %dma_wait3A_1313 = arith.constant 0 : i32
      %dma_wait3A_1314 = tpu.memref_slice %arg3[%dma_wait3A_1313] : memref<2097152xi32, #tpu.memory_space<hbm>> -> memref<2048xi32, #tpu.memory_space<hbm>>
      %dma_wait3A_1315 = arith.constant 0 : i32
      %dma_wait3A_1316 = tpu.memref_slice %arg3[%dma_wait3A_1315] : memref<2097152xi32, #tpu.memory_space<hbm>> -> memref<2048xi32, #tpu.memory_space<hbm>>
      tpu.wait_dma2 semaphore(%arg19 : memref<!tpu.dma_semaphore, #tpu.memory_space<semaphore_mem>>) src(%dma_wait3A_1316 : memref<2048xi32, #tpu.memory_space<hbm>>) dst(%arg9 : memref<2048xi32, #tpu.memory_space<vmem>>)
      %gather3A_1317 = tpu.vector_load_idx %arg9[%add3A_53] : memref<2048xi32, #tpu.memory_space<vmem>>[vector<16xi32>], vector<16xi32>,
      %swap3A_1318 = arith.constant 0 : index
      %swap3A_1319 = tpu.vector_load %arg11[%swap3A_1318] {strides = array<i32>} : memref<320xi32, #tpu.memory_space<vmem>>, vector<16xi32>,
      tpu.vector_store %arg11[%swap3A_1318], %gather3A_1317 {strides = array<i32>} : memref<320xi32, #tpu.memory_space<vmem>>, vector<16xi32>,
      %gather3A_1320 = tpu.vector_load_idx %arg9[%add3A_113] : memref<2048xi32, #tpu.memory_space<vmem>>[vector<16xi32>], vector<16xi32>,
      %swap3A_1321 = arith.constant 16 : index
      %swap3A_1322 = tpu.vector_load %arg11[%swap3A_1321] {strides = array<i32>} : memref<320xi32, #tpu.memory_space<vmem>>, vector<16xi32>,
      tpu.vector_store %arg11[%swap3A_1321], %gather3A_1320 {strides = array<i32>} : memref<320xi32, #tpu.memory_space<vmem>>, vector<16xi32>,
      %gather3A_1323 = tpu.vector_load_idx %arg9[%add3A_173] : memref<2048xi32, #tpu.memory_space<vmem>>[vector<16xi32>], vector<16xi32>,
      %swap3A_1324 = arith.constant 32 : index
      %swap3A_1325 = tpu.vector_load %arg11[%swap3A_1324] {strides = array<i32>} : memref<320xi32, #tpu.memory_space<vmem>>, vector<16xi32>,
      tpu.vector_store %arg11[%swap3A_1324], %gather3A_1323 {strides = array<i32>} : memref<320xi32, #tpu.memory_space<vmem>>, vector<16xi32>,
      %gather3A_1326 = tpu.vector_load_idx %arg9[%add3A_233] : memref<2048xi32, #tpu.memory_space<vmem>>[vector<16xi32>], vector<16xi32>,
      %swap3A_1327 = arith.constant 48 : index
      %swap3A_1328 = tpu.vector_load %arg11[%swap3A_1327] {strides = array<i32>} : memref<320xi32, #tpu.memory_space<vmem>>, vector<16xi32>,
      tpu.vector_store %arg11[%swap3A_1327], %gather3A_1326 {strides = array<i32>} : memref<320xi32, #tpu.memory_space<vmem>>, vector<16xi32>,
      %gather3A_1329 = tpu.vector_load_idx %arg9[%add3A_293] : memref<2048xi32, #tpu.memory_space<vmem>>[vector<16xi32>], vector<16xi32>,
      %swap3A_1330 = arith.constant 64 : index
      %swap3A_1331 = tpu.vector_load %arg11[%swap3A_1330] {strides = array<i32>} : memref<320xi32, #tpu.memory_space<vmem>>, vector<16xi32>,
      tpu.vector_store %arg11[%swap3A_1330], %gather3A_1329 {strides = array<i32>} : memref<320xi32, #tpu.memory_space<vmem>>, vector<16xi32>,
      %gather3A_1332 = tpu.vector_load_idx %arg9[%add3A_353] : memref<2048xi32, #tpu.memory_space<vmem>>[vector<16xi32>], vector<16xi32>,
      %swap3A_1333 = arith.constant 80 : index
      %swap3A_1334 = tpu.vector_load %arg11[%swap3A_1333] {strides = array<i32>} : memref<320xi32, #tpu.memory_space<vmem>>, vector<16xi32>,
      tpu.vector_store %arg11[%swap3A_1333], %gather3A_1332 {strides = array<i32>} : memref<320xi32, #tpu.memory_space<vmem>>, vector<16xi32>,
      %gather3A_1335 = tpu.vector_load_idx %arg9[%add3A_413] : memref<2048xi32, #tpu.memory_space<vmem>>[vector<16xi32>], vector<16xi32>,
      %swap3A_1336 = arith.constant 96 : index
      %swap3A_1337 = tpu.vector_load %arg11[%swap3A_1336] {strides = array<i32>} : memref<320xi32, #tpu.memory_space<vmem>>, vector<16xi32>,
      tpu.vector_store %arg11[%swap3A_1336], %gather3A_1335 {strides = array<i32>} : memref<320xi32, #tpu.memory_space<vmem>>, vector<16xi32>,
      %gather3A_1338 = tpu.vector_load_idx %arg9[%add3A_473] : memref<2048xi32, #tpu.memory_space<vmem>>[vector<16xi32>], vector<16xi32>,
      %swap3A_1339 = arith.constant 112 : index
      %swap3A_1340 = tpu.vector_load %arg11[%swap3A_1339] {strides = array<i32>} : memref<320xi32, #tpu.memory_space<vmem>>, vector<16xi32>,
      tpu.vector_store %arg11[%swap3A_1339], %gather3A_1338 {strides = array<i32>} : memref<320xi32, #tpu.memory_space<vmem>>, vector<16xi32>,
      %gather3A_1341 = tpu.vector_load_idx %arg9[%add3A_533] : memref<2048xi32, #tpu.memory_space<vmem>>[vector<16xi32>], vector<16xi32>,
      %swap3A_1342 = arith.constant 128 : index
      %swap3A_1343 = tpu.vector_load %arg11[%swap3A_1342] {strides = array<i32>} : memref<320xi32, #tpu.memory_space<vmem>>, vector<16xi32>,
      tpu.vector_store %arg11[%swap3A_1342], %gather3A_1341 {strides = array<i32>} : memref<320xi32, #tpu.memory_space<vmem>>, vector<16xi32>,
      %gather3A_1344 = tpu.vector_load_idx %arg9[%add3A_593] : memref<2048xi32, #tpu.memory_space<vmem>>[vector<16xi32>], vector<16xi32>,
      %swap3A_1345 = arith.constant 144 : index
      %swap3A_1346 = tpu.vector_load %arg11[%swap3A_1345] {strides = array<i32>} : memref<320xi32, #tpu.memory_space<vmem>>, vector<16xi32>,
      tpu.vector_store %arg11[%swap3A_1345], %gather3A_1344 {strides = array<i32>} : memref<320xi32, #tpu.memory_space<vmem>>, vector<16xi32>,
      %gather3A_1347 = tpu.vector_load_idx %arg9[%add3A_653] : memref<2048xi32, #tpu.memory_space<vmem>>[vector<16xi32>], vector<16xi32>,
      %swap3A_1348 = arith.constant 160 : index
      %swap3A_1349 = tpu.vector_load %arg11[%swap3A_1348] {strides = array<i32>} : memref<320xi32, #tpu.memory_space<vmem>>, vector<16xi32>,
      tpu.vector_store %arg11[%swap3A_1348], %gather3A_1347 {strides = array<i32>} : memref<320xi32, #tpu.memory_space<vmem>>, vector<16xi32>,
      %gather3A_1350 = tpu.vector_load_idx %arg9[%add3A_713] : memref<2048xi32, #tpu.memory_space<vmem>>[vector<16xi32>], vector<16xi32>,
      %swap3A_1351 = arith.constant 176 : index
      %swap3A_1352 = tpu.vector_load %arg11[%swap3A_1351] {strides = array<i32>} : memref<320xi32, #tpu.memory_space<vmem>>, vector<16xi32>,
      tpu.vector_store %arg11[%swap3A_1351], %gather3A_1350 {strides = array<i32>} : memref<320xi32, #tpu.memory_space<vmem>>, vector<16xi32>,
      %gather3A_1353 = tpu.vector_load_idx %arg9[%add3A_773] : memref<2048xi32, #tpu.memory_space<vmem>>[vector<16xi32>], vector<16xi32>,
      %swap3A_1354 = arith.constant 192 : index
      %swap3A_1355 = tpu.vector_load %arg11[%swap3A_1354] {strides = array<i32>} : memref<320xi32, #tpu.memory_space<vmem>>, vector<16xi32>,
      tpu.vector_store %arg11[%swap3A_1354], %gather3A_1353 {strides = array<i32>} : memref<320xi32, #tpu.memory_space<vmem>>, vector<16xi32>,
      %gather3A_1356 = tpu.vector_load_idx %arg9[%add3A_833] : memref<2048xi32, #tpu.memory_space<vmem>>[vector<16xi32>], vector<16xi32>,
      %swap3A_1357 = arith.constant 208 : index
      %swap3A_1358 = tpu.vector_load %arg11[%swap3A_1357] {strides = array<i32>} : memref<320xi32, #tpu.memory_space<vmem>>, vector<16xi32>,
      tpu.vector_store %arg11[%swap3A_1357], %gather3A_1356 {strides = array<i32>} : memref<320xi32, #tpu.memory_space<vmem>>, vector<16xi32>,
      %gather3A_1359 = tpu.vector_load_idx %arg9[%add3A_893] : memref<2048xi32, #tpu.memory_space<vmem>>[vector<16xi32>], vector<16xi32>,
      %swap3A_1360 = arith.constant 224 : index
      %swap3A_1361 = tpu.vector_load %arg11[%swap3A_1360] {strides = array<i32>} : memref<320xi32, #tpu.memory_space<vmem>>, vector<16xi32>,
      tpu.vector_store %arg11[%swap3A_1360], %gather3A_1359 {strides = array<i32>} : memref<320xi32, #tpu.memory_space<vmem>>, vector<16xi32>,
      %gather3A_1362 = tpu.vector_load_idx %arg9[%add3A_953] : memref<2048xi32, #tpu.memory_space<vmem>>[vector<16xi32>], vector<16xi32>,
      %swap3A_1363 = arith.constant 240 : index
      %swap3A_1364 = tpu.vector_load %arg11[%swap3A_1363] {strides = array<i32>} : memref<320xi32, #tpu.memory_space<vmem>>, vector<16xi32>,
      tpu.vector_store %arg11[%swap3A_1363], %gather3A_1362 {strides = array<i32>} : memref<320xi32, #tpu.memory_space<vmem>>, vector<16xi32>,
      %gather3A_1365 = tpu.vector_load_idx %arg9[%add3A_1013] : memref<2048xi32, #tpu.memory_space<vmem>>[vector<16xi32>], vector<16xi32>,
      %swap3A_1366 = arith.constant 256 : index
      %swap3A_1367 = tpu.vector_load %arg11[%swap3A_1366] {strides = array<i32>} : memref<320xi32, #tpu.memory_space<vmem>>, vector<16xi32>,
      tpu.vector_store %arg11[%swap3A_1366], %gather3A_1365 {strides = array<i32>} : memref<320xi32, #tpu.memory_space<vmem>>, vector<16xi32>,
      %gather3A_1368 = tpu.vector_load_idx %arg9[%add3A_1073] : memref<2048xi32, #tpu.memory_space<vmem>>[vector<16xi32>], vector<16xi32>,
      %swap3A_1369 = arith.constant 272 : index
      %swap3A_1370 = tpu.vector_load %arg11[%swap3A_1369] {strides = array<i32>} : memref<320xi32, #tpu.memory_space<vmem>>, vector<16xi32>,
      tpu.vector_store %arg11[%swap3A_1369], %gather3A_1368 {strides = array<i32>} : memref<320xi32, #tpu.memory_space<vmem>>, vector<16xi32>,
      %gather3A_1371 = tpu.vector_load_idx %arg9[%add3A_1133] : memref<2048xi32, #tpu.memory_space<vmem>>[vector<16xi32>], vector<16xi32>,
      %swap3A_1372 = arith.constant 288 : index
      %swap3A_1373 = tpu.vector_load %arg11[%swap3A_1372] {strides = array<i32>} : memref<320xi32, #tpu.memory_space<vmem>>, vector<16xi32>,
      tpu.vector_store %arg11[%swap3A_1372], %gather3A_1371 {strides = array<i32>} : memref<320xi32, #tpu.memory_space<vmem>>, vector<16xi32>,
      %gather3A_1374 = tpu.vector_load_idx %arg9[%add3A_1193] : memref<2048xi32, #tpu.memory_space<vmem>>[vector<16xi32>], vector<16xi32>,
      %swap3A_1375 = arith.constant 304 : index
      %swap3A_1376 = tpu.vector_load %arg11[%swap3A_1375] {strides = array<i32>} : memref<320xi32, #tpu.memory_space<vmem>>, vector<16xi32>,
      tpu.vector_store %arg11[%swap3A_1375], %gather3A_1374 {strides = array<i32>} : memref<320xi32, #tpu.memory_space<vmem>>, vector<16xi32>,
      %mul3A_1377 = arith.constant 16 : i32
      %mul3A_1378 = arith.muli %add3A_1312, %mul3A_1377 : i32
      %dma_start3A_1379 = tpu.memref_slice %arg7[%mul3A_1378] : memref<512xi32, #tpu.memory_space<vmem>> -> memref<16xi32, #tpu.memory_space<vmem>>
      %dma_start3A_1380 = arith.constant 0 : i32
      %dma_start3A_1381 = arith.constant 0 : i32
      %dma_start3A_1382 = tpu.memref_slice %arg4[%dma_start3A_1380, %dma_start3A_1381] : memref<100000x128xf32, #tpu.memory_space<hbm>> -> memref<100000x128xf32, #tpu.memory_space<hbm>>
      tpu.enqueue_indirect_dma source(%dma_start3A_1382 : memref<100000x128xf32, #tpu.memory_space<hbm>>) target(%arg13 : memref<16x128xf32, #tpu.memory_space<vmem>>) offsets(%dma_start3A_1379 : memref<16xi32, #tpu.memory_space<vmem>>) semaphore(%arg21 : memref<!tpu.dma_semaphore, #tpu.memory_space<semaphore_mem>>)
      %dma_start3A_1383 = arith.constant 0 : i32
      %dma_start3A_1384 = arith.constant 0 : i32
      %dma_start3A_1385 = tpu.memref_slice %arg15[%dma_start3A_1383, %dma_start3A_1384] : memref<320x128xf32, #tpu.memory_space<vmem>> -> memref<128x128xf32, #tpu.memory_space<vmem>>
      %dma_start3A_1386 = arith.constant 0 : i32
      %dma_start3A_1387 = tpu.memref_slice %arg11[%dma_start3A_1386] : memref<320xi32, #tpu.memory_space<vmem>> -> memref<128xi32, #tpu.memory_space<vmem>>
      %dma_start3A_1388 = arith.constant 0 : i32
      %dma_start3A_1389 = arith.constant 0 : i32
      %dma_start3A_1390 = tpu.memref_slice %arg5[%dma_start3A_1388, %dma_start3A_1389] : memref<100000x128xf32, #tpu.memory_space<hbm>> -> memref<100000x128xf32, #tpu.memory_space<hbm>>
      tpu.enqueue_indirect_dma source(%dma_start3A_1390 : memref<100000x128xf32, #tpu.memory_space<hbm>>) target(%dma_start3A_1385 : memref<128x128xf32, #tpu.memory_space<vmem>>) offsets(%dma_start3A_1387 : memref<128xi32, #tpu.memory_space<vmem>>) semaphore(%arg21 : memref<!tpu.dma_semaphore, #tpu.memory_space<semaphore_mem>>)
      %dma_start3A_1391 = arith.constant 128 : i32
      %dma_start3A_1392 = arith.constant 0 : i32
      %dma_start3A_1393 = tpu.memref_slice %arg15[%dma_start3A_1391, %dma_start3A_1392] : memref<320x128xf32, #tpu.memory_space<vmem>> -> memref<128x128xf32, #tpu.memory_space<vmem>>
      %dma_start3A_1394 = arith.constant 128 : i32
      %dma_start3A_1395 = tpu.memref_slice %arg11[%dma_start3A_1394] : memref<320xi32, #tpu.memory_space<vmem>> -> memref<128xi32, #tpu.memory_space<vmem>>
      %dma_start3A_1396 = arith.constant 0 : i32
      %dma_start3A_1397 = arith.constant 0 : i32
      %dma_start3A_1398 = tpu.memref_slice %arg5[%dma_start3A_1396, %dma_start3A_1397] : memref<100000x128xf32, #tpu.memory_space<hbm>> -> memref<100000x128xf32, #tpu.memory_space<hbm>>
      tpu.enqueue_indirect_dma source(%dma_start3A_1398 : memref<100000x128xf32, #tpu.memory_space<hbm>>) target(%dma_start3A_1393 : memref<128x128xf32, #tpu.memory_space<vmem>>) offsets(%dma_start3A_1395 : memref<128xi32, #tpu.memory_space<vmem>>) semaphore(%arg21 : memref<!tpu.dma_semaphore, #tpu.memory_space<semaphore_mem>>)
      %dma_start3A_1399 = arith.constant 256 : i32
      %dma_start3A_1400 = arith.constant 0 : i32
      %dma_start3A_1401 = tpu.memref_slice %arg15[%dma_start3A_1399, %dma_start3A_1400] : memref<320x128xf32, #tpu.memory_space<vmem>> -> memref<64x128xf32, #tpu.memory_space<vmem>>
      %dma_start3A_1402 = arith.constant 256 : i32
      %dma_start3A_1403 = tpu.memref_slice %arg11[%dma_start3A_1402] : memref<320xi32, #tpu.memory_space<vmem>> -> memref<64xi32, #tpu.memory_space<vmem>>
      %dma_start3A_1404 = arith.constant 0 : i32
      %dma_start3A_1405 = arith.constant 0 : i32
      %dma_start3A_1406 = tpu.memref_slice %arg5[%dma_start3A_1404, %dma_start3A_1405] : memref<100000x128xf32, #tpu.memory_space<hbm>> -> memref<100000x128xf32, #tpu.memory_space<hbm>>
      tpu.enqueue_indirect_dma source(%dma_start3A_1406 : memref<100000x128xf32, #tpu.memory_space<hbm>>) target(%dma_start3A_1401 : memref<64x128xf32, #tpu.memory_space<vmem>>) offsets(%dma_start3A_1403 : memref<64xi32, #tpu.memory_space<vmem>>) semaphore(%arg21 : memref<!tpu.dma_semaphore, #tpu.memory_space<semaphore_mem>>)
      %add3A_1407 = arith.constant 2 : i32
      %add3A_1408 = arith.addi %mul3A_1310, %add3A_1407 : i32
      %lt3A_1409 = arith.constant 32 : i32
      %lt3A_1410 = arith.cmpi slt, %add3A_1408, %lt3A_1409 : i32
      %convert_element_type3A = arith.extui %lt3A_1410 : i1 to i32
      %cond3A = arith.constant 0 : i32
      %cond3A_1411 = arith.cmpi ne, %convert_element_type3A, %cond3A : i32
      scf.if %cond3A_1411 {
        %add3A_1487 = arith.constant 2 : i32
        %add3A_1488 = arith.addi %mul3A_1310, %add3A_1487 : i32
        %mul3A_1489 = arith.constant 16 : i32
        %mul3A_1490 = arith.muli %add3A_1488, %mul3A_1489 : i32
        %add3A_1491 = arith.addi %mul3A_2, %mul3A_1490 : i32
        %mul3A_1492 = arith.constant 128 : i32
        %mul3A_1493 = arith.muli %add3A_1491, %mul3A_1492 : i32
        %dma_start3A_1494 = tpu.memref_slice %arg3[%mul3A_1493] : memref<2097152xi32, #tpu.memory_space<hbm>> -> memref<2048xi32, #tpu.memory_space<hbm>>
        %dma_start3A_1495 = tpu.memref_slice %arg3[%mul3A_1493] : memref<2097152xi32, #tpu.memory_space<hbm>> -> memref<2048xi32, #tpu.memory_space<hbm>>
        tpu.enqueue_dma source(%dma_start3A_1495 : memref<2048xi32, #tpu.memory_space<hbm>>) target(%arg8 : memref<2048xi32, #tpu.memory_space<vmem>>) target_semaphore(%arg18 : memref<!tpu.dma_semaphore, #tpu.memory_space<semaphore_mem>>)
      } else {
      }
      %dma_wait3A_1412 = arith.constant 0 : i32
      %dma_wait3A_1413 = arith.constant 0 : i32
      %dma_wait3A_1414 = tpu.memref_slice %arg4[%dma_wait3A_1412, %dma_wait3A_1413] : memref<100000x128xf32, #tpu.memory_space<hbm>> -> memref<16x128xf32, #tpu.memory_space<hbm>>
      %dma_wait3A_1415 = arith.constant 0 : i32
      %dma_wait3A_1416 = arith.constant 0 : i32
      %dma_wait3A_1417 = tpu.memref_slice %arg4[%dma_wait3A_1415, %dma_wait3A_1416] : memref<100000x128xf32, #tpu.memory_space<hbm>> -> memref<16x128xf32, #tpu.memory_space<hbm>>
      tpu.wait_dma2 semaphore(%arg20 : memref<!tpu.dma_semaphore, #tpu.memory_space<semaphore_mem>>) src(%dma_wait3A_1417 : memref<16x128xf32, #tpu.memory_space<hbm>>) dst(%arg12 : memref<16x128xf32, #tpu.memory_space<vmem>>)
      %dma_wait3A_1418 = arith.constant 0 : i32
      %dma_wait3A_1419 = arith.constant 0 : i32
      %dma_wait3A_1420 = tpu.memref_slice %arg5[%dma_wait3A_1418, %dma_wait3A_1419] : memref<100000x128xf32, #tpu.memory_space<hbm>> -> memref<320x128xf32, #tpu.memory_space<hbm>>
      %dma_wait3A_1421 = arith.constant 0 : i32
      %dma_wait3A_1422 = arith.constant 0 : i32
      %dma_wait3A_1423 = tpu.memref_slice %arg5[%dma_wait3A_1421, %dma_wait3A_1422] : memref<100000x128xf32, #tpu.memory_space<hbm>> -> memref<320x128xf32, #tpu.memory_space<hbm>>
      tpu.wait_dma2 semaphore(%arg20 : memref<!tpu.dma_semaphore, #tpu.memory_space<semaphore_mem>>) src(%dma_wait3A_1423 : memref<320x128xf32, #tpu.memory_space<hbm>>) dst(%arg14 : memref<320x128xf32, #tpu.memory_space<vmem>>)
      %gt3A = arith.constant 0 : i32
      %gt3A_1424 = arith.cmpi sgt, %scan3A_1308, %gt3A : i32
      %convert_element_type3A_1425 = arith.extui %gt3A_1424 : i1 to i32
      %cond3A_1426 = arith.constant 0 : i32
      %cond3A_1427 = arith.cmpi ne, %convert_element_type3A_1425, %cond3A_1426 : i32
      scf.if %cond3A_1427 {
        %dma_wait3A_1487 = arith.constant 0 : i32
        %dma_wait3A_1488 = tpu.memref_slice %arg6[%dma_wait3A_1487] : memref<2097152xf32, #tpu.memory_space<hbm>> -> memref<2048xf32, #tpu.memory_space<hbm>>
        %dma_wait3A_1489 = arith.constant 0 : i32
        %dma_wait3A_1490 = tpu.memref_slice %arg6[%dma_wait3A_1489] : memref<2097152xf32, #tpu.memory_space<hbm>> -> memref<2048xf32, #tpu.memory_space<hbm>>
        tpu.wait_dma2 semaphore(%arg22 : memref<!tpu.dma_semaphore, #tpu.memory_space<semaphore_mem>>) src(%arg16 : memref<2048xf32, #tpu.memory_space<vmem>>) dst(%dma_wait3A_1490 : memref<2048xf32, #tpu.memory_space<hbm>>)
      } else {
      }
      %scan3A_1428 = arith.constant 0 : i32
      %scan3A_1429 = arith.constant 0 : i32
      %scan3A_1430 = arith.constant 16 : i32
      %scan3A_1431 = arith.addi %scan3A_1429, %scan3A_1430 : i32
      %scan3A_1432 = arith.constant 1 : i32
      scf.for %scan3A_1487 = %scan3A_1429 to %scan3A_1431 step %scan3A_1432  : i32 {
        %get3A = arith.index_cast %scan3A_1487 : i32 to index
        %get3A_1488 = arith.constant 0 : index
        %get3A_1489 = tpu.vector_load %arg12[%get3A, %get3A_1488] {strides = array<i32>} : memref<16x128xf32, #tpu.memory_space<vmem>>, vector<16xf32>,
        %get3A_1490 = arith.index_cast %scan3A_1487 : i32 to index
        %get3A_1491 = arith.constant 16 : index
        %get3A_1492 = tpu.vector_load %arg12[%get3A_1490, %get3A_1491] {strides = array<i32>} : memref<16x128xf32, #tpu.memory_space<vmem>>, vector<16xf32>,
        %get3A_1493 = arith.index_cast %scan3A_1487 : i32 to index
        %get3A_1494 = arith.constant 32 : index
        %get3A_1495 = tpu.vector_load %arg12[%get3A_1493, %get3A_1494] {strides = array<i32>} : memref<16x128xf32, #tpu.memory_space<vmem>>, vector<16xf32>,
        %get3A_1496 = arith.index_cast %scan3A_1487 : i32 to index
        %get3A_1497 = arith.constant 48 : index
        %get3A_1498 = tpu.vector_load %arg12[%get3A_1496, %get3A_1497] {strides = array<i32>} : memref<16x128xf32, #tpu.memory_space<vmem>>, vector<16xf32>,
        %get3A_1499 = arith.index_cast %scan3A_1487 : i32 to index
        %get3A_1500 = arith.constant 64 : index
        %get3A_1501 = tpu.vector_load %arg12[%get3A_1499, %get3A_1500] {strides = array<i32>} : memref<16x128xf32, #tpu.memory_space<vmem>>, vector<16xf32>,
        %get3A_1502 = arith.index_cast %scan3A_1487 : i32 to index
        %get3A_1503 = arith.constant 80 : index
        %get3A_1504 = tpu.vector_load %arg12[%get3A_1502, %get3A_1503] {strides = array<i32>} : memref<16x128xf32, #tpu.memory_space<vmem>>, vector<16xf32>,
        %get3A_1505 = arith.index_cast %scan3A_1487 : i32 to index
        %get3A_1506 = arith.constant 96 : index
        %get3A_1507 = tpu.vector_load %arg12[%get3A_1505, %get3A_1506] {strides = array<i32>} : memref<16x128xf32, #tpu.memory_space<vmem>>, vector<16xf32>,
        %get3A_1508 = arith.index_cast %scan3A_1487 : i32 to index
        %get3A_1509 = arith.constant 112 : index
        %get3A_1510 = tpu.vector_load %arg12[%get3A_1508, %get3A_1509] {strides = array<i32>} : memref<16x128xf32, #tpu.memory_space<vmem>>, vector<16xf32>,
        %mul3A_1511 = arith.constant 20 : i32
        %mul3A_1512 = arith.muli %scan3A_1487, %mul3A_1511 : i32
        %add3A_1513 = arith.constant 0 : i32
        %add3A_1514 = arith.addi %mul3A_1512, %add3A_1513 : i32
        %get3A_1515 = arith.index_cast %add3A_1514 : i32 to index
        %get3A_1516 = arith.constant 0 : index
        %get3A_1517 = tpu.vector_load %arg14[%get3A_1515, %get3A_1516] {strides = array<i32>} : memref<320x128xf32, #tpu.memory_space<vmem>>, vector<16xf32>,
        %mul3A_1518 = arith.mulf %get3A_1489, %get3A_1517 : vector<16xf32>
        %get3A_1519 = arith.index_cast %add3A_1514 : i32 to index
        %get3A_1520 = arith.constant 16 : index
        %get3A_1521 = tpu.vector_load %arg14[%get3A_1519, %get3A_1520] {strides = array<i32>} : memref<320x128xf32, #tpu.memory_space<vmem>>, vector<16xf32>,
        %mul3A_1522 = arith.mulf %get3A_1492, %get3A_1521 : vector<16xf32>
        %add3A_1523 = arith.addf %mul3A_1518, %mul3A_1522 : vector<16xf32>
        %get3A_1524 = arith.index_cast %add3A_1514 : i32 to index
        %get3A_1525 = arith.constant 32 : index
        %get3A_1526 = tpu.vector_load %arg14[%get3A_1524, %get3A_1525] {strides = array<i32>} : memref<320x128xf32, #tpu.memory_space<vmem>>, vector<16xf32>,
        %mul3A_1527 = arith.mulf %get3A_1495, %get3A_1526 : vector<16xf32>
        %add3A_1528 = arith.addf %add3A_1523, %mul3A_1527 : vector<16xf32>
        %get3A_1529 = arith.index_cast %add3A_1514 : i32 to index
        %get3A_1530 = arith.constant 48 : index
        %get3A_1531 = tpu.vector_load %arg14[%get3A_1529, %get3A_1530] {strides = array<i32>} : memref<320x128xf32, #tpu.memory_space<vmem>>, vector<16xf32>,
        %mul3A_1532 = arith.mulf %get3A_1498, %get3A_1531 : vector<16xf32>
        %add3A_1533 = arith.addf %add3A_1528, %mul3A_1532 : vector<16xf32>
        %get3A_1534 = arith.index_cast %add3A_1514 : i32 to index
        %get3A_1535 = arith.constant 64 : index
        %get3A_1536 = tpu.vector_load %arg14[%get3A_1534, %get3A_1535] {strides = array<i32>} : memref<320x128xf32, #tpu.memory_space<vmem>>, vector<16xf32>,
        %mul3A_1537 = arith.mulf %get3A_1501, %get3A_1536 : vector<16xf32>
        %add3A_1538 = arith.addf %add3A_1533, %mul3A_1537 : vector<16xf32>
        %get3A_1539 = arith.index_cast %add3A_1514 : i32 to index
        %get3A_1540 = arith.constant 80 : index
        %get3A_1541 = tpu.vector_load %arg14[%get3A_1539, %get3A_1540] {strides = array<i32>} : memref<320x128xf32, #tpu.memory_space<vmem>>, vector<16xf32>,
        %mul3A_1542 = arith.mulf %get3A_1504, %get3A_1541 : vector<16xf32>
        %add3A_1543 = arith.addf %add3A_1538, %mul3A_1542 : vector<16xf32>
        %get3A_1544 = arith.index_cast %add3A_1514 : i32 to index
        %get3A_1545 = arith.constant 96 : index
        %get3A_1546 = tpu.vector_load %arg14[%get3A_1544, %get3A_1545] {strides = array<i32>} : memref<320x128xf32, #tpu.memory_space<vmem>>, vector<16xf32>,
        %mul3A_1547 = arith.mulf %get3A_1507, %get3A_1546 : vector<16xf32>
        %add3A_1548 = arith.addf %add3A_1543, %mul3A_1547 : vector<16xf32>
        %get3A_1549 = arith.index_cast %add3A_1514 : i32 to index
        %get3A_1550 = arith.constant 112 : index
        %get3A_1551 = tpu.vector_load %arg14[%get3A_1549, %get3A_1550] {strides = array<i32>} : memref<320x128xf32, #tpu.memory_space<vmem>>, vector<16xf32>,
        %mul3A_1552 = arith.mulf %get3A_1510, %get3A_1551 : vector<16xf32>
        %add3A_1553 = arith.addf %add3A_1548, %mul3A_1552 : vector<16xf32>
        %reduce_sum3A = arith.constant true
        %reduce_sum3A_1554 = vector.broadcast %reduce_sum3A : i1 to vector<16xi1>
        %reduce_sum3A_1555 = tpu.scan <sum>, %add3A_1553 masked %reduce_sum3A_1554 : vector<16xf32>, vector<16xi1> -> vector<16xf32>
        %reduce_sum3A_1556 = vector.extract %reduce_sum3A_1555[15] : f32 from vector<16xf32>
        %eq3A_1557 = arith.constant 0 : i32
        %eq3A_1558 = vector.broadcast %eq3A_1557 : i32 to vector<16xi32>
        %eq3A_1559 = arith.cmpi eq, %iota3A, %eq3A_1558 : vector<16xi32>
        %broadcast_in_dim3A_1560 = vector.broadcast %reduce_sum3A_1556 : f32 to vector<16xf32>
        %select_n3A_1561 = arith.select %eq3A_1559, %broadcast_in_dim3A_1560, %broadcast_in_dim3A_3 : vector<16xi1>, vector<16xf32>
        %mul3A_1562 = arith.constant 20 : i32
        %mul3A_1563 = arith.muli %scan3A_1487, %mul3A_1562 : i32
        %add3A_1564 = arith.constant 1 : i32
        %add3A_1565 = arith.addi %mul3A_1563, %add3A_1564 : i32
        %get3A_1566 = arith.index_cast %add3A_1565 : i32 to index
        %get3A_1567 = arith.constant 0 : index
        %get3A_1568 = tpu.vector_load %arg14[%get3A_1566, %get3A_1567] {strides = array<i32>} : memref<320x128xf32, #tpu.memory_space<vmem>>, vector<16xf32>,
        %mul3A_1569 = arith.mulf %get3A_1489, %get3A_1568 : vector<16xf32>
        %get3A_1570 = arith.index_cast %add3A_1565 : i32 to index
        %get3A_1571 = arith.constant 16 : index
        %get3A_1572 = tpu.vector_load %arg14[%get3A_1570, %get3A_1571] {strides = array<i32>} : memref<320x128xf32, #tpu.memory_space<vmem>>, vector<16xf32>,
        %mul3A_1573 = arith.mulf %get3A_1492, %get3A_1572 : vector<16xf32>
        %add3A_1574 = arith.addf %mul3A_1569, %mul3A_1573 : vector<16xf32>
        %get3A_1575 = arith.index_cast %add3A_1565 : i32 to index
        %get3A_1576 = arith.constant 32 : index
        %get3A_1577 = tpu.vector_load %arg14[%get3A_1575, %get3A_1576] {strides = array<i32>} : memref<320x128xf32, #tpu.memory_space<vmem>>, vector<16xf32>,
        %mul3A_1578 = arith.mulf %get3A_1495, %get3A_1577 : vector<16xf32>
        %add3A_1579 = arith.addf %add3A_1574, %mul3A_1578 : vector<16xf32>
        %get3A_1580 = arith.index_cast %add3A_1565 : i32 to index
        %get3A_1581 = arith.constant 48 : index
        %get3A_1582 = tpu.vector_load %arg14[%get3A_1580, %get3A_1581] {strides = array<i32>} : memref<320x128xf32, #tpu.memory_space<vmem>>, vector<16xf32>,
        %mul3A_1583 = arith.mulf %get3A_1498, %get3A_1582 : vector<16xf32>
        %add3A_1584 = arith.addf %add3A_1579, %mul3A_1583 : vector<16xf32>
        %get3A_1585 = arith.index_cast %add3A_1565 : i32 to index
        %get3A_1586 = arith.constant 64 : index
        %get3A_1587 = tpu.vector_load %arg14[%get3A_1585, %get3A_1586] {strides = array<i32>} : memref<320x128xf32, #tpu.memory_space<vmem>>, vector<16xf32>,
        %mul3A_1588 = arith.mulf %get3A_1501, %get3A_1587 : vector<16xf32>
        %add3A_1589 = arith.addf %add3A_1584, %mul3A_1588 : vector<16xf32>
        %get3A_1590 = arith.index_cast %add3A_1565 : i32 to index
        %get3A_1591 = arith.constant 80 : index
        %get3A_1592 = tpu.vector_load %arg14[%get3A_1590, %get3A_1591] {strides = array<i32>} : memref<320x128xf32, #tpu.memory_space<vmem>>, vector<16xf32>,
        %mul3A_1593 = arith.mulf %get3A_1504, %get3A_1592 : vector<16xf32>
        %add3A_1594 = arith.addf %add3A_1589, %mul3A_1593 : vector<16xf32>
        %get3A_1595 = arith.index_cast %add3A_1565 : i32 to index
        %get3A_1596 = arith.constant 96 : index
        %get3A_1597 = tpu.vector_load %arg14[%get3A_1595, %get3A_1596] {strides = array<i32>} : memref<320x128xf32, #tpu.memory_space<vmem>>, vector<16xf32>,
        %mul3A_1598 = arith.mulf %get3A_1507, %get3A_1597 : vector<16xf32>
        %add3A_1599 = arith.addf %add3A_1594, %mul3A_1598 : vector<16xf32>
        %get3A_1600 = arith.index_cast %add3A_1565 : i32 to index
        %get3A_1601 = arith.constant 112 : index
        %get3A_1602 = tpu.vector_load %arg14[%get3A_1600, %get3A_1601] {strides = array<i32>} : memref<320x128xf32, #tpu.memory_space<vmem>>, vector<16xf32>,
        %mul3A_1603 = arith.mulf %get3A_1510, %get3A_1602 : vector<16xf32>
        %add3A_1604 = arith.addf %add3A_1599, %mul3A_1603 : vector<16xf32>
        %reduce_sum3A_1605 = arith.constant true
        %reduce_sum3A_1606 = vector.broadcast %reduce_sum3A_1605 : i1 to vector<16xi1>
        %reduce_sum3A_1607 = tpu.scan <sum>, %add3A_1604 masked %reduce_sum3A_1606 : vector<16xf32>, vector<16xi1> -> vector<16xf32>
        %reduce_sum3A_1608 = vector.extract %reduce_sum3A_1607[15] : f32 from vector<16xf32>
        %eq3A_1609 = arith.constant 1 : i32
        %eq3A_1610 = vector.broadcast %eq3A_1609 : i32 to vector<16xi32>
        %eq3A_1611 = arith.cmpi eq, %iota3A, %eq3A_1610 : vector<16xi32>
        %broadcast_in_dim3A_1612 = vector.broadcast %reduce_sum3A_1608 : f32 to vector<16xf32>
        %select_n3A_1613 = arith.select %eq3A_1611, %broadcast_in_dim3A_1612, %select_n3A_1561 : vector<16xi1>, vector<16xf32>
        %mul3A_1614 = arith.constant 20 : i32
        %mul3A_1615 = arith.muli %scan3A_1487, %mul3A_1614 : i32
        %add3A_1616 = arith.constant 2 : i32
        %add3A_1617 = arith.addi %mul3A_1615, %add3A_1616 : i32
        %get3A_1618 = arith.index_cast %add3A_1617 : i32 to index
        %get3A_1619 = arith.constant 0 : index
        %get3A_1620 = tpu.vector_load %arg14[%get3A_1618, %get3A_1619] {strides = array<i32>} : memref<320x128xf32, #tpu.memory_space<vmem>>, vector<16xf32>,
        %mul3A_1621 = arith.mulf %get3A_1489, %get3A_1620 : vector<16xf32>
        %get3A_1622 = arith.index_cast %add3A_1617 : i32 to index
        %get3A_1623 = arith.constant 16 : index
        %get3A_1624 = tpu.vector_load %arg14[%get3A_1622, %get3A_1623] {strides = array<i32>} : memref<320x128xf32, #tpu.memory_space<vmem>>, vector<16xf32>,
        %mul3A_1625 = arith.mulf %get3A_1492, %get3A_1624 : vector<16xf32>
        %add3A_1626 = arith.addf %mul3A_1621, %mul3A_1625 : vector<16xf32>
        %get3A_1627 = arith.index_cast %add3A_1617 : i32 to index
        %get3A_1628 = arith.constant 32 : index
        %get3A_1629 = tpu.vector_load %arg14[%get3A_1627, %get3A_1628] {strides = array<i32>} : memref<320x128xf32, #tpu.memory_space<vmem>>, vector<16xf32>,
        %mul3A_1630 = arith.mulf %get3A_1495, %get3A_1629 : vector<16xf32>
        %add3A_1631 = arith.addf %add3A_1626, %mul3A_1630 : vector<16xf32>
        %get3A_1632 = arith.index_cast %add3A_1617 : i32 to index
        %get3A_1633 = arith.constant 48 : index
        %get3A_1634 = tpu.vector_load %arg14[%get3A_1632, %get3A_1633] {strides = array<i32>} : memref<320x128xf32, #tpu.memory_space<vmem>>, vector<16xf32>,
        %mul3A_1635 = arith.mulf %get3A_1498, %get3A_1634 : vector<16xf32>
        %add3A_1636 = arith.addf %add3A_1631, %mul3A_1635 : vector<16xf32>
        %get3A_1637 = arith.index_cast %add3A_1617 : i32 to index
        %get3A_1638 = arith.constant 64 : index
        %get3A_1639 = tpu.vector_load %arg14[%get3A_1637, %get3A_1638] {strides = array<i32>} : memref<320x128xf32, #tpu.memory_space<vmem>>, vector<16xf32>,
        %mul3A_1640 = arith.mulf %get3A_1501, %get3A_1639 : vector<16xf32>
        %add3A_1641 = arith.addf %add3A_1636, %mul3A_1640 : vector<16xf32>
        %get3A_1642 = arith.index_cast %add3A_1617 : i32 to index
        %get3A_1643 = arith.constant 80 : index
        %get3A_1644 = tpu.vector_load %arg14[%get3A_1642, %get3A_1643] {strides = array<i32>} : memref<320x128xf32, #tpu.memory_space<vmem>>, vector<16xf32>,
        %mul3A_1645 = arith.mulf %get3A_1504, %get3A_1644 : vector<16xf32>
        %add3A_1646 = arith.addf %add3A_1641, %mul3A_1645 : vector<16xf32>
        %get3A_1647 = arith.index_cast %add3A_1617 : i32 to index
        %get3A_1648 = arith.constant 96 : index
        %get3A_1649 = tpu.vector_load %arg14[%get3A_1647, %get3A_1648] {strides = array<i32>} : memref<320x128xf32, #tpu.memory_space<vmem>>, vector<16xf32>,
        %mul3A_1650 = arith.mulf %get3A_1507, %get3A_1649 : vector<16xf32>
        %add3A_1651 = arith.addf %add3A_1646, %mul3A_1650 : vector<16xf32>
        %get3A_1652 = arith.index_cast %add3A_1617 : i32 to index
        %get3A_1653 = arith.constant 112 : index
        %get3A_1654 = tpu.vector_load %arg14[%get3A_1652, %get3A_1653] {strides = array<i32>} : memref<320x128xf32, #tpu.memory_space<vmem>>, vector<16xf32>,
        %mul3A_1655 = arith.mulf %get3A_1510, %get3A_1654 : vector<16xf32>
        %add3A_1656 = arith.addf %add3A_1651, %mul3A_1655 : vector<16xf32>
        %reduce_sum3A_1657 = arith.constant true
        %reduce_sum3A_1658 = vector.broadcast %reduce_sum3A_1657 : i1 to vector<16xi1>
        %reduce_sum3A_1659 = tpu.scan <sum>, %add3A_1656 masked %reduce_sum3A_1658 : vector<16xf32>, vector<16xi1> -> vector<16xf32>
        %reduce_sum3A_1660 = vector.extract %reduce_sum3A_1659[15] : f32 from vector<16xf32>
        %eq3A_1661 = arith.constant 2 : i32
        %eq3A_1662 = vector.broadcast %eq3A_1661 : i32 to vector<16xi32>
        %eq3A_1663 = arith.cmpi eq, %iota3A, %eq3A_1662 : vector<16xi32>
        %broadcast_in_dim3A_1664 = vector.broadcast %reduce_sum3A_1660 : f32 to vector<16xf32>
        %select_n3A_1665 = arith.select %eq3A_1663, %broadcast_in_dim3A_1664, %select_n3A_1613 : vector<16xi1>, vector<16xf32>
        %mul3A_1666 = arith.constant 20 : i32
        %mul3A_1667 = arith.muli %scan3A_1487, %mul3A_1666 : i32
        %add3A_1668 = arith.constant 3 : i32
        %add3A_1669 = arith.addi %mul3A_1667, %add3A_1668 : i32
        %get3A_1670 = arith.index_cast %add3A_1669 : i32 to index
        %get3A_1671 = arith.constant 0 : index
        %get3A_1672 = tpu.vector_load %arg14[%get3A_1670, %get3A_1671] {strides = array<i32>} : memref<320x128xf32, #tpu.memory_space<vmem>>, vector<16xf32>,
        %mul3A_1673 = arith.mulf %get3A_1489, %get3A_1672 : vector<16xf32>
        %get3A_1674 = arith.index_cast %add3A_1669 : i32 to index
        %get3A_1675 = arith.constant 16 : index
        %get3A_1676 = tpu.vector_load %arg14[%get3A_1674, %get3A_1675] {strides = array<i32>} : memref<320x128xf32, #tpu.memory_space<vmem>>, vector<16xf32>,
        %mul3A_1677 = arith.mulf %get3A_1492, %get3A_1676 : vector<16xf32>
        %add3A_1678 = arith.addf %mul3A_1673, %mul3A_1677 : vector<16xf32>
        %get3A_1679 = arith.index_cast %add3A_1669 : i32 to index
        %get3A_1680 = arith.constant 32 : index
        %get3A_1681 = tpu.vector_load %arg14[%get3A_1679, %get3A_1680] {strides = array<i32>} : memref<320x128xf32, #tpu.memory_space<vmem>>, vector<16xf32>,
        %mul3A_1682 = arith.mulf %get3A_1495, %get3A_1681 : vector<16xf32>
        %add3A_1683 = arith.addf %add3A_1678, %mul3A_1682 : vector<16xf32>
        %get3A_1684 = arith.index_cast %add3A_1669 : i32 to index
        %get3A_1685 = arith.constant 48 : index
        %get3A_1686 = tpu.vector_load %arg14[%get3A_1684, %get3A_1685] {strides = array<i32>} : memref<320x128xf32, #tpu.memory_space<vmem>>, vector<16xf32>,
        %mul3A_1687 = arith.mulf %get3A_1498, %get3A_1686 : vector<16xf32>
        %add3A_1688 = arith.addf %add3A_1683, %mul3A_1687 : vector<16xf32>
        %get3A_1689 = arith.index_cast %add3A_1669 : i32 to index
        %get3A_1690 = arith.constant 64 : index
        %get3A_1691 = tpu.vector_load %arg14[%get3A_1689, %get3A_1690] {strides = array<i32>} : memref<320x128xf32, #tpu.memory_space<vmem>>, vector<16xf32>,
        %mul3A_1692 = arith.mulf %get3A_1501, %get3A_1691 : vector<16xf32>
        %add3A_1693 = arith.addf %add3A_1688, %mul3A_1692 : vector<16xf32>
        %get3A_1694 = arith.index_cast %add3A_1669 : i32 to index
        %get3A_1695 = arith.constant 80 : index
        %get3A_1696 = tpu.vector_load %arg14[%get3A_1694, %get3A_1695] {strides = array<i32>} : memref<320x128xf32, #tpu.memory_space<vmem>>, vector<16xf32>,
        %mul3A_1697 = arith.mulf %get3A_1504, %get3A_1696 : vector<16xf32>
        %add3A_1698 = arith.addf %add3A_1693, %mul3A_1697 : vector<16xf32>
        %get3A_1699 = arith.index_cast %add3A_1669 : i32 to index
        %get3A_1700 = arith.constant 96 : index
        %get3A_1701 = tpu.vector_load %arg14[%get3A_1699, %get3A_1700] {strides = array<i32>} : memref<320x128xf32, #tpu.memory_space<vmem>>, vector<16xf32>,
        %mul3A_1702 = arith.mulf %get3A_1507, %get3A_1701 : vector<16xf32>
        %add3A_1703 = arith.addf %add3A_1698, %mul3A_1702 : vector<16xf32>
        %get3A_1704 = arith.index_cast %add3A_1669 : i32 to index
        %get3A_1705 = arith.constant 112 : index
        %get3A_1706 = tpu.vector_load %arg14[%get3A_1704, %get3A_1705] {strides = array<i32>} : memref<320x128xf32, #tpu.memory_space<vmem>>, vector<16xf32>,
        %mul3A_1707 = arith.mulf %get3A_1510, %get3A_1706 : vector<16xf32>
        %add3A_1708 = arith.addf %add3A_1703, %mul3A_1707 : vector<16xf32>
        %reduce_sum3A_1709 = arith.constant true
        %reduce_sum3A_1710 = vector.broadcast %reduce_sum3A_1709 : i1 to vector<16xi1>
        %reduce_sum3A_1711 = tpu.scan <sum>, %add3A_1708 masked %reduce_sum3A_1710 : vector<16xf32>, vector<16xi1> -> vector<16xf32>
        %reduce_sum3A_1712 = vector.extract %reduce_sum3A_1711[15] : f32 from vector<16xf32>
        %eq3A_1713 = arith.constant 3 : i32
        %eq3A_1714 = vector.broadcast %eq3A_1713 : i32 to vector<16xi32>
        %eq3A_1715 = arith.cmpi eq, %iota3A, %eq3A_1714 : vector<16xi32>
        %broadcast_in_dim3A_1716 = vector.broadcast %reduce_sum3A_1712 : f32 to vector<16xf32>
        %select_n3A_1717 = arith.select %eq3A_1715, %broadcast_in_dim3A_1716, %select_n3A_1665 : vector<16xi1>, vector<16xf32>
        %mul3A_1718 = arith.constant 20 : i32
        %mul3A_1719 = arith.muli %scan3A_1487, %mul3A_1718 : i32
        %add3A_1720 = arith.constant 4 : i32
        %add3A_1721 = arith.addi %mul3A_1719, %add3A_1720 : i32
        %get3A_1722 = arith.index_cast %add3A_1721 : i32 to index
        %get3A_1723 = arith.constant 0 : index
        %get3A_1724 = tpu.vector_load %arg14[%get3A_1722, %get3A_1723] {strides = array<i32>} : memref<320x128xf32, #tpu.memory_space<vmem>>, vector<16xf32>,
        %mul3A_1725 = arith.mulf %get3A_1489, %get3A_1724 : vector<16xf32>
        %get3A_1726 = arith.index_cast %add3A_1721 : i32 to index
        %get3A_1727 = arith.constant 16 : index
        %get3A_1728 = tpu.vector_load %arg14[%get3A_1726, %get3A_1727] {strides = array<i32>} : memref<320x128xf32, #tpu.memory_space<vmem>>, vector<16xf32>,
        %mul3A_1729 = arith.mulf %get3A_1492, %get3A_1728 : vector<16xf32>
        %add3A_1730 = arith.addf %mul3A_1725, %mul3A_1729 : vector<16xf32>
        %get3A_1731 = arith.index_cast %add3A_1721 : i32 to index
        %get3A_1732 = arith.constant 32 : index
        %get3A_1733 = tpu.vector_load %arg14[%get3A_1731, %get3A_1732] {strides = array<i32>} : memref<320x128xf32, #tpu.memory_space<vmem>>, vector<16xf32>,
        %mul3A_1734 = arith.mulf %get3A_1495, %get3A_1733 : vector<16xf32>
        %add3A_1735 = arith.addf %add3A_1730, %mul3A_1734 : vector<16xf32>
        %get3A_1736 = arith.index_cast %add3A_1721 : i32 to index
        %get3A_1737 = arith.constant 48 : index
        %get3A_1738 = tpu.vector_load %arg14[%get3A_1736, %get3A_1737] {strides = array<i32>} : memref<320x128xf32, #tpu.memory_space<vmem>>, vector<16xf32>,
        %mul3A_1739 = arith.mulf %get3A_1498, %get3A_1738 : vector<16xf32>
        %add3A_1740 = arith.addf %add3A_1735, %mul3A_1739 : vector<16xf32>
        %get3A_1741 = arith.index_cast %add3A_1721 : i32 to index
        %get3A_1742 = arith.constant 64 : index
        %get3A_1743 = tpu.vector_load %arg14[%get3A_1741, %get3A_1742] {strides = array<i32>} : memref<320x128xf32, #tpu.memory_space<vmem>>, vector<16xf32>,
        %mul3A_1744 = arith.mulf %get3A_1501, %get3A_1743 : vector<16xf32>
        %add3A_1745 = arith.addf %add3A_1740, %mul3A_1744 : vector<16xf32>
        %get3A_1746 = arith.index_cast %add3A_1721 : i32 to index
        %get3A_1747 = arith.constant 80 : index
        %get3A_1748 = tpu.vector_load %arg14[%get3A_1746, %get3A_1747] {strides = array<i32>} : memref<320x128xf32, #tpu.memory_space<vmem>>, vector<16xf32>,
        %mul3A_1749 = arith.mulf %get3A_1504, %get3A_1748 : vector<16xf32>
        %add3A_1750 = arith.addf %add3A_1745, %mul3A_1749 : vector<16xf32>
        %get3A_1751 = arith.index_cast %add3A_1721 : i32 to index
        %get3A_1752 = arith.constant 96 : index
        %get3A_1753 = tpu.vector_load %arg14[%get3A_1751, %get3A_1752] {strides = array<i32>} : memref<320x128xf32, #tpu.memory_space<vmem>>, vector<16xf32>,
        %mul3A_1754 = arith.mulf %get3A_1507, %get3A_1753 : vector<16xf32>
        %add3A_1755 = arith.addf %add3A_1750, %mul3A_1754 : vector<16xf32>
        %get3A_1756 = arith.index_cast %add3A_1721 : i32 to index
        %get3A_1757 = arith.constant 112 : index
        %get3A_1758 = tpu.vector_load %arg14[%get3A_1756, %get3A_1757] {strides = array<i32>} : memref<320x128xf32, #tpu.memory_space<vmem>>, vector<16xf32>,
        %mul3A_1759 = arith.mulf %get3A_1510, %get3A_1758 : vector<16xf32>
        %add3A_1760 = arith.addf %add3A_1755, %mul3A_1759 : vector<16xf32>
        %reduce_sum3A_1761 = arith.constant true
        %reduce_sum3A_1762 = vector.broadcast %reduce_sum3A_1761 : i1 to vector<16xi1>
        %reduce_sum3A_1763 = tpu.scan <sum>, %add3A_1760 masked %reduce_sum3A_1762 : vector<16xf32>, vector<16xi1> -> vector<16xf32>
        %reduce_sum3A_1764 = vector.extract %reduce_sum3A_1763[15] : f32 from vector<16xf32>
        %eq3A_1765 = arith.constant 4 : i32
        %eq3A_1766 = vector.broadcast %eq3A_1765 : i32 to vector<16xi32>
        %eq3A_1767 = arith.cmpi eq, %iota3A, %eq3A_1766 : vector<16xi32>
        %broadcast_in_dim3A_1768 = vector.broadcast %reduce_sum3A_1764 : f32 to vector<16xf32>
        %select_n3A_1769 = arith.select %eq3A_1767, %broadcast_in_dim3A_1768, %select_n3A_1717 : vector<16xi1>, vector<16xf32>
        %mul3A_1770 = arith.constant 20 : i32
        %mul3A_1771 = arith.muli %scan3A_1487, %mul3A_1770 : i32
        %add3A_1772 = arith.constant 5 : i32
        %add3A_1773 = arith.addi %mul3A_1771, %add3A_1772 : i32
        %get3A_1774 = arith.index_cast %add3A_1773 : i32 to index
        %get3A_1775 = arith.constant 0 : index
        %get3A_1776 = tpu.vector_load %arg14[%get3A_1774, %get3A_1775] {strides = array<i32>} : memref<320x128xf32, #tpu.memory_space<vmem>>, vector<16xf32>,
        %mul3A_1777 = arith.mulf %get3A_1489, %get3A_1776 : vector<16xf32>
        %get3A_1778 = arith.index_cast %add3A_1773 : i32 to index
        %get3A_1779 = arith.constant 16 : index
        %get3A_1780 = tpu.vector_load %arg14[%get3A_1778, %get3A_1779] {strides = array<i32>} : memref<320x128xf32, #tpu.memory_space<vmem>>, vector<16xf32>,
        %mul3A_1781 = arith.mulf %get3A_1492, %get3A_1780 : vector<16xf32>
        %add3A_1782 = arith.addf %mul3A_1777, %mul3A_1781 : vector<16xf32>
        %get3A_1783 = arith.index_cast %add3A_1773 : i32 to index
        %get3A_1784 = arith.constant 32 : index
        %get3A_1785 = tpu.vector_load %arg14[%get3A_1783, %get3A_1784] {strides = array<i32>} : memref<320x128xf32, #tpu.memory_space<vmem>>, vector<16xf32>,
        %mul3A_1786 = arith.mulf %get3A_1495, %get3A_1785 : vector<16xf32>
        %add3A_1787 = arith.addf %add3A_1782, %mul3A_1786 : vector<16xf32>
        %get3A_1788 = arith.index_cast %add3A_1773 : i32 to index
        %get3A_1789 = arith.constant 48 : index
        %get3A_1790 = tpu.vector_load %arg14[%get3A_1788, %get3A_1789] {strides = array<i32>} : memref<320x128xf32, #tpu.memory_space<vmem>>, vector<16xf32>,
        %mul3A_1791 = arith.mulf %get3A_1498, %get3A_1790 : vector<16xf32>
        %add3A_1792 = arith.addf %add3A_1787, %mul3A_1791 : vector<16xf32>
        %get3A_1793 = arith.index_cast %add3A_1773 : i32 to index
        %get3A_1794 = arith.constant 64 : index
        %get3A_1795 = tpu.vector_load %arg14[%get3A_1793, %get3A_1794] {strides = array<i32>} : memref<320x128xf32, #tpu.memory_space<vmem>>, vector<16xf32>,
        %mul3A_1796 = arith.mulf %get3A_1501, %get3A_1795 : vector<16xf32>
        %add3A_1797 = arith.addf %add3A_1792, %mul3A_1796 : vector<16xf32>
        %get3A_1798 = arith.index_cast %add3A_1773 : i32 to index
        %get3A_1799 = arith.constant 80 : index
        %get3A_1800 = tpu.vector_load %arg14[%get3A_1798, %get3A_1799] {strides = array<i32>} : memref<320x128xf32, #tpu.memory_space<vmem>>, vector<16xf32>,
        %mul3A_1801 = arith.mulf %get3A_1504, %get3A_1800 : vector<16xf32>
        %add3A_1802 = arith.addf %add3A_1797, %mul3A_1801 : vector<16xf32>
        %get3A_1803 = arith.index_cast %add3A_1773 : i32 to index
        %get3A_1804 = arith.constant 96 : index
        %get3A_1805 = tpu.vector_load %arg14[%get3A_1803, %get3A_1804] {strides = array<i32>} : memref<320x128xf32, #tpu.memory_space<vmem>>, vector<16xf32>,
        %mul3A_1806 = arith.mulf %get3A_1507, %get3A_1805 : vector<16xf32>
        %add3A_1807 = arith.addf %add3A_1802, %mul3A_1806 : vector<16xf32>
        %get3A_1808 = arith.index_cast %add3A_1773 : i32 to index
        %get3A_1809 = arith.constant 112 : index
        %get3A_1810 = tpu.vector_load %arg14[%get3A_1808, %get3A_1809] {strides = array<i32>} : memref<320x128xf32, #tpu.memory_space<vmem>>, vector<16xf32>,
        %mul3A_1811 = arith.mulf %get3A_1510, %get3A_1810 : vector<16xf32>
        %add3A_1812 = arith.addf %add3A_1807, %mul3A_1811 : vector<16xf32>
        %reduce_sum3A_1813 = arith.constant true
        %reduce_sum3A_1814 = vector.broadcast %reduce_sum3A_1813 : i1 to vector<16xi1>
        %reduce_sum3A_1815 = tpu.scan <sum>, %add3A_1812 masked %reduce_sum3A_1814 : vector<16xf32>, vector<16xi1> -> vector<16xf32>
        %reduce_sum3A_1816 = vector.extract %reduce_sum3A_1815[15] : f32 from vector<16xf32>
        %eq3A_1817 = arith.constant 5 : i32
        %eq3A_1818 = vector.broadcast %eq3A_1817 : i32 to vector<16xi32>
        %eq3A_1819 = arith.cmpi eq, %iota3A, %eq3A_1818 : vector<16xi32>
        %broadcast_in_dim3A_1820 = vector.broadcast %reduce_sum3A_1816 : f32 to vector<16xf32>
        %select_n3A_1821 = arith.select %eq3A_1819, %broadcast_in_dim3A_1820, %select_n3A_1769 : vector<16xi1>, vector<16xf32>
        %mul3A_1822 = arith.constant 20 : i32
        %mul3A_1823 = arith.muli %scan3A_1487, %mul3A_1822 : i32
        %add3A_1824 = arith.constant 6 : i32
        %add3A_1825 = arith.addi %mul3A_1823, %add3A_1824 : i32
        %get3A_1826 = arith.index_cast %add3A_1825 : i32 to index
        %get3A_1827 = arith.constant 0 : index
        %get3A_1828 = tpu.vector_load %arg14[%get3A_1826, %get3A_1827] {strides = array<i32>} : memref<320x128xf32, #tpu.memory_space<vmem>>, vector<16xf32>,
        %mul3A_1829 = arith.mulf %get3A_1489, %get3A_1828 : vector<16xf32>
        %get3A_1830 = arith.index_cast %add3A_1825 : i32 to index
        %get3A_1831 = arith.constant 16 : index
        %get3A_1832 = tpu.vector_load %arg14[%get3A_1830, %get3A_1831] {strides = array<i32>} : memref<320x128xf32, #tpu.memory_space<vmem>>, vector<16xf32>,
        %mul3A_1833 = arith.mulf %get3A_1492, %get3A_1832 : vector<16xf32>
        %add3A_1834 = arith.addf %mul3A_1829, %mul3A_1833 : vector<16xf32>
        %get3A_1835 = arith.index_cast %add3A_1825 : i32 to index
        %get3A_1836 = arith.constant 32 : index
        %get3A_1837 = tpu.vector_load %arg14[%get3A_1835, %get3A_1836] {strides = array<i32>} : memref<320x128xf32, #tpu.memory_space<vmem>>, vector<16xf32>,
        %mul3A_1838 = arith.mulf %get3A_1495, %get3A_1837 : vector<16xf32>
        %add3A_1839 = arith.addf %add3A_1834, %mul3A_1838 : vector<16xf32>
        %get3A_1840 = arith.index_cast %add3A_1825 : i32 to index
        %get3A_1841 = arith.constant 48 : index
        %get3A_1842 = tpu.vector_load %arg14[%get3A_1840, %get3A_1841] {strides = array<i32>} : memref<320x128xf32, #tpu.memory_space<vmem>>, vector<16xf32>,
        %mul3A_1843 = arith.mulf %get3A_1498, %get3A_1842 : vector<16xf32>
        %add3A_1844 = arith.addf %add3A_1839, %mul3A_1843 : vector<16xf32>
        %get3A_1845 = arith.index_cast %add3A_1825 : i32 to index
        %get3A_1846 = arith.constant 64 : index
        %get3A_1847 = tpu.vector_load %arg14[%get3A_1845, %get3A_1846] {strides = array<i32>} : memref<320x128xf32, #tpu.memory_space<vmem>>, vector<16xf32>,
        %mul3A_1848 = arith.mulf %get3A_1501, %get3A_1847 : vector<16xf32>
        %add3A_1849 = arith.addf %add3A_1844, %mul3A_1848 : vector<16xf32>
        %get3A_1850 = arith.index_cast %add3A_1825 : i32 to index
        %get3A_1851 = arith.constant 80 : index
        %get3A_1852 = tpu.vector_load %arg14[%get3A_1850, %get3A_1851] {strides = array<i32>} : memref<320x128xf32, #tpu.memory_space<vmem>>, vector<16xf32>,
        %mul3A_1853 = arith.mulf %get3A_1504, %get3A_1852 : vector<16xf32>
        %add3A_1854 = arith.addf %add3A_1849, %mul3A_1853 : vector<16xf32>
        %get3A_1855 = arith.index_cast %add3A_1825 : i32 to index
        %get3A_1856 = arith.constant 96 : index
        %get3A_1857 = tpu.vector_load %arg14[%get3A_1855, %get3A_1856] {strides = array<i32>} : memref<320x128xf32, #tpu.memory_space<vmem>>, vector<16xf32>,
        %mul3A_1858 = arith.mulf %get3A_1507, %get3A_1857 : vector<16xf32>
        %add3A_1859 = arith.addf %add3A_1854, %mul3A_1858 : vector<16xf32>
        %get3A_1860 = arith.index_cast %add3A_1825 : i32 to index
        %get3A_1861 = arith.constant 112 : index
        %get3A_1862 = tpu.vector_load %arg14[%get3A_1860, %get3A_1861] {strides = array<i32>} : memref<320x128xf32, #tpu.memory_space<vmem>>, vector<16xf32>,
        %mul3A_1863 = arith.mulf %get3A_1510, %get3A_1862 : vector<16xf32>
        %add3A_1864 = arith.addf %add3A_1859, %mul3A_1863 : vector<16xf32>
        %reduce_sum3A_1865 = arith.constant true
        %reduce_sum3A_1866 = vector.broadcast %reduce_sum3A_1865 : i1 to vector<16xi1>
        %reduce_sum3A_1867 = tpu.scan <sum>, %add3A_1864 masked %reduce_sum3A_1866 : vector<16xf32>, vector<16xi1> -> vector<16xf32>
        %reduce_sum3A_1868 = vector.extract %reduce_sum3A_1867[15] : f32 from vector<16xf32>
        %eq3A_1869 = arith.constant 6 : i32
        %eq3A_1870 = vector.broadcast %eq3A_1869 : i32 to vector<16xi32>
        %eq3A_1871 = arith.cmpi eq, %iota3A, %eq3A_1870 : vector<16xi32>
        %broadcast_in_dim3A_1872 = vector.broadcast %reduce_sum3A_1868 : f32 to vector<16xf32>
        %select_n3A_1873 = arith.select %eq3A_1871, %broadcast_in_dim3A_1872, %select_n3A_1821 : vector<16xi1>, vector<16xf32>
        %mul3A_1874 = arith.constant 20 : i32
        %mul3A_1875 = arith.muli %scan3A_1487, %mul3A_1874 : i32
        %add3A_1876 = arith.constant 7 : i32
        %add3A_1877 = arith.addi %mul3A_1875, %add3A_1876 : i32
        %get3A_1878 = arith.index_cast %add3A_1877 : i32 to index
        %get3A_1879 = arith.constant 0 : index
        %get3A_1880 = tpu.vector_load %arg14[%get3A_1878, %get3A_1879] {strides = array<i32>} : memref<320x128xf32, #tpu.memory_space<vmem>>, vector<16xf32>,
        %mul3A_1881 = arith.mulf %get3A_1489, %get3A_1880 : vector<16xf32>
        %get3A_1882 = arith.index_cast %add3A_1877 : i32 to index
        %get3A_1883 = arith.constant 16 : index
        %get3A_1884 = tpu.vector_load %arg14[%get3A_1882, %get3A_1883] {strides = array<i32>} : memref<320x128xf32, #tpu.memory_space<vmem>>, vector<16xf32>,
        %mul3A_1885 = arith.mulf %get3A_1492, %get3A_1884 : vector<16xf32>
        %add3A_1886 = arith.addf %mul3A_1881, %mul3A_1885 : vector<16xf32>
        %get3A_1887 = arith.index_cast %add3A_1877 : i32 to index
        %get3A_1888 = arith.constant 32 : index
        %get3A_1889 = tpu.vector_load %arg14[%get3A_1887, %get3A_1888] {strides = array<i32>} : memref<320x128xf32, #tpu.memory_space<vmem>>, vector<16xf32>,
        %mul3A_1890 = arith.mulf %get3A_1495, %get3A_1889 : vector<16xf32>
        %add3A_1891 = arith.addf %add3A_1886, %mul3A_1890 : vector<16xf32>
        %get3A_1892 = arith.index_cast %add3A_1877 : i32 to index
        %get3A_1893 = arith.constant 48 : index
        %get3A_1894 = tpu.vector_load %arg14[%get3A_1892, %get3A_1893] {strides = array<i32>} : memref<320x128xf32, #tpu.memory_space<vmem>>, vector<16xf32>,
        %mul3A_1895 = arith.mulf %get3A_1498, %get3A_1894 : vector<16xf32>
        %add3A_1896 = arith.addf %add3A_1891, %mul3A_1895 : vector<16xf32>
        %get3A_1897 = arith.index_cast %add3A_1877 : i32 to index
        %get3A_1898 = arith.constant 64 : index
        %get3A_1899 = tpu.vector_load %arg14[%get3A_1897, %get3A_1898] {strides = array<i32>} : memref<320x128xf32, #tpu.memory_space<vmem>>, vector<16xf32>,
        %mul3A_1900 = arith.mulf %get3A_1501, %get3A_1899 : vector<16xf32>
        %add3A_1901 = arith.addf %add3A_1896, %mul3A_1900 : vector<16xf32>
        %get3A_1902 = arith.index_cast %add3A_1877 : i32 to index
        %get3A_1903 = arith.constant 80 : index
        %get3A_1904 = tpu.vector_load %arg14[%get3A_1902, %get3A_1903] {strides = array<i32>} : memref<320x128xf32, #tpu.memory_space<vmem>>, vector<16xf32>,
        %mul3A_1905 = arith.mulf %get3A_1504, %get3A_1904 : vector<16xf32>
        %add3A_1906 = arith.addf %add3A_1901, %mul3A_1905 : vector<16xf32>
        %get3A_1907 = arith.index_cast %add3A_1877 : i32 to index
        %get3A_1908 = arith.constant 96 : index
        %get3A_1909 = tpu.vector_load %arg14[%get3A_1907, %get3A_1908] {strides = array<i32>} : memref<320x128xf32, #tpu.memory_space<vmem>>, vector<16xf32>,
        %mul3A_1910 = arith.mulf %get3A_1507, %get3A_1909 : vector<16xf32>
        %add3A_1911 = arith.addf %add3A_1906, %mul3A_1910 : vector<16xf32>
        %get3A_1912 = arith.index_cast %add3A_1877 : i32 to index
        %get3A_1913 = arith.constant 112 : index
        %get3A_1914 = tpu.vector_load %arg14[%get3A_1912, %get3A_1913] {strides = array<i32>} : memref<320x128xf32, #tpu.memory_space<vmem>>, vector<16xf32>,
        %mul3A_1915 = arith.mulf %get3A_1510, %get3A_1914 : vector<16xf32>
        %add3A_1916 = arith.addf %add3A_1911, %mul3A_1915 : vector<16xf32>
        %reduce_sum3A_1917 = arith.constant true
        %reduce_sum3A_1918 = vector.broadcast %reduce_sum3A_1917 : i1 to vector<16xi1>
        %reduce_sum3A_1919 = tpu.scan <sum>, %add3A_1916 masked %reduce_sum3A_1918 : vector<16xf32>, vector<16xi1> -> vector<16xf32>
        %reduce_sum3A_1920 = vector.extract %reduce_sum3A_1919[15] : f32 from vector<16xf32>
        %eq3A_1921 = arith.constant 7 : i32
        %eq3A_1922 = vector.broadcast %eq3A_1921 : i32 to vector<16xi32>
        %eq3A_1923 = arith.cmpi eq, %iota3A, %eq3A_1922 : vector<16xi32>
        %broadcast_in_dim3A_1924 = vector.broadcast %reduce_sum3A_1920 : f32 to vector<16xf32>
        %select_n3A_1925 = arith.select %eq3A_1923, %broadcast_in_dim3A_1924, %select_n3A_1873 : vector<16xi1>, vector<16xf32>
        %mul3A_1926 = arith.constant 20 : i32
        %mul3A_1927 = arith.muli %scan3A_1487, %mul3A_1926 : i32
        %add3A_1928 = arith.constant 8 : i32
        %add3A_1929 = arith.addi %mul3A_1927, %add3A_1928 : i32
        %get3A_1930 = arith.index_cast %add3A_1929 : i32 to index
        %get3A_1931 = arith.constant 0 : index
        %get3A_1932 = tpu.vector_load %arg14[%get3A_1930, %get3A_1931] {strides = array<i32>} : memref<320x128xf32, #tpu.memory_space<vmem>>, vector<16xf32>,
        %mul3A_1933 = arith.mulf %get3A_1489, %get3A_1932 : vector<16xf32>
        %get3A_1934 = arith.index_cast %add3A_1929 : i32 to index
        %get3A_1935 = arith.constant 16 : index
        %get3A_1936 = tpu.vector_load %arg14[%get3A_1934, %get3A_1935] {strides = array<i32>} : memref<320x128xf32, #tpu.memory_space<vmem>>, vector<16xf32>,
        %mul3A_1937 = arith.mulf %get3A_1492, %get3A_1936 : vector<16xf32>
        %add3A_1938 = arith.addf %mul3A_1933, %mul3A_1937 : vector<16xf32>
        %get3A_1939 = arith.index_cast %add3A_1929 : i32 to index
        %get3A_1940 = arith.constant 32 : index
        %get3A_1941 = tpu.vector_load %arg14[%get3A_1939, %get3A_1940] {strides = array<i32>} : memref<320x128xf32, #tpu.memory_space<vmem>>, vector<16xf32>,
        %mul3A_1942 = arith.mulf %get3A_1495, %get3A_1941 : vector<16xf32>
        %add3A_1943 = arith.addf %add3A_1938, %mul3A_1942 : vector<16xf32>
        %get3A_1944 = arith.index_cast %add3A_1929 : i32 to index
        %get3A_1945 = arith.constant 48 : index
        %get3A_1946 = tpu.vector_load %arg14[%get3A_1944, %get3A_1945] {strides = array<i32>} : memref<320x128xf32, #tpu.memory_space<vmem>>, vector<16xf32>,
        %mul3A_1947 = arith.mulf %get3A_1498, %get3A_1946 : vector<16xf32>
        %add3A_1948 = arith.addf %add3A_1943, %mul3A_1947 : vector<16xf32>
        %get3A_1949 = arith.index_cast %add3A_1929 : i32 to index
        %get3A_1950 = arith.constant 64 : index
        %get3A_1951 = tpu.vector_load %arg14[%get3A_1949, %get3A_1950] {strides = array<i32>} : memref<320x128xf32, #tpu.memory_space<vmem>>, vector<16xf32>,
        %mul3A_1952 = arith.mulf %get3A_1501, %get3A_1951 : vector<16xf32>
        %add3A_1953 = arith.addf %add3A_1948, %mul3A_1952 : vector<16xf32>
        %get3A_1954 = arith.index_cast %add3A_1929 : i32 to index
        %get3A_1955 = arith.constant 80 : index
        %get3A_1956 = tpu.vector_load %arg14[%get3A_1954, %get3A_1955] {strides = array<i32>} : memref<320x128xf32, #tpu.memory_space<vmem>>, vector<16xf32>,
        %mul3A_1957 = arith.mulf %get3A_1504, %get3A_1956 : vector<16xf32>
        %add3A_1958 = arith.addf %add3A_1953, %mul3A_1957 : vector<16xf32>
        %get3A_1959 = arith.index_cast %add3A_1929 : i32 to index
        %get3A_1960 = arith.constant 96 : index
        %get3A_1961 = tpu.vector_load %arg14[%get3A_1959, %get3A_1960] {strides = array<i32>} : memref<320x128xf32, #tpu.memory_space<vmem>>, vector<16xf32>,
        %mul3A_1962 = arith.mulf %get3A_1507, %get3A_1961 : vector<16xf32>
        %add3A_1963 = arith.addf %add3A_1958, %mul3A_1962 : vector<16xf32>
        %get3A_1964 = arith.index_cast %add3A_1929 : i32 to index
        %get3A_1965 = arith.constant 112 : index
        %get3A_1966 = tpu.vector_load %arg14[%get3A_1964, %get3A_1965] {strides = array<i32>} : memref<320x128xf32, #tpu.memory_space<vmem>>, vector<16xf32>,
        %mul3A_1967 = arith.mulf %get3A_1510, %get3A_1966 : vector<16xf32>
        %add3A_1968 = arith.addf %add3A_1963, %mul3A_1967 : vector<16xf32>
        %reduce_sum3A_1969 = arith.constant true
        %reduce_sum3A_1970 = vector.broadcast %reduce_sum3A_1969 : i1 to vector<16xi1>
        %reduce_sum3A_1971 = tpu.scan <sum>, %add3A_1968 masked %reduce_sum3A_1970 : vector<16xf32>, vector<16xi1> -> vector<16xf32>
        %reduce_sum3A_1972 = vector.extract %reduce_sum3A_1971[15] : f32 from vector<16xf32>
        %eq3A_1973 = arith.constant 8 : i32
        %eq3A_1974 = vector.broadcast %eq3A_1973 : i32 to vector<16xi32>
        %eq3A_1975 = arith.cmpi eq, %iota3A, %eq3A_1974 : vector<16xi32>
        %broadcast_in_dim3A_1976 = vector.broadcast %reduce_sum3A_1972 : f32 to vector<16xf32>
        %select_n3A_1977 = arith.select %eq3A_1975, %broadcast_in_dim3A_1976, %select_n3A_1925 : vector<16xi1>, vector<16xf32>
        %mul3A_1978 = arith.constant 20 : i32
        %mul3A_1979 = arith.muli %scan3A_1487, %mul3A_1978 : i32
        %add3A_1980 = arith.constant 9 : i32
        %add3A_1981 = arith.addi %mul3A_1979, %add3A_1980 : i32
        %get3A_1982 = arith.index_cast %add3A_1981 : i32 to index
        %get3A_1983 = arith.constant 0 : index
        %get3A_1984 = tpu.vector_load %arg14[%get3A_1982, %get3A_1983] {strides = array<i32>} : memref<320x128xf32, #tpu.memory_space<vmem>>, vector<16xf32>,
        %mul3A_1985 = arith.mulf %get3A_1489, %get3A_1984 : vector<16xf32>
        %get3A_1986 = arith.index_cast %add3A_1981 : i32 to index
        %get3A_1987 = arith.constant 16 : index
        %get3A_1988 = tpu.vector_load %arg14[%get3A_1986, %get3A_1987] {strides = array<i32>} : memref<320x128xf32, #tpu.memory_space<vmem>>, vector<16xf32>,
        %mul3A_1989 = arith.mulf %get3A_1492, %get3A_1988 : vector<16xf32>
        %add3A_1990 = arith.addf %mul3A_1985, %mul3A_1989 : vector<16xf32>
        %get3A_1991 = arith.index_cast %add3A_1981 : i32 to index
        %get3A_1992 = arith.constant 32 : index
        %get3A_1993 = tpu.vector_load %arg14[%get3A_1991, %get3A_1992] {strides = array<i32>} : memref<320x128xf32, #tpu.memory_space<vmem>>, vector<16xf32>,
        %mul3A_1994 = arith.mulf %get3A_1495, %get3A_1993 : vector<16xf32>
        %add3A_1995 = arith.addf %add3A_1990, %mul3A_1994 : vector<16xf32>
        %get3A_1996 = arith.index_cast %add3A_1981 : i32 to index
        %get3A_1997 = arith.constant 48 : index
        %get3A_1998 = tpu.vector_load %arg14[%get3A_1996, %get3A_1997] {strides = array<i32>} : memref<320x128xf32, #tpu.memory_space<vmem>>, vector<16xf32>,
        %mul3A_1999 = arith.mulf %get3A_1498, %get3A_1998 : vector<16xf32>
        %add3A_2000 = arith.addf %add3A_1995, %mul3A_1999 : vector<16xf32>
        %get3A_2001 = arith.index_cast %add3A_1981 : i32 to index
        %get3A_2002 = arith.constant 64 : index
        %get3A_2003 = tpu.vector_load %arg14[%get3A_2001, %get3A_2002] {strides = array<i32>} : memref<320x128xf32, #tpu.memory_space<vmem>>, vector<16xf32>,
        %mul3A_2004 = arith.mulf %get3A_1501, %get3A_2003 : vector<16xf32>
        %add3A_2005 = arith.addf %add3A_2000, %mul3A_2004 : vector<16xf32>
        %get3A_2006 = arith.index_cast %add3A_1981 : i32 to index
        %get3A_2007 = arith.constant 80 : index
        %get3A_2008 = tpu.vector_load %arg14[%get3A_2006, %get3A_2007] {strides = array<i32>} : memref<320x128xf32, #tpu.memory_space<vmem>>, vector<16xf32>,
        %mul3A_2009 = arith.mulf %get3A_1504, %get3A_2008 : vector<16xf32>
        %add3A_2010 = arith.addf %add3A_2005, %mul3A_2009 : vector<16xf32>
        %get3A_2011 = arith.index_cast %add3A_1981 : i32 to index
        %get3A_2012 = arith.constant 96 : index
        %get3A_2013 = tpu.vector_load %arg14[%get3A_2011, %get3A_2012] {strides = array<i32>} : memref<320x128xf32, #tpu.memory_space<vmem>>, vector<16xf32>,
        %mul3A_2014 = arith.mulf %get3A_1507, %get3A_2013 : vector<16xf32>
        %add3A_2015 = arith.addf %add3A_2010, %mul3A_2014 : vector<16xf32>
        %get3A_2016 = arith.index_cast %add3A_1981 : i32 to index
        %get3A_2017 = arith.constant 112 : index
        %get3A_2018 = tpu.vector_load %arg14[%get3A_2016, %get3A_2017] {strides = array<i32>} : memref<320x128xf32, #tpu.memory_space<vmem>>, vector<16xf32>,
        %mul3A_2019 = arith.mulf %get3A_1510, %get3A_2018 : vector<16xf32>
        %add3A_2020 = arith.addf %add3A_2015, %mul3A_2019 : vector<16xf32>
        %reduce_sum3A_2021 = arith.constant true
        %reduce_sum3A_2022 = vector.broadcast %reduce_sum3A_2021 : i1 to vector<16xi1>
        %reduce_sum3A_2023 = tpu.scan <sum>, %add3A_2020 masked %reduce_sum3A_2022 : vector<16xf32>, vector<16xi1> -> vector<16xf32>
        %reduce_sum3A_2024 = vector.extract %reduce_sum3A_2023[15] : f32 from vector<16xf32>
        %eq3A_2025 = arith.constant 9 : i32
        %eq3A_2026 = vector.broadcast %eq3A_2025 : i32 to vector<16xi32>
        %eq3A_2027 = arith.cmpi eq, %iota3A, %eq3A_2026 : vector<16xi32>
        %broadcast_in_dim3A_2028 = vector.broadcast %reduce_sum3A_2024 : f32 to vector<16xf32>
        %select_n3A_2029 = arith.select %eq3A_2027, %broadcast_in_dim3A_2028, %select_n3A_1977 : vector<16xi1>, vector<16xf32>
        %mul3A_2030 = arith.constant 20 : i32
        %mul3A_2031 = arith.muli %scan3A_1487, %mul3A_2030 : i32
        %add3A_2032 = arith.constant 10 : i32
        %add3A_2033 = arith.addi %mul3A_2031, %add3A_2032 : i32
        %get3A_2034 = arith.index_cast %add3A_2033 : i32 to index
        %get3A_2035 = arith.constant 0 : index
        %get3A_2036 = tpu.vector_load %arg14[%get3A_2034, %get3A_2035] {strides = array<i32>} : memref<320x128xf32, #tpu.memory_space<vmem>>, vector<16xf32>,
        %mul3A_2037 = arith.mulf %get3A_1489, %get3A_2036 : vector<16xf32>
        %get3A_2038 = arith.index_cast %add3A_2033 : i32 to index
        %get3A_2039 = arith.constant 16 : index
        %get3A_2040 = tpu.vector_load %arg14[%get3A_2038, %get3A_2039] {strides = array<i32>} : memref<320x128xf32, #tpu.memory_space<vmem>>, vector<16xf32>,
        %mul3A_2041 = arith.mulf %get3A_1492, %get3A_2040 : vector<16xf32>
        %add3A_2042 = arith.addf %mul3A_2037, %mul3A_2041 : vector<16xf32>
        %get3A_2043 = arith.index_cast %add3A_2033 : i32 to index
        %get3A_2044 = arith.constant 32 : index
        %get3A_2045 = tpu.vector_load %arg14[%get3A_2043, %get3A_2044] {strides = array<i32>} : memref<320x128xf32, #tpu.memory_space<vmem>>, vector<16xf32>,
        %mul3A_2046 = arith.mulf %get3A_1495, %get3A_2045 : vector<16xf32>
        %add3A_2047 = arith.addf %add3A_2042, %mul3A_2046 : vector<16xf32>
        %get3A_2048 = arith.index_cast %add3A_2033 : i32 to index
        %get3A_2049 = arith.constant 48 : index
        %get3A_2050 = tpu.vector_load %arg14[%get3A_2048, %get3A_2049] {strides = array<i32>} : memref<320x128xf32, #tpu.memory_space<vmem>>, vector<16xf32>,
        %mul3A_2051 = arith.mulf %get3A_1498, %get3A_2050 : vector<16xf32>
        %add3A_2052 = arith.addf %add3A_2047, %mul3A_2051 : vector<16xf32>
        %get3A_2053 = arith.index_cast %add3A_2033 : i32 to index
        %get3A_2054 = arith.constant 64 : index
        %get3A_2055 = tpu.vector_load %arg14[%get3A_2053, %get3A_2054] {strides = array<i32>} : memref<320x128xf32, #tpu.memory_space<vmem>>, vector<16xf32>,
        %mul3A_2056 = arith.mulf %get3A_1501, %get3A_2055 : vector<16xf32>
        %add3A_2057 = arith.addf %add3A_2052, %mul3A_2056 : vector<16xf32>
        %get3A_2058 = arith.index_cast %add3A_2033 : i32 to index
        %get3A_2059 = arith.constant 80 : index
        %get3A_2060 = tpu.vector_load %arg14[%get3A_2058, %get3A_2059] {strides = array<i32>} : memref<320x128xf32, #tpu.memory_space<vmem>>, vector<16xf32>,
        %mul3A_2061 = arith.mulf %get3A_1504, %get3A_2060 : vector<16xf32>
        %add3A_2062 = arith.addf %add3A_2057, %mul3A_2061 : vector<16xf32>
        %get3A_2063 = arith.index_cast %add3A_2033 : i32 to index
        %get3A_2064 = arith.constant 96 : index
        %get3A_2065 = tpu.vector_load %arg14[%get3A_2063, %get3A_2064] {strides = array<i32>} : memref<320x128xf32, #tpu.memory_space<vmem>>, vector<16xf32>,
        %mul3A_2066 = arith.mulf %get3A_1507, %get3A_2065 : vector<16xf32>
        %add3A_2067 = arith.addf %add3A_2062, %mul3A_2066 : vector<16xf32>
        %get3A_2068 = arith.index_cast %add3A_2033 : i32 to index
        %get3A_2069 = arith.constant 112 : index
        %get3A_2070 = tpu.vector_load %arg14[%get3A_2068, %get3A_2069] {strides = array<i32>} : memref<320x128xf32, #tpu.memory_space<vmem>>, vector<16xf32>,
        %mul3A_2071 = arith.mulf %get3A_1510, %get3A_2070 : vector<16xf32>
        %add3A_2072 = arith.addf %add3A_2067, %mul3A_2071 : vector<16xf32>
        %reduce_sum3A_2073 = arith.constant true
        %reduce_sum3A_2074 = vector.broadcast %reduce_sum3A_2073 : i1 to vector<16xi1>
        %reduce_sum3A_2075 = tpu.scan <sum>, %add3A_2072 masked %reduce_sum3A_2074 : vector<16xf32>, vector<16xi1> -> vector<16xf32>
        %reduce_sum3A_2076 = vector.extract %reduce_sum3A_2075[15] : f32 from vector<16xf32>
        %eq3A_2077 = arith.constant 10 : i32
        %eq3A_2078 = vector.broadcast %eq3A_2077 : i32 to vector<16xi32>
        %eq3A_2079 = arith.cmpi eq, %iota3A, %eq3A_2078 : vector<16xi32>
        %broadcast_in_dim3A_2080 = vector.broadcast %reduce_sum3A_2076 : f32 to vector<16xf32>
        %select_n3A_2081 = arith.select %eq3A_2079, %broadcast_in_dim3A_2080, %select_n3A_2029 : vector<16xi1>, vector<16xf32>
        %mul3A_2082 = arith.constant 20 : i32
        %mul3A_2083 = arith.muli %scan3A_1487, %mul3A_2082 : i32
        %add3A_2084 = arith.constant 11 : i32
        %add3A_2085 = arith.addi %mul3A_2083, %add3A_2084 : i32
        %get3A_2086 = arith.index_cast %add3A_2085 : i32 to index
        %get3A_2087 = arith.constant 0 : index
        %get3A_2088 = tpu.vector_load %arg14[%get3A_2086, %get3A_2087] {strides = array<i32>} : memref<320x128xf32, #tpu.memory_space<vmem>>, vector<16xf32>,
        %mul3A_2089 = arith.mulf %get3A_1489, %get3A_2088 : vector<16xf32>
        %get3A_2090 = arith.index_cast %add3A_2085 : i32 to index
        %get3A_2091 = arith.constant 16 : index
        %get3A_2092 = tpu.vector_load %arg14[%get3A_2090, %get3A_2091] {strides = array<i32>} : memref<320x128xf32, #tpu.memory_space<vmem>>, vector<16xf32>,
        %mul3A_2093 = arith.mulf %get3A_1492, %get3A_2092 : vector<16xf32>
        %add3A_2094 = arith.addf %mul3A_2089, %mul3A_2093 : vector<16xf32>
        %get3A_2095 = arith.index_cast %add3A_2085 : i32 to index
        %get3A_2096 = arith.constant 32 : index
        %get3A_2097 = tpu.vector_load %arg14[%get3A_2095, %get3A_2096] {strides = array<i32>} : memref<320x128xf32, #tpu.memory_space<vmem>>, vector<16xf32>,
        %mul3A_2098 = arith.mulf %get3A_1495, %get3A_2097 : vector<16xf32>
        %add3A_2099 = arith.addf %add3A_2094, %mul3A_2098 : vector<16xf32>
        %get3A_2100 = arith.index_cast %add3A_2085 : i32 to index
        %get3A_2101 = arith.constant 48 : index
        %get3A_2102 = tpu.vector_load %arg14[%get3A_2100, %get3A_2101] {strides = array<i32>} : memref<320x128xf32, #tpu.memory_space<vmem>>, vector<16xf32>,
        %mul3A_2103 = arith.mulf %get3A_1498, %get3A_2102 : vector<16xf32>
        %add3A_2104 = arith.addf %add3A_2099, %mul3A_2103 : vector<16xf32>
        %get3A_2105 = arith.index_cast %add3A_2085 : i32 to index
        %get3A_2106 = arith.constant 64 : index
        %get3A_2107 = tpu.vector_load %arg14[%get3A_2105, %get3A_2106] {strides = array<i32>} : memref<320x128xf32, #tpu.memory_space<vmem>>, vector<16xf32>,
        %mul3A_2108 = arith.mulf %get3A_1501, %get3A_2107 : vector<16xf32>
        %add3A_2109 = arith.addf %add3A_2104, %mul3A_2108 : vector<16xf32>
        %get3A_2110 = arith.index_cast %add3A_2085 : i32 to index
        %get3A_2111 = arith.constant 80 : index
        %get3A_2112 = tpu.vector_load %arg14[%get3A_2110, %get3A_2111] {strides = array<i32>} : memref<320x128xf32, #tpu.memory_space<vmem>>, vector<16xf32>,
        %mul3A_2113 = arith.mulf %get3A_1504, %get3A_2112 : vector<16xf32>
        %add3A_2114 = arith.addf %add3A_2109, %mul3A_2113 : vector<16xf32>
        %get3A_2115 = arith.index_cast %add3A_2085 : i32 to index
        %get3A_2116 = arith.constant 96 : index
        %get3A_2117 = tpu.vector_load %arg14[%get3A_2115, %get3A_2116] {strides = array<i32>} : memref<320x128xf32, #tpu.memory_space<vmem>>, vector<16xf32>,
        %mul3A_2118 = arith.mulf %get3A_1507, %get3A_2117 : vector<16xf32>
        %add3A_2119 = arith.addf %add3A_2114, %mul3A_2118 : vector<16xf32>
        %get3A_2120 = arith.index_cast %add3A_2085 : i32 to index
        %get3A_2121 = arith.constant 112 : index
        %get3A_2122 = tpu.vector_load %arg14[%get3A_2120, %get3A_2121] {strides = array<i32>} : memref<320x128xf32, #tpu.memory_space<vmem>>, vector<16xf32>,
        %mul3A_2123 = arith.mulf %get3A_1510, %get3A_2122 : vector<16xf32>
        %add3A_2124 = arith.addf %add3A_2119, %mul3A_2123 : vector<16xf32>
        %reduce_sum3A_2125 = arith.constant true
        %reduce_sum3A_2126 = vector.broadcast %reduce_sum3A_2125 : i1 to vector<16xi1>
        %reduce_sum3A_2127 = tpu.scan <sum>, %add3A_2124 masked %reduce_sum3A_2126 : vector<16xf32>, vector<16xi1> -> vector<16xf32>
        %reduce_sum3A_2128 = vector.extract %reduce_sum3A_2127[15] : f32 from vector<16xf32>
        %eq3A_2129 = arith.constant 11 : i32
        %eq3A_2130 = vector.broadcast %eq3A_2129 : i32 to vector<16xi32>
        %eq3A_2131 = arith.cmpi eq, %iota3A, %eq3A_2130 : vector<16xi32>
        %broadcast_in_dim3A_2132 = vector.broadcast %reduce_sum3A_2128 : f32 to vector<16xf32>
        %select_n3A_2133 = arith.select %eq3A_2131, %broadcast_in_dim3A_2132, %select_n3A_2081 : vector<16xi1>, vector<16xf32>
        %mul3A_2134 = arith.constant 20 : i32
        %mul3A_2135 = arith.muli %scan3A_1487, %mul3A_2134 : i32
        %add3A_2136 = arith.constant 12 : i32
        %add3A_2137 = arith.addi %mul3A_2135, %add3A_2136 : i32
        %get3A_2138 = arith.index_cast %add3A_2137 : i32 to index
        %get3A_2139 = arith.constant 0 : index
        %get3A_2140 = tpu.vector_load %arg14[%get3A_2138, %get3A_2139] {strides = array<i32>} : memref<320x128xf32, #tpu.memory_space<vmem>>, vector<16xf32>,
        %mul3A_2141 = arith.mulf %get3A_1489, %get3A_2140 : vector<16xf32>
        %get3A_2142 = arith.index_cast %add3A_2137 : i32 to index
        %get3A_2143 = arith.constant 16 : index
        %get3A_2144 = tpu.vector_load %arg14[%get3A_2142, %get3A_2143] {strides = array<i32>} : memref<320x128xf32, #tpu.memory_space<vmem>>, vector<16xf32>,
        %mul3A_2145 = arith.mulf %get3A_1492, %get3A_2144 : vector<16xf32>
        %add3A_2146 = arith.addf %mul3A_2141, %mul3A_2145 : vector<16xf32>
        %get3A_2147 = arith.index_cast %add3A_2137 : i32 to index
        %get3A_2148 = arith.constant 32 : index
        %get3A_2149 = tpu.vector_load %arg14[%get3A_2147, %get3A_2148] {strides = array<i32>} : memref<320x128xf32, #tpu.memory_space<vmem>>, vector<16xf32>,
        %mul3A_2150 = arith.mulf %get3A_1495, %get3A_2149 : vector<16xf32>
        %add3A_2151 = arith.addf %add3A_2146, %mul3A_2150 : vector<16xf32>
        %get3A_2152 = arith.index_cast %add3A_2137 : i32 to index
        %get3A_2153 = arith.constant 48 : index
        %get3A_2154 = tpu.vector_load %arg14[%get3A_2152, %get3A_2153] {strides = array<i32>} : memref<320x128xf32, #tpu.memory_space<vmem>>, vector<16xf32>,
        %mul3A_2155 = arith.mulf %get3A_1498, %get3A_2154 : vector<16xf32>
        %add3A_2156 = arith.addf %add3A_2151, %mul3A_2155 : vector<16xf32>
        %get3A_2157 = arith.index_cast %add3A_2137 : i32 to index
        %get3A_2158 = arith.constant 64 : index
        %get3A_2159 = tpu.vector_load %arg14[%get3A_2157, %get3A_2158] {strides = array<i32>} : memref<320x128xf32, #tpu.memory_space<vmem>>, vector<16xf32>,
        %mul3A_2160 = arith.mulf %get3A_1501, %get3A_2159 : vector<16xf32>
        %add3A_2161 = arith.addf %add3A_2156, %mul3A_2160 : vector<16xf32>
        %get3A_2162 = arith.index_cast %add3A_2137 : i32 to index
        %get3A_2163 = arith.constant 80 : index
        %get3A_2164 = tpu.vector_load %arg14[%get3A_2162, %get3A_2163] {strides = array<i32>} : memref<320x128xf32, #tpu.memory_space<vmem>>, vector<16xf32>,
        %mul3A_2165 = arith.mulf %get3A_1504, %get3A_2164 : vector<16xf32>
        %add3A_2166 = arith.addf %add3A_2161, %mul3A_2165 : vector<16xf32>
        %get3A_2167 = arith.index_cast %add3A_2137 : i32 to index
        %get3A_2168 = arith.constant 96 : index
        %get3A_2169 = tpu.vector_load %arg14[%get3A_2167, %get3A_2168] {strides = array<i32>} : memref<320x128xf32, #tpu.memory_space<vmem>>, vector<16xf32>,
        %mul3A_2170 = arith.mulf %get3A_1507, %get3A_2169 : vector<16xf32>
        %add3A_2171 = arith.addf %add3A_2166, %mul3A_2170 : vector<16xf32>
        %get3A_2172 = arith.index_cast %add3A_2137 : i32 to index
        %get3A_2173 = arith.constant 112 : index
        %get3A_2174 = tpu.vector_load %arg14[%get3A_2172, %get3A_2173] {strides = array<i32>} : memref<320x128xf32, #tpu.memory_space<vmem>>, vector<16xf32>,
        %mul3A_2175 = arith.mulf %get3A_1510, %get3A_2174 : vector<16xf32>
        %add3A_2176 = arith.addf %add3A_2171, %mul3A_2175 : vector<16xf32>
        %reduce_sum3A_2177 = arith.constant true
        %reduce_sum3A_2178 = vector.broadcast %reduce_sum3A_2177 : i1 to vector<16xi1>
        %reduce_sum3A_2179 = tpu.scan <sum>, %add3A_2176 masked %reduce_sum3A_2178 : vector<16xf32>, vector<16xi1> -> vector<16xf32>
        %reduce_sum3A_2180 = vector.extract %reduce_sum3A_2179[15] : f32 from vector<16xf32>
        %eq3A_2181 = arith.constant 12 : i32
        %eq3A_2182 = vector.broadcast %eq3A_2181 : i32 to vector<16xi32>
        %eq3A_2183 = arith.cmpi eq, %iota3A, %eq3A_2182 : vector<16xi32>
        %broadcast_in_dim3A_2184 = vector.broadcast %reduce_sum3A_2180 : f32 to vector<16xf32>
        %select_n3A_2185 = arith.select %eq3A_2183, %broadcast_in_dim3A_2184, %select_n3A_2133 : vector<16xi1>, vector<16xf32>
        %mul3A_2186 = arith.constant 20 : i32
        %mul3A_2187 = arith.muli %scan3A_1487, %mul3A_2186 : i32
        %add3A_2188 = arith.constant 13 : i32
        %add3A_2189 = arith.addi %mul3A_2187, %add3A_2188 : i32
        %get3A_2190 = arith.index_cast %add3A_2189 : i32 to index
        %get3A_2191 = arith.constant 0 : index
        %get3A_2192 = tpu.vector_load %arg14[%get3A_2190, %get3A_2191] {strides = array<i32>} : memref<320x128xf32, #tpu.memory_space<vmem>>, vector<16xf32>,
        %mul3A_2193 = arith.mulf %get3A_1489, %get3A_2192 : vector<16xf32>
        %get3A_2194 = arith.index_cast %add3A_2189 : i32 to index
        %get3A_2195 = arith.constant 16 : index
        %get3A_2196 = tpu.vector_load %arg14[%get3A_2194, %get3A_2195] {strides = array<i32>} : memref<320x128xf32, #tpu.memory_space<vmem>>, vector<16xf32>,
        %mul3A_2197 = arith.mulf %get3A_1492, %get3A_2196 : vector<16xf32>
        %add3A_2198 = arith.addf %mul3A_2193, %mul3A_2197 : vector<16xf32>
        %get3A_2199 = arith.index_cast %add3A_2189 : i32 to index
        %get3A_2200 = arith.constant 32 : index
        %get3A_2201 = tpu.vector_load %arg14[%get3A_2199, %get3A_2200] {strides = array<i32>} : memref<320x128xf32, #tpu.memory_space<vmem>>, vector<16xf32>,
        %mul3A_2202 = arith.mulf %get3A_1495, %get3A_2201 : vector<16xf32>
        %add3A_2203 = arith.addf %add3A_2198, %mul3A_2202 : vector<16xf32>
        %get3A_2204 = arith.index_cast %add3A_2189 : i32 to index
        %get3A_2205 = arith.constant 48 : index
        %get3A_2206 = tpu.vector_load %arg14[%get3A_2204, %get3A_2205] {strides = array<i32>} : memref<320x128xf32, #tpu.memory_space<vmem>>, vector<16xf32>,
        %mul3A_2207 = arith.mulf %get3A_1498, %get3A_2206 : vector<16xf32>
        %add3A_2208 = arith.addf %add3A_2203, %mul3A_2207 : vector<16xf32>
        %get3A_2209 = arith.index_cast %add3A_2189 : i32 to index
        %get3A_2210 = arith.constant 64 : index
        %get3A_2211 = tpu.vector_load %arg14[%get3A_2209, %get3A_2210] {strides = array<i32>} : memref<320x128xf32, #tpu.memory_space<vmem>>, vector<16xf32>,
        %mul3A_2212 = arith.mulf %get3A_1501, %get3A_2211 : vector<16xf32>
        %add3A_2213 = arith.addf %add3A_2208, %mul3A_2212 : vector<16xf32>
        %get3A_2214 = arith.index_cast %add3A_2189 : i32 to index
        %get3A_2215 = arith.constant 80 : index
        %get3A_2216 = tpu.vector_load %arg14[%get3A_2214, %get3A_2215] {strides = array<i32>} : memref<320x128xf32, #tpu.memory_space<vmem>>, vector<16xf32>,
        %mul3A_2217 = arith.mulf %get3A_1504, %get3A_2216 : vector<16xf32>
        %add3A_2218 = arith.addf %add3A_2213, %mul3A_2217 : vector<16xf32>
        %get3A_2219 = arith.index_cast %add3A_2189 : i32 to index
        %get3A_2220 = arith.constant 96 : index
        %get3A_2221 = tpu.vector_load %arg14[%get3A_2219, %get3A_2220] {strides = array<i32>} : memref<320x128xf32, #tpu.memory_space<vmem>>, vector<16xf32>,
        %mul3A_2222 = arith.mulf %get3A_1507, %get3A_2221 : vector<16xf32>
        %add3A_2223 = arith.addf %add3A_2218, %mul3A_2222 : vector<16xf32>
        %get3A_2224 = arith.index_cast %add3A_2189 : i32 to index
        %get3A_2225 = arith.constant 112 : index
        %get3A_2226 = tpu.vector_load %arg14[%get3A_2224, %get3A_2225] {strides = array<i32>} : memref<320x128xf32, #tpu.memory_space<vmem>>, vector<16xf32>,
        %mul3A_2227 = arith.mulf %get3A_1510, %get3A_2226 : vector<16xf32>
        %add3A_2228 = arith.addf %add3A_2223, %mul3A_2227 : vector<16xf32>
        %reduce_sum3A_2229 = arith.constant true
        %reduce_sum3A_2230 = vector.broadcast %reduce_sum3A_2229 : i1 to vector<16xi1>
        %reduce_sum3A_2231 = tpu.scan <sum>, %add3A_2228 masked %reduce_sum3A_2230 : vector<16xf32>, vector<16xi1> -> vector<16xf32>
        %reduce_sum3A_2232 = vector.extract %reduce_sum3A_2231[15] : f32 from vector<16xf32>
        %eq3A_2233 = arith.constant 13 : i32
        %eq3A_2234 = vector.broadcast %eq3A_2233 : i32 to vector<16xi32>
        %eq3A_2235 = arith.cmpi eq, %iota3A, %eq3A_2234 : vector<16xi32>
        %broadcast_in_dim3A_2236 = vector.broadcast %reduce_sum3A_2232 : f32 to vector<16xf32>
        %select_n3A_2237 = arith.select %eq3A_2235, %broadcast_in_dim3A_2236, %select_n3A_2185 : vector<16xi1>, vector<16xf32>
        %mul3A_2238 = arith.constant 20 : i32
        %mul3A_2239 = arith.muli %scan3A_1487, %mul3A_2238 : i32
        %add3A_2240 = arith.constant 14 : i32
        %add3A_2241 = arith.addi %mul3A_2239, %add3A_2240 : i32
        %get3A_2242 = arith.index_cast %add3A_2241 : i32 to index
        %get3A_2243 = arith.constant 0 : index
        %get3A_2244 = tpu.vector_load %arg14[%get3A_2242, %get3A_2243] {strides = array<i32>} : memref<320x128xf32, #tpu.memory_space<vmem>>, vector<16xf32>,
        %mul3A_2245 = arith.mulf %get3A_1489, %get3A_2244 : vector<16xf32>
        %get3A_2246 = arith.index_cast %add3A_2241 : i32 to index
        %get3A_2247 = arith.constant 16 : index
        %get3A_2248 = tpu.vector_load %arg14[%get3A_2246, %get3A_2247] {strides = array<i32>} : memref<320x128xf32, #tpu.memory_space<vmem>>, vector<16xf32>,
        %mul3A_2249 = arith.mulf %get3A_1492, %get3A_2248 : vector<16xf32>
        %add3A_2250 = arith.addf %mul3A_2245, %mul3A_2249 : vector<16xf32>
        %get3A_2251 = arith.index_cast %add3A_2241 : i32 to index
        %get3A_2252 = arith.constant 32 : index
        %get3A_2253 = tpu.vector_load %arg14[%get3A_2251, %get3A_2252] {strides = array<i32>} : memref<320x128xf32, #tpu.memory_space<vmem>>, vector<16xf32>,
        %mul3A_2254 = arith.mulf %get3A_1495, %get3A_2253 : vector<16xf32>
        %add3A_2255 = arith.addf %add3A_2250, %mul3A_2254 : vector<16xf32>
        %get3A_2256 = arith.index_cast %add3A_2241 : i32 to index
        %get3A_2257 = arith.constant 48 : index
        %get3A_2258 = tpu.vector_load %arg14[%get3A_2256, %get3A_2257] {strides = array<i32>} : memref<320x128xf32, #tpu.memory_space<vmem>>, vector<16xf32>,
        %mul3A_2259 = arith.mulf %get3A_1498, %get3A_2258 : vector<16xf32>
        %add3A_2260 = arith.addf %add3A_2255, %mul3A_2259 : vector<16xf32>
        %get3A_2261 = arith.index_cast %add3A_2241 : i32 to index
        %get3A_2262 = arith.constant 64 : index
        %get3A_2263 = tpu.vector_load %arg14[%get3A_2261, %get3A_2262] {strides = array<i32>} : memref<320x128xf32, #tpu.memory_space<vmem>>, vector<16xf32>,
        %mul3A_2264 = arith.mulf %get3A_1501, %get3A_2263 : vector<16xf32>
        %add3A_2265 = arith.addf %add3A_2260, %mul3A_2264 : vector<16xf32>
        %get3A_2266 = arith.index_cast %add3A_2241 : i32 to index
        %get3A_2267 = arith.constant 80 : index
        %get3A_2268 = tpu.vector_load %arg14[%get3A_2266, %get3A_2267] {strides = array<i32>} : memref<320x128xf32, #tpu.memory_space<vmem>>, vector<16xf32>,
        %mul3A_2269 = arith.mulf %get3A_1504, %get3A_2268 : vector<16xf32>
        %add3A_2270 = arith.addf %add3A_2265, %mul3A_2269 : vector<16xf32>
        %get3A_2271 = arith.index_cast %add3A_2241 : i32 to index
        %get3A_2272 = arith.constant 96 : index
        %get3A_2273 = tpu.vector_load %arg14[%get3A_2271, %get3A_2272] {strides = array<i32>} : memref<320x128xf32, #tpu.memory_space<vmem>>, vector<16xf32>,
        %mul3A_2274 = arith.mulf %get3A_1507, %get3A_2273 : vector<16xf32>
        %add3A_2275 = arith.addf %add3A_2270, %mul3A_2274 : vector<16xf32>
        %get3A_2276 = arith.index_cast %add3A_2241 : i32 to index
        %get3A_2277 = arith.constant 112 : index
        %get3A_2278 = tpu.vector_load %arg14[%get3A_2276, %get3A_2277] {strides = array<i32>} : memref<320x128xf32, #tpu.memory_space<vmem>>, vector<16xf32>,
        %mul3A_2279 = arith.mulf %get3A_1510, %get3A_2278 : vector<16xf32>
        %add3A_2280 = arith.addf %add3A_2275, %mul3A_2279 : vector<16xf32>
        %reduce_sum3A_2281 = arith.constant true
        %reduce_sum3A_2282 = vector.broadcast %reduce_sum3A_2281 : i1 to vector<16xi1>
        %reduce_sum3A_2283 = tpu.scan <sum>, %add3A_2280 masked %reduce_sum3A_2282 : vector<16xf32>, vector<16xi1> -> vector<16xf32>
        %reduce_sum3A_2284 = vector.extract %reduce_sum3A_2283[15] : f32 from vector<16xf32>
        %eq3A_2285 = arith.constant 14 : i32
        %eq3A_2286 = vector.broadcast %eq3A_2285 : i32 to vector<16xi32>
        %eq3A_2287 = arith.cmpi eq, %iota3A, %eq3A_2286 : vector<16xi32>
        %broadcast_in_dim3A_2288 = vector.broadcast %reduce_sum3A_2284 : f32 to vector<16xf32>
        %select_n3A_2289 = arith.select %eq3A_2287, %broadcast_in_dim3A_2288, %select_n3A_2237 : vector<16xi1>, vector<16xf32>
        %mul3A_2290 = arith.constant 20 : i32
        %mul3A_2291 = arith.muli %scan3A_1487, %mul3A_2290 : i32
        %add3A_2292 = arith.constant 15 : i32
        %add3A_2293 = arith.addi %mul3A_2291, %add3A_2292 : i32
        %get3A_2294 = arith.index_cast %add3A_2293 : i32 to index
        %get3A_2295 = arith.constant 0 : index
        %get3A_2296 = tpu.vector_load %arg14[%get3A_2294, %get3A_2295] {strides = array<i32>} : memref<320x128xf32, #tpu.memory_space<vmem>>, vector<16xf32>,
        %mul3A_2297 = arith.mulf %get3A_1489, %get3A_2296 : vector<16xf32>
        %get3A_2298 = arith.index_cast %add3A_2293 : i32 to index
        %get3A_2299 = arith.constant 16 : index
        %get3A_2300 = tpu.vector_load %arg14[%get3A_2298, %get3A_2299] {strides = array<i32>} : memref<320x128xf32, #tpu.memory_space<vmem>>, vector<16xf32>,
        %mul3A_2301 = arith.mulf %get3A_1492, %get3A_2300 : vector<16xf32>
        %add3A_2302 = arith.addf %mul3A_2297, %mul3A_2301 : vector<16xf32>
        %get3A_2303 = arith.index_cast %add3A_2293 : i32 to index
        %get3A_2304 = arith.constant 32 : index
        %get3A_2305 = tpu.vector_load %arg14[%get3A_2303, %get3A_2304] {strides = array<i32>} : memref<320x128xf32, #tpu.memory_space<vmem>>, vector<16xf32>,
        %mul3A_2306 = arith.mulf %get3A_1495, %get3A_2305 : vector<16xf32>
        %add3A_2307 = arith.addf %add3A_2302, %mul3A_2306 : vector<16xf32>
        %get3A_2308 = arith.index_cast %add3A_2293 : i32 to index
        %get3A_2309 = arith.constant 48 : index
        %get3A_2310 = tpu.vector_load %arg14[%get3A_2308, %get3A_2309] {strides = array<i32>} : memref<320x128xf32, #tpu.memory_space<vmem>>, vector<16xf32>,
        %mul3A_2311 = arith.mulf %get3A_1498, %get3A_2310 : vector<16xf32>
        %add3A_2312 = arith.addf %add3A_2307, %mul3A_2311 : vector<16xf32>
        %get3A_2313 = arith.index_cast %add3A_2293 : i32 to index
        %get3A_2314 = arith.constant 64 : index
        %get3A_2315 = tpu.vector_load %arg14[%get3A_2313, %get3A_2314] {strides = array<i32>} : memref<320x128xf32, #tpu.memory_space<vmem>>, vector<16xf32>,
        %mul3A_2316 = arith.mulf %get3A_1501, %get3A_2315 : vector<16xf32>
        %add3A_2317 = arith.addf %add3A_2312, %mul3A_2316 : vector<16xf32>
        %get3A_2318 = arith.index_cast %add3A_2293 : i32 to index
        %get3A_2319 = arith.constant 80 : index
        %get3A_2320 = tpu.vector_load %arg14[%get3A_2318, %get3A_2319] {strides = array<i32>} : memref<320x128xf32, #tpu.memory_space<vmem>>, vector<16xf32>,
        %mul3A_2321 = arith.mulf %get3A_1504, %get3A_2320 : vector<16xf32>
        %add3A_2322 = arith.addf %add3A_2317, %mul3A_2321 : vector<16xf32>
        %get3A_2323 = arith.index_cast %add3A_2293 : i32 to index
        %get3A_2324 = arith.constant 96 : index
        %get3A_2325 = tpu.vector_load %arg14[%get3A_2323, %get3A_2324] {strides = array<i32>} : memref<320x128xf32, #tpu.memory_space<vmem>>, vector<16xf32>,
        %mul3A_2326 = arith.mulf %get3A_1507, %get3A_2325 : vector<16xf32>
        %add3A_2327 = arith.addf %add3A_2322, %mul3A_2326 : vector<16xf32>
        %get3A_2328 = arith.index_cast %add3A_2293 : i32 to index
        %get3A_2329 = arith.constant 112 : index
        %get3A_2330 = tpu.vector_load %arg14[%get3A_2328, %get3A_2329] {strides = array<i32>} : memref<320x128xf32, #tpu.memory_space<vmem>>, vector<16xf32>,
        %mul3A_2331 = arith.mulf %get3A_1510, %get3A_2330 : vector<16xf32>
        %add3A_2332 = arith.addf %add3A_2327, %mul3A_2331 : vector<16xf32>
        %reduce_sum3A_2333 = arith.constant true
        %reduce_sum3A_2334 = vector.broadcast %reduce_sum3A_2333 : i1 to vector<16xi1>
        %reduce_sum3A_2335 = tpu.scan <sum>, %add3A_2332 masked %reduce_sum3A_2334 : vector<16xf32>, vector<16xi1> -> vector<16xf32>
        %reduce_sum3A_2336 = vector.extract %reduce_sum3A_2335[15] : f32 from vector<16xf32>
        %eq3A_2337 = arith.constant 15 : i32
        %eq3A_2338 = vector.broadcast %eq3A_2337 : i32 to vector<16xi32>
        %eq3A_2339 = arith.cmpi eq, %iota3A, %eq3A_2338 : vector<16xi32>
        %broadcast_in_dim3A_2340 = vector.broadcast %reduce_sum3A_2336 : f32 to vector<16xf32>
        %select_n3A_2341 = arith.select %eq3A_2339, %broadcast_in_dim3A_2340, %select_n3A_2289 : vector<16xi1>, vector<16xf32>
        %mul3A_2342 = arith.constant 20 : i32
        %mul3A_2343 = arith.muli %scan3A_1487, %mul3A_2342 : i32
        %add3A_2344 = arith.constant 16 : i32
        %add3A_2345 = arith.addi %mul3A_2343, %add3A_2344 : i32
        %get3A_2346 = arith.index_cast %add3A_2345 : i32 to index
        %get3A_2347 = arith.constant 0 : index
        %get3A_2348 = tpu.vector_load %arg14[%get3A_2346, %get3A_2347] {strides = array<i32>} : memref<320x128xf32, #tpu.memory_space<vmem>>, vector<16xf32>,
        %mul3A_2349 = arith.mulf %get3A_1489, %get3A_2348 : vector<16xf32>
        %get3A_2350 = arith.index_cast %add3A_2345 : i32 to index
        %get3A_2351 = arith.constant 16 : index
        %get3A_2352 = tpu.vector_load %arg14[%get3A_2350, %get3A_2351] {strides = array<i32>} : memref<320x128xf32, #tpu.memory_space<vmem>>, vector<16xf32>,
        %mul3A_2353 = arith.mulf %get3A_1492, %get3A_2352 : vector<16xf32>
        %add3A_2354 = arith.addf %mul3A_2349, %mul3A_2353 : vector<16xf32>
        %get3A_2355 = arith.index_cast %add3A_2345 : i32 to index
        %get3A_2356 = arith.constant 32 : index
        %get3A_2357 = tpu.vector_load %arg14[%get3A_2355, %get3A_2356] {strides = array<i32>} : memref<320x128xf32, #tpu.memory_space<vmem>>, vector<16xf32>,
        %mul3A_2358 = arith.mulf %get3A_1495, %get3A_2357 : vector<16xf32>
        %add3A_2359 = arith.addf %add3A_2354, %mul3A_2358 : vector<16xf32>
        %get3A_2360 = arith.index_cast %add3A_2345 : i32 to index
        %get3A_2361 = arith.constant 48 : index
        %get3A_2362 = tpu.vector_load %arg14[%get3A_2360, %get3A_2361] {strides = array<i32>} : memref<320x128xf32, #tpu.memory_space<vmem>>, vector<16xf32>,
        %mul3A_2363 = arith.mulf %get3A_1498, %get3A_2362 : vector<16xf32>
        %add3A_2364 = arith.addf %add3A_2359, %mul3A_2363 : vector<16xf32>
        %get3A_2365 = arith.index_cast %add3A_2345 : i32 to index
        %get3A_2366 = arith.constant 64 : index
        %get3A_2367 = tpu.vector_load %arg14[%get3A_2365, %get3A_2366] {strides = array<i32>} : memref<320x128xf32, #tpu.memory_space<vmem>>, vector<16xf32>,
        %mul3A_2368 = arith.mulf %get3A_1501, %get3A_2367 : vector<16xf32>
        %add3A_2369 = arith.addf %add3A_2364, %mul3A_2368 : vector<16xf32>
        %get3A_2370 = arith.index_cast %add3A_2345 : i32 to index
        %get3A_2371 = arith.constant 80 : index
        %get3A_2372 = tpu.vector_load %arg14[%get3A_2370, %get3A_2371] {strides = array<i32>} : memref<320x128xf32, #tpu.memory_space<vmem>>, vector<16xf32>,
        %mul3A_2373 = arith.mulf %get3A_1504, %get3A_2372 : vector<16xf32>
        %add3A_2374 = arith.addf %add3A_2369, %mul3A_2373 : vector<16xf32>
        %get3A_2375 = arith.index_cast %add3A_2345 : i32 to index
        %get3A_2376 = arith.constant 96 : index
        %get3A_2377 = tpu.vector_load %arg14[%get3A_2375, %get3A_2376] {strides = array<i32>} : memref<320x128xf32, #tpu.memory_space<vmem>>, vector<16xf32>,
        %mul3A_2378 = arith.mulf %get3A_1507, %get3A_2377 : vector<16xf32>
        %add3A_2379 = arith.addf %add3A_2374, %mul3A_2378 : vector<16xf32>
        %get3A_2380 = arith.index_cast %add3A_2345 : i32 to index
        %get3A_2381 = arith.constant 112 : index
        %get3A_2382 = tpu.vector_load %arg14[%get3A_2380, %get3A_2381] {strides = array<i32>} : memref<320x128xf32, #tpu.memory_space<vmem>>, vector<16xf32>,
        %mul3A_2383 = arith.mulf %get3A_1510, %get3A_2382 : vector<16xf32>
        %add3A_2384 = arith.addf %add3A_2379, %mul3A_2383 : vector<16xf32>
        %reduce_sum3A_2385 = arith.constant true
        %reduce_sum3A_2386 = vector.broadcast %reduce_sum3A_2385 : i1 to vector<16xi1>
        %reduce_sum3A_2387 = tpu.scan <sum>, %add3A_2384 masked %reduce_sum3A_2386 : vector<16xf32>, vector<16xi1> -> vector<16xf32>
        %reduce_sum3A_2388 = vector.extract %reduce_sum3A_2387[15] : f32 from vector<16xf32>
        %eq3A_2389 = arith.constant 0 : i32
        %eq3A_2390 = vector.broadcast %eq3A_2389 : i32 to vector<16xi32>
        %eq3A_2391 = arith.cmpi eq, %iota3A, %eq3A_2390 : vector<16xi32>
        %broadcast_in_dim3A_2392 = vector.broadcast %reduce_sum3A_2388 : f32 to vector<16xf32>
        %select_n3A_2393 = arith.select %eq3A_2391, %broadcast_in_dim3A_2392, %broadcast_in_dim3A_3 : vector<16xi1>, vector<16xf32>
        %mul3A_2394 = arith.constant 20 : i32
        %mul3A_2395 = arith.muli %scan3A_1487, %mul3A_2394 : i32
        %add3A_2396 = arith.constant 17 : i32
        %add3A_2397 = arith.addi %mul3A_2395, %add3A_2396 : i32
        %get3A_2398 = arith.index_cast %add3A_2397 : i32 to index
        %get3A_2399 = arith.constant 0 : index
        %get3A_2400 = tpu.vector_load %arg14[%get3A_2398, %get3A_2399] {strides = array<i32>} : memref<320x128xf32, #tpu.memory_space<vmem>>, vector<16xf32>,
        %mul3A_2401 = arith.mulf %get3A_1489, %get3A_2400 : vector<16xf32>
        %get3A_2402 = arith.index_cast %add3A_2397 : i32 to index
        %get3A_2403 = arith.constant 16 : index
        %get3A_2404 = tpu.vector_load %arg14[%get3A_2402, %get3A_2403] {strides = array<i32>} : memref<320x128xf32, #tpu.memory_space<vmem>>, vector<16xf32>,
        %mul3A_2405 = arith.mulf %get3A_1492, %get3A_2404 : vector<16xf32>
        %add3A_2406 = arith.addf %mul3A_2401, %mul3A_2405 : vector<16xf32>
        %get3A_2407 = arith.index_cast %add3A_2397 : i32 to index
        %get3A_2408 = arith.constant 32 : index
        %get3A_2409 = tpu.vector_load %arg14[%get3A_2407, %get3A_2408] {strides = array<i32>} : memref<320x128xf32, #tpu.memory_space<vmem>>, vector<16xf32>,
        %mul3A_2410 = arith.mulf %get3A_1495, %get3A_2409 : vector<16xf32>
        %add3A_2411 = arith.addf %add3A_2406, %mul3A_2410 : vector<16xf32>
        %get3A_2412 = arith.index_cast %add3A_2397 : i32 to index
        %get3A_2413 = arith.constant 48 : index
        %get3A_2414 = tpu.vector_load %arg14[%get3A_2412, %get3A_2413] {strides = array<i32>} : memref<320x128xf32, #tpu.memory_space<vmem>>, vector<16xf32>,
        %mul3A_2415 = arith.mulf %get3A_1498, %get3A_2414 : vector<16xf32>
        %add3A_2416 = arith.addf %add3A_2411, %mul3A_2415 : vector<16xf32>
        %get3A_2417 = arith.index_cast %add3A_2397 : i32 to index
        %get3A_2418 = arith.constant 64 : index
        %get3A_2419 = tpu.vector_load %arg14[%get3A_2417, %get3A_2418] {strides = array<i32>} : memref<320x128xf32, #tpu.memory_space<vmem>>, vector<16xf32>,
        %mul3A_2420 = arith.mulf %get3A_1501, %get3A_2419 : vector<16xf32>
        %add3A_2421 = arith.addf %add3A_2416, %mul3A_2420 : vector<16xf32>
        %get3A_2422 = arith.index_cast %add3A_2397 : i32 to index
        %get3A_2423 = arith.constant 80 : index
        %get3A_2424 = tpu.vector_load %arg14[%get3A_2422, %get3A_2423] {strides = array<i32>} : memref<320x128xf32, #tpu.memory_space<vmem>>, vector<16xf32>,
        %mul3A_2425 = arith.mulf %get3A_1504, %get3A_2424 : vector<16xf32>
        %add3A_2426 = arith.addf %add3A_2421, %mul3A_2425 : vector<16xf32>
        %get3A_2427 = arith.index_cast %add3A_2397 : i32 to index
        %get3A_2428 = arith.constant 96 : index
        %get3A_2429 = tpu.vector_load %arg14[%get3A_2427, %get3A_2428] {strides = array<i32>} : memref<320x128xf32, #tpu.memory_space<vmem>>, vector<16xf32>,
        %mul3A_2430 = arith.mulf %get3A_1507, %get3A_2429 : vector<16xf32>
        %add3A_2431 = arith.addf %add3A_2426, %mul3A_2430 : vector<16xf32>
        %get3A_2432 = arith.index_cast %add3A_2397 : i32 to index
        %get3A_2433 = arith.constant 112 : index
        %get3A_2434 = tpu.vector_load %arg14[%get3A_2432, %get3A_2433] {strides = array<i32>} : memref<320x128xf32, #tpu.memory_space<vmem>>, vector<16xf32>,
        %mul3A_2435 = arith.mulf %get3A_1510, %get3A_2434 : vector<16xf32>
        %add3A_2436 = arith.addf %add3A_2431, %mul3A_2435 : vector<16xf32>
        %reduce_sum3A_2437 = arith.constant true
        %reduce_sum3A_2438 = vector.broadcast %reduce_sum3A_2437 : i1 to vector<16xi1>
        %reduce_sum3A_2439 = tpu.scan <sum>, %add3A_2436 masked %reduce_sum3A_2438 : vector<16xf32>, vector<16xi1> -> vector<16xf32>
        %reduce_sum3A_2440 = vector.extract %reduce_sum3A_2439[15] : f32 from vector<16xf32>
        %eq3A_2441 = arith.constant 1 : i32
        %eq3A_2442 = vector.broadcast %eq3A_2441 : i32 to vector<16xi32>
        %eq3A_2443 = arith.cmpi eq, %iota3A, %eq3A_2442 : vector<16xi32>
        %broadcast_in_dim3A_2444 = vector.broadcast %reduce_sum3A_2440 : f32 to vector<16xf32>
        %select_n3A_2445 = arith.select %eq3A_2443, %broadcast_in_dim3A_2444, %select_n3A_2393 : vector<16xi1>, vector<16xf32>
        %mul3A_2446 = arith.constant 20 : i32
        %mul3A_2447 = arith.muli %scan3A_1487, %mul3A_2446 : i32
        %add3A_2448 = arith.constant 18 : i32
        %add3A_2449 = arith.addi %mul3A_2447, %add3A_2448 : i32
        %get3A_2450 = arith.index_cast %add3A_2449 : i32 to index
        %get3A_2451 = arith.constant 0 : index
        %get3A_2452 = tpu.vector_load %arg14[%get3A_2450, %get3A_2451] {strides = array<i32>} : memref<320x128xf32, #tpu.memory_space<vmem>>, vector<16xf32>,
        %mul3A_2453 = arith.mulf %get3A_1489, %get3A_2452 : vector<16xf32>
        %get3A_2454 = arith.index_cast %add3A_2449 : i32 to index
        %get3A_2455 = arith.constant 16 : index
        %get3A_2456 = tpu.vector_load %arg14[%get3A_2454, %get3A_2455] {strides = array<i32>} : memref<320x128xf32, #tpu.memory_space<vmem>>, vector<16xf32>,
        %mul3A_2457 = arith.mulf %get3A_1492, %get3A_2456 : vector<16xf32>
        %add3A_2458 = arith.addf %mul3A_2453, %mul3A_2457 : vector<16xf32>
        %get3A_2459 = arith.index_cast %add3A_2449 : i32 to index
        %get3A_2460 = arith.constant 32 : index
        %get3A_2461 = tpu.vector_load %arg14[%get3A_2459, %get3A_2460] {strides = array<i32>} : memref<320x128xf32, #tpu.memory_space<vmem>>, vector<16xf32>,
        %mul3A_2462 = arith.mulf %get3A_1495, %get3A_2461 : vector<16xf32>
        %add3A_2463 = arith.addf %add3A_2458, %mul3A_2462 : vector<16xf32>
        %get3A_2464 = arith.index_cast %add3A_2449 : i32 to index
        %get3A_2465 = arith.constant 48 : index
        %get3A_2466 = tpu.vector_load %arg14[%get3A_2464, %get3A_2465] {strides = array<i32>} : memref<320x128xf32, #tpu.memory_space<vmem>>, vector<16xf32>,
        %mul3A_2467 = arith.mulf %get3A_1498, %get3A_2466 : vector<16xf32>
        %add3A_2468 = arith.addf %add3A_2463, %mul3A_2467 : vector<16xf32>
        %get3A_2469 = arith.index_cast %add3A_2449 : i32 to index
        %get3A_2470 = arith.constant 64 : index
        %get3A_2471 = tpu.vector_load %arg14[%get3A_2469, %get3A_2470] {strides = array<i32>} : memref<320x128xf32, #tpu.memory_space<vmem>>, vector<16xf32>,
        %mul3A_2472 = arith.mulf %get3A_1501, %get3A_2471 : vector<16xf32>
        %add3A_2473 = arith.addf %add3A_2468, %mul3A_2472 : vector<16xf32>
        %get3A_2474 = arith.index_cast %add3A_2449 : i32 to index
        %get3A_2475 = arith.constant 80 : index
        %get3A_2476 = tpu.vector_load %arg14[%get3A_2474, %get3A_2475] {strides = array<i32>} : memref<320x128xf32, #tpu.memory_space<vmem>>, vector<16xf32>,
        %mul3A_2477 = arith.mulf %get3A_1504, %get3A_2476 : vector<16xf32>
        %add3A_2478 = arith.addf %add3A_2473, %mul3A_2477 : vector<16xf32>
        %get3A_2479 = arith.index_cast %add3A_2449 : i32 to index
        %get3A_2480 = arith.constant 96 : index
        %get3A_2481 = tpu.vector_load %arg14[%get3A_2479, %get3A_2480] {strides = array<i32>} : memref<320x128xf32, #tpu.memory_space<vmem>>, vector<16xf32>,
        %mul3A_2482 = arith.mulf %get3A_1507, %get3A_2481 : vector<16xf32>
        %add3A_2483 = arith.addf %add3A_2478, %mul3A_2482 : vector<16xf32>
        %get3A_2484 = arith.index_cast %add3A_2449 : i32 to index
        %get3A_2485 = arith.constant 112 : index
        %get3A_2486 = tpu.vector_load %arg14[%get3A_2484, %get3A_2485] {strides = array<i32>} : memref<320x128xf32, #tpu.memory_space<vmem>>, vector<16xf32>,
        %mul3A_2487 = arith.mulf %get3A_1510, %get3A_2486 : vector<16xf32>
        %add3A_2488 = arith.addf %add3A_2483, %mul3A_2487 : vector<16xf32>
        %reduce_sum3A_2489 = arith.constant true
        %reduce_sum3A_2490 = vector.broadcast %reduce_sum3A_2489 : i1 to vector<16xi1>
        %reduce_sum3A_2491 = tpu.scan <sum>, %add3A_2488 masked %reduce_sum3A_2490 : vector<16xf32>, vector<16xi1> -> vector<16xf32>
        %reduce_sum3A_2492 = vector.extract %reduce_sum3A_2491[15] : f32 from vector<16xf32>
        %eq3A_2493 = arith.constant 2 : i32
        %eq3A_2494 = vector.broadcast %eq3A_2493 : i32 to vector<16xi32>
        %eq3A_2495 = arith.cmpi eq, %iota3A, %eq3A_2494 : vector<16xi32>
        %broadcast_in_dim3A_2496 = vector.broadcast %reduce_sum3A_2492 : f32 to vector<16xf32>
        %select_n3A_2497 = arith.select %eq3A_2495, %broadcast_in_dim3A_2496, %select_n3A_2445 : vector<16xi1>, vector<16xf32>
        %mul3A_2498 = arith.constant 20 : i32
        %mul3A_2499 = arith.muli %scan3A_1487, %mul3A_2498 : i32
        %add3A_2500 = arith.constant 19 : i32
        %add3A_2501 = arith.addi %mul3A_2499, %add3A_2500 : i32
        %get3A_2502 = arith.index_cast %add3A_2501 : i32 to index
        %get3A_2503 = arith.constant 0 : index
        %get3A_2504 = tpu.vector_load %arg14[%get3A_2502, %get3A_2503] {strides = array<i32>} : memref<320x128xf32, #tpu.memory_space<vmem>>, vector<16xf32>,
        %mul3A_2505 = arith.mulf %get3A_1489, %get3A_2504 : vector<16xf32>
        %get3A_2506 = arith.index_cast %add3A_2501 : i32 to index
        %get3A_2507 = arith.constant 16 : index
        %get3A_2508 = tpu.vector_load %arg14[%get3A_2506, %get3A_2507] {strides = array<i32>} : memref<320x128xf32, #tpu.memory_space<vmem>>, vector<16xf32>,
        %mul3A_2509 = arith.mulf %get3A_1492, %get3A_2508 : vector<16xf32>
        %add3A_2510 = arith.addf %mul3A_2505, %mul3A_2509 : vector<16xf32>
        %get3A_2511 = arith.index_cast %add3A_2501 : i32 to index
        %get3A_2512 = arith.constant 32 : index
        %get3A_2513 = tpu.vector_load %arg14[%get3A_2511, %get3A_2512] {strides = array<i32>} : memref<320x128xf32, #tpu.memory_space<vmem>>, vector<16xf32>,
        %mul3A_2514 = arith.mulf %get3A_1495, %get3A_2513 : vector<16xf32>
        %add3A_2515 = arith.addf %add3A_2510, %mul3A_2514 : vector<16xf32>
        %get3A_2516 = arith.index_cast %add3A_2501 : i32 to index
        %get3A_2517 = arith.constant 48 : index
        %get3A_2518 = tpu.vector_load %arg14[%get3A_2516, %get3A_2517] {strides = array<i32>} : memref<320x128xf32, #tpu.memory_space<vmem>>, vector<16xf32>,
        %mul3A_2519 = arith.mulf %get3A_1498, %get3A_2518 : vector<16xf32>
        %add3A_2520 = arith.addf %add3A_2515, %mul3A_2519 : vector<16xf32>
        %get3A_2521 = arith.index_cast %add3A_2501 : i32 to index
        %get3A_2522 = arith.constant 64 : index
        %get3A_2523 = tpu.vector_load %arg14[%get3A_2521, %get3A_2522] {strides = array<i32>} : memref<320x128xf32, #tpu.memory_space<vmem>>, vector<16xf32>,
        %mul3A_2524 = arith.mulf %get3A_1501, %get3A_2523 : vector<16xf32>
        %add3A_2525 = arith.addf %add3A_2520, %mul3A_2524 : vector<16xf32>
        %get3A_2526 = arith.index_cast %add3A_2501 : i32 to index
        %get3A_2527 = arith.constant 80 : index
        %get3A_2528 = tpu.vector_load %arg14[%get3A_2526, %get3A_2527] {strides = array<i32>} : memref<320x128xf32, #tpu.memory_space<vmem>>, vector<16xf32>,
        %mul3A_2529 = arith.mulf %get3A_1504, %get3A_2528 : vector<16xf32>
        %add3A_2530 = arith.addf %add3A_2525, %mul3A_2529 : vector<16xf32>
        %get3A_2531 = arith.index_cast %add3A_2501 : i32 to index
        %get3A_2532 = arith.constant 96 : index
        %get3A_2533 = tpu.vector_load %arg14[%get3A_2531, %get3A_2532] {strides = array<i32>} : memref<320x128xf32, #tpu.memory_space<vmem>>, vector<16xf32>,
        %mul3A_2534 = arith.mulf %get3A_1507, %get3A_2533 : vector<16xf32>
        %add3A_2535 = arith.addf %add3A_2530, %mul3A_2534 : vector<16xf32>
        %get3A_2536 = arith.index_cast %add3A_2501 : i32 to index
        %get3A_2537 = arith.constant 112 : index
        %get3A_2538 = tpu.vector_load %arg14[%get3A_2536, %get3A_2537] {strides = array<i32>} : memref<320x128xf32, #tpu.memory_space<vmem>>, vector<16xf32>,
        %mul3A_2539 = arith.mulf %get3A_1510, %get3A_2538 : vector<16xf32>
        %add3A_2540 = arith.addf %add3A_2535, %mul3A_2539 : vector<16xf32>
        %reduce_sum3A_2541 = arith.constant true
        %reduce_sum3A_2542 = vector.broadcast %reduce_sum3A_2541 : i1 to vector<16xi1>
        %reduce_sum3A_2543 = tpu.scan <sum>, %add3A_2540 masked %reduce_sum3A_2542 : vector<16xf32>, vector<16xi1> -> vector<16xf32>
        %reduce_sum3A_2544 = vector.extract %reduce_sum3A_2543[15] : f32 from vector<16xf32>
        %eq3A_2545 = arith.constant 3 : i32
        %eq3A_2546 = vector.broadcast %eq3A_2545 : i32 to vector<16xi32>
        %eq3A_2547 = arith.cmpi eq, %iota3A, %eq3A_2546 : vector<16xi32>
        %broadcast_in_dim3A_2548 = vector.broadcast %reduce_sum3A_2544 : f32 to vector<16xf32>
        %select_n3A_2549 = arith.select %eq3A_2547, %broadcast_in_dim3A_2548, %select_n3A_2497 : vector<16xi1>, vector<16xf32>
        %mul3A_2550 = arith.constant 128 : i32
        %mul3A_2551 = arith.muli %scan3A_1487, %mul3A_2550 : i32
        %swap3A_2552 = arith.index_cast %mul3A_2551 : i32 to index
        %swap3A_2553 = tpu.vector_load %arg16[%swap3A_2552] {strides = array<i32>} : memref<2048xf32, #tpu.memory_space<vmem>>, vector<16xf32>,
        tpu.vector_store %arg16[%swap3A_2552], %select_n3A_2341 {strides = array<i32>} : memref<2048xf32, #tpu.memory_space<vmem>>, vector<16xf32>,
        %mul3A_2554 = arith.constant 128 : i32
        %mul3A_2555 = arith.muli %scan3A_1487, %mul3A_2554 : i32
        %add3A_2556 = arith.constant 16 : i32
        %add3A_2557 = arith.addi %mul3A_2555, %add3A_2556 : i32
        %swap3A_2558 = arith.index_cast %add3A_2557 : i32 to index
        %swap3A_2559 = tpu.vector_load %arg16[%swap3A_2558] {strides = array<i32>} : memref<2048xf32, #tpu.memory_space<vmem>>, vector<16xf32>,
        tpu.vector_store %arg16[%swap3A_2558], %select_n3A_2549 {strides = array<i32>} : memref<2048xf32, #tpu.memory_space<vmem>>, vector<16xf32>,
      }
      %scan3A_1433 = arith.constant 16 : i32
      %mul3A_1434 = arith.constant 16 : i32
      %mul3A_1435 = arith.muli %mul3A_1310, %mul3A_1434 : i32
      %add3A_1436 = arith.addi %mul3A_2, %mul3A_1435 : i32
      %mul3A_1437 = arith.constant 128 : i32
      %mul3A_1438 = arith.muli %add3A_1436, %mul3A_1437 : i32
      %dma_start3A_1439 = tpu.memref_slice %arg6[%mul3A_1438] : memref<2097152xf32, #tpu.memory_space<hbm>> -> memref<2048xf32, #tpu.memory_space<hbm>>
      %dma_start3A_1440 = tpu.memref_slice %arg6[%mul3A_1438] : memref<2097152xf32, #tpu.memory_space<hbm>> -> memref<2048xf32, #tpu.memory_space<hbm>>
      tpu.enqueue_dma source(%arg16 : memref<2048xf32, #tpu.memory_space<vmem>>) target(%dma_start3A_1440 : memref<2048xf32, #tpu.memory_space<hbm>>) target_semaphore(%arg22 : memref<!tpu.dma_semaphore, #tpu.memory_space<semaphore_mem>>)
      %add3A_1441 = arith.constant 2 : i32
      %add3A_1442 = arith.addi %mul3A_1310, %add3A_1441 : i32
      %lt3A_1443 = arith.constant 32 : i32
      %lt3A_1444 = arith.cmpi slt, %add3A_1442, %lt3A_1443 : i32
      %convert_element_type3A_1445 = arith.extui %lt3A_1444 : i1 to i32
      %cond3A_1446 = arith.constant 0 : i32
      %cond3A_1447 = arith.cmpi ne, %convert_element_type3A_1445, %cond3A_1446 : i32
      scf.if %cond3A_1447 {
        %add3A_1487 = arith.constant 2 : i32
        %add3A_1488 = arith.addi %mul3A_1310, %add3A_1487 : i32
        %dma_wait3A_1489 = arith.constant 0 : i32
        %dma_wait3A_1490 = tpu.memref_slice %arg3[%dma_wait3A_1489] : memref<2097152xi32, #tpu.memory_space<hbm>> -> memref<2048xi32, #tpu.memory_space<hbm>>
        %dma_wait3A_1491 = arith.constant 0 : i32
        %dma_wait3A_1492 = tpu.memref_slice %arg3[%dma_wait3A_1491] : memref<2097152xi32, #tpu.memory_space<hbm>> -> memref<2048xi32, #tpu.memory_space<hbm>>
        tpu.wait_dma2 semaphore(%arg18 : memref<!tpu.dma_semaphore, #tpu.memory_space<semaphore_mem>>) src(%dma_wait3A_1492 : memref<2048xi32, #tpu.memory_space<hbm>>) dst(%arg8 : memref<2048xi32, #tpu.memory_space<vmem>>)
        %gather3A_1493 = tpu.vector_load_idx %arg8[%add3A_53] : memref<2048xi32, #tpu.memory_space<vmem>>[vector<16xi32>], vector<16xi32>,
        %swap3A_1494 = arith.constant 0 : index
        %swap3A_1495 = tpu.vector_load %arg10[%swap3A_1494] {strides = array<i32>} : memref<320xi32, #tpu.memory_space<vmem>>, vector<16xi32>,
        tpu.vector_store %arg10[%swap3A_1494], %gather3A_1493 {strides = array<i32>} : memref<320xi32, #tpu.memory_space<vmem>>, vector<16xi32>,
        %gather3A_1496 = tpu.vector_load_idx %arg8[%add3A_113] : memref<2048xi32, #tpu.memory_space<vmem>>[vector<16xi32>], vector<16xi32>,
        %swap3A_1497 = arith.constant 16 : index
        %swap3A_1498 = tpu.vector_load %arg10[%swap3A_1497] {strides = array<i32>} : memref<320xi32, #tpu.memory_space<vmem>>, vector<16xi32>,
        tpu.vector_store %arg10[%swap3A_1497], %gather3A_1496 {strides = array<i32>} : memref<320xi32, #tpu.memory_space<vmem>>, vector<16xi32>,
        %gather3A_1499 = tpu.vector_load_idx %arg8[%add3A_173] : memref<2048xi32, #tpu.memory_space<vmem>>[vector<16xi32>], vector<16xi32>,
        %swap3A_1500 = arith.constant 32 : index
        %swap3A_1501 = tpu.vector_load %arg10[%swap3A_1500] {strides = array<i32>} : memref<320xi32, #tpu.memory_space<vmem>>, vector<16xi32>,
        tpu.vector_store %arg10[%swap3A_1500], %gather3A_1499 {strides = array<i32>} : memref<320xi32, #tpu.memory_space<vmem>>, vector<16xi32>,
        %gather3A_1502 = tpu.vector_load_idx %arg8[%add3A_233] : memref<2048xi32, #tpu.memory_space<vmem>>[vector<16xi32>], vector<16xi32>,
        %swap3A_1503 = arith.constant 48 : index
        %swap3A_1504 = tpu.vector_load %arg10[%swap3A_1503] {strides = array<i32>} : memref<320xi32, #tpu.memory_space<vmem>>, vector<16xi32>,
        tpu.vector_store %arg10[%swap3A_1503], %gather3A_1502 {strides = array<i32>} : memref<320xi32, #tpu.memory_space<vmem>>, vector<16xi32>,
        %gather3A_1505 = tpu.vector_load_idx %arg8[%add3A_293] : memref<2048xi32, #tpu.memory_space<vmem>>[vector<16xi32>], vector<16xi32>,
        %swap3A_1506 = arith.constant 64 : index
        %swap3A_1507 = tpu.vector_load %arg10[%swap3A_1506] {strides = array<i32>} : memref<320xi32, #tpu.memory_space<vmem>>, vector<16xi32>,
        tpu.vector_store %arg10[%swap3A_1506], %gather3A_1505 {strides = array<i32>} : memref<320xi32, #tpu.memory_space<vmem>>, vector<16xi32>,
        %gather3A_1508 = tpu.vector_load_idx %arg8[%add3A_353] : memref<2048xi32, #tpu.memory_space<vmem>>[vector<16xi32>], vector<16xi32>,
        %swap3A_1509 = arith.constant 80 : index
        %swap3A_1510 = tpu.vector_load %arg10[%swap3A_1509] {strides = array<i32>} : memref<320xi32, #tpu.memory_space<vmem>>, vector<16xi32>,
        tpu.vector_store %arg10[%swap3A_1509], %gather3A_1508 {strides = array<i32>} : memref<320xi32, #tpu.memory_space<vmem>>, vector<16xi32>,
        %gather3A_1511 = tpu.vector_load_idx %arg8[%add3A_413] : memref<2048xi32, #tpu.memory_space<vmem>>[vector<16xi32>], vector<16xi32>,
        %swap3A_1512 = arith.constant 96 : index
        %swap3A_1513 = tpu.vector_load %arg10[%swap3A_1512] {strides = array<i32>} : memref<320xi32, #tpu.memory_space<vmem>>, vector<16xi32>,
        tpu.vector_store %arg10[%swap3A_1512], %gather3A_1511 {strides = array<i32>} : memref<320xi32, #tpu.memory_space<vmem>>, vector<16xi32>,
        %gather3A_1514 = tpu.vector_load_idx %arg8[%add3A_473] : memref<2048xi32, #tpu.memory_space<vmem>>[vector<16xi32>], vector<16xi32>,
        %swap3A_1515 = arith.constant 112 : index
        %swap3A_1516 = tpu.vector_load %arg10[%swap3A_1515] {strides = array<i32>} : memref<320xi32, #tpu.memory_space<vmem>>, vector<16xi32>,
        tpu.vector_store %arg10[%swap3A_1515], %gather3A_1514 {strides = array<i32>} : memref<320xi32, #tpu.memory_space<vmem>>, vector<16xi32>,
        %gather3A_1517 = tpu.vector_load_idx %arg8[%add3A_533] : memref<2048xi32, #tpu.memory_space<vmem>>[vector<16xi32>], vector<16xi32>,
        %swap3A_1518 = arith.constant 128 : index
        %swap3A_1519 = tpu.vector_load %arg10[%swap3A_1518] {strides = array<i32>} : memref<320xi32, #tpu.memory_space<vmem>>, vector<16xi32>,
        tpu.vector_store %arg10[%swap3A_1518], %gather3A_1517 {strides = array<i32>} : memref<320xi32, #tpu.memory_space<vmem>>, vector<16xi32>,
        %gather3A_1520 = tpu.vector_load_idx %arg8[%add3A_593] : memref<2048xi32, #tpu.memory_space<vmem>>[vector<16xi32>], vector<16xi32>,
        %swap3A_1521 = arith.constant 144 : index
        %swap3A_1522 = tpu.vector_load %arg10[%swap3A_1521] {strides = array<i32>} : memref<320xi32, #tpu.memory_space<vmem>>, vector<16xi32>,
        tpu.vector_store %arg10[%swap3A_1521], %gather3A_1520 {strides = array<i32>} : memref<320xi32, #tpu.memory_space<vmem>>, vector<16xi32>,
        %gather3A_1523 = tpu.vector_load_idx %arg8[%add3A_653] : memref<2048xi32, #tpu.memory_space<vmem>>[vector<16xi32>], vector<16xi32>,
        %swap3A_1524 = arith.constant 160 : index
        %swap3A_1525 = tpu.vector_load %arg10[%swap3A_1524] {strides = array<i32>} : memref<320xi32, #tpu.memory_space<vmem>>, vector<16xi32>,
        tpu.vector_store %arg10[%swap3A_1524], %gather3A_1523 {strides = array<i32>} : memref<320xi32, #tpu.memory_space<vmem>>, vector<16xi32>,
        %gather3A_1526 = tpu.vector_load_idx %arg8[%add3A_713] : memref<2048xi32, #tpu.memory_space<vmem>>[vector<16xi32>], vector<16xi32>,
        %swap3A_1527 = arith.constant 176 : index
        %swap3A_1528 = tpu.vector_load %arg10[%swap3A_1527] {strides = array<i32>} : memref<320xi32, #tpu.memory_space<vmem>>, vector<16xi32>,
        tpu.vector_store %arg10[%swap3A_1527], %gather3A_1526 {strides = array<i32>} : memref<320xi32, #tpu.memory_space<vmem>>, vector<16xi32>,
        %gather3A_1529 = tpu.vector_load_idx %arg8[%add3A_773] : memref<2048xi32, #tpu.memory_space<vmem>>[vector<16xi32>], vector<16xi32>,
        %swap3A_1530 = arith.constant 192 : index
        %swap3A_1531 = tpu.vector_load %arg10[%swap3A_1530] {strides = array<i32>} : memref<320xi32, #tpu.memory_space<vmem>>, vector<16xi32>,
        tpu.vector_store %arg10[%swap3A_1530], %gather3A_1529 {strides = array<i32>} : memref<320xi32, #tpu.memory_space<vmem>>, vector<16xi32>,
        %gather3A_1532 = tpu.vector_load_idx %arg8[%add3A_833] : memref<2048xi32, #tpu.memory_space<vmem>>[vector<16xi32>], vector<16xi32>,
        %swap3A_1533 = arith.constant 208 : index
        %swap3A_1534 = tpu.vector_load %arg10[%swap3A_1533] {strides = array<i32>} : memref<320xi32, #tpu.memory_space<vmem>>, vector<16xi32>,
        tpu.vector_store %arg10[%swap3A_1533], %gather3A_1532 {strides = array<i32>} : memref<320xi32, #tpu.memory_space<vmem>>, vector<16xi32>,
        %gather3A_1535 = tpu.vector_load_idx %arg8[%add3A_893] : memref<2048xi32, #tpu.memory_space<vmem>>[vector<16xi32>], vector<16xi32>,
        %swap3A_1536 = arith.constant 224 : index
        %swap3A_1537 = tpu.vector_load %arg10[%swap3A_1536] {strides = array<i32>} : memref<320xi32, #tpu.memory_space<vmem>>, vector<16xi32>,
        tpu.vector_store %arg10[%swap3A_1536], %gather3A_1535 {strides = array<i32>} : memref<320xi32, #tpu.memory_space<vmem>>, vector<16xi32>,
        %gather3A_1538 = tpu.vector_load_idx %arg8[%add3A_953] : memref<2048xi32, #tpu.memory_space<vmem>>[vector<16xi32>], vector<16xi32>,
        %swap3A_1539 = arith.constant 240 : index
        %swap3A_1540 = tpu.vector_load %arg10[%swap3A_1539] {strides = array<i32>} : memref<320xi32, #tpu.memory_space<vmem>>, vector<16xi32>,
        tpu.vector_store %arg10[%swap3A_1539], %gather3A_1538 {strides = array<i32>} : memref<320xi32, #tpu.memory_space<vmem>>, vector<16xi32>,
        %gather3A_1541 = tpu.vector_load_idx %arg8[%add3A_1013] : memref<2048xi32, #tpu.memory_space<vmem>>[vector<16xi32>], vector<16xi32>,
        %swap3A_1542 = arith.constant 256 : index
        %swap3A_1543 = tpu.vector_load %arg10[%swap3A_1542] {strides = array<i32>} : memref<320xi32, #tpu.memory_space<vmem>>, vector<16xi32>,
        tpu.vector_store %arg10[%swap3A_1542], %gather3A_1541 {strides = array<i32>} : memref<320xi32, #tpu.memory_space<vmem>>, vector<16xi32>,
        %gather3A_1544 = tpu.vector_load_idx %arg8[%add3A_1073] : memref<2048xi32, #tpu.memory_space<vmem>>[vector<16xi32>], vector<16xi32>,
        %swap3A_1545 = arith.constant 272 : index
        %swap3A_1546 = tpu.vector_load %arg10[%swap3A_1545] {strides = array<i32>} : memref<320xi32, #tpu.memory_space<vmem>>, vector<16xi32>,
        tpu.vector_store %arg10[%swap3A_1545], %gather3A_1544 {strides = array<i32>} : memref<320xi32, #tpu.memory_space<vmem>>, vector<16xi32>,
        %gather3A_1547 = tpu.vector_load_idx %arg8[%add3A_1133] : memref<2048xi32, #tpu.memory_space<vmem>>[vector<16xi32>], vector<16xi32>,
        %swap3A_1548 = arith.constant 288 : index
        %swap3A_1549 = tpu.vector_load %arg10[%swap3A_1548] {strides = array<i32>} : memref<320xi32, #tpu.memory_space<vmem>>, vector<16xi32>,
        tpu.vector_store %arg10[%swap3A_1548], %gather3A_1547 {strides = array<i32>} : memref<320xi32, #tpu.memory_space<vmem>>, vector<16xi32>,
        %gather3A_1550 = tpu.vector_load_idx %arg8[%add3A_1193] : memref<2048xi32, #tpu.memory_space<vmem>>[vector<16xi32>], vector<16xi32>,
        %swap3A_1551 = arith.constant 304 : index
        %swap3A_1552 = tpu.vector_load %arg10[%swap3A_1551] {strides = array<i32>} : memref<320xi32, #tpu.memory_space<vmem>>, vector<16xi32>,
        tpu.vector_store %arg10[%swap3A_1551], %gather3A_1550 {strides = array<i32>} : memref<320xi32, #tpu.memory_space<vmem>>, vector<16xi32>,
        %mul3A_1553 = arith.constant 16 : i32
        %mul3A_1554 = arith.muli %add3A_1488, %mul3A_1553 : i32
        %dma_start3A_1555 = tpu.memref_slice %arg7[%mul3A_1554] : memref<512xi32, #tpu.memory_space<vmem>> -> memref<16xi32, #tpu.memory_space<vmem>>
        %dma_start3A_1556 = arith.constant 0 : i32
        %dma_start3A_1557 = arith.constant 0 : i32
        %dma_start3A_1558 = tpu.memref_slice %arg4[%dma_start3A_1556, %dma_start3A_1557] : memref<100000x128xf32, #tpu.memory_space<hbm>> -> memref<100000x128xf32, #tpu.memory_space<hbm>>
        tpu.enqueue_indirect_dma source(%dma_start3A_1558 : memref<100000x128xf32, #tpu.memory_space<hbm>>) target(%arg12 : memref<16x128xf32, #tpu.memory_space<vmem>>) offsets(%dma_start3A_1555 : memref<16xi32, #tpu.memory_space<vmem>>) semaphore(%arg20 : memref<!tpu.dma_semaphore, #tpu.memory_space<semaphore_mem>>)
        %dma_start3A_1559 = arith.constant 0 : i32
        %dma_start3A_1560 = arith.constant 0 : i32
        %dma_start3A_1561 = tpu.memref_slice %arg14[%dma_start3A_1559, %dma_start3A_1560] : memref<320x128xf32, #tpu.memory_space<vmem>> -> memref<128x128xf32, #tpu.memory_space<vmem>>
        %dma_start3A_1562 = arith.constant 0 : i32
        %dma_start3A_1563 = tpu.memref_slice %arg10[%dma_start3A_1562] : memref<320xi32, #tpu.memory_space<vmem>> -> memref<128xi32, #tpu.memory_space<vmem>>
        %dma_start3A_1564 = arith.constant 0 : i32
        %dma_start3A_1565 = arith.constant 0 : i32
        %dma_start3A_1566 = tpu.memref_slice %arg5[%dma_start3A_1564, %dma_start3A_1565] : memref<100000x128xf32, #tpu.memory_space<hbm>> -> memref<100000x128xf32, #tpu.memory_space<hbm>>
        tpu.enqueue_indirect_dma source(%dma_start3A_1566 : memref<100000x128xf32, #tpu.memory_space<hbm>>) target(%dma_start3A_1561 : memref<128x128xf32, #tpu.memory_space<vmem>>) offsets(%dma_start3A_1563 : memref<128xi32, #tpu.memory_space<vmem>>) semaphore(%arg20 : memref<!tpu.dma_semaphore, #tpu.memory_space<semaphore_mem>>)
        %dma_start3A_1567 = arith.constant 128 : i32
        %dma_start3A_1568 = arith.constant 0 : i32
        %dma_start3A_1569 = tpu.memref_slice %arg14[%dma_start3A_1567, %dma_start3A_1568] : memref<320x128xf32, #tpu.memory_space<vmem>> -> memref<128x128xf32, #tpu.memory_space<vmem>>
        %dma_start3A_1570 = arith.constant 128 : i32
        %dma_start3A_1571 = tpu.memref_slice %arg10[%dma_start3A_1570] : memref<320xi32, #tpu.memory_space<vmem>> -> memref<128xi32, #tpu.memory_space<vmem>>
        %dma_start3A_1572 = arith.constant 0 : i32
        %dma_start3A_1573 = arith.constant 0 : i32
        %dma_start3A_1574 = tpu.memref_slice %arg5[%dma_start3A_1572, %dma_start3A_1573] : memref<100000x128xf32, #tpu.memory_space<hbm>> -> memref<100000x128xf32, #tpu.memory_space<hbm>>
        tpu.enqueue_indirect_dma source(%dma_start3A_1574 : memref<100000x128xf32, #tpu.memory_space<hbm>>) target(%dma_start3A_1569 : memref<128x128xf32, #tpu.memory_space<vmem>>) offsets(%dma_start3A_1571 : memref<128xi32, #tpu.memory_space<vmem>>) semaphore(%arg20 : memref<!tpu.dma_semaphore, #tpu.memory_space<semaphore_mem>>)
        %dma_start3A_1575 = arith.constant 256 : i32
        %dma_start3A_1576 = arith.constant 0 : i32
        %dma_start3A_1577 = tpu.memref_slice %arg14[%dma_start3A_1575, %dma_start3A_1576] : memref<320x128xf32, #tpu.memory_space<vmem>> -> memref<64x128xf32, #tpu.memory_space<vmem>>
        %dma_start3A_1578 = arith.constant 256 : i32
        %dma_start3A_1579 = tpu.memref_slice %arg10[%dma_start3A_1578] : memref<320xi32, #tpu.memory_space<vmem>> -> memref<64xi32, #tpu.memory_space<vmem>>
        %dma_start3A_1580 = arith.constant 0 : i32
        %dma_start3A_1581 = arith.constant 0 : i32
        %dma_start3A_1582 = tpu.memref_slice %arg5[%dma_start3A_1580, %dma_start3A_1581] : memref<100000x128xf32, #tpu.memory_space<hbm>> -> memref<100000x128xf32, #tpu.memory_space<hbm>>
        tpu.enqueue_indirect_dma source(%dma_start3A_1582 : memref<100000x128xf32, #tpu.memory_space<hbm>>) target(%dma_start3A_1577 : memref<64x128xf32, #tpu.memory_space<vmem>>) offsets(%dma_start3A_1579 : memref<64xi32, #tpu.memory_space<vmem>>) semaphore(%arg20 : memref<!tpu.dma_semaphore, #tpu.memory_space<semaphore_mem>>)
      } else {
      }
      %add3A_1448 = arith.constant 3 : i32
      %add3A_1449 = arith.addi %mul3A_1310, %add3A_1448 : i32
      %lt3A_1450 = arith.constant 32 : i32
      %lt3A_1451 = arith.cmpi slt, %add3A_1449, %lt3A_1450 : i32
      %convert_element_type3A_1452 = arith.extui %lt3A_1451 : i1 to i32
      %cond3A_1453 = arith.constant 0 : i32
      %cond3A_1454 = arith.cmpi ne, %convert_element_type3A_1452, %cond3A_1453 : i32
      scf.if %cond3A_1454 {
        %add3A_1487 = arith.constant 3 : i32
        %add3A_1488 = arith.addi %mul3A_1310, %add3A_1487 : i32
        %mul3A_1489 = arith.constant 16 : i32
        %mul3A_1490 = arith.muli %add3A_1488, %mul3A_1489 : i32
        %add3A_1491 = arith.addi %mul3A_2, %mul3A_1490 : i32
        %mul3A_1492 = arith.constant 128 : i32
        %mul3A_1493 = arith.muli %add3A_1491, %mul3A_1492 : i32
        %dma_start3A_1494 = tpu.memref_slice %arg3[%mul3A_1493] : memref<2097152xi32, #tpu.memory_space<hbm>> -> memref<2048xi32, #tpu.memory_space<hbm>>
        %dma_start3A_1495 = tpu.memref_slice %arg3[%mul3A_1493] : memref<2097152xi32, #tpu.memory_space<hbm>> -> memref<2048xi32, #tpu.memory_space<hbm>>
        tpu.enqueue_dma source(%dma_start3A_1495 : memref<2048xi32, #tpu.memory_space<hbm>>) target(%arg9 : memref<2048xi32, #tpu.memory_space<vmem>>) target_semaphore(%arg19 : memref<!tpu.dma_semaphore, #tpu.memory_space<semaphore_mem>>)
      } else {
      }
      %add3A_1455 = arith.constant 1 : i32
      %add3A_1456 = arith.addi %mul3A_1310, %add3A_1455 : i32
      %dma_wait3A_1457 = arith.constant 0 : i32
      %dma_wait3A_1458 = arith.constant 0 : i32
      %dma_wait3A_1459 = tpu.memref_slice %arg4[%dma_wait3A_1457, %dma_wait3A_1458] : memref<100000x128xf32, #tpu.memory_space<hbm>> -> memref<16x128xf32, #tpu.memory_space<hbm>>
      %dma_wait3A_1460 = arith.constant 0 : i32
      %dma_wait3A_1461 = arith.constant 0 : i32
      %dma_wait3A_1462 = tpu.memref_slice %arg4[%dma_wait3A_1460, %dma_wait3A_1461] : memref<100000x128xf32, #tpu.memory_space<hbm>> -> memref<16x128xf32, #tpu.memory_space<hbm>>
      tpu.wait_dma2 semaphore(%arg21 : memref<!tpu.dma_semaphore, #tpu.memory_space<semaphore_mem>>) src(%dma_wait3A_1462 : memref<16x128xf32, #tpu.memory_space<hbm>>) dst(%arg13 : memref<16x128xf32, #tpu.memory_space<vmem>>)
      %dma_wait3A_1463 = arith.constant 0 : i32
      %dma_wait3A_1464 = arith.constant 0 : i32
      %dma_wait3A_1465 = tpu.memref_slice %arg5[%dma_wait3A_1463, %dma_wait3A_1464] : memref<100000x128xf32, #tpu.memory_space<hbm>> -> memref<320x128xf32, #tpu.memory_space<hbm>>
      %dma_wait3A_1466 = arith.constant 0 : i32
      %dma_wait3A_1467 = arith.constant 0 : i32
      %dma_wait3A_1468 = tpu.memref_slice %arg5[%dma_wait3A_1466, %dma_wait3A_1467] : memref<100000x128xf32, #tpu.memory_space<hbm>> -> memref<320x128xf32, #tpu.memory_space<hbm>>
      tpu.wait_dma2 semaphore(%arg21 : memref<!tpu.dma_semaphore, #tpu.memory_space<semaphore_mem>>) src(%dma_wait3A_1468 : memref<320x128xf32, #tpu.memory_space<hbm>>) dst(%arg15 : memref<320x128xf32, #tpu.memory_space<vmem>>)
      %gt3A_1469 = arith.constant 0 : i32
      %gt3A_1470 = arith.cmpi sgt, %scan3A_1308, %gt3A_1469 : i32
      %convert_element_type3A_1471 = arith.extui %gt3A_1470 : i1 to i32
      %cond3A_1472 = arith.constant 0 : i32
      %cond3A_1473 = arith.cmpi ne, %convert_element_type3A_1471, %cond3A_1472 : i32
      scf.if %cond3A_1473 {
        %dma_wait3A_1487 = arith.constant 0 : i32
        %dma_wait3A_1488 = tpu.memref_slice %arg6[%dma_wait3A_1487] : memref<2097152xf32, #tpu.memory_space<hbm>> -> memref<2048xf32, #tpu.memory_space<hbm>>
        %dma_wait3A_1489 = arith.constant 0 : i32
        %dma_wait3A_1490 = tpu.memref_slice %arg6[%dma_wait3A_1489] : memref<2097152xf32, #tpu.memory_space<hbm>> -> memref<2048xf32, #tpu.memory_space<hbm>>
        tpu.wait_dma2 semaphore(%arg23 : memref<!tpu.dma_semaphore, #tpu.memory_space<semaphore_mem>>) src(%arg17 : memref<2048xf32, #tpu.memory_space<vmem>>) dst(%dma_wait3A_1490 : memref<2048xf32, #tpu.memory_space<hbm>>)
      } else {
      }
      %scan3A_1474 = arith.constant 0 : i32
      %scan3A_1475 = arith.constant 0 : i32
      %scan3A_1476 = arith.constant 16 : i32
      %scan3A_1477 = arith.addi %scan3A_1475, %scan3A_1476 : i32
      %scan3A_1478 = arith.constant 1 : i32
      scf.for %scan3A_1487 = %scan3A_1475 to %scan3A_1477 step %scan3A_1478  : i32 {
        %get3A = arith.index_cast %scan3A_1487 : i32 to index
        %get3A_1488 = arith.constant 0 : index
        %get3A_1489 = tpu.vector_load %arg13[%get3A, %get3A_1488] {strides = array<i32>} : memref<16x128xf32, #tpu.memory_space<vmem>>, vector<16xf32>,
        %get3A_1490 = arith.index_cast %scan3A_1487 : i32 to index
        %get3A_1491 = arith.constant 16 : index
        %get3A_1492 = tpu.vector_load %arg13[%get3A_1490, %get3A_1491] {strides = array<i32>} : memref<16x128xf32, #tpu.memory_space<vmem>>, vector<16xf32>,
        %get3A_1493 = arith.index_cast %scan3A_1487 : i32 to index
        %get3A_1494 = arith.constant 32 : index
        %get3A_1495 = tpu.vector_load %arg13[%get3A_1493, %get3A_1494] {strides = array<i32>} : memref<16x128xf32, #tpu.memory_space<vmem>>, vector<16xf32>,
        %get3A_1496 = arith.index_cast %scan3A_1487 : i32 to index
        %get3A_1497 = arith.constant 48 : index
        %get3A_1498 = tpu.vector_load %arg13[%get3A_1496, %get3A_1497] {strides = array<i32>} : memref<16x128xf32, #tpu.memory_space<vmem>>, vector<16xf32>,
        %get3A_1499 = arith.index_cast %scan3A_1487 : i32 to index
        %get3A_1500 = arith.constant 64 : index
        %get3A_1501 = tpu.vector_load %arg13[%get3A_1499, %get3A_1500] {strides = array<i32>} : memref<16x128xf32, #tpu.memory_space<vmem>>, vector<16xf32>,
        %get3A_1502 = arith.index_cast %scan3A_1487 : i32 to index
        %get3A_1503 = arith.constant 80 : index
        %get3A_1504 = tpu.vector_load %arg13[%get3A_1502, %get3A_1503] {strides = array<i32>} : memref<16x128xf32, #tpu.memory_space<vmem>>, vector<16xf32>,
        %get3A_1505 = arith.index_cast %scan3A_1487 : i32 to index
        %get3A_1506 = arith.constant 96 : index
        %get3A_1507 = tpu.vector_load %arg13[%get3A_1505, %get3A_1506] {strides = array<i32>} : memref<16x128xf32, #tpu.memory_space<vmem>>, vector<16xf32>,
        %get3A_1508 = arith.index_cast %scan3A_1487 : i32 to index
        %get3A_1509 = arith.constant 112 : index
        %get3A_1510 = tpu.vector_load %arg13[%get3A_1508, %get3A_1509] {strides = array<i32>} : memref<16x128xf32, #tpu.memory_space<vmem>>, vector<16xf32>,
        %mul3A_1511 = arith.constant 20 : i32
        %mul3A_1512 = arith.muli %scan3A_1487, %mul3A_1511 : i32
        %add3A_1513 = arith.constant 0 : i32
        %add3A_1514 = arith.addi %mul3A_1512, %add3A_1513 : i32
        %get3A_1515 = arith.index_cast %add3A_1514 : i32 to index
        %get3A_1516 = arith.constant 0 : index
        %get3A_1517 = tpu.vector_load %arg15[%get3A_1515, %get3A_1516] {strides = array<i32>} : memref<320x128xf32, #tpu.memory_space<vmem>>, vector<16xf32>,
        %mul3A_1518 = arith.mulf %get3A_1489, %get3A_1517 : vector<16xf32>
        %get3A_1519 = arith.index_cast %add3A_1514 : i32 to index
        %get3A_1520 = arith.constant 16 : index
        %get3A_1521 = tpu.vector_load %arg15[%get3A_1519, %get3A_1520] {strides = array<i32>} : memref<320x128xf32, #tpu.memory_space<vmem>>, vector<16xf32>,
        %mul3A_1522 = arith.mulf %get3A_1492, %get3A_1521 : vector<16xf32>
        %add3A_1523 = arith.addf %mul3A_1518, %mul3A_1522 : vector<16xf32>
        %get3A_1524 = arith.index_cast %add3A_1514 : i32 to index
        %get3A_1525 = arith.constant 32 : index
        %get3A_1526 = tpu.vector_load %arg15[%get3A_1524, %get3A_1525] {strides = array<i32>} : memref<320x128xf32, #tpu.memory_space<vmem>>, vector<16xf32>,
        %mul3A_1527 = arith.mulf %get3A_1495, %get3A_1526 : vector<16xf32>
        %add3A_1528 = arith.addf %add3A_1523, %mul3A_1527 : vector<16xf32>
        %get3A_1529 = arith.index_cast %add3A_1514 : i32 to index
        %get3A_1530 = arith.constant 48 : index
        %get3A_1531 = tpu.vector_load %arg15[%get3A_1529, %get3A_1530] {strides = array<i32>} : memref<320x128xf32, #tpu.memory_space<vmem>>, vector<16xf32>,
        %mul3A_1532 = arith.mulf %get3A_1498, %get3A_1531 : vector<16xf32>
        %add3A_1533 = arith.addf %add3A_1528, %mul3A_1532 : vector<16xf32>
        %get3A_1534 = arith.index_cast %add3A_1514 : i32 to index
        %get3A_1535 = arith.constant 64 : index
        %get3A_1536 = tpu.vector_load %arg15[%get3A_1534, %get3A_1535] {strides = array<i32>} : memref<320x128xf32, #tpu.memory_space<vmem>>, vector<16xf32>,
        %mul3A_1537 = arith.mulf %get3A_1501, %get3A_1536 : vector<16xf32>
        %add3A_1538 = arith.addf %add3A_1533, %mul3A_1537 : vector<16xf32>
        %get3A_1539 = arith.index_cast %add3A_1514 : i32 to index
        %get3A_1540 = arith.constant 80 : index
        %get3A_1541 = tpu.vector_load %arg15[%get3A_1539, %get3A_1540] {strides = array<i32>} : memref<320x128xf32, #tpu.memory_space<vmem>>, vector<16xf32>,
        %mul3A_1542 = arith.mulf %get3A_1504, %get3A_1541 : vector<16xf32>
        %add3A_1543 = arith.addf %add3A_1538, %mul3A_1542 : vector<16xf32>
        %get3A_1544 = arith.index_cast %add3A_1514 : i32 to index
        %get3A_1545 = arith.constant 96 : index
        %get3A_1546 = tpu.vector_load %arg15[%get3A_1544, %get3A_1545] {strides = array<i32>} : memref<320x128xf32, #tpu.memory_space<vmem>>, vector<16xf32>,
        %mul3A_1547 = arith.mulf %get3A_1507, %get3A_1546 : vector<16xf32>
        %add3A_1548 = arith.addf %add3A_1543, %mul3A_1547 : vector<16xf32>
        %get3A_1549 = arith.index_cast %add3A_1514 : i32 to index
        %get3A_1550 = arith.constant 112 : index
        %get3A_1551 = tpu.vector_load %arg15[%get3A_1549, %get3A_1550] {strides = array<i32>} : memref<320x128xf32, #tpu.memory_space<vmem>>, vector<16xf32>,
        %mul3A_1552 = arith.mulf %get3A_1510, %get3A_1551 : vector<16xf32>
        %add3A_1553 = arith.addf %add3A_1548, %mul3A_1552 : vector<16xf32>
        %reduce_sum3A = arith.constant true
        %reduce_sum3A_1554 = vector.broadcast %reduce_sum3A : i1 to vector<16xi1>
        %reduce_sum3A_1555 = tpu.scan <sum>, %add3A_1553 masked %reduce_sum3A_1554 : vector<16xf32>, vector<16xi1> -> vector<16xf32>
        %reduce_sum3A_1556 = vector.extract %reduce_sum3A_1555[15] : f32 from vector<16xf32>
        %eq3A_1557 = arith.constant 0 : i32
        %eq3A_1558 = vector.broadcast %eq3A_1557 : i32 to vector<16xi32>
        %eq3A_1559 = arith.cmpi eq, %iota3A, %eq3A_1558 : vector<16xi32>
        %broadcast_in_dim3A_1560 = vector.broadcast %reduce_sum3A_1556 : f32 to vector<16xf32>
        %select_n3A_1561 = arith.select %eq3A_1559, %broadcast_in_dim3A_1560, %broadcast_in_dim3A_3 : vector<16xi1>, vector<16xf32>
        %mul3A_1562 = arith.constant 20 : i32
        %mul3A_1563 = arith.muli %scan3A_1487, %mul3A_1562 : i32
        %add3A_1564 = arith.constant 1 : i32
        %add3A_1565 = arith.addi %mul3A_1563, %add3A_1564 : i32
        %get3A_1566 = arith.index_cast %add3A_1565 : i32 to index
        %get3A_1567 = arith.constant 0 : index
        %get3A_1568 = tpu.vector_load %arg15[%get3A_1566, %get3A_1567] {strides = array<i32>} : memref<320x128xf32, #tpu.memory_space<vmem>>, vector<16xf32>,
        %mul3A_1569 = arith.mulf %get3A_1489, %get3A_1568 : vector<16xf32>
        %get3A_1570 = arith.index_cast %add3A_1565 : i32 to index
        %get3A_1571 = arith.constant 16 : index
        %get3A_1572 = tpu.vector_load %arg15[%get3A_1570, %get3A_1571] {strides = array<i32>} : memref<320x128xf32, #tpu.memory_space<vmem>>, vector<16xf32>,
        %mul3A_1573 = arith.mulf %get3A_1492, %get3A_1572 : vector<16xf32>
        %add3A_1574 = arith.addf %mul3A_1569, %mul3A_1573 : vector<16xf32>
        %get3A_1575 = arith.index_cast %add3A_1565 : i32 to index
        %get3A_1576 = arith.constant 32 : index
        %get3A_1577 = tpu.vector_load %arg15[%get3A_1575, %get3A_1576] {strides = array<i32>} : memref<320x128xf32, #tpu.memory_space<vmem>>, vector<16xf32>,
        %mul3A_1578 = arith.mulf %get3A_1495, %get3A_1577 : vector<16xf32>
        %add3A_1579 = arith.addf %add3A_1574, %mul3A_1578 : vector<16xf32>
        %get3A_1580 = arith.index_cast %add3A_1565 : i32 to index
        %get3A_1581 = arith.constant 48 : index
        %get3A_1582 = tpu.vector_load %arg15[%get3A_1580, %get3A_1581] {strides = array<i32>} : memref<320x128xf32, #tpu.memory_space<vmem>>, vector<16xf32>,
        %mul3A_1583 = arith.mulf %get3A_1498, %get3A_1582 : vector<16xf32>
        %add3A_1584 = arith.addf %add3A_1579, %mul3A_1583 : vector<16xf32>
        %get3A_1585 = arith.index_cast %add3A_1565 : i32 to index
        %get3A_1586 = arith.constant 64 : index
        %get3A_1587 = tpu.vector_load %arg15[%get3A_1585, %get3A_1586] {strides = array<i32>} : memref<320x128xf32, #tpu.memory_space<vmem>>, vector<16xf32>,
        %mul3A_1588 = arith.mulf %get3A_1501, %get3A_1587 : vector<16xf32>
        %add3A_1589 = arith.addf %add3A_1584, %mul3A_1588 : vector<16xf32>
        %get3A_1590 = arith.index_cast %add3A_1565 : i32 to index
        %get3A_1591 = arith.constant 80 : index
        %get3A_1592 = tpu.vector_load %arg15[%get3A_1590, %get3A_1591] {strides = array<i32>} : memref<320x128xf32, #tpu.memory_space<vmem>>, vector<16xf32>,
        %mul3A_1593 = arith.mulf %get3A_1504, %get3A_1592 : vector<16xf32>
        %add3A_1594 = arith.addf %add3A_1589, %mul3A_1593 : vector<16xf32>
        %get3A_1595 = arith.index_cast %add3A_1565 : i32 to index
        %get3A_1596 = arith.constant 96 : index
        %get3A_1597 = tpu.vector_load %arg15[%get3A_1595, %get3A_1596] {strides = array<i32>} : memref<320x128xf32, #tpu.memory_space<vmem>>, vector<16xf32>,
        %mul3A_1598 = arith.mulf %get3A_1507, %get3A_1597 : vector<16xf32>
        %add3A_1599 = arith.addf %add3A_1594, %mul3A_1598 : vector<16xf32>
        %get3A_1600 = arith.index_cast %add3A_1565 : i32 to index
        %get3A_1601 = arith.constant 112 : index
        %get3A_1602 = tpu.vector_load %arg15[%get3A_1600, %get3A_1601] {strides = array<i32>} : memref<320x128xf32, #tpu.memory_space<vmem>>, vector<16xf32>,
        %mul3A_1603 = arith.mulf %get3A_1510, %get3A_1602 : vector<16xf32>
        %add3A_1604 = arith.addf %add3A_1599, %mul3A_1603 : vector<16xf32>
        %reduce_sum3A_1605 = arith.constant true
        %reduce_sum3A_1606 = vector.broadcast %reduce_sum3A_1605 : i1 to vector<16xi1>
        %reduce_sum3A_1607 = tpu.scan <sum>, %add3A_1604 masked %reduce_sum3A_1606 : vector<16xf32>, vector<16xi1> -> vector<16xf32>
        %reduce_sum3A_1608 = vector.extract %reduce_sum3A_1607[15] : f32 from vector<16xf32>
        %eq3A_1609 = arith.constant 1 : i32
        %eq3A_1610 = vector.broadcast %eq3A_1609 : i32 to vector<16xi32>
        %eq3A_1611 = arith.cmpi eq, %iota3A, %eq3A_1610 : vector<16xi32>
        %broadcast_in_dim3A_1612 = vector.broadcast %reduce_sum3A_1608 : f32 to vector<16xf32>
        %select_n3A_1613 = arith.select %eq3A_1611, %broadcast_in_dim3A_1612, %select_n3A_1561 : vector<16xi1>, vector<16xf32>
        %mul3A_1614 = arith.constant 20 : i32
        %mul3A_1615 = arith.muli %scan3A_1487, %mul3A_1614 : i32
        %add3A_1616 = arith.constant 2 : i32
        %add3A_1617 = arith.addi %mul3A_1615, %add3A_1616 : i32
        %get3A_1618 = arith.index_cast %add3A_1617 : i32 to index
        %get3A_1619 = arith.constant 0 : index
        %get3A_1620 = tpu.vector_load %arg15[%get3A_1618, %get3A_1619] {strides = array<i32>} : memref<320x128xf32, #tpu.memory_space<vmem>>, vector<16xf32>,
        %mul3A_1621 = arith.mulf %get3A_1489, %get3A_1620 : vector<16xf32>
        %get3A_1622 = arith.index_cast %add3A_1617 : i32 to index
        %get3A_1623 = arith.constant 16 : index
        %get3A_1624 = tpu.vector_load %arg15[%get3A_1622, %get3A_1623] {strides = array<i32>} : memref<320x128xf32, #tpu.memory_space<vmem>>, vector<16xf32>,
        %mul3A_1625 = arith.mulf %get3A_1492, %get3A_1624 : vector<16xf32>
        %add3A_1626 = arith.addf %mul3A_1621, %mul3A_1625 : vector<16xf32>
        %get3A_1627 = arith.index_cast %add3A_1617 : i32 to index
        %get3A_1628 = arith.constant 32 : index
        %get3A_1629 = tpu.vector_load %arg15[%get3A_1627, %get3A_1628] {strides = array<i32>} : memref<320x128xf32, #tpu.memory_space<vmem>>, vector<16xf32>,
        %mul3A_1630 = arith.mulf %get3A_1495, %get3A_1629 : vector<16xf32>
        %add3A_1631 = arith.addf %add3A_1626, %mul3A_1630 : vector<16xf32>
        %get3A_1632 = arith.index_cast %add3A_1617 : i32 to index
        %get3A_1633 = arith.constant 48 : index
        %get3A_1634 = tpu.vector_load %arg15[%get3A_1632, %get3A_1633] {strides = array<i32>} : memref<320x128xf32, #tpu.memory_space<vmem>>, vector<16xf32>,
        %mul3A_1635 = arith.mulf %get3A_1498, %get3A_1634 : vector<16xf32>
        %add3A_1636 = arith.addf %add3A_1631, %mul3A_1635 : vector<16xf32>
        %get3A_1637 = arith.index_cast %add3A_1617 : i32 to index
        %get3A_1638 = arith.constant 64 : index
        %get3A_1639 = tpu.vector_load %arg15[%get3A_1637, %get3A_1638] {strides = array<i32>} : memref<320x128xf32, #tpu.memory_space<vmem>>, vector<16xf32>,
        %mul3A_1640 = arith.mulf %get3A_1501, %get3A_1639 : vector<16xf32>
        %add3A_1641 = arith.addf %add3A_1636, %mul3A_1640 : vector<16xf32>
        %get3A_1642 = arith.index_cast %add3A_1617 : i32 to index
        %get3A_1643 = arith.constant 80 : index
        %get3A_1644 = tpu.vector_load %arg15[%get3A_1642, %get3A_1643] {strides = array<i32>} : memref<320x128xf32, #tpu.memory_space<vmem>>, vector<16xf32>,
        %mul3A_1645 = arith.mulf %get3A_1504, %get3A_1644 : vector<16xf32>
        %add3A_1646 = arith.addf %add3A_1641, %mul3A_1645 : vector<16xf32>
        %get3A_1647 = arith.index_cast %add3A_1617 : i32 to index
        %get3A_1648 = arith.constant 96 : index
        %get3A_1649 = tpu.vector_load %arg15[%get3A_1647, %get3A_1648] {strides = array<i32>} : memref<320x128xf32, #tpu.memory_space<vmem>>, vector<16xf32>,
        %mul3A_1650 = arith.mulf %get3A_1507, %get3A_1649 : vector<16xf32>
        %add3A_1651 = arith.addf %add3A_1646, %mul3A_1650 : vector<16xf32>
        %get3A_1652 = arith.index_cast %add3A_1617 : i32 to index
        %get3A_1653 = arith.constant 112 : index
        %get3A_1654 = tpu.vector_load %arg15[%get3A_1652, %get3A_1653] {strides = array<i32>} : memref<320x128xf32, #tpu.memory_space<vmem>>, vector<16xf32>,
        %mul3A_1655 = arith.mulf %get3A_1510, %get3A_1654 : vector<16xf32>
        %add3A_1656 = arith.addf %add3A_1651, %mul3A_1655 : vector<16xf32>
        %reduce_sum3A_1657 = arith.constant true
        %reduce_sum3A_1658 = vector.broadcast %reduce_sum3A_1657 : i1 to vector<16xi1>
        %reduce_sum3A_1659 = tpu.scan <sum>, %add3A_1656 masked %reduce_sum3A_1658 : vector<16xf32>, vector<16xi1> -> vector<16xf32>
        %reduce_sum3A_1660 = vector.extract %reduce_sum3A_1659[15] : f32 from vector<16xf32>
        %eq3A_1661 = arith.constant 2 : i32
        %eq3A_1662 = vector.broadcast %eq3A_1661 : i32 to vector<16xi32>
        %eq3A_1663 = arith.cmpi eq, %iota3A, %eq3A_1662 : vector<16xi32>
        %broadcast_in_dim3A_1664 = vector.broadcast %reduce_sum3A_1660 : f32 to vector<16xf32>
        %select_n3A_1665 = arith.select %eq3A_1663, %broadcast_in_dim3A_1664, %select_n3A_1613 : vector<16xi1>, vector<16xf32>
        %mul3A_1666 = arith.constant 20 : i32
        %mul3A_1667 = arith.muli %scan3A_1487, %mul3A_1666 : i32
        %add3A_1668 = arith.constant 3 : i32
        %add3A_1669 = arith.addi %mul3A_1667, %add3A_1668 : i32
        %get3A_1670 = arith.index_cast %add3A_1669 : i32 to index
        %get3A_1671 = arith.constant 0 : index
        %get3A_1672 = tpu.vector_load %arg15[%get3A_1670, %get3A_1671] {strides = array<i32>} : memref<320x128xf32, #tpu.memory_space<vmem>>, vector<16xf32>,
        %mul3A_1673 = arith.mulf %get3A_1489, %get3A_1672 : vector<16xf32>
        %get3A_1674 = arith.index_cast %add3A_1669 : i32 to index
        %get3A_1675 = arith.constant 16 : index
        %get3A_1676 = tpu.vector_load %arg15[%get3A_1674, %get3A_1675] {strides = array<i32>} : memref<320x128xf32, #tpu.memory_space<vmem>>, vector<16xf32>,
        %mul3A_1677 = arith.mulf %get3A_1492, %get3A_1676 : vector<16xf32>
        %add3A_1678 = arith.addf %mul3A_1673, %mul3A_1677 : vector<16xf32>
        %get3A_1679 = arith.index_cast %add3A_1669 : i32 to index
        %get3A_1680 = arith.constant 32 : index
        %get3A_1681 = tpu.vector_load %arg15[%get3A_1679, %get3A_1680] {strides = array<i32>} : memref<320x128xf32, #tpu.memory_space<vmem>>, vector<16xf32>,
        %mul3A_1682 = arith.mulf %get3A_1495, %get3A_1681 : vector<16xf32>
        %add3A_1683 = arith.addf %add3A_1678, %mul3A_1682 : vector<16xf32>
        %get3A_1684 = arith.index_cast %add3A_1669 : i32 to index
        %get3A_1685 = arith.constant 48 : index
        %get3A_1686 = tpu.vector_load %arg15[%get3A_1684, %get3A_1685] {strides = array<i32>} : memref<320x128xf32, #tpu.memory_space<vmem>>, vector<16xf32>,
        %mul3A_1687 = arith.mulf %get3A_1498, %get3A_1686 : vector<16xf32>
        %add3A_1688 = arith.addf %add3A_1683, %mul3A_1687 : vector<16xf32>
        %get3A_1689 = arith.index_cast %add3A_1669 : i32 to index
        %get3A_1690 = arith.constant 64 : index
        %get3A_1691 = tpu.vector_load %arg15[%get3A_1689, %get3A_1690] {strides = array<i32>} : memref<320x128xf32, #tpu.memory_space<vmem>>, vector<16xf32>,
        %mul3A_1692 = arith.mulf %get3A_1501, %get3A_1691 : vector<16xf32>
        %add3A_1693 = arith.addf %add3A_1688, %mul3A_1692 : vector<16xf32>
        %get3A_1694 = arith.index_cast %add3A_1669 : i32 to index
        %get3A_1695 = arith.constant 80 : index
        %get3A_1696 = tpu.vector_load %arg15[%get3A_1694, %get3A_1695] {strides = array<i32>} : memref<320x128xf32, #tpu.memory_space<vmem>>, vector<16xf32>,
        %mul3A_1697 = arith.mulf %get3A_1504, %get3A_1696 : vector<16xf32>
        %add3A_1698 = arith.addf %add3A_1693, %mul3A_1697 : vector<16xf32>
        %get3A_1699 = arith.index_cast %add3A_1669 : i32 to index
        %get3A_1700 = arith.constant 96 : index
        %get3A_1701 = tpu.vector_load %arg15[%get3A_1699, %get3A_1700] {strides = array<i32>} : memref<320x128xf32, #tpu.memory_space<vmem>>, vector<16xf32>,
        %mul3A_1702 = arith.mulf %get3A_1507, %get3A_1701 : vector<16xf32>
        %add3A_1703 = arith.addf %add3A_1698, %mul3A_1702 : vector<16xf32>
        %get3A_1704 = arith.index_cast %add3A_1669 : i32 to index
        %get3A_1705 = arith.constant 112 : index
        %get3A_1706 = tpu.vector_load %arg15[%get3A_1704, %get3A_1705] {strides = array<i32>} : memref<320x128xf32, #tpu.memory_space<vmem>>, vector<16xf32>,
        %mul3A_1707 = arith.mulf %get3A_1510, %get3A_1706 : vector<16xf32>
        %add3A_1708 = arith.addf %add3A_1703, %mul3A_1707 : vector<16xf32>
        %reduce_sum3A_1709 = arith.constant true
        %reduce_sum3A_1710 = vector.broadcast %reduce_sum3A_1709 : i1 to vector<16xi1>
        %reduce_sum3A_1711 = tpu.scan <sum>, %add3A_1708 masked %reduce_sum3A_1710 : vector<16xf32>, vector<16xi1> -> vector<16xf32>
        %reduce_sum3A_1712 = vector.extract %reduce_sum3A_1711[15] : f32 from vector<16xf32>
        %eq3A_1713 = arith.constant 3 : i32
        %eq3A_1714 = vector.broadcast %eq3A_1713 : i32 to vector<16xi32>
        %eq3A_1715 = arith.cmpi eq, %iota3A, %eq3A_1714 : vector<16xi32>
        %broadcast_in_dim3A_1716 = vector.broadcast %reduce_sum3A_1712 : f32 to vector<16xf32>
        %select_n3A_1717 = arith.select %eq3A_1715, %broadcast_in_dim3A_1716, %select_n3A_1665 : vector<16xi1>, vector<16xf32>
        %mul3A_1718 = arith.constant 20 : i32
        %mul3A_1719 = arith.muli %scan3A_1487, %mul3A_1718 : i32
        %add3A_1720 = arith.constant 4 : i32
        %add3A_1721 = arith.addi %mul3A_1719, %add3A_1720 : i32
        %get3A_1722 = arith.index_cast %add3A_1721 : i32 to index
        %get3A_1723 = arith.constant 0 : index
        %get3A_1724 = tpu.vector_load %arg15[%get3A_1722, %get3A_1723] {strides = array<i32>} : memref<320x128xf32, #tpu.memory_space<vmem>>, vector<16xf32>,
        %mul3A_1725 = arith.mulf %get3A_1489, %get3A_1724 : vector<16xf32>
        %get3A_1726 = arith.index_cast %add3A_1721 : i32 to index
        %get3A_1727 = arith.constant 16 : index
        %get3A_1728 = tpu.vector_load %arg15[%get3A_1726, %get3A_1727] {strides = array<i32>} : memref<320x128xf32, #tpu.memory_space<vmem>>, vector<16xf32>,
        %mul3A_1729 = arith.mulf %get3A_1492, %get3A_1728 : vector<16xf32>
        %add3A_1730 = arith.addf %mul3A_1725, %mul3A_1729 : vector<16xf32>
        %get3A_1731 = arith.index_cast %add3A_1721 : i32 to index
        %get3A_1732 = arith.constant 32 : index
        %get3A_1733 = tpu.vector_load %arg15[%get3A_1731, %get3A_1732] {strides = array<i32>} : memref<320x128xf32, #tpu.memory_space<vmem>>, vector<16xf32>,
        %mul3A_1734 = arith.mulf %get3A_1495, %get3A_1733 : vector<16xf32>
        %add3A_1735 = arith.addf %add3A_1730, %mul3A_1734 : vector<16xf32>
        %get3A_1736 = arith.index_cast %add3A_1721 : i32 to index
        %get3A_1737 = arith.constant 48 : index
        %get3A_1738 = tpu.vector_load %arg15[%get3A_1736, %get3A_1737] {strides = array<i32>} : memref<320x128xf32, #tpu.memory_space<vmem>>, vector<16xf32>,
        %mul3A_1739 = arith.mulf %get3A_1498, %get3A_1738 : vector<16xf32>
        %add3A_1740 = arith.addf %add3A_1735, %mul3A_1739 : vector<16xf32>
        %get3A_1741 = arith.index_cast %add3A_1721 : i32 to index
        %get3A_1742 = arith.constant 64 : index
        %get3A_1743 = tpu.vector_load %arg15[%get3A_1741, %get3A_1742] {strides = array<i32>} : memref<320x128xf32, #tpu.memory_space<vmem>>, vector<16xf32>,
        %mul3A_1744 = arith.mulf %get3A_1501, %get3A_1743 : vector<16xf32>
        %add3A_1745 = arith.addf %add3A_1740, %mul3A_1744 : vector<16xf32>
        %get3A_1746 = arith.index_cast %add3A_1721 : i32 to index
        %get3A_1747 = arith.constant 80 : index
        %get3A_1748 = tpu.vector_load %arg15[%get3A_1746, %get3A_1747] {strides = array<i32>} : memref<320x128xf32, #tpu.memory_space<vmem>>, vector<16xf32>,
        %mul3A_1749 = arith.mulf %get3A_1504, %get3A_1748 : vector<16xf32>
        %add3A_1750 = arith.addf %add3A_1745, %mul3A_1749 : vector<16xf32>
        %get3A_1751 = arith.index_cast %add3A_1721 : i32 to index
        %get3A_1752 = arith.constant 96 : index
        %get3A_1753 = tpu.vector_load %arg15[%get3A_1751, %get3A_1752] {strides = array<i32>} : memref<320x128xf32, #tpu.memory_space<vmem>>, vector<16xf32>,
        %mul3A_1754 = arith.mulf %get3A_1507, %get3A_1753 : vector<16xf32>
        %add3A_1755 = arith.addf %add3A_1750, %mul3A_1754 : vector<16xf32>
        %get3A_1756 = arith.index_cast %add3A_1721 : i32 to index
        %get3A_1757 = arith.constant 112 : index
        %get3A_1758 = tpu.vector_load %arg15[%get3A_1756, %get3A_1757] {strides = array<i32>} : memref<320x128xf32, #tpu.memory_space<vmem>>, vector<16xf32>,
        %mul3A_1759 = arith.mulf %get3A_1510, %get3A_1758 : vector<16xf32>
        %add3A_1760 = arith.addf %add3A_1755, %mul3A_1759 : vector<16xf32>
        %reduce_sum3A_1761 = arith.constant true
        %reduce_sum3A_1762 = vector.broadcast %reduce_sum3A_1761 : i1 to vector<16xi1>
        %reduce_sum3A_1763 = tpu.scan <sum>, %add3A_1760 masked %reduce_sum3A_1762 : vector<16xf32>, vector<16xi1> -> vector<16xf32>
        %reduce_sum3A_1764 = vector.extract %reduce_sum3A_1763[15] : f32 from vector<16xf32>
        %eq3A_1765 = arith.constant 4 : i32
        %eq3A_1766 = vector.broadcast %eq3A_1765 : i32 to vector<16xi32>
        %eq3A_1767 = arith.cmpi eq, %iota3A, %eq3A_1766 : vector<16xi32>
        %broadcast_in_dim3A_1768 = vector.broadcast %reduce_sum3A_1764 : f32 to vector<16xf32>
        %select_n3A_1769 = arith.select %eq3A_1767, %broadcast_in_dim3A_1768, %select_n3A_1717 : vector<16xi1>, vector<16xf32>
        %mul3A_1770 = arith.constant 20 : i32
        %mul3A_1771 = arith.muli %scan3A_1487, %mul3A_1770 : i32
        %add3A_1772 = arith.constant 5 : i32
        %add3A_1773 = arith.addi %mul3A_1771, %add3A_1772 : i32
        %get3A_1774 = arith.index_cast %add3A_1773 : i32 to index
        %get3A_1775 = arith.constant 0 : index
        %get3A_1776 = tpu.vector_load %arg15[%get3A_1774, %get3A_1775] {strides = array<i32>} : memref<320x128xf32, #tpu.memory_space<vmem>>, vector<16xf32>,
        %mul3A_1777 = arith.mulf %get3A_1489, %get3A_1776 : vector<16xf32>
        %get3A_1778 = arith.index_cast %add3A_1773 : i32 to index
        %get3A_1779 = arith.constant 16 : index
        %get3A_1780 = tpu.vector_load %arg15[%get3A_1778, %get3A_1779] {strides = array<i32>} : memref<320x128xf32, #tpu.memory_space<vmem>>, vector<16xf32>,
        %mul3A_1781 = arith.mulf %get3A_1492, %get3A_1780 : vector<16xf32>
        %add3A_1782 = arith.addf %mul3A_1777, %mul3A_1781 : vector<16xf32>
        %get3A_1783 = arith.index_cast %add3A_1773 : i32 to index
        %get3A_1784 = arith.constant 32 : index
        %get3A_1785 = tpu.vector_load %arg15[%get3A_1783, %get3A_1784] {strides = array<i32>} : memref<320x128xf32, #tpu.memory_space<vmem>>, vector<16xf32>,
        %mul3A_1786 = arith.mulf %get3A_1495, %get3A_1785 : vector<16xf32>
        %add3A_1787 = arith.addf %add3A_1782, %mul3A_1786 : vector<16xf32>
        %get3A_1788 = arith.index_cast %add3A_1773 : i32 to index
        %get3A_1789 = arith.constant 48 : index
        %get3A_1790 = tpu.vector_load %arg15[%get3A_1788, %get3A_1789] {strides = array<i32>} : memref<320x128xf32, #tpu.memory_space<vmem>>, vector<16xf32>,
        %mul3A_1791 = arith.mulf %get3A_1498, %get3A_1790 : vector<16xf32>
        %add3A_1792 = arith.addf %add3A_1787, %mul3A_1791 : vector<16xf32>
        %get3A_1793 = arith.index_cast %add3A_1773 : i32 to index
        %get3A_1794 = arith.constant 64 : index
        %get3A_1795 = tpu.vector_load %arg15[%get3A_1793, %get3A_1794] {strides = array<i32>} : memref<320x128xf32, #tpu.memory_space<vmem>>, vector<16xf32>,
        %mul3A_1796 = arith.mulf %get3A_1501, %get3A_1795 : vector<16xf32>
        %add3A_1797 = arith.addf %add3A_1792, %mul3A_1796 : vector<16xf32>
        %get3A_1798 = arith.index_cast %add3A_1773 : i32 to index
        %get3A_1799 = arith.constant 80 : index
        %get3A_1800 = tpu.vector_load %arg15[%get3A_1798, %get3A_1799] {strides = array<i32>} : memref<320x128xf32, #tpu.memory_space<vmem>>, vector<16xf32>,
        %mul3A_1801 = arith.mulf %get3A_1504, %get3A_1800 : vector<16xf32>
        %add3A_1802 = arith.addf %add3A_1797, %mul3A_1801 : vector<16xf32>
        %get3A_1803 = arith.index_cast %add3A_1773 : i32 to index
        %get3A_1804 = arith.constant 96 : index
        %get3A_1805 = tpu.vector_load %arg15[%get3A_1803, %get3A_1804] {strides = array<i32>} : memref<320x128xf32, #tpu.memory_space<vmem>>, vector<16xf32>,
        %mul3A_1806 = arith.mulf %get3A_1507, %get3A_1805 : vector<16xf32>
        %add3A_1807 = arith.addf %add3A_1802, %mul3A_1806 : vector<16xf32>
        %get3A_1808 = arith.index_cast %add3A_1773 : i32 to index
        %get3A_1809 = arith.constant 112 : index
        %get3A_1810 = tpu.vector_load %arg15[%get3A_1808, %get3A_1809] {strides = array<i32>} : memref<320x128xf32, #tpu.memory_space<vmem>>, vector<16xf32>,
        %mul3A_1811 = arith.mulf %get3A_1510, %get3A_1810 : vector<16xf32>
        %add3A_1812 = arith.addf %add3A_1807, %mul3A_1811 : vector<16xf32>
        %reduce_sum3A_1813 = arith.constant true
        %reduce_sum3A_1814 = vector.broadcast %reduce_sum3A_1813 : i1 to vector<16xi1>
        %reduce_sum3A_1815 = tpu.scan <sum>, %add3A_1812 masked %reduce_sum3A_1814 : vector<16xf32>, vector<16xi1> -> vector<16xf32>
        %reduce_sum3A_1816 = vector.extract %reduce_sum3A_1815[15] : f32 from vector<16xf32>
        %eq3A_1817 = arith.constant 5 : i32
        %eq3A_1818 = vector.broadcast %eq3A_1817 : i32 to vector<16xi32>
        %eq3A_1819 = arith.cmpi eq, %iota3A, %eq3A_1818 : vector<16xi32>
        %broadcast_in_dim3A_1820 = vector.broadcast %reduce_sum3A_1816 : f32 to vector<16xf32>
        %select_n3A_1821 = arith.select %eq3A_1819, %broadcast_in_dim3A_1820, %select_n3A_1769 : vector<16xi1>, vector<16xf32>
        %mul3A_1822 = arith.constant 20 : i32
        %mul3A_1823 = arith.muli %scan3A_1487, %mul3A_1822 : i32
        %add3A_1824 = arith.constant 6 : i32
        %add3A_1825 = arith.addi %mul3A_1823, %add3A_1824 : i32
        %get3A_1826 = arith.index_cast %add3A_1825 : i32 to index
        %get3A_1827 = arith.constant 0 : index
        %get3A_1828 = tpu.vector_load %arg15[%get3A_1826, %get3A_1827] {strides = array<i32>} : memref<320x128xf32, #tpu.memory_space<vmem>>, vector<16xf32>,
        %mul3A_1829 = arith.mulf %get3A_1489, %get3A_1828 : vector<16xf32>
        %get3A_1830 = arith.index_cast %add3A_1825 : i32 to index
        %get3A_1831 = arith.constant 16 : index
        %get3A_1832 = tpu.vector_load %arg15[%get3A_1830, %get3A_1831] {strides = array<i32>} : memref<320x128xf32, #tpu.memory_space<vmem>>, vector<16xf32>,
        %mul3A_1833 = arith.mulf %get3A_1492, %get3A_1832 : vector<16xf32>
        %add3A_1834 = arith.addf %mul3A_1829, %mul3A_1833 : vector<16xf32>
        %get3A_1835 = arith.index_cast %add3A_1825 : i32 to index
        %get3A_1836 = arith.constant 32 : index
        %get3A_1837 = tpu.vector_load %arg15[%get3A_1835, %get3A_1836] {strides = array<i32>} : memref<320x128xf32, #tpu.memory_space<vmem>>, vector<16xf32>,
        %mul3A_1838 = arith.mulf %get3A_1495, %get3A_1837 : vector<16xf32>
        %add3A_1839 = arith.addf %add3A_1834, %mul3A_1838 : vector<16xf32>
        %get3A_1840 = arith.index_cast %add3A_1825 : i32 to index
        %get3A_1841 = arith.constant 48 : index
        %get3A_1842 = tpu.vector_load %arg15[%get3A_1840, %get3A_1841] {strides = array<i32>} : memref<320x128xf32, #tpu.memory_space<vmem>>, vector<16xf32>,
        %mul3A_1843 = arith.mulf %get3A_1498, %get3A_1842 : vector<16xf32>
        %add3A_1844 = arith.addf %add3A_1839, %mul3A_1843 : vector<16xf32>
        %get3A_1845 = arith.index_cast %add3A_1825 : i32 to index
        %get3A_1846 = arith.constant 64 : index
        %get3A_1847 = tpu.vector_load %arg15[%get3A_1845, %get3A_1846] {strides = array<i32>} : memref<320x128xf32, #tpu.memory_space<vmem>>, vector<16xf32>,
        %mul3A_1848 = arith.mulf %get3A_1501, %get3A_1847 : vector<16xf32>
        %add3A_1849 = arith.addf %add3A_1844, %mul3A_1848 : vector<16xf32>
        %get3A_1850 = arith.index_cast %add3A_1825 : i32 to index
        %get3A_1851 = arith.constant 80 : index
        %get3A_1852 = tpu.vector_load %arg15[%get3A_1850, %get3A_1851] {strides = array<i32>} : memref<320x128xf32, #tpu.memory_space<vmem>>, vector<16xf32>,
        %mul3A_1853 = arith.mulf %get3A_1504, %get3A_1852 : vector<16xf32>
        %add3A_1854 = arith.addf %add3A_1849, %mul3A_1853 : vector<16xf32>
        %get3A_1855 = arith.index_cast %add3A_1825 : i32 to index
        %get3A_1856 = arith.constant 96 : index
        %get3A_1857 = tpu.vector_load %arg15[%get3A_1855, %get3A_1856] {strides = array<i32>} : memref<320x128xf32, #tpu.memory_space<vmem>>, vector<16xf32>,
        %mul3A_1858 = arith.mulf %get3A_1507, %get3A_1857 : vector<16xf32>
        %add3A_1859 = arith.addf %add3A_1854, %mul3A_1858 : vector<16xf32>
        %get3A_1860 = arith.index_cast %add3A_1825 : i32 to index
        %get3A_1861 = arith.constant 112 : index
        %get3A_1862 = tpu.vector_load %arg15[%get3A_1860, %get3A_1861] {strides = array<i32>} : memref<320x128xf32, #tpu.memory_space<vmem>>, vector<16xf32>,
        %mul3A_1863 = arith.mulf %get3A_1510, %get3A_1862 : vector<16xf32>
        %add3A_1864 = arith.addf %add3A_1859, %mul3A_1863 : vector<16xf32>
        %reduce_sum3A_1865 = arith.constant true
        %reduce_sum3A_1866 = vector.broadcast %reduce_sum3A_1865 : i1 to vector<16xi1>
        %reduce_sum3A_1867 = tpu.scan <sum>, %add3A_1864 masked %reduce_sum3A_1866 : vector<16xf32>, vector<16xi1> -> vector<16xf32>
        %reduce_sum3A_1868 = vector.extract %reduce_sum3A_1867[15] : f32 from vector<16xf32>
        %eq3A_1869 = arith.constant 6 : i32
        %eq3A_1870 = vector.broadcast %eq3A_1869 : i32 to vector<16xi32>
        %eq3A_1871 = arith.cmpi eq, %iota3A, %eq3A_1870 : vector<16xi32>
        %broadcast_in_dim3A_1872 = vector.broadcast %reduce_sum3A_1868 : f32 to vector<16xf32>
        %select_n3A_1873 = arith.select %eq3A_1871, %broadcast_in_dim3A_1872, %select_n3A_1821 : vector<16xi1>, vector<16xf32>
        %mul3A_1874 = arith.constant 20 : i32
        %mul3A_1875 = arith.muli %scan3A_1487, %mul3A_1874 : i32
        %add3A_1876 = arith.constant 7 : i32
        %add3A_1877 = arith.addi %mul3A_1875, %add3A_1876 : i32
        %get3A_1878 = arith.index_cast %add3A_1877 : i32 to index
        %get3A_1879 = arith.constant 0 : index
        %get3A_1880 = tpu.vector_load %arg15[%get3A_1878, %get3A_1879] {strides = array<i32>} : memref<320x128xf32, #tpu.memory_space<vmem>>, vector<16xf32>,
        %mul3A_1881 = arith.mulf %get3A_1489, %get3A_1880 : vector<16xf32>
        %get3A_1882 = arith.index_cast %add3A_1877 : i32 to index
        %get3A_1883 = arith.constant 16 : index
        %get3A_1884 = tpu.vector_load %arg15[%get3A_1882, %get3A_1883] {strides = array<i32>} : memref<320x128xf32, #tpu.memory_space<vmem>>, vector<16xf32>,
        %mul3A_1885 = arith.mulf %get3A_1492, %get3A_1884 : vector<16xf32>
        %add3A_1886 = arith.addf %mul3A_1881, %mul3A_1885 : vector<16xf32>
        %get3A_1887 = arith.index_cast %add3A_1877 : i32 to index
        %get3A_1888 = arith.constant 32 : index
        %get3A_1889 = tpu.vector_load %arg15[%get3A_1887, %get3A_1888] {strides = array<i32>} : memref<320x128xf32, #tpu.memory_space<vmem>>, vector<16xf32>,
        %mul3A_1890 = arith.mulf %get3A_1495, %get3A_1889 : vector<16xf32>
        %add3A_1891 = arith.addf %add3A_1886, %mul3A_1890 : vector<16xf32>
        %get3A_1892 = arith.index_cast %add3A_1877 : i32 to index
        %get3A_1893 = arith.constant 48 : index
        %get3A_1894 = tpu.vector_load %arg15[%get3A_1892, %get3A_1893] {strides = array<i32>} : memref<320x128xf32, #tpu.memory_space<vmem>>, vector<16xf32>,
        %mul3A_1895 = arith.mulf %get3A_1498, %get3A_1894 : vector<16xf32>
        %add3A_1896 = arith.addf %add3A_1891, %mul3A_1895 : vector<16xf32>
        %get3A_1897 = arith.index_cast %add3A_1877 : i32 to index
        %get3A_1898 = arith.constant 64 : index
        %get3A_1899 = tpu.vector_load %arg15[%get3A_1897, %get3A_1898] {strides = array<i32>} : memref<320x128xf32, #tpu.memory_space<vmem>>, vector<16xf32>,
        %mul3A_1900 = arith.mulf %get3A_1501, %get3A_1899 : vector<16xf32>
        %add3A_1901 = arith.addf %add3A_1896, %mul3A_1900 : vector<16xf32>
        %get3A_1902 = arith.index_cast %add3A_1877 : i32 to index
        %get3A_1903 = arith.constant 80 : index
        %get3A_1904 = tpu.vector_load %arg15[%get3A_1902, %get3A_1903] {strides = array<i32>} : memref<320x128xf32, #tpu.memory_space<vmem>>, vector<16xf32>,
        %mul3A_1905 = arith.mulf %get3A_1504, %get3A_1904 : vector<16xf32>
        %add3A_1906 = arith.addf %add3A_1901, %mul3A_1905 : vector<16xf32>
        %get3A_1907 = arith.index_cast %add3A_1877 : i32 to index
        %get3A_1908 = arith.constant 96 : index
        %get3A_1909 = tpu.vector_load %arg15[%get3A_1907, %get3A_1908] {strides = array<i32>} : memref<320x128xf32, #tpu.memory_space<vmem>>, vector<16xf32>,
        %mul3A_1910 = arith.mulf %get3A_1507, %get3A_1909 : vector<16xf32>
        %add3A_1911 = arith.addf %add3A_1906, %mul3A_1910 : vector<16xf32>
        %get3A_1912 = arith.index_cast %add3A_1877 : i32 to index
        %get3A_1913 = arith.constant 112 : index
        %get3A_1914 = tpu.vector_load %arg15[%get3A_1912, %get3A_1913] {strides = array<i32>} : memref<320x128xf32, #tpu.memory_space<vmem>>, vector<16xf32>,
        %mul3A_1915 = arith.mulf %get3A_1510, %get3A_1914 : vector<16xf32>
        %add3A_1916 = arith.addf %add3A_1911, %mul3A_1915 : vector<16xf32>
        %reduce_sum3A_1917 = arith.constant true
        %reduce_sum3A_1918 = vector.broadcast %reduce_sum3A_1917 : i1 to vector<16xi1>
        %reduce_sum3A_1919 = tpu.scan <sum>, %add3A_1916 masked %reduce_sum3A_1918 : vector<16xf32>, vector<16xi1> -> vector<16xf32>
        %reduce_sum3A_1920 = vector.extract %reduce_sum3A_1919[15] : f32 from vector<16xf32>
        %eq3A_1921 = arith.constant 7 : i32
        %eq3A_1922 = vector.broadcast %eq3A_1921 : i32 to vector<16xi32>
        %eq3A_1923 = arith.cmpi eq, %iota3A, %eq3A_1922 : vector<16xi32>
        %broadcast_in_dim3A_1924 = vector.broadcast %reduce_sum3A_1920 : f32 to vector<16xf32>
        %select_n3A_1925 = arith.select %eq3A_1923, %broadcast_in_dim3A_1924, %select_n3A_1873 : vector<16xi1>, vector<16xf32>
        %mul3A_1926 = arith.constant 20 : i32
        %mul3A_1927 = arith.muli %scan3A_1487, %mul3A_1926 : i32
        %add3A_1928 = arith.constant 8 : i32
        %add3A_1929 = arith.addi %mul3A_1927, %add3A_1928 : i32
        %get3A_1930 = arith.index_cast %add3A_1929 : i32 to index
        %get3A_1931 = arith.constant 0 : index
        %get3A_1932 = tpu.vector_load %arg15[%get3A_1930, %get3A_1931] {strides = array<i32>} : memref<320x128xf32, #tpu.memory_space<vmem>>, vector<16xf32>,
        %mul3A_1933 = arith.mulf %get3A_1489, %get3A_1932 : vector<16xf32>
        %get3A_1934 = arith.index_cast %add3A_1929 : i32 to index
        %get3A_1935 = arith.constant 16 : index
        %get3A_1936 = tpu.vector_load %arg15[%get3A_1934, %get3A_1935] {strides = array<i32>} : memref<320x128xf32, #tpu.memory_space<vmem>>, vector<16xf32>,
        %mul3A_1937 = arith.mulf %get3A_1492, %get3A_1936 : vector<16xf32>
        %add3A_1938 = arith.addf %mul3A_1933, %mul3A_1937 : vector<16xf32>
        %get3A_1939 = arith.index_cast %add3A_1929 : i32 to index
        %get3A_1940 = arith.constant 32 : index
        %get3A_1941 = tpu.vector_load %arg15[%get3A_1939, %get3A_1940] {strides = array<i32>} : memref<320x128xf32, #tpu.memory_space<vmem>>, vector<16xf32>,
        %mul3A_1942 = arith.mulf %get3A_1495, %get3A_1941 : vector<16xf32>
        %add3A_1943 = arith.addf %add3A_1938, %mul3A_1942 : vector<16xf32>
        %get3A_1944 = arith.index_cast %add3A_1929 : i32 to index
        %get3A_1945 = arith.constant 48 : index
        %get3A_1946 = tpu.vector_load %arg15[%get3A_1944, %get3A_1945] {strides = array<i32>} : memref<320x128xf32, #tpu.memory_space<vmem>>, vector<16xf32>,
        %mul3A_1947 = arith.mulf %get3A_1498, %get3A_1946 : vector<16xf32>
        %add3A_1948 = arith.addf %add3A_1943, %mul3A_1947 : vector<16xf32>
        %get3A_1949 = arith.index_cast %add3A_1929 : i32 to index
        %get3A_1950 = arith.constant 64 : index
        %get3A_1951 = tpu.vector_load %arg15[%get3A_1949, %get3A_1950] {strides = array<i32>} : memref<320x128xf32, #tpu.memory_space<vmem>>, vector<16xf32>,
        %mul3A_1952 = arith.mulf %get3A_1501, %get3A_1951 : vector<16xf32>
        %add3A_1953 = arith.addf %add3A_1948, %mul3A_1952 : vector<16xf32>
        %get3A_1954 = arith.index_cast %add3A_1929 : i32 to index
        %get3A_1955 = arith.constant 80 : index
        %get3A_1956 = tpu.vector_load %arg15[%get3A_1954, %get3A_1955] {strides = array<i32>} : memref<320x128xf32, #tpu.memory_space<vmem>>, vector<16xf32>,
        %mul3A_1957 = arith.mulf %get3A_1504, %get3A_1956 : vector<16xf32>
        %add3A_1958 = arith.addf %add3A_1953, %mul3A_1957 : vector<16xf32>
        %get3A_1959 = arith.index_cast %add3A_1929 : i32 to index
        %get3A_1960 = arith.constant 96 : index
        %get3A_1961 = tpu.vector_load %arg15[%get3A_1959, %get3A_1960] {strides = array<i32>} : memref<320x128xf32, #tpu.memory_space<vmem>>, vector<16xf32>,
        %mul3A_1962 = arith.mulf %get3A_1507, %get3A_1961 : vector<16xf32>
        %add3A_1963 = arith.addf %add3A_1958, %mul3A_1962 : vector<16xf32>
        %get3A_1964 = arith.index_cast %add3A_1929 : i32 to index
        %get3A_1965 = arith.constant 112 : index
        %get3A_1966 = tpu.vector_load %arg15[%get3A_1964, %get3A_1965] {strides = array<i32>} : memref<320x128xf32, #tpu.memory_space<vmem>>, vector<16xf32>,
        %mul3A_1967 = arith.mulf %get3A_1510, %get3A_1966 : vector<16xf32>
        %add3A_1968 = arith.addf %add3A_1963, %mul3A_1967 : vector<16xf32>
        %reduce_sum3A_1969 = arith.constant true
        %reduce_sum3A_1970 = vector.broadcast %reduce_sum3A_1969 : i1 to vector<16xi1>
        %reduce_sum3A_1971 = tpu.scan <sum>, %add3A_1968 masked %reduce_sum3A_1970 : vector<16xf32>, vector<16xi1> -> vector<16xf32>
        %reduce_sum3A_1972 = vector.extract %reduce_sum3A_1971[15] : f32 from vector<16xf32>
        %eq3A_1973 = arith.constant 8 : i32
        %eq3A_1974 = vector.broadcast %eq3A_1973 : i32 to vector<16xi32>
        %eq3A_1975 = arith.cmpi eq, %iota3A, %eq3A_1974 : vector<16xi32>
        %broadcast_in_dim3A_1976 = vector.broadcast %reduce_sum3A_1972 : f32 to vector<16xf32>
        %select_n3A_1977 = arith.select %eq3A_1975, %broadcast_in_dim3A_1976, %select_n3A_1925 : vector<16xi1>, vector<16xf32>
        %mul3A_1978 = arith.constant 20 : i32
        %mul3A_1979 = arith.muli %scan3A_1487, %mul3A_1978 : i32
        %add3A_1980 = arith.constant 9 : i32
        %add3A_1981 = arith.addi %mul3A_1979, %add3A_1980 : i32
        %get3A_1982 = arith.index_cast %add3A_1981 : i32 to index
        %get3A_1983 = arith.constant 0 : index
        %get3A_1984 = tpu.vector_load %arg15[%get3A_1982, %get3A_1983] {strides = array<i32>} : memref<320x128xf32, #tpu.memory_space<vmem>>, vector<16xf32>,
        %mul3A_1985 = arith.mulf %get3A_1489, %get3A_1984 : vector<16xf32>
        %get3A_1986 = arith.index_cast %add3A_1981 : i32 to index
        %get3A_1987 = arith.constant 16 : index
        %get3A_1988 = tpu.vector_load %arg15[%get3A_1986, %get3A_1987] {strides = array<i32>} : memref<320x128xf32, #tpu.memory_space<vmem>>, vector<16xf32>,
        %mul3A_1989 = arith.mulf %get3A_1492, %get3A_1988 : vector<16xf32>
        %add3A_1990 = arith.addf %mul3A_1985, %mul3A_1989 : vector<16xf32>
        %get3A_1991 = arith.index_cast %add3A_1981 : i32 to index
        %get3A_1992 = arith.constant 32 : index
        %get3A_1993 = tpu.vector_load %arg15[%get3A_1991, %get3A_1992] {strides = array<i32>} : memref<320x128xf32, #tpu.memory_space<vmem>>, vector<16xf32>,
        %mul3A_1994 = arith.mulf %get3A_1495, %get3A_1993 : vector<16xf32>
        %add3A_1995 = arith.addf %add3A_1990, %mul3A_1994 : vector<16xf32>
        %get3A_1996 = arith.index_cast %add3A_1981 : i32 to index
        %get3A_1997 = arith.constant 48 : index
        %get3A_1998 = tpu.vector_load %arg15[%get3A_1996, %get3A_1997] {strides = array<i32>} : memref<320x128xf32, #tpu.memory_space<vmem>>, vector<16xf32>,
        %mul3A_1999 = arith.mulf %get3A_1498, %get3A_1998 : vector<16xf32>
        %add3A_2000 = arith.addf %add3A_1995, %mul3A_1999 : vector<16xf32>
        %get3A_2001 = arith.index_cast %add3A_1981 : i32 to index
        %get3A_2002 = arith.constant 64 : index
        %get3A_2003 = tpu.vector_load %arg15[%get3A_2001, %get3A_2002] {strides = array<i32>} : memref<320x128xf32, #tpu.memory_space<vmem>>, vector<16xf32>,
        %mul3A_2004 = arith.mulf %get3A_1501, %get3A_2003 : vector<16xf32>
        %add3A_2005 = arith.addf %add3A_2000, %mul3A_2004 : vector<16xf32>
        %get3A_2006 = arith.index_cast %add3A_1981 : i32 to index
        %get3A_2007 = arith.constant 80 : index
        %get3A_2008 = tpu.vector_load %arg15[%get3A_2006, %get3A_2007] {strides = array<i32>} : memref<320x128xf32, #tpu.memory_space<vmem>>, vector<16xf32>,
        %mul3A_2009 = arith.mulf %get3A_1504, %get3A_2008 : vector<16xf32>
        %add3A_2010 = arith.addf %add3A_2005, %mul3A_2009 : vector<16xf32>
        %get3A_2011 = arith.index_cast %add3A_1981 : i32 to index
        %get3A_2012 = arith.constant 96 : index
        %get3A_2013 = tpu.vector_load %arg15[%get3A_2011, %get3A_2012] {strides = array<i32>} : memref<320x128xf32, #tpu.memory_space<vmem>>, vector<16xf32>,
        %mul3A_2014 = arith.mulf %get3A_1507, %get3A_2013 : vector<16xf32>
        %add3A_2015 = arith.addf %add3A_2010, %mul3A_2014 : vector<16xf32>
        %get3A_2016 = arith.index_cast %add3A_1981 : i32 to index
        %get3A_2017 = arith.constant 112 : index
        %get3A_2018 = tpu.vector_load %arg15[%get3A_2016, %get3A_2017] {strides = array<i32>} : memref<320x128xf32, #tpu.memory_space<vmem>>, vector<16xf32>,
        %mul3A_2019 = arith.mulf %get3A_1510, %get3A_2018 : vector<16xf32>
        %add3A_2020 = arith.addf %add3A_2015, %mul3A_2019 : vector<16xf32>
        %reduce_sum3A_2021 = arith.constant true
        %reduce_sum3A_2022 = vector.broadcast %reduce_sum3A_2021 : i1 to vector<16xi1>
        %reduce_sum3A_2023 = tpu.scan <sum>, %add3A_2020 masked %reduce_sum3A_2022 : vector<16xf32>, vector<16xi1> -> vector<16xf32>
        %reduce_sum3A_2024 = vector.extract %reduce_sum3A_2023[15] : f32 from vector<16xf32>
        %eq3A_2025 = arith.constant 9 : i32
        %eq3A_2026 = vector.broadcast %eq3A_2025 : i32 to vector<16xi32>
        %eq3A_2027 = arith.cmpi eq, %iota3A, %eq3A_2026 : vector<16xi32>
        %broadcast_in_dim3A_2028 = vector.broadcast %reduce_sum3A_2024 : f32 to vector<16xf32>
        %select_n3A_2029 = arith.select %eq3A_2027, %broadcast_in_dim3A_2028, %select_n3A_1977 : vector<16xi1>, vector<16xf32>
        %mul3A_2030 = arith.constant 20 : i32
        %mul3A_2031 = arith.muli %scan3A_1487, %mul3A_2030 : i32
        %add3A_2032 = arith.constant 10 : i32
        %add3A_2033 = arith.addi %mul3A_2031, %add3A_2032 : i32
        %get3A_2034 = arith.index_cast %add3A_2033 : i32 to index
        %get3A_2035 = arith.constant 0 : index
        %get3A_2036 = tpu.vector_load %arg15[%get3A_2034, %get3A_2035] {strides = array<i32>} : memref<320x128xf32, #tpu.memory_space<vmem>>, vector<16xf32>,
        %mul3A_2037 = arith.mulf %get3A_1489, %get3A_2036 : vector<16xf32>
        %get3A_2038 = arith.index_cast %add3A_2033 : i32 to index
        %get3A_2039 = arith.constant 16 : index
        %get3A_2040 = tpu.vector_load %arg15[%get3A_2038, %get3A_2039] {strides = array<i32>} : memref<320x128xf32, #tpu.memory_space<vmem>>, vector<16xf32>,
        %mul3A_2041 = arith.mulf %get3A_1492, %get3A_2040 : vector<16xf32>
        %add3A_2042 = arith.addf %mul3A_2037, %mul3A_2041 : vector<16xf32>
        %get3A_2043 = arith.index_cast %add3A_2033 : i32 to index
        %get3A_2044 = arith.constant 32 : index
        %get3A_2045 = tpu.vector_load %arg15[%get3A_2043, %get3A_2044] {strides = array<i32>} : memref<320x128xf32, #tpu.memory_space<vmem>>, vector<16xf32>,
        %mul3A_2046 = arith.mulf %get3A_1495, %get3A_2045 : vector<16xf32>
        %add3A_2047 = arith.addf %add3A_2042, %mul3A_2046 : vector<16xf32>
        %get3A_2048 = arith.index_cast %add3A_2033 : i32 to index
        %get3A_2049 = arith.constant 48 : index
        %get3A_2050 = tpu.vector_load %arg15[%get3A_2048, %get3A_2049] {strides = array<i32>} : memref<320x128xf32, #tpu.memory_space<vmem>>, vector<16xf32>,
        %mul3A_2051 = arith.mulf %get3A_1498, %get3A_2050 : vector<16xf32>
        %add3A_2052 = arith.addf %add3A_2047, %mul3A_2051 : vector<16xf32>
        %get3A_2053 = arith.index_cast %add3A_2033 : i32 to index
        %get3A_2054 = arith.constant 64 : index
        %get3A_2055 = tpu.vector_load %arg15[%get3A_2053, %get3A_2054] {strides = array<i32>} : memref<320x128xf32, #tpu.memory_space<vmem>>, vector<16xf32>,
        %mul3A_2056 = arith.mulf %get3A_1501, %get3A_2055 : vector<16xf32>
        %add3A_2057 = arith.addf %add3A_2052, %mul3A_2056 : vector<16xf32>
        %get3A_2058 = arith.index_cast %add3A_2033 : i32 to index
        %get3A_2059 = arith.constant 80 : index
        %get3A_2060 = tpu.vector_load %arg15[%get3A_2058, %get3A_2059] {strides = array<i32>} : memref<320x128xf32, #tpu.memory_space<vmem>>, vector<16xf32>,
        %mul3A_2061 = arith.mulf %get3A_1504, %get3A_2060 : vector<16xf32>
        %add3A_2062 = arith.addf %add3A_2057, %mul3A_2061 : vector<16xf32>
        %get3A_2063 = arith.index_cast %add3A_2033 : i32 to index
        %get3A_2064 = arith.constant 96 : index
        %get3A_2065 = tpu.vector_load %arg15[%get3A_2063, %get3A_2064] {strides = array<i32>} : memref<320x128xf32, #tpu.memory_space<vmem>>, vector<16xf32>,
        %mul3A_2066 = arith.mulf %get3A_1507, %get3A_2065 : vector<16xf32>
        %add3A_2067 = arith.addf %add3A_2062, %mul3A_2066 : vector<16xf32>
        %get3A_2068 = arith.index_cast %add3A_2033 : i32 to index
        %get3A_2069 = arith.constant 112 : index
        %get3A_2070 = tpu.vector_load %arg15[%get3A_2068, %get3A_2069] {strides = array<i32>} : memref<320x128xf32, #tpu.memory_space<vmem>>, vector<16xf32>,
        %mul3A_2071 = arith.mulf %get3A_1510, %get3A_2070 : vector<16xf32>
        %add3A_2072 = arith.addf %add3A_2067, %mul3A_2071 : vector<16xf32>
        %reduce_sum3A_2073 = arith.constant true
        %reduce_sum3A_2074 = vector.broadcast %reduce_sum3A_2073 : i1 to vector<16xi1>
        %reduce_sum3A_2075 = tpu.scan <sum>, %add3A_2072 masked %reduce_sum3A_2074 : vector<16xf32>, vector<16xi1> -> vector<16xf32>
        %reduce_sum3A_2076 = vector.extract %reduce_sum3A_2075[15] : f32 from vector<16xf32>
        %eq3A_2077 = arith.constant 10 : i32
        %eq3A_2078 = vector.broadcast %eq3A_2077 : i32 to vector<16xi32>
        %eq3A_2079 = arith.cmpi eq, %iota3A, %eq3A_2078 : vector<16xi32>
        %broadcast_in_dim3A_2080 = vector.broadcast %reduce_sum3A_2076 : f32 to vector<16xf32>
        %select_n3A_2081 = arith.select %eq3A_2079, %broadcast_in_dim3A_2080, %select_n3A_2029 : vector<16xi1>, vector<16xf32>
        %mul3A_2082 = arith.constant 20 : i32
        %mul3A_2083 = arith.muli %scan3A_1487, %mul3A_2082 : i32
        %add3A_2084 = arith.constant 11 : i32
        %add3A_2085 = arith.addi %mul3A_2083, %add3A_2084 : i32
        %get3A_2086 = arith.index_cast %add3A_2085 : i32 to index
        %get3A_2087 = arith.constant 0 : index
        %get3A_2088 = tpu.vector_load %arg15[%get3A_2086, %get3A_2087] {strides = array<i32>} : memref<320x128xf32, #tpu.memory_space<vmem>>, vector<16xf32>,
        %mul3A_2089 = arith.mulf %get3A_1489, %get3A_2088 : vector<16xf32>
        %get3A_2090 = arith.index_cast %add3A_2085 : i32 to index
        %get3A_2091 = arith.constant 16 : index
        %get3A_2092 = tpu.vector_load %arg15[%get3A_2090, %get3A_2091] {strides = array<i32>} : memref<320x128xf32, #tpu.memory_space<vmem>>, vector<16xf32>,
        %mul3A_2093 = arith.mulf %get3A_1492, %get3A_2092 : vector<16xf32>
        %add3A_2094 = arith.addf %mul3A_2089, %mul3A_2093 : vector<16xf32>
        %get3A_2095 = arith.index_cast %add3A_2085 : i32 to index
        %get3A_2096 = arith.constant 32 : index
        %get3A_2097 = tpu.vector_load %arg15[%get3A_2095, %get3A_2096] {strides = array<i32>} : memref<320x128xf32, #tpu.memory_space<vmem>>, vector<16xf32>,
        %mul3A_2098 = arith.mulf %get3A_1495, %get3A_2097 : vector<16xf32>
        %add3A_2099 = arith.addf %add3A_2094, %mul3A_2098 : vector<16xf32>
        %get3A_2100 = arith.index_cast %add3A_2085 : i32 to index
        %get3A_2101 = arith.constant 48 : index
        %get3A_2102 = tpu.vector_load %arg15[%get3A_2100, %get3A_2101] {strides = array<i32>} : memref<320x128xf32, #tpu.memory_space<vmem>>, vector<16xf32>,
        %mul3A_2103 = arith.mulf %get3A_1498, %get3A_2102 : vector<16xf32>
        %add3A_2104 = arith.addf %add3A_2099, %mul3A_2103 : vector<16xf32>
        %get3A_2105 = arith.index_cast %add3A_2085 : i32 to index
        %get3A_2106 = arith.constant 64 : index
        %get3A_2107 = tpu.vector_load %arg15[%get3A_2105, %get3A_2106] {strides = array<i32>} : memref<320x128xf32, #tpu.memory_space<vmem>>, vector<16xf32>,
        %mul3A_2108 = arith.mulf %get3A_1501, %get3A_2107 : vector<16xf32>
        %add3A_2109 = arith.addf %add3A_2104, %mul3A_2108 : vector<16xf32>
        %get3A_2110 = arith.index_cast %add3A_2085 : i32 to index
        %get3A_2111 = arith.constant 80 : index
        %get3A_2112 = tpu.vector_load %arg15[%get3A_2110, %get3A_2111] {strides = array<i32>} : memref<320x128xf32, #tpu.memory_space<vmem>>, vector<16xf32>,
        %mul3A_2113 = arith.mulf %get3A_1504, %get3A_2112 : vector<16xf32>
        %add3A_2114 = arith.addf %add3A_2109, %mul3A_2113 : vector<16xf32>
        %get3A_2115 = arith.index_cast %add3A_2085 : i32 to index
        %get3A_2116 = arith.constant 96 : index
        %get3A_2117 = tpu.vector_load %arg15[%get3A_2115, %get3A_2116] {strides = array<i32>} : memref<320x128xf32, #tpu.memory_space<vmem>>, vector<16xf32>,
        %mul3A_2118 = arith.mulf %get3A_1507, %get3A_2117 : vector<16xf32>
        %add3A_2119 = arith.addf %add3A_2114, %mul3A_2118 : vector<16xf32>
        %get3A_2120 = arith.index_cast %add3A_2085 : i32 to index
        %get3A_2121 = arith.constant 112 : index
        %get3A_2122 = tpu.vector_load %arg15[%get3A_2120, %get3A_2121] {strides = array<i32>} : memref<320x128xf32, #tpu.memory_space<vmem>>, vector<16xf32>,
        %mul3A_2123 = arith.mulf %get3A_1510, %get3A_2122 : vector<16xf32>
        %add3A_2124 = arith.addf %add3A_2119, %mul3A_2123 : vector<16xf32>
        %reduce_sum3A_2125 = arith.constant true
        %reduce_sum3A_2126 = vector.broadcast %reduce_sum3A_2125 : i1 to vector<16xi1>
        %reduce_sum3A_2127 = tpu.scan <sum>, %add3A_2124 masked %reduce_sum3A_2126 : vector<16xf32>, vector<16xi1> -> vector<16xf32>
        %reduce_sum3A_2128 = vector.extract %reduce_sum3A_2127[15] : f32 from vector<16xf32>
        %eq3A_2129 = arith.constant 11 : i32
        %eq3A_2130 = vector.broadcast %eq3A_2129 : i32 to vector<16xi32>
        %eq3A_2131 = arith.cmpi eq, %iota3A, %eq3A_2130 : vector<16xi32>
        %broadcast_in_dim3A_2132 = vector.broadcast %reduce_sum3A_2128 : f32 to vector<16xf32>
        %select_n3A_2133 = arith.select %eq3A_2131, %broadcast_in_dim3A_2132, %select_n3A_2081 : vector<16xi1>, vector<16xf32>
        %mul3A_2134 = arith.constant 20 : i32
        %mul3A_2135 = arith.muli %scan3A_1487, %mul3A_2134 : i32
        %add3A_2136 = arith.constant 12 : i32
        %add3A_2137 = arith.addi %mul3A_2135, %add3A_2136 : i32
        %get3A_2138 = arith.index_cast %add3A_2137 : i32 to index
        %get3A_2139 = arith.constant 0 : index
        %get3A_2140 = tpu.vector_load %arg15[%get3A_2138, %get3A_2139] {strides = array<i32>} : memref<320x128xf32, #tpu.memory_space<vmem>>, vector<16xf32>,
        %mul3A_2141 = arith.mulf %get3A_1489, %get3A_2140 : vector<16xf32>
        %get3A_2142 = arith.index_cast %add3A_2137 : i32 to index
        %get3A_2143 = arith.constant 16 : index
        %get3A_2144 = tpu.vector_load %arg15[%get3A_2142, %get3A_2143] {strides = array<i32>} : memref<320x128xf32, #tpu.memory_space<vmem>>, vector<16xf32>,
        %mul3A_2145 = arith.mulf %get3A_1492, %get3A_2144 : vector<16xf32>
        %add3A_2146 = arith.addf %mul3A_2141, %mul3A_2145 : vector<16xf32>
        %get3A_2147 = arith.index_cast %add3A_2137 : i32 to index
        %get3A_2148 = arith.constant 32 : index
        %get3A_2149 = tpu.vector_load %arg15[%get3A_2147, %get3A_2148] {strides = array<i32>} : memref<320x128xf32, #tpu.memory_space<vmem>>, vector<16xf32>,
        %mul3A_2150 = arith.mulf %get3A_1495, %get3A_2149 : vector<16xf32>
        %add3A_2151 = arith.addf %add3A_2146, %mul3A_2150 : vector<16xf32>
        %get3A_2152 = arith.index_cast %add3A_2137 : i32 to index
        %get3A_2153 = arith.constant 48 : index
        %get3A_2154 = tpu.vector_load %arg15[%get3A_2152, %get3A_2153] {strides = array<i32>} : memref<320x128xf32, #tpu.memory_space<vmem>>, vector<16xf32>,
        %mul3A_2155 = arith.mulf %get3A_1498, %get3A_2154 : vector<16xf32>
        %add3A_2156 = arith.addf %add3A_2151, %mul3A_2155 : vector<16xf32>
        %get3A_2157 = arith.index_cast %add3A_2137 : i32 to index
        %get3A_2158 = arith.constant 64 : index
        %get3A_2159 = tpu.vector_load %arg15[%get3A_2157, %get3A_2158] {strides = array<i32>} : memref<320x128xf32, #tpu.memory_space<vmem>>, vector<16xf32>,
        %mul3A_2160 = arith.mulf %get3A_1501, %get3A_2159 : vector<16xf32>
        %add3A_2161 = arith.addf %add3A_2156, %mul3A_2160 : vector<16xf32>
        %get3A_2162 = arith.index_cast %add3A_2137 : i32 to index
        %get3A_2163 = arith.constant 80 : index
        %get3A_2164 = tpu.vector_load %arg15[%get3A_2162, %get3A_2163] {strides = array<i32>} : memref<320x128xf32, #tpu.memory_space<vmem>>, vector<16xf32>,
        %mul3A_2165 = arith.mulf %get3A_1504, %get3A_2164 : vector<16xf32>
        %add3A_2166 = arith.addf %add3A_2161, %mul3A_2165 : vector<16xf32>
        %get3A_2167 = arith.index_cast %add3A_2137 : i32 to index
        %get3A_2168 = arith.constant 96 : index
        %get3A_2169 = tpu.vector_load %arg15[%get3A_2167, %get3A_2168] {strides = array<i32>} : memref<320x128xf32, #tpu.memory_space<vmem>>, vector<16xf32>,
        %mul3A_2170 = arith.mulf %get3A_1507, %get3A_2169 : vector<16xf32>
        %add3A_2171 = arith.addf %add3A_2166, %mul3A_2170 : vector<16xf32>
        %get3A_2172 = arith.index_cast %add3A_2137 : i32 to index
        %get3A_2173 = arith.constant 112 : index
        %get3A_2174 = tpu.vector_load %arg15[%get3A_2172, %get3A_2173] {strides = array<i32>} : memref<320x128xf32, #tpu.memory_space<vmem>>, vector<16xf32>,
        %mul3A_2175 = arith.mulf %get3A_1510, %get3A_2174 : vector<16xf32>
        %add3A_2176 = arith.addf %add3A_2171, %mul3A_2175 : vector<16xf32>
        %reduce_sum3A_2177 = arith.constant true
        %reduce_sum3A_2178 = vector.broadcast %reduce_sum3A_2177 : i1 to vector<16xi1>
        %reduce_sum3A_2179 = tpu.scan <sum>, %add3A_2176 masked %reduce_sum3A_2178 : vector<16xf32>, vector<16xi1> -> vector<16xf32>
        %reduce_sum3A_2180 = vector.extract %reduce_sum3A_2179[15] : f32 from vector<16xf32>
        %eq3A_2181 = arith.constant 12 : i32
        %eq3A_2182 = vector.broadcast %eq3A_2181 : i32 to vector<16xi32>
        %eq3A_2183 = arith.cmpi eq, %iota3A, %eq3A_2182 : vector<16xi32>
        %broadcast_in_dim3A_2184 = vector.broadcast %reduce_sum3A_2180 : f32 to vector<16xf32>
        %select_n3A_2185 = arith.select %eq3A_2183, %broadcast_in_dim3A_2184, %select_n3A_2133 : vector<16xi1>, vector<16xf32>
        %mul3A_2186 = arith.constant 20 : i32
        %mul3A_2187 = arith.muli %scan3A_1487, %mul3A_2186 : i32
        %add3A_2188 = arith.constant 13 : i32
        %add3A_2189 = arith.addi %mul3A_2187, %add3A_2188 : i32
        %get3A_2190 = arith.index_cast %add3A_2189 : i32 to index
        %get3A_2191 = arith.constant 0 : index
        %get3A_2192 = tpu.vector_load %arg15[%get3A_2190, %get3A_2191] {strides = array<i32>} : memref<320x128xf32, #tpu.memory_space<vmem>>, vector<16xf32>,
        %mul3A_2193 = arith.mulf %get3A_1489, %get3A_2192 : vector<16xf32>
        %get3A_2194 = arith.index_cast %add3A_2189 : i32 to index
        %get3A_2195 = arith.constant 16 : index
        %get3A_2196 = tpu.vector_load %arg15[%get3A_2194, %get3A_2195] {strides = array<i32>} : memref<320x128xf32, #tpu.memory_space<vmem>>, vector<16xf32>,
        %mul3A_2197 = arith.mulf %get3A_1492, %get3A_2196 : vector<16xf32>
        %add3A_2198 = arith.addf %mul3A_2193, %mul3A_2197 : vector<16xf32>
        %get3A_2199 = arith.index_cast %add3A_2189 : i32 to index
        %get3A_2200 = arith.constant 32 : index
        %get3A_2201 = tpu.vector_load %arg15[%get3A_2199, %get3A_2200] {strides = array<i32>} : memref<320x128xf32, #tpu.memory_space<vmem>>, vector<16xf32>,
        %mul3A_2202 = arith.mulf %get3A_1495, %get3A_2201 : vector<16xf32>
        %add3A_2203 = arith.addf %add3A_2198, %mul3A_2202 : vector<16xf32>
        %get3A_2204 = arith.index_cast %add3A_2189 : i32 to index
        %get3A_2205 = arith.constant 48 : index
        %get3A_2206 = tpu.vector_load %arg15[%get3A_2204, %get3A_2205] {strides = array<i32>} : memref<320x128xf32, #tpu.memory_space<vmem>>, vector<16xf32>,
        %mul3A_2207 = arith.mulf %get3A_1498, %get3A_2206 : vector<16xf32>
        %add3A_2208 = arith.addf %add3A_2203, %mul3A_2207 : vector<16xf32>
        %get3A_2209 = arith.index_cast %add3A_2189 : i32 to index
        %get3A_2210 = arith.constant 64 : index
        %get3A_2211 = tpu.vector_load %arg15[%get3A_2209, %get3A_2210] {strides = array<i32>} : memref<320x128xf32, #tpu.memory_space<vmem>>, vector<16xf32>,
        %mul3A_2212 = arith.mulf %get3A_1501, %get3A_2211 : vector<16xf32>
        %add3A_2213 = arith.addf %add3A_2208, %mul3A_2212 : vector<16xf32>
        %get3A_2214 = arith.index_cast %add3A_2189 : i32 to index
        %get3A_2215 = arith.constant 80 : index
        %get3A_2216 = tpu.vector_load %arg15[%get3A_2214, %get3A_2215] {strides = array<i32>} : memref<320x128xf32, #tpu.memory_space<vmem>>, vector<16xf32>,
        %mul3A_2217 = arith.mulf %get3A_1504, %get3A_2216 : vector<16xf32>
        %add3A_2218 = arith.addf %add3A_2213, %mul3A_2217 : vector<16xf32>
        %get3A_2219 = arith.index_cast %add3A_2189 : i32 to index
        %get3A_2220 = arith.constant 96 : index
        %get3A_2221 = tpu.vector_load %arg15[%get3A_2219, %get3A_2220] {strides = array<i32>} : memref<320x128xf32, #tpu.memory_space<vmem>>, vector<16xf32>,
        %mul3A_2222 = arith.mulf %get3A_1507, %get3A_2221 : vector<16xf32>
        %add3A_2223 = arith.addf %add3A_2218, %mul3A_2222 : vector<16xf32>
        %get3A_2224 = arith.index_cast %add3A_2189 : i32 to index
        %get3A_2225 = arith.constant 112 : index
        %get3A_2226 = tpu.vector_load %arg15[%get3A_2224, %get3A_2225] {strides = array<i32>} : memref<320x128xf32, #tpu.memory_space<vmem>>, vector<16xf32>,
        %mul3A_2227 = arith.mulf %get3A_1510, %get3A_2226 : vector<16xf32>
        %add3A_2228 = arith.addf %add3A_2223, %mul3A_2227 : vector<16xf32>
        %reduce_sum3A_2229 = arith.constant true
        %reduce_sum3A_2230 = vector.broadcast %reduce_sum3A_2229 : i1 to vector<16xi1>
        %reduce_sum3A_2231 = tpu.scan <sum>, %add3A_2228 masked %reduce_sum3A_2230 : vector<16xf32>, vector<16xi1> -> vector<16xf32>
        %reduce_sum3A_2232 = vector.extract %reduce_sum3A_2231[15] : f32 from vector<16xf32>
        %eq3A_2233 = arith.constant 13 : i32
        %eq3A_2234 = vector.broadcast %eq3A_2233 : i32 to vector<16xi32>
        %eq3A_2235 = arith.cmpi eq, %iota3A, %eq3A_2234 : vector<16xi32>
        %broadcast_in_dim3A_2236 = vector.broadcast %reduce_sum3A_2232 : f32 to vector<16xf32>
        %select_n3A_2237 = arith.select %eq3A_2235, %broadcast_in_dim3A_2236, %select_n3A_2185 : vector<16xi1>, vector<16xf32>
        %mul3A_2238 = arith.constant 20 : i32
        %mul3A_2239 = arith.muli %scan3A_1487, %mul3A_2238 : i32
        %add3A_2240 = arith.constant 14 : i32
        %add3A_2241 = arith.addi %mul3A_2239, %add3A_2240 : i32
        %get3A_2242 = arith.index_cast %add3A_2241 : i32 to index
        %get3A_2243 = arith.constant 0 : index
        %get3A_2244 = tpu.vector_load %arg15[%get3A_2242, %get3A_2243] {strides = array<i32>} : memref<320x128xf32, #tpu.memory_space<vmem>>, vector<16xf32>,
        %mul3A_2245 = arith.mulf %get3A_1489, %get3A_2244 : vector<16xf32>
        %get3A_2246 = arith.index_cast %add3A_2241 : i32 to index
        %get3A_2247 = arith.constant 16 : index
        %get3A_2248 = tpu.vector_load %arg15[%get3A_2246, %get3A_2247] {strides = array<i32>} : memref<320x128xf32, #tpu.memory_space<vmem>>, vector<16xf32>,
        %mul3A_2249 = arith.mulf %get3A_1492, %get3A_2248 : vector<16xf32>
        %add3A_2250 = arith.addf %mul3A_2245, %mul3A_2249 : vector<16xf32>
        %get3A_2251 = arith.index_cast %add3A_2241 : i32 to index
        %get3A_2252 = arith.constant 32 : index
        %get3A_2253 = tpu.vector_load %arg15[%get3A_2251, %get3A_2252] {strides = array<i32>} : memref<320x128xf32, #tpu.memory_space<vmem>>, vector<16xf32>,
        %mul3A_2254 = arith.mulf %get3A_1495, %get3A_2253 : vector<16xf32>
        %add3A_2255 = arith.addf %add3A_2250, %mul3A_2254 : vector<16xf32>
        %get3A_2256 = arith.index_cast %add3A_2241 : i32 to index
        %get3A_2257 = arith.constant 48 : index
        %get3A_2258 = tpu.vector_load %arg15[%get3A_2256, %get3A_2257] {strides = array<i32>} : memref<320x128xf32, #tpu.memory_space<vmem>>, vector<16xf32>,
        %mul3A_2259 = arith.mulf %get3A_1498, %get3A_2258 : vector<16xf32>
        %add3A_2260 = arith.addf %add3A_2255, %mul3A_2259 : vector<16xf32>
        %get3A_2261 = arith.index_cast %add3A_2241 : i32 to index
        %get3A_2262 = arith.constant 64 : index
        %get3A_2263 = tpu.vector_load %arg15[%get3A_2261, %get3A_2262] {strides = array<i32>} : memref<320x128xf32, #tpu.memory_space<vmem>>, vector<16xf32>,
        %mul3A_2264 = arith.mulf %get3A_1501, %get3A_2263 : vector<16xf32>
        %add3A_2265 = arith.addf %add3A_2260, %mul3A_2264 : vector<16xf32>
        %get3A_2266 = arith.index_cast %add3A_2241 : i32 to index
        %get3A_2267 = arith.constant 80 : index
        %get3A_2268 = tpu.vector_load %arg15[%get3A_2266, %get3A_2267] {strides = array<i32>} : memref<320x128xf32, #tpu.memory_space<vmem>>, vector<16xf32>,
        %mul3A_2269 = arith.mulf %get3A_1504, %get3A_2268 : vector<16xf32>
        %add3A_2270 = arith.addf %add3A_2265, %mul3A_2269 : vector<16xf32>
        %get3A_2271 = arith.index_cast %add3A_2241 : i32 to index
        %get3A_2272 = arith.constant 96 : index
        %get3A_2273 = tpu.vector_load %arg15[%get3A_2271, %get3A_2272] {strides = array<i32>} : memref<320x128xf32, #tpu.memory_space<vmem>>, vector<16xf32>,
        %mul3A_2274 = arith.mulf %get3A_1507, %get3A_2273 : vector<16xf32>
        %add3A_2275 = arith.addf %add3A_2270, %mul3A_2274 : vector<16xf32>
        %get3A_2276 = arith.index_cast %add3A_2241 : i32 to index
        %get3A_2277 = arith.constant 112 : index
        %get3A_2278 = tpu.vector_load %arg15[%get3A_2276, %get3A_2277] {strides = array<i32>} : memref<320x128xf32, #tpu.memory_space<vmem>>, vector<16xf32>,
        %mul3A_2279 = arith.mulf %get3A_1510, %get3A_2278 : vector<16xf32>
        %add3A_2280 = arith.addf %add3A_2275, %mul3A_2279 : vector<16xf32>
        %reduce_sum3A_2281 = arith.constant true
        %reduce_sum3A_2282 = vector.broadcast %reduce_sum3A_2281 : i1 to vector<16xi1>
        %reduce_sum3A_2283 = tpu.scan <sum>, %add3A_2280 masked %reduce_sum3A_2282 : vector<16xf32>, vector<16xi1> -> vector<16xf32>
        %reduce_sum3A_2284 = vector.extract %reduce_sum3A_2283[15] : f32 from vector<16xf32>
        %eq3A_2285 = arith.constant 14 : i32
        %eq3A_2286 = vector.broadcast %eq3A_2285 : i32 to vector<16xi32>
        %eq3A_2287 = arith.cmpi eq, %iota3A, %eq3A_2286 : vector<16xi32>
        %broadcast_in_dim3A_2288 = vector.broadcast %reduce_sum3A_2284 : f32 to vector<16xf32>
        %select_n3A_2289 = arith.select %eq3A_2287, %broadcast_in_dim3A_2288, %select_n3A_2237 : vector<16xi1>, vector<16xf32>
        %mul3A_2290 = arith.constant 20 : i32
        %mul3A_2291 = arith.muli %scan3A_1487, %mul3A_2290 : i32
        %add3A_2292 = arith.constant 15 : i32
        %add3A_2293 = arith.addi %mul3A_2291, %add3A_2292 : i32
        %get3A_2294 = arith.index_cast %add3A_2293 : i32 to index
        %get3A_2295 = arith.constant 0 : index
        %get3A_2296 = tpu.vector_load %arg15[%get3A_2294, %get3A_2295] {strides = array<i32>} : memref<320x128xf32, #tpu.memory_space<vmem>>, vector<16xf32>,
        %mul3A_2297 = arith.mulf %get3A_1489, %get3A_2296 : vector<16xf32>
        %get3A_2298 = arith.index_cast %add3A_2293 : i32 to index
        %get3A_2299 = arith.constant 16 : index
        %get3A_2300 = tpu.vector_load %arg15[%get3A_2298, %get3A_2299] {strides = array<i32>} : memref<320x128xf32, #tpu.memory_space<vmem>>, vector<16xf32>,
        %mul3A_2301 = arith.mulf %get3A_1492, %get3A_2300 : vector<16xf32>
        %add3A_2302 = arith.addf %mul3A_2297, %mul3A_2301 : vector<16xf32>
        %get3A_2303 = arith.index_cast %add3A_2293 : i32 to index
        %get3A_2304 = arith.constant 32 : index
        %get3A_2305 = tpu.vector_load %arg15[%get3A_2303, %get3A_2304] {strides = array<i32>} : memref<320x128xf32, #tpu.memory_space<vmem>>, vector<16xf32>,
        %mul3A_2306 = arith.mulf %get3A_1495, %get3A_2305 : vector<16xf32>
        %add3A_2307 = arith.addf %add3A_2302, %mul3A_2306 : vector<16xf32>
        %get3A_2308 = arith.index_cast %add3A_2293 : i32 to index
        %get3A_2309 = arith.constant 48 : index
        %get3A_2310 = tpu.vector_load %arg15[%get3A_2308, %get3A_2309] {strides = array<i32>} : memref<320x128xf32, #tpu.memory_space<vmem>>, vector<16xf32>,
        %mul3A_2311 = arith.mulf %get3A_1498, %get3A_2310 : vector<16xf32>
        %add3A_2312 = arith.addf %add3A_2307, %mul3A_2311 : vector<16xf32>
        %get3A_2313 = arith.index_cast %add3A_2293 : i32 to index
        %get3A_2314 = arith.constant 64 : index
        %get3A_2315 = tpu.vector_load %arg15[%get3A_2313, %get3A_2314] {strides = array<i32>} : memref<320x128xf32, #tpu.memory_space<vmem>>, vector<16xf32>,
        %mul3A_2316 = arith.mulf %get3A_1501, %get3A_2315 : vector<16xf32>
        %add3A_2317 = arith.addf %add3A_2312, %mul3A_2316 : vector<16xf32>
        %get3A_2318 = arith.index_cast %add3A_2293 : i32 to index
        %get3A_2319 = arith.constant 80 : index
        %get3A_2320 = tpu.vector_load %arg15[%get3A_2318, %get3A_2319] {strides = array<i32>} : memref<320x128xf32, #tpu.memory_space<vmem>>, vector<16xf32>,
        %mul3A_2321 = arith.mulf %get3A_1504, %get3A_2320 : vector<16xf32>
        %add3A_2322 = arith.addf %add3A_2317, %mul3A_2321 : vector<16xf32>
        %get3A_2323 = arith.index_cast %add3A_2293 : i32 to index
        %get3A_2324 = arith.constant 96 : index
        %get3A_2325 = tpu.vector_load %arg15[%get3A_2323, %get3A_2324] {strides = array<i32>} : memref<320x128xf32, #tpu.memory_space<vmem>>, vector<16xf32>,
        %mul3A_2326 = arith.mulf %get3A_1507, %get3A_2325 : vector<16xf32>
        %add3A_2327 = arith.addf %add3A_2322, %mul3A_2326 : vector<16xf32>
        %get3A_2328 = arith.index_cast %add3A_2293 : i32 to index
        %get3A_2329 = arith.constant 112 : index
        %get3A_2330 = tpu.vector_load %arg15[%get3A_2328, %get3A_2329] {strides = array<i32>} : memref<320x128xf32, #tpu.memory_space<vmem>>, vector<16xf32>,
        %mul3A_2331 = arith.mulf %get3A_1510, %get3A_2330 : vector<16xf32>
        %add3A_2332 = arith.addf %add3A_2327, %mul3A_2331 : vector<16xf32>
        %reduce_sum3A_2333 = arith.constant true
        %reduce_sum3A_2334 = vector.broadcast %reduce_sum3A_2333 : i1 to vector<16xi1>
        %reduce_sum3A_2335 = tpu.scan <sum>, %add3A_2332 masked %reduce_sum3A_2334 : vector<16xf32>, vector<16xi1> -> vector<16xf32>
        %reduce_sum3A_2336 = vector.extract %reduce_sum3A_2335[15] : f32 from vector<16xf32>
        %eq3A_2337 = arith.constant 15 : i32
        %eq3A_2338 = vector.broadcast %eq3A_2337 : i32 to vector<16xi32>
        %eq3A_2339 = arith.cmpi eq, %iota3A, %eq3A_2338 : vector<16xi32>
        %broadcast_in_dim3A_2340 = vector.broadcast %reduce_sum3A_2336 : f32 to vector<16xf32>
        %select_n3A_2341 = arith.select %eq3A_2339, %broadcast_in_dim3A_2340, %select_n3A_2289 : vector<16xi1>, vector<16xf32>
        %mul3A_2342 = arith.constant 20 : i32
        %mul3A_2343 = arith.muli %scan3A_1487, %mul3A_2342 : i32
        %add3A_2344 = arith.constant 16 : i32
        %add3A_2345 = arith.addi %mul3A_2343, %add3A_2344 : i32
        %get3A_2346 = arith.index_cast %add3A_2345 : i32 to index
        %get3A_2347 = arith.constant 0 : index
        %get3A_2348 = tpu.vector_load %arg15[%get3A_2346, %get3A_2347] {strides = array<i32>} : memref<320x128xf32, #tpu.memory_space<vmem>>, vector<16xf32>,
        %mul3A_2349 = arith.mulf %get3A_1489, %get3A_2348 : vector<16xf32>
        %get3A_2350 = arith.index_cast %add3A_2345 : i32 to index
        %get3A_2351 = arith.constant 16 : index
        %get3A_2352 = tpu.vector_load %arg15[%get3A_2350, %get3A_2351] {strides = array<i32>} : memref<320x128xf32, #tpu.memory_space<vmem>>, vector<16xf32>,
        %mul3A_2353 = arith.mulf %get3A_1492, %get3A_2352 : vector<16xf32>
        %add3A_2354 = arith.addf %mul3A_2349, %mul3A_2353 : vector<16xf32>
        %get3A_2355 = arith.index_cast %add3A_2345 : i32 to index
        %get3A_2356 = arith.constant 32 : index
        %get3A_2357 = tpu.vector_load %arg15[%get3A_2355, %get3A_2356] {strides = array<i32>} : memref<320x128xf32, #tpu.memory_space<vmem>>, vector<16xf32>,
        %mul3A_2358 = arith.mulf %get3A_1495, %get3A_2357 : vector<16xf32>
        %add3A_2359 = arith.addf %add3A_2354, %mul3A_2358 : vector<16xf32>
        %get3A_2360 = arith.index_cast %add3A_2345 : i32 to index
        %get3A_2361 = arith.constant 48 : index
        %get3A_2362 = tpu.vector_load %arg15[%get3A_2360, %get3A_2361] {strides = array<i32>} : memref<320x128xf32, #tpu.memory_space<vmem>>, vector<16xf32>,
        %mul3A_2363 = arith.mulf %get3A_1498, %get3A_2362 : vector<16xf32>
        %add3A_2364 = arith.addf %add3A_2359, %mul3A_2363 : vector<16xf32>
        %get3A_2365 = arith.index_cast %add3A_2345 : i32 to index
        %get3A_2366 = arith.constant 64 : index
        %get3A_2367 = tpu.vector_load %arg15[%get3A_2365, %get3A_2366] {strides = array<i32>} : memref<320x128xf32, #tpu.memory_space<vmem>>, vector<16xf32>,
        %mul3A_2368 = arith.mulf %get3A_1501, %get3A_2367 : vector<16xf32>
        %add3A_2369 = arith.addf %add3A_2364, %mul3A_2368 : vector<16xf32>
        %get3A_2370 = arith.index_cast %add3A_2345 : i32 to index
        %get3A_2371 = arith.constant 80 : index
        %get3A_2372 = tpu.vector_load %arg15[%get3A_2370, %get3A_2371] {strides = array<i32>} : memref<320x128xf32, #tpu.memory_space<vmem>>, vector<16xf32>,
        %mul3A_2373 = arith.mulf %get3A_1504, %get3A_2372 : vector<16xf32>
        %add3A_2374 = arith.addf %add3A_2369, %mul3A_2373 : vector<16xf32>
        %get3A_2375 = arith.index_cast %add3A_2345 : i32 to index
        %get3A_2376 = arith.constant 96 : index
        %get3A_2377 = tpu.vector_load %arg15[%get3A_2375, %get3A_2376] {strides = array<i32>} : memref<320x128xf32, #tpu.memory_space<vmem>>, vector<16xf32>,
        %mul3A_2378 = arith.mulf %get3A_1507, %get3A_2377 : vector<16xf32>
        %add3A_2379 = arith.addf %add3A_2374, %mul3A_2378 : vector<16xf32>
        %get3A_2380 = arith.index_cast %add3A_2345 : i32 to index
        %get3A_2381 = arith.constant 112 : index
        %get3A_2382 = tpu.vector_load %arg15[%get3A_2380, %get3A_2381] {strides = array<i32>} : memref<320x128xf32, #tpu.memory_space<vmem>>, vector<16xf32>,
        %mul3A_2383 = arith.mulf %get3A_1510, %get3A_2382 : vector<16xf32>
        %add3A_2384 = arith.addf %add3A_2379, %mul3A_2383 : vector<16xf32>
        %reduce_sum3A_2385 = arith.constant true
        %reduce_sum3A_2386 = vector.broadcast %reduce_sum3A_2385 : i1 to vector<16xi1>
        %reduce_sum3A_2387 = tpu.scan <sum>, %add3A_2384 masked %reduce_sum3A_2386 : vector<16xf32>, vector<16xi1> -> vector<16xf32>
        %reduce_sum3A_2388 = vector.extract %reduce_sum3A_2387[15] : f32 from vector<16xf32>
        %eq3A_2389 = arith.constant 0 : i32
        %eq3A_2390 = vector.broadcast %eq3A_2389 : i32 to vector<16xi32>
        %eq3A_2391 = arith.cmpi eq, %iota3A, %eq3A_2390 : vector<16xi32>
        %broadcast_in_dim3A_2392 = vector.broadcast %reduce_sum3A_2388 : f32 to vector<16xf32>
        %select_n3A_2393 = arith.select %eq3A_2391, %broadcast_in_dim3A_2392, %broadcast_in_dim3A_3 : vector<16xi1>, vector<16xf32>
        %mul3A_2394 = arith.constant 20 : i32
        %mul3A_2395 = arith.muli %scan3A_1487, %mul3A_2394 : i32
        %add3A_2396 = arith.constant 17 : i32
        %add3A_2397 = arith.addi %mul3A_2395, %add3A_2396 : i32
        %get3A_2398 = arith.index_cast %add3A_2397 : i32 to index
        %get3A_2399 = arith.constant 0 : index
        %get3A_2400 = tpu.vector_load %arg15[%get3A_2398, %get3A_2399] {strides = array<i32>} : memref<320x128xf32, #tpu.memory_space<vmem>>, vector<16xf32>,
        %mul3A_2401 = arith.mulf %get3A_1489, %get3A_2400 : vector<16xf32>
        %get3A_2402 = arith.index_cast %add3A_2397 : i32 to index
        %get3A_2403 = arith.constant 16 : index
        %get3A_2404 = tpu.vector_load %arg15[%get3A_2402, %get3A_2403] {strides = array<i32>} : memref<320x128xf32, #tpu.memory_space<vmem>>, vector<16xf32>,
        %mul3A_2405 = arith.mulf %get3A_1492, %get3A_2404 : vector<16xf32>
        %add3A_2406 = arith.addf %mul3A_2401, %mul3A_2405 : vector<16xf32>
        %get3A_2407 = arith.index_cast %add3A_2397 : i32 to index
        %get3A_2408 = arith.constant 32 : index
        %get3A_2409 = tpu.vector_load %arg15[%get3A_2407, %get3A_2408] {strides = array<i32>} : memref<320x128xf32, #tpu.memory_space<vmem>>, vector<16xf32>,
        %mul3A_2410 = arith.mulf %get3A_1495, %get3A_2409 : vector<16xf32>
        %add3A_2411 = arith.addf %add3A_2406, %mul3A_2410 : vector<16xf32>
        %get3A_2412 = arith.index_cast %add3A_2397 : i32 to index
        %get3A_2413 = arith.constant 48 : index
        %get3A_2414 = tpu.vector_load %arg15[%get3A_2412, %get3A_2413] {strides = array<i32>} : memref<320x128xf32, #tpu.memory_space<vmem>>, vector<16xf32>,
        %mul3A_2415 = arith.mulf %get3A_1498, %get3A_2414 : vector<16xf32>
        %add3A_2416 = arith.addf %add3A_2411, %mul3A_2415 : vector<16xf32>
        %get3A_2417 = arith.index_cast %add3A_2397 : i32 to index
        %get3A_2418 = arith.constant 64 : index
        %get3A_2419 = tpu.vector_load %arg15[%get3A_2417, %get3A_2418] {strides = array<i32>} : memref<320x128xf32, #tpu.memory_space<vmem>>, vector<16xf32>,
        %mul3A_2420 = arith.mulf %get3A_1501, %get3A_2419 : vector<16xf32>
        %add3A_2421 = arith.addf %add3A_2416, %mul3A_2420 : vector<16xf32>
        %get3A_2422 = arith.index_cast %add3A_2397 : i32 to index
        %get3A_2423 = arith.constant 80 : index
        %get3A_2424 = tpu.vector_load %arg15[%get3A_2422, %get3A_2423] {strides = array<i32>} : memref<320x128xf32, #tpu.memory_space<vmem>>, vector<16xf32>,
        %mul3A_2425 = arith.mulf %get3A_1504, %get3A_2424 : vector<16xf32>
        %add3A_2426 = arith.addf %add3A_2421, %mul3A_2425 : vector<16xf32>
        %get3A_2427 = arith.index_cast %add3A_2397 : i32 to index
        %get3A_2428 = arith.constant 96 : index
        %get3A_2429 = tpu.vector_load %arg15[%get3A_2427, %get3A_2428] {strides = array<i32>} : memref<320x128xf32, #tpu.memory_space<vmem>>, vector<16xf32>,
        %mul3A_2430 = arith.mulf %get3A_1507, %get3A_2429 : vector<16xf32>
        %add3A_2431 = arith.addf %add3A_2426, %mul3A_2430 : vector<16xf32>
        %get3A_2432 = arith.index_cast %add3A_2397 : i32 to index
        %get3A_2433 = arith.constant 112 : index
        %get3A_2434 = tpu.vector_load %arg15[%get3A_2432, %get3A_2433] {strides = array<i32>} : memref<320x128xf32, #tpu.memory_space<vmem>>, vector<16xf32>,
        %mul3A_2435 = arith.mulf %get3A_1510, %get3A_2434 : vector<16xf32>
        %add3A_2436 = arith.addf %add3A_2431, %mul3A_2435 : vector<16xf32>
        %reduce_sum3A_2437 = arith.constant true
        %reduce_sum3A_2438 = vector.broadcast %reduce_sum3A_2437 : i1 to vector<16xi1>
        %reduce_sum3A_2439 = tpu.scan <sum>, %add3A_2436 masked %reduce_sum3A_2438 : vector<16xf32>, vector<16xi1> -> vector<16xf32>
        %reduce_sum3A_2440 = vector.extract %reduce_sum3A_2439[15] : f32 from vector<16xf32>
        %eq3A_2441 = arith.constant 1 : i32
        %eq3A_2442 = vector.broadcast %eq3A_2441 : i32 to vector<16xi32>
        %eq3A_2443 = arith.cmpi eq, %iota3A, %eq3A_2442 : vector<16xi32>
        %broadcast_in_dim3A_2444 = vector.broadcast %reduce_sum3A_2440 : f32 to vector<16xf32>
        %select_n3A_2445 = arith.select %eq3A_2443, %broadcast_in_dim3A_2444, %select_n3A_2393 : vector<16xi1>, vector<16xf32>
        %mul3A_2446 = arith.constant 20 : i32
        %mul3A_2447 = arith.muli %scan3A_1487, %mul3A_2446 : i32
        %add3A_2448 = arith.constant 18 : i32
        %add3A_2449 = arith.addi %mul3A_2447, %add3A_2448 : i32
        %get3A_2450 = arith.index_cast %add3A_2449 : i32 to index
        %get3A_2451 = arith.constant 0 : index
        %get3A_2452 = tpu.vector_load %arg15[%get3A_2450, %get3A_2451] {strides = array<i32>} : memref<320x128xf32, #tpu.memory_space<vmem>>, vector<16xf32>,
        %mul3A_2453 = arith.mulf %get3A_1489, %get3A_2452 : vector<16xf32>
        %get3A_2454 = arith.index_cast %add3A_2449 : i32 to index
        %get3A_2455 = arith.constant 16 : index
        %get3A_2456 = tpu.vector_load %arg15[%get3A_2454, %get3A_2455] {strides = array<i32>} : memref<320x128xf32, #tpu.memory_space<vmem>>, vector<16xf32>,
        %mul3A_2457 = arith.mulf %get3A_1492, %get3A_2456 : vector<16xf32>
        %add3A_2458 = arith.addf %mul3A_2453, %mul3A_2457 : vector<16xf32>
        %get3A_2459 = arith.index_cast %add3A_2449 : i32 to index
        %get3A_2460 = arith.constant 32 : index
        %get3A_2461 = tpu.vector_load %arg15[%get3A_2459, %get3A_2460] {strides = array<i32>} : memref<320x128xf32, #tpu.memory_space<vmem>>, vector<16xf32>,
        %mul3A_2462 = arith.mulf %get3A_1495, %get3A_2461 : vector<16xf32>
        %add3A_2463 = arith.addf %add3A_2458, %mul3A_2462 : vector<16xf32>
        %get3A_2464 = arith.index_cast %add3A_2449 : i32 to index
        %get3A_2465 = arith.constant 48 : index
        %get3A_2466 = tpu.vector_load %arg15[%get3A_2464, %get3A_2465] {strides = array<i32>} : memref<320x128xf32, #tpu.memory_space<vmem>>, vector<16xf32>,
        %mul3A_2467 = arith.mulf %get3A_1498, %get3A_2466 : vector<16xf32>
        %add3A_2468 = arith.addf %add3A_2463, %mul3A_2467 : vector<16xf32>
        %get3A_2469 = arith.index_cast %add3A_2449 : i32 to index
        %get3A_2470 = arith.constant 64 : index
        %get3A_2471 = tpu.vector_load %arg15[%get3A_2469, %get3A_2470] {strides = array<i32>} : memref<320x128xf32, #tpu.memory_space<vmem>>, vector<16xf32>,
        %mul3A_2472 = arith.mulf %get3A_1501, %get3A_2471 : vector<16xf32>
        %add3A_2473 = arith.addf %add3A_2468, %mul3A_2472 : vector<16xf32>
        %get3A_2474 = arith.index_cast %add3A_2449 : i32 to index
        %get3A_2475 = arith.constant 80 : index
        %get3A_2476 = tpu.vector_load %arg15[%get3A_2474, %get3A_2475] {strides = array<i32>} : memref<320x128xf32, #tpu.memory_space<vmem>>, vector<16xf32>,
        %mul3A_2477 = arith.mulf %get3A_1504, %get3A_2476 : vector<16xf32>
        %add3A_2478 = arith.addf %add3A_2473, %mul3A_2477 : vector<16xf32>
        %get3A_2479 = arith.index_cast %add3A_2449 : i32 to index
        %get3A_2480 = arith.constant 96 : index
        %get3A_2481 = tpu.vector_load %arg15[%get3A_2479, %get3A_2480] {strides = array<i32>} : memref<320x128xf32, #tpu.memory_space<vmem>>, vector<16xf32>,
        %mul3A_2482 = arith.mulf %get3A_1507, %get3A_2481 : vector<16xf32>
        %add3A_2483 = arith.addf %add3A_2478, %mul3A_2482 : vector<16xf32>
        %get3A_2484 = arith.index_cast %add3A_2449 : i32 to index
        %get3A_2485 = arith.constant 112 : index
        %get3A_2486 = tpu.vector_load %arg15[%get3A_2484, %get3A_2485] {strides = array<i32>} : memref<320x128xf32, #tpu.memory_space<vmem>>, vector<16xf32>,
        %mul3A_2487 = arith.mulf %get3A_1510, %get3A_2486 : vector<16xf32>
        %add3A_2488 = arith.addf %add3A_2483, %mul3A_2487 : vector<16xf32>
        %reduce_sum3A_2489 = arith.constant true
        %reduce_sum3A_2490 = vector.broadcast %reduce_sum3A_2489 : i1 to vector<16xi1>
        %reduce_sum3A_2491 = tpu.scan <sum>, %add3A_2488 masked %reduce_sum3A_2490 : vector<16xf32>, vector<16xi1> -> vector<16xf32>
        %reduce_sum3A_2492 = vector.extract %reduce_sum3A_2491[15] : f32 from vector<16xf32>
        %eq3A_2493 = arith.constant 2 : i32
        %eq3A_2494 = vector.broadcast %eq3A_2493 : i32 to vector<16xi32>
        %eq3A_2495 = arith.cmpi eq, %iota3A, %eq3A_2494 : vector<16xi32>
        %broadcast_in_dim3A_2496 = vector.broadcast %reduce_sum3A_2492 : f32 to vector<16xf32>
        %select_n3A_2497 = arith.select %eq3A_2495, %broadcast_in_dim3A_2496, %select_n3A_2445 : vector<16xi1>, vector<16xf32>
        %mul3A_2498 = arith.constant 20 : i32
        %mul3A_2499 = arith.muli %scan3A_1487, %mul3A_2498 : i32
        %add3A_2500 = arith.constant 19 : i32
        %add3A_2501 = arith.addi %mul3A_2499, %add3A_2500 : i32
        %get3A_2502 = arith.index_cast %add3A_2501 : i32 to index
        %get3A_2503 = arith.constant 0 : index
        %get3A_2504 = tpu.vector_load %arg15[%get3A_2502, %get3A_2503] {strides = array<i32>} : memref<320x128xf32, #tpu.memory_space<vmem>>, vector<16xf32>,
        %mul3A_2505 = arith.mulf %get3A_1489, %get3A_2504 : vector<16xf32>
        %get3A_2506 = arith.index_cast %add3A_2501 : i32 to index
        %get3A_2507 = arith.constant 16 : index
        %get3A_2508 = tpu.vector_load %arg15[%get3A_2506, %get3A_2507] {strides = array<i32>} : memref<320x128xf32, #tpu.memory_space<vmem>>, vector<16xf32>,
        %mul3A_2509 = arith.mulf %get3A_1492, %get3A_2508 : vector<16xf32>
        %add3A_2510 = arith.addf %mul3A_2505, %mul3A_2509 : vector<16xf32>
        %get3A_2511 = arith.index_cast %add3A_2501 : i32 to index
        %get3A_2512 = arith.constant 32 : index
        %get3A_2513 = tpu.vector_load %arg15[%get3A_2511, %get3A_2512] {strides = array<i32>} : memref<320x128xf32, #tpu.memory_space<vmem>>, vector<16xf32>,
        %mul3A_2514 = arith.mulf %get3A_1495, %get3A_2513 : vector<16xf32>
        %add3A_2515 = arith.addf %add3A_2510, %mul3A_2514 : vector<16xf32>
        %get3A_2516 = arith.index_cast %add3A_2501 : i32 to index
        %get3A_2517 = arith.constant 48 : index
        %get3A_2518 = tpu.vector_load %arg15[%get3A_2516, %get3A_2517] {strides = array<i32>} : memref<320x128xf32, #tpu.memory_space<vmem>>, vector<16xf32>,
        %mul3A_2519 = arith.mulf %get3A_1498, %get3A_2518 : vector<16xf32>
        %add3A_2520 = arith.addf %add3A_2515, %mul3A_2519 : vector<16xf32>
        %get3A_2521 = arith.index_cast %add3A_2501 : i32 to index
        %get3A_2522 = arith.constant 64 : index
        %get3A_2523 = tpu.vector_load %arg15[%get3A_2521, %get3A_2522] {strides = array<i32>} : memref<320x128xf32, #tpu.memory_space<vmem>>, vector<16xf32>,
        %mul3A_2524 = arith.mulf %get3A_1501, %get3A_2523 : vector<16xf32>
        %add3A_2525 = arith.addf %add3A_2520, %mul3A_2524 : vector<16xf32>
        %get3A_2526 = arith.index_cast %add3A_2501 : i32 to index
        %get3A_2527 = arith.constant 80 : index
        %get3A_2528 = tpu.vector_load %arg15[%get3A_2526, %get3A_2527] {strides = array<i32>} : memref<320x128xf32, #tpu.memory_space<vmem>>, vector<16xf32>,
        %mul3A_2529 = arith.mulf %get3A_1504, %get3A_2528 : vector<16xf32>
        %add3A_2530 = arith.addf %add3A_2525, %mul3A_2529 : vector<16xf32>
        %get3A_2531 = arith.index_cast %add3A_2501 : i32 to index
        %get3A_2532 = arith.constant 96 : index
        %get3A_2533 = tpu.vector_load %arg15[%get3A_2531, %get3A_2532] {strides = array<i32>} : memref<320x128xf32, #tpu.memory_space<vmem>>, vector<16xf32>,
        %mul3A_2534 = arith.mulf %get3A_1507, %get3A_2533 : vector<16xf32>
        %add3A_2535 = arith.addf %add3A_2530, %mul3A_2534 : vector<16xf32>
        %get3A_2536 = arith.index_cast %add3A_2501 : i32 to index
        %get3A_2537 = arith.constant 112 : index
        %get3A_2538 = tpu.vector_load %arg15[%get3A_2536, %get3A_2537] {strides = array<i32>} : memref<320x128xf32, #tpu.memory_space<vmem>>, vector<16xf32>,
        %mul3A_2539 = arith.mulf %get3A_1510, %get3A_2538 : vector<16xf32>
        %add3A_2540 = arith.addf %add3A_2535, %mul3A_2539 : vector<16xf32>
        %reduce_sum3A_2541 = arith.constant true
        %reduce_sum3A_2542 = vector.broadcast %reduce_sum3A_2541 : i1 to vector<16xi1>
        %reduce_sum3A_2543 = tpu.scan <sum>, %add3A_2540 masked %reduce_sum3A_2542 : vector<16xf32>, vector<16xi1> -> vector<16xf32>
        %reduce_sum3A_2544 = vector.extract %reduce_sum3A_2543[15] : f32 from vector<16xf32>
        %eq3A_2545 = arith.constant 3 : i32
        %eq3A_2546 = vector.broadcast %eq3A_2545 : i32 to vector<16xi32>
        %eq3A_2547 = arith.cmpi eq, %iota3A, %eq3A_2546 : vector<16xi32>
        %broadcast_in_dim3A_2548 = vector.broadcast %reduce_sum3A_2544 : f32 to vector<16xf32>
        %select_n3A_2549 = arith.select %eq3A_2547, %broadcast_in_dim3A_2548, %select_n3A_2497 : vector<16xi1>, vector<16xf32>
        %mul3A_2550 = arith.constant 128 : i32
        %mul3A_2551 = arith.muli %scan3A_1487, %mul3A_2550 : i32
        %swap3A_2552 = arith.index_cast %mul3A_2551 : i32 to index
        %swap3A_2553 = tpu.vector_load %arg17[%swap3A_2552] {strides = array<i32>} : memref<2048xf32, #tpu.memory_space<vmem>>, vector<16xf32>,
        tpu.vector_store %arg17[%swap3A_2552], %select_n3A_2341 {strides = array<i32>} : memref<2048xf32, #tpu.memory_space<vmem>>, vector<16xf32>,
        %mul3A_2554 = arith.constant 128 : i32
        %mul3A_2555 = arith.muli %scan3A_1487, %mul3A_2554 : i32
        %add3A_2556 = arith.constant 16 : i32
        %add3A_2557 = arith.addi %mul3A_2555, %add3A_2556 : i32
        %swap3A_2558 = arith.index_cast %add3A_2557 : i32 to index
        %swap3A_2559 = tpu.vector_load %arg17[%swap3A_2558] {strides = array<i32>} : memref<2048xf32, #tpu.memory_space<vmem>>, vector<16xf32>,
        tpu.vector_store %arg17[%swap3A_2558], %select_n3A_2549 {strides = array<i32>} : memref<2048xf32, #tpu.memory_space<vmem>>, vector<16xf32>,
      }
      %scan3A_1479 = arith.constant 16 : i32
      %mul3A_1480 = arith.constant 16 : i32
      %mul3A_1481 = arith.muli %add3A_1456, %mul3A_1480 : i32
      %add3A_1482 = arith.addi %mul3A_2, %mul3A_1481 : i32
      %mul3A_1483 = arith.constant 128 : i32
      %mul3A_1484 = arith.muli %add3A_1482, %mul3A_1483 : i32
      %dma_start3A_1485 = tpu.memref_slice %arg6[%mul3A_1484] : memref<2097152xf32, #tpu.memory_space<hbm>> -> memref<2048xf32, #tpu.memory_space<hbm>>
      %dma_start3A_1486 = tpu.memref_slice %arg6[%mul3A_1484] : memref<2097152xf32, #tpu.memory_space<hbm>> -> memref<2048xf32, #tpu.memory_space<hbm>>
      tpu.enqueue_dma source(%arg17 : memref<2048xf32, #tpu.memory_space<vmem>>) target(%dma_start3A_1486 : memref<2048xf32, #tpu.memory_space<hbm>>) target_semaphore(%arg23 : memref<!tpu.dma_semaphore, #tpu.memory_space<semaphore_mem>>)
    }
    %scan3A_1299 = arith.constant 16 : i32
    %dma_wait3A_1300 = arith.constant 0 : i32
    %dma_wait3A_1301 = tpu.memref_slice %arg6[%dma_wait3A_1300] : memref<2097152xf32, #tpu.memory_space<hbm>> -> memref<2048xf32, #tpu.memory_space<hbm>>
    %dma_wait3A_1302 = arith.constant 0 : i32
    %dma_wait3A_1303 = tpu.memref_slice %arg6[%dma_wait3A_1302] : memref<2097152xf32, #tpu.memory_space<hbm>> -> memref<2048xf32, #tpu.memory_space<hbm>>
    tpu.wait_dma2 semaphore(%arg22 : memref<!tpu.dma_semaphore, #tpu.memory_space<semaphore_mem>>) src(%arg16 : memref<2048xf32, #tpu.memory_space<vmem>>) dst(%dma_wait3A_1303 : memref<2048xf32, #tpu.memory_space<hbm>>)
    %dma_wait3A_1304 = arith.constant 0 : i32
    %dma_wait3A_1305 = tpu.memref_slice %arg6[%dma_wait3A_1304] : memref<2097152xf32, #tpu.memory_space<hbm>> -> memref<2048xf32, #tpu.memory_space<hbm>>
    %dma_wait3A_1306 = arith.constant 0 : i32
    %dma_wait3A_1307 = tpu.memref_slice %arg6[%dma_wait3A_1306] : memref<2097152xf32, #tpu.memory_space<hbm>> -> memref<2048xf32, #tpu.memory_space<hbm>>
    tpu.wait_dma2 semaphore(%arg23 : memref<!tpu.dma_semaphore, #tpu.memory_space<semaphore_mem>>) src(%arg17 : memref<2048xf32, #tpu.memory_space<vmem>>) dst(%dma_wait3A_1307 : memref<2048xf32, #tpu.memory_space<hbm>>)
    return
  }
}

</mosaic_0001>

<sc_bundles>
// kernel: kernel.3.cloned.1.call-start
scs
__scs_entry_jumppad:
0x0: {  	(pc) =	sbr.rel $0x88, $3  }
0x1: {  	(tag) =	ssettag $0x0;
	lr =	simm.s32 $0x1  }
0x2: {  	[smem:$0x3F9D] =	sst lr;
	_ =	strace $0xD0000000  }
0x3: {  	_ = 	snop  }
0x4: {  	_ = 	snop  }
0x5: {  	_ = 	snop  }
0x6: {  	_ = 	snop  }
0x7: {  	_ = 	snop  }
__scs_overlays_trampoline_lowered:
0x8: {  	[smem:$0x3FAC] =	sst s0  }
0x9: {  	[smem:$0x3FAD] =	sst s1  }
0xa: {  	[smem:$0x3FAE] =	sst s2  }
0xb: {  	[smem:$0x3FAF] =	sst s3  }
0xc: {  	[smem:$0x3FB0] =	sst s4  }
0xd: {  	[smem:$0x3FB1] =	sst s5  }
0xe: {  	[smem:$0x3FB2] =	sst s6  }
0xf: {  	[smem:$0x3FB3] =	sst s7  }
0x10: {  	[smem:$0x3FB4] =	sst s8  }
0x11: {  	[smem:$0x3FB5] =	sst s9;
	s0 =	simm.s32 @!p0 $0x0  }
0x12: {  	s1 =	sld [smem:$0x3F9B];
	s0 =	simm.s32 @p0 $0x1  }
0x13: {  	[smem:$0x3FB6] =	sst s0;
	s0 =	simm.s32 @!p1 $0x0  }
0x14: {  	s2 =	sld [smem:$0x3F9A];
	s0 =	simm.s32 @p1 $0x1  }
0x15: {  	[smem:$0x3FB7] =	sst s0;
	s0 =	simm.s32 @!p2 $0x0  }
0x16: {  	s3 =	sld [smem:$0x3FDB];
	s0 =	simm.s32 @p2 $0x1  }
0x17: {  	s4 =	simm.s32 $0x1BF5;
	[smem:$0x3FB9] =	sst s0  }
0x18: {  	s0 =	sld [smem:$0x3F9C];
	_ =	swait.ge [sflag:s4], $0x0  }
0x19: {  	s7 =	sld [smem:$0x3F9D]  }
0x1a: {  	s8 =	sadd.s32 $0xFFFFE003, lr  }
0x1b: {  	s9 =	sadd.s32 $0xFFFFFEF7, lr;
	s5 =	simm.s32 $0xFFFFFFFF;
	p2 =	slt.u32 s8, $0xFFFFF086  }
0x1c: {  	p1 =	slt.u32 s9, $0xF7A;
	s5 =	simm.s32 @!p2 $0x0  }
0x1d: {  	s5 =	simm.s32 @p1 $0x1;
	p0 =	seq.s32 s7, s2  }
0x1e: {  	s7 =	smul.u32 @!p0 $0xF7A, s2;
	p2 =	seq.s32 @!p0 s5, $0x0  }
0x1f: {  	s9 =	smul.u32 $0xF7A, s1;
	s8 =	simm.s32 @!p0 $0x1BF5;
	p2 =	por !p2, p0  }
0x20: {  	[sflag:s8] =	ssyncset.s32 @!p0 $0xFFFFF086;
	s6 =	sadd.s32 @!p0 s3, s7;
	s7 =	simm.s32 @!p0 $0x108  }
0x21: {  	s3 =	sadd.s32 s3, s9;
	s6 =	sadd.s32 @!p0 $0x88, s6;
	s7 =	simm.s32 @p2 $0x1082  }
0x22: {  	[simem:s7], [sflag:s8] =	dma.local @!p0 [hbm:s6], $0xF7A  }
0x23: {  	s9 =	sor.u32 $0xD0000000, s2;
	s6 =	simm.s32 $0x108;
	_ =	swait.ge @!p0 [sflag:s8], $0x0  }
0x24: {  	s3 =	sadd.s32 $0x88, s3;
	s6 =	simm.s32 @!p1 $0x1082;
	[sflag:s4] =	ssyncset.s32 $0xFFFFF086  }
0x25: {  	[simem:s6], [sflag:s4] =	dma.local [hbm:s3], $0xF7A  }
0x26: {  	[smem:$0x3F9D] =	sst s1;
	(tag) =	ssettag s2;
	_ =	strace s9  }
0x27: {  	s1 =	sld [smem:$0x3FAD]  }
0x28: {  	s2 =	sld [smem:$0x3FAE]  }
0x29: {  	s4 =	sld [smem:$0x3FB0]  }
0x2a: {  	p0 =	seq.s32 s5, $0x0;
	s5 =	sld [smem:$0x3FB1]  }
0x2b: {  	s6 =	sld [smem:$0x3FB2]  }
0x2c: {  	s7 =	sld [smem:$0x3FB3]  }
0x2d: {  	s3 =	simm.s32 $0x108;
	s8 =	sld [smem:$0x3FB4]  }
0x2e: {  	s3 =	simm.s32 @!p0 $0x1082;
	s9 =	sld [smem:$0x3FB5]  }
0x2f: {  	lr =	sadd.s32 s0, s3;
	s0 =	sld [smem:$0x3FAC]  }
0x30: {  	s3 =	sld [smem:$0x3FAF]  }
0x31: {  	[smem:$0x3FB8] =	sst s10  }
0x32: {  	s10 =	sld [smem:$0x3FB6];
	_ =	sdelay $0x3  }
0x33: {  	p0 =	seq.s32 s10, $0x1;
	s10 =	sld [smem:$0x3FB8];
	_ =	sdelay $0x3  }
0x34: {  	[smem:$0x3FB8] =	sst s10  }
0x35: {  	s10 =	sld [smem:$0x3FB7];
	_ =	sdelay $0x3  }
0x36: {  	p1 =	seq.s32 s10, $0x1;
	s10 =	sld [smem:$0x3FB8];
	_ =	sdelay $0x3  }
0x37: {  	[smem:$0x3FB8] =	sst s10  }
0x38: {  	s10 =	sld [smem:$0x3FB9]  }
0x39: {  	_ = 	snop;
	(pc) =	sbr.ind lr, $3  }
0x3a: {  	_ = 	snop  }
0x3b: {  	_ = 	snop  }
0x3c: {  	p2 =	seq.s32 s10, $0x1;
	s10 =	sld [smem:$0x3FB8]  }
0x3d: {  	_ =	shalt  }
0x3e: {  	_ =	shalt  }
0x3f: {  	_ =	shalt  }
0x40: {  	_ =	shalt  }
0x41: {  	_ =	shalt  }
0x42: {  	_ =	shalt  }
0x43: {  	_ =	shalt  }
0x44: {  	_ =	shalt  }
0x45: {  	_ =	shalt  }
0x46: {  	_ =	shalt  }
0x47: {  	_ =	shalt  }
0x48: {  	_ =	shalt  }
0x49: {  	_ =	shalt  }
0x4a: {  	_ =	shalt  }
0x4b: {  	_ =	shalt  }
0x4c: {  	_ =	shalt  }
0x4d: {  	_ =	shalt  }
0x4e: {  	_ =	shalt  }
0x4f: {  	_ =	shalt  }
0x50: {  	_ =	shalt  }
0x51: {  	_ =	shalt  }
0x52: {  	_ =	shalt  }
0x53: {  	_ =	shalt  }
0x54: {  	_ =	shalt  }
0x55: {  	_ =	shalt  }
0x56: {  	_ =	shalt  }
0x57: {  	_ =	shalt  }
0x58: {  	_ =	shalt  }
0x59: {  	_ =	shalt  }
0x5a: {  	_ =	shalt  }
0x5b: {  	_ =	shalt  }
0x5c: {  	_ =	shalt  }
0x5d: {  	_ =	shalt  }
0x5e: {  	_ =	shalt  }
0x5f: {  	_ =	shalt  }
0x60: {  	_ =	shalt  }
0x61: {  	_ =	shalt  }
0x62: {  	_ =	shalt  }
0x63: {  	_ =	shalt  }
0x64: {  	_ =	shalt  }
0x65: {  	_ =	shalt  }
0x66: {  	_ =	shalt  }
0x67: {  	_ =	shalt  }
0x68: {  	_ =	shalt  }
0x69: {  	_ =	shalt  }
0x6a: {  	_ =	shalt  }
0x6b: {  	_ =	shalt  }
0x6c: {  	_ =	shalt  }
0x6d: {  	_ =	shalt  }
0x6e: {  	_ =	shalt  }
0x6f: {  	_ =	shalt  }
0x70: {  	_ =	shalt  }
0x71: {  	_ =	shalt  }
0x72: {  	_ =	shalt  }
0x73: {  	_ =	shalt  }
0x74: {  	_ =	shalt  }
0x75: {  	_ =	shalt  }
0x76: {  	_ =	shalt  }
0x77: {  	_ =	shalt  }
0x78: {  	_ =	shalt  }
0x79: {  	_ =	shalt  }
0x7a: {  	_ =	shalt  }
0x7b: {  	_ =	shalt  }
0x7c: {  	_ =	shalt  }
0x7d: {  	_ =	shalt  }
0x7e: {  	_ =	shalt  }
0x7f: {  	_ =	shalt  }
0x80: {  	_ =	shalt  }
0x81: {  	_ =	shalt  }
0x82: {  	_ =	shalt  }
0x83: {  	_ =	shalt  }
0x84: {  	_ =	shalt  }
0x85: {  	_ =	shalt  }
0x86: {  	_ =	shalt  }
0x87: {  	_ =	shalt  }
.Lfunc_end0:
.L_simem_size_0:
called_computation_lowered:
.L_overlay_start_0:
0x88: {  	s2 =	sld [smem:$0x3FD9]  }
0x89: {  	s3 =	sld [smem:$0x3FFE];
	_ =	sdelay $0x1  }
0x8a: {  	s1 =	srdreg.scid  }
0x8b: {  	s0 =	sand.u32 $0x1, s1  }
0x8c: {  	s17 =	sshll.u32 s0, $0xA;
	s2 =	sadd.s32 s3, s2  }
0x8d: {  	s2 =	sadd.s32 s2, s17  }
0x8e: {  	[smem:$0x3FC4] =	sst s2  }
0x8f: {  	_ = 	snop  }
0x90: {  	s2 =	sld [smem:$0x3FC9]  }
0x91: {  	s18 =	sld [smem:$0x3FC7]  }
0x92: {  	s4 =	sld [smem:$0x3FC6];
	(tm) =	ssettm $0x1  }
0x93: {  	s5 =	sld [smem:$0x3FFB];
	_ =	sdelay $0x3  }
0x94: {  	_ =	strace s5  }
0x95: {  	s5 =	sld [smem:$0x3FFC];
	_ =	sdelay $0x3  }
0x96: {  	_ =	strace s5  }
0x97: {  	s5 =	sld [smem:$0x3FFD];
	_ =	sdelay $0x3  }
0x98: {  	_ =	strace s5  }
0x99: {  	_ =	strace $0x8FFFFFFF  }
0x9a: {  	s19 =	sld [smem:$0x3FDB];
	_ =	sdelay $0x1  }
0x9b: {  	s6 =	simm.s32 $_scs_section_size  }
0x9c: {  	s7 =	simm.s32 $_size__tile_overlayer_lowered;
	s8 =	simm.s32 $_tile_overlayer_lowered  }
0x9d: {  	s22 =	simm.s32 $0x1BFF;
	s21 =	sshll.u32 s8, $0x1;
	s5 =	sadd.s32 s6, s19  }
0x9e: {  	s9 =	simm.s32 $0x0;
	s20 =	sshll.u32 s7, $0x1;
	s7 =	sadd.s32 s21, s5  }
0x9f: {  	[timem:s9], [sflag:s22] =	dma.local [hbm:s7], s20  }
0xa0: {  	_ =	swait.ge [sflag:s22], s20  }
0xa1: {  	s6 =	ssub.s32 $0x0, s20;
	[sflag:s22] =	ssyncset.done $0x0  }
0xa2: {  	[sflag:s22] =	ssyncadd.s32 s6;
	_ =	sdelay $0x1  }
0xa3: {  	s23 =	simm.s32 $0x1B8B  }
0xa4: {  	_ =	swait.ge [sflag:s23], $0x1  }
0xa5: {  	[sflag:s23] =	ssyncset.done $0x0  }
0xa6: {  	s25 =	simm.s32 $0x1B8E;
	s24 =	sld [smem:$0x3FFE];
	[sflag:s23] =	ssyncadd.s32 $0xFFFFFFFF  }
0xa7: {  	s26 =	simm.s32 $execute0_lowered;
	[smem:$0x3FD2] =	sst s25  }
0xa8: {  	s7 =	sshll.u32 s26, $0x1;
	_ =	strace $0x80000046;
	[dreg:$0x1] =	wrdreg $0xFFFFFFFF  }
0xa9: {  	s28 =	simm.s32 $_size_execute0_lowered;
	s5 =	sadd.s32 s5, s7;
	[dreg:$0x0] =	wrdreg $0x0  }
0xaa: {  	s7 =	sshll.u32 s28, $0x1;
	[dreg:$0x2] =	wrdreg s5  }
0xab: {  	[dreg:$0x3] =	wrdreg s7  }
0xac: {  	[dreg:$0x4] =	wrdreg $0xC0  }
0xad: {  	_ =	task [dreg:s9], $0x5FFFF  }
0xae: {  	[dreg:$0x1] =	wrdreg $0xFFFFFFFF  }
0xaf: {  	[dreg:$0x0] =	wrdreg $0x60  }
0xb0: {  	[dreg:$0x2] =	wrdreg s2  }
0xb1: {  	[dreg:$0x3] =	wrdreg s24  }
0xb2: {  	[dreg:$0x4] =	wrdreg s18  }
0xb3: {  	[dreg:$0x5] =	wrdreg s4  }
0xb4: {  	[dreg:$0x6] =	wrdreg $0x9  }
0xb5: {  	_ =	task.clear_ibuf [dreg:s9], $0x7FFFF;
	_ =	strace $0x90000046  }
0xb6: {  	s29 =	simm.s32 $0x9;
	_ =	strace $0x80000048  }
0xb7: {  	_ =	swait.ge [sflag:s29], $0x1  }
0xb8: {  	[sflag:s29] =	ssyncadd.s32 $0xFFFFFFFF  }
0xb9: {  	_ =	strace $0x90000048  }
0xba: {  	_ =	sfence  }
0xbb: {  	s30 =	sld [smem:$0x0];
	_ =	sdelay $0x2  }
0xbc: {  	s31 =	sshll.u32 s1, $0xD;
	s1 =	sshrl.u32 s1, $0x2  }
0xbd: {  	s3 =	sand.u32 $0x4000, s31;
	s1 =	sadd.s32 s1, s30  }
0xbe: {  	s0 =	sor.u32 s3, s0;
	s1 =	sshll.u32 s1, $0x11  }
0xbf: {  	s0 =	sor.u32 s1, s0  }
0xc0: {  	s0 =	sadd.s32 $0x8F2B, s0  }
0xc1: {  	[sflag:s0] =	ssyncadd.remote.s32 $0x1  }
0xc2: {  	_ =	sfence.sel $0xFFFF  }
0xc3: {  	[dreg:$0x0] =	wrdreg $0xFFFFFFFF;
	(pc) =	sbr.abs _section_cstart, $3  }
0xc4: {  	[dreg:$0x1] =	wrdreg $0xFFFFFFFF  }
0xc5: {  	_ =	task.clear_ibuf [dreg:s9], $0x2FFFF;
	_ =	strace $0x9FFFFFFF  }
0xc6: {  	(tm) =	ssettm $0x7FFFFFFF  }
0xc7: {  	_ =	shalt  }
tec
execute0_lowered:
.L_overlay_start_1:
0x0: {  	(tag) =	ssettag $0x1  }
0x1: {  	v0 =	vimm.s32 $0x87868584;
	v1 =	vimm.s32 $0x8B8A8988  }
0x2: {  	v2 =	vimm.s32 $0x13121110;
	v3 =	vimm.s32 $0x83828180;
	vm0 =	vcmask $0x1F10  }
0x3: {  	v39 =	vlaneseq.u32;
	v40 =	vimm.s32 $0x8F8E8D8C;
	v41 =	vimm.s32 $0x183  }
0x4: {  	vm14 =	vcmask $0x300;
	vm13 =	vcmask $0x704;
	vm12 =	vcmask $0xB08  }
0x5: {  	vm1 =	vcmask $0xF00;
	vm11 =	vcmask $0xF0C;
	v43 =	vimm.s32 $0x93929190  }
0x6: {  	vm10 =	vcmask $0x1310;
	vm9 =	vcmask $0x1714;
	vm8 =	vcmask $0x1B18  }
0x7: {  	vm7 =	vcmask $0x1F1C;
	vm6 =	vcmask $0x2320;
	vm5 =	vcmask $0x2724  }
0x8: {  	vm4 =	vcmask $0x2B28;
	vm3 =	vcmask $0x2F2C;
	v0 =	vunpack.c.0.s8.s32 v0  }
0x9: {  	v1 =	vunpack.c.0.s8.s32 v1;
	v2 =	vunpack.c.0.s8.s32 v2;
	v3 =	vunpack.c.0.s8.s32 v3  }
0xa: {  	vm2 =	vcmask $0x3330;
	v46 =	vimm.s32 $0x28B;
	v47 =	vimm.s32 $0x307  }
0xb: {  	v6 =	vimm.s32 $0x383;
	v0 =	vsel vm0, v1, v0;
	v38 =	vsel vm0, v3, v2  }
0xc: {  	v52 =	vimm.s32 $0x48B;
	v53 =	vimm.s32 $0x507;
	v0 =	vcombine.low v38, v0  }
0xd: {  	v11 =	vimm.s32 $0x583;
	v58 =	vimm.s32 $0x68B;
	v59 =	vimm.s32 $0x707  }
0xe: {  	v16 =	vimm.s32 $0x783;
	v42 =	vsel vm14, $0x108, v41;
	v0 =	vand.u32 $0xFF, v0  }
0xf: {  	v44 =	vadd.s32 $0x184, v39;
	v45 =	vor.u32 $0x200, v39;
	[tilespmem:$0x1FED0] =	vst v0;
	v0 =	vsel vm13, $0x109, v42  }
0x10: {  	v6 =	vsel vm14, $0x308, v6;
	v50 =	vadd.s32 $0x384, v39;
	v0 =	vsel vm12, $0x10A, v0  }
0x11: {  	v51 =	vor.u32 $0x400, v39;
	v11 =	vsel vm14, $0x508, v11;
	v0 =	vsel vm11, $0x10B, v0  }
0x12: {  	v56 =	vadd.s32 $0x584, v39;
	v1 =	vunpack.c.0.s8.s32 v40;
	v0 =	vsel vm10, $0x10C, v0  }
0x13: {  	v57 =	vor.u32 $0x600, v39;
	v2 =	vunpack.c.0.s8.s32 v43;
	v0 =	vsel vm9, $0x10D, v0  }
0x14: {  	v16 =	vsel vm14, $0x708, v16;
	v1 =	vand.u32 $0xFF, v1;
	v0 =	vsel vm8, $0x10E, v0  }
0x15: {  	v2 =	vand.u32 $0xFF, v2;
	v1 =	vnsel vm1, $0x107, v1;
	v0 =	vsel vm7, $0x10F, v0  }
0x16: {  	v63 =	vadd.s32 $0x784, v39;
	v1 =	vsel vm0, v2, v1;
	v0 =	vsel vm6, $0x110, v0  }
0x17: {  	v6 =	vsel vm13, $0x309, v6;
	v1 =	vsel vm6, $0x100, v1;
	v0 =	vsel vm5, $0x111, v0  }
0x18: {  	v11 =	vsel vm13, $0x509, v11;
	v1 =	vsel vm5, $0x101, v1;
	v0 =	vsel vm4, $0x112, v0  }
0x19: {  	v16 =	vsel vm13, $0x709, v16;
	v1 =	vsel vm4, $0x102, v1;
	v0 =	vsel vm3, $0x113, v0  }
0x1a: {  	vm1 =	vcmask $0x3734;
	v1 =	vsel vm3, $0x103, v1;
	v0 =	vsel vm2, $0x180, v0  }
0x1b: {  	vm0 =	vcmask $0x3B38;
	v1 =	vsel vm2, $0x104, v1;
	v0 =	vsel vm1, $0x181, v0  }
0x1c: {  	v6 =	vsel vm12, $0x30A, v6;
	v1 =	vsel vm1, $0x105, v1;
	v0 =	vsel vm0, $0x182, v0  }
0x1d: {  	v11 =	vsel vm12, $0x50A, v11;
	v1 =	vsel vm0, $0x106, v1;
	[tilespmem:$0x1FEF0] =	vst v0;
	v0 =	vsel vm14, $0x210, v46  }
0x1e: {  	v16 =	vsel vm12, $0x70A, v16;
	[tilespmem:$0x1FEE0] =	vst v1;
	v1 =	vsel vm14, $0x28C, v47;
	v0 =	vsel vm13, $0x211, v0  }
0x1f: {  	v6 =	vsel vm11, $0x30B, v6;
	v1 =	vsel vm13, $0x28D, v1;
	v0 =	vsel vm12, $0x212, v0  }
0x20: {  	v11 =	vsel vm11, $0x50B, v11;
	v1 =	vsel vm12, $0x28E, v1;
	v0 =	vsel vm11, $0x213, v0  }
0x21: {  	v16 =	vsel vm11, $0x70B, v16;
	v1 =	vsel vm11, $0x28F, v1;
	v0 =	vsel vm10, $0x280, v0  }
0x22: {  	v6 =	vsel vm10, $0x30C, v6;
	v1 =	vsel vm10, $0x290, v1;
	v0 =	vsel vm9, $0x281, v0  }
0x23: {  	v6 =	vsel vm9, $0x30D, v6;
	v1 =	vsel vm9, $0x291, v1;
	v0 =	vsel vm8, $0x282, v0  }
0x24: {  	v6 =	vsel vm8, $0x30E, v6;
	v1 =	vsel vm8, $0x292, v1;
	v0 =	vsel vm7, $0x283, v0  }
0x25: {  	v6 =	vsel vm7, $0x30F, v6;
	v1 =	vsel vm7, $0x293, v1;
	v0 =	vsel vm6, $0x284, v0  }
0x26: {  	v6 =	vsel vm6, $0x310, v6;
	v1 =	vsel vm6, $0x300, v1;
	v0 =	vsel vm5, $0x285, v0  }
0x27: {  	v6 =	vsel vm5, $0x311, v6;
	v1 =	vsel vm5, $0x301, v1;
	v0 =	vsel vm4, $0x286, v0  }
0x28: {  	v6 =	vsel vm4, $0x312, v6;
	v1 =	vsel vm4, $0x302, v1;
	v0 =	vsel vm3, $0x287, v0  }
0x29: {  	v6 =	vsel vm3, $0x313, v6;
	v1 =	vsel vm3, $0x303, v1;
	v0 =	vsel vm2, $0x288, v0  }
0x2a: {  	v8 =	vsel vm2, $0x380, v6;
	v1 =	vsel vm2, $0x304, v1;
	v0 =	vsel vm1, $0x289, v0  }
0x2b: {  	v49 =	vsel vm1, $0x381, v8;
	v1 =	vsel vm1, $0x305, v1;
	v0 =	vsel vm0, $0x28A, v0  }
0x2c: {  	v48 =	vsel vm0, $0x306, v1;
	v1 =	vsel vm14, $0x48C, v53;
	[tilespmem:$0x1FF20] =	vst v0;
	v0 =	vsel vm0, $0x382, v49  }
0x2d: {  	v11 =	vsel vm10, $0x50C, v11;
	v1 =	vsel vm13, $0x48D, v1;
	[tilespmem:$0x1FF40] =	vst v0;
	v0 =	vsel vm14, $0x410, v52  }
0x2e: {  	v16 =	vsel vm10, $0x70C, v16;
	v1 =	vsel vm12, $0x48E, v1;
	v0 =	vsel vm13, $0x411, v0  }
0x2f: {  	v11 =	vsel vm9, $0x50D, v11;
	v1 =	vsel vm11, $0x48F, v1;
	v0 =	vsel vm12, $0x412, v0  }
0x30: {  	v16 =	vsel vm9, $0x70D, v16;
	v1 =	vsel vm10, $0x490, v1;
	v0 =	vsel vm11, $0x413, v0  }
0x31: {  	v11 =	vsel vm8, $0x50E, v11;
	v1 =	vsel vm9, $0x491, v1;
	v0 =	vsel vm10, $0x480, v0  }
0x32: {  	v16 =	vsel vm8, $0x70E, v16;
	v1 =	vsel vm8, $0x492, v1;
	v0 =	vsel vm9, $0x481, v0  }
0x33: {  	v11 =	vsel vm7, $0x50F, v11;
	v1 =	vsel vm7, $0x493, v1;
	v0 =	vsel vm8, $0x482, v0  }
0x34: {  	v16 =	vsel vm7, $0x70F, v16;
	v1 =	vsel vm6, $0x500, v1;
	v0 =	vsel vm7, $0x483, v0  }
0x35: {  	v11 =	vsel vm6, $0x510, v11;
	v1 =	vsel vm5, $0x501, v1;
	v0 =	vsel vm6, $0x484, v0  }
0x36: {  	v16 =	vsel vm6, $0x710, v16;
	v1 =	vsel vm4, $0x502, v1;
	v0 =	vsel vm5, $0x485, v0  }
0x37: {  	v11 =	vsel vm5, $0x511, v11;
	v1 =	vsel vm3, $0x503, v1;
	v0 =	vsel vm4, $0x486, v0  }
0x38: {  	v16 =	vsel vm5, $0x711, v16;
	v1 =	vsel vm2, $0x504, v1;
	v0 =	vsel vm3, $0x487, v0  }
0x39: {  	v11 =	vsel vm4, $0x512, v11;
	v1 =	vsel vm1, $0x505, v1;
	v0 =	vsel vm2, $0x488, v0  }
0x3a: {  	v54 =	vsel vm0, $0x506, v1;
	v1 =	vsel vm14, $0x68C, v59;
	v0 =	vsel vm1, $0x489, v0  }
0x3b: {  	s1 =	rddreg [dreg:$0x0];
	v16 =	vsel vm4, $0x712, v16;
	v1 =	vsel vm13, $0x68D, v1;
	v0 =	vsel vm0, $0x48A, v0  }
0x3c: {  	s3 =	rddreg [dreg:$0x1];
	v11 =	vsel vm3, $0x513, v11;
	v1 =	vsel vm12, $0x68E, v1;
	[tilespmem:$0x1FF70] =	vst v0;
	v0 =	vsel vm14, $0x610, v58  }
0x3d: {  	s0 =	rddreg [dreg:$0x2];
	v16 =	vsel vm3, $0x713, v16;
	v1 =	vsel vm11, $0x68F, v1;
	v0 =	vsel vm13, $0x611, v0  }
0x3e: {  	s2 =	rddreg [dreg:$0x3];
	s5 =	srdreg.scid;
	v11 =	vsel vm2, $0x580, v11;
	v1 =	vsel vm10, $0x690, v1;
	v0 =	vsel vm12, $0x612, v0  }
0x3f: {  	s6 =	stileid.u32;
	s4 =	simm.s32 $0x0;
	s12 =	simm.s32 $0x200;
	v17 =	vsel vm2, $0x780, v16;
	v1 =	vsel vm9, $0x691, v1;
	v0 =	vsel vm11, $0x613, v0  }
0x40: {  	s13 =	simm.s32 $0xA00;
	s14 =	simm.s32 $0x1;
	s15 =	simm.s32 $0x10;
	[tilespmem:$0x1FF00] =	vst v44;
	v13 =	vsel vm1, $0x581, v11;
	v1 =	vsel vm8, $0x692, v1;
	v0 =	vsel vm10, $0x680, v0  }
0x41: {  	s17 =	simm.s32 $0x80;
	s28 =	simm.s32 $0x1380;
	s29 =	simm.s32 $0xC500;
	[tilespmem:$0x1FF10] =	vst v45;
	v61 =	vsel vm1, $0x781, v17;
	v1 =	vsel vm7, $0x693, v1;
	v0 =	vsel vm9, $0x681, v0  }
0x42: {  	s22 =	simm.s32 $0x40;
	s30 =	simm.s32 $0x1400;
	s31 =	simm.s32 $0x10500;
	[tilespmem:$0x1FF50] =	vst v50;
	v55 =	vsel vm0, $0x582, v13;
	v1 =	vsel vm6, $0x700, v1;
	v0 =	vsel vm8, $0x682, v0  }
0x43: {  	s10 =	simm.s32 $0x4;
	s5 =	sand.u32 $0x1, s5;
	s6 =	sshll.u32 s6, $0x1;
	[tilespmem:$0x1FF60] =	vst v51;
	v62 =	vsel vm0, $0x782, v61;
	v1 =	vsel vm5, $0x701, v1;
	v0 =	vsel vm7, $0x683, v0  }
0x44: {  	s11 =	simm.s32 $0x16D00;
	s19 =	simm.s32 $0x0;
	[tilespmem:$0x1FFA0] =	vst v56;
	s6 =	sor.u32 s5, s6;
	vm14 =	vmmov $0x7fff;
	v1 =	vsel vm4, $0x702, v1;
	v0 =	vsel vm6, $0x684, v0  }
0x45: {  	[smem:$0x7FF] =	sst s4;
	[tilespmem:$0x1FFB0] =	vst v57;
	s5 =	ssub.s32 $0x2, s5;
	s7 =	sshll.u32 s6, $0xD;
	vm13 =	vmmov $0x3fff;
	v1 =	vsel vm3, $0x703, v1;
	v0 =	vsel vm5, $0x685, v0  }
0x46: {  	s24 =	sshrl.u32 s5, $0x1;
	s6 =	sshll.u32 s6, $0x6;
	s3 =	sadd.s32 s7, s3;
	[tilespmem:$0x1FF90] =	vst v55;
	vm12 =	vmmov $0x1fff;
	v1 =	vsel vm2, $0x704, v1;
	v0 =	vsel vm4, $0x686, v0  }
0x47: {  	s5 =	ssub.s32 s5, s24;
	s1 =	sadd.s32 s1, s6;
	s24 =	simm.s32 $0xA500;
	[tilespmem:$0x1FF30] =	vst v48;
	vm11 =	vmmov $0xfff;
	v60 =	vsel vm1, $0x705, v1;
	v0 =	vsel vm3, $0x687, v0  }
0x48: {  	s7 =	simm.s32 $0x16500;
	s6 =	sadd.s32 $0x400, s3;
	s25 =	sadd.s32 $0x500, s3;
	[tilespmem:$0x1FF80] =	vst v54;
	vm10 =	vmmov $0x7ff;
	vm9 =	vmmov $0x3ff;
	v0 =	vsel vm2, $0x688, v0  }
0x49: {  	s8 =	sadd.s32 $0x40400, s3;
	_ =	strace $0x80000047;
	[dreg:$0x5] =	wrdreg s1;
	[tilespmem:$0x1FFE0] =	vst v62;
	vm8 =	vmmov $0x1ff;
	vm7 =	vmmov $0xff;
	v0 =	vsel vm1, $0x689, v0  }
0x4a: {  	s9 =	sadd.s32 $0x700, s3;
	s26 =	smax.u32 s5, $0x1;
	[dreg:$0x6] =	wrdreg s25;
	[tilespmem:$0x1FFF0] =	vst v63;
	vm6 =	vmmov $0x7f;
	vm5 =	vmmov $0x3f;
	v0 =	vsel vm0, $0x68A, v0  }
0x4b: {  	s3 =	simm.s32 $0x14500;
	s5 =	simm.s32 $0x3;
	[dreg:$0x7] =	wrdreg s26;
	vm4 =	vmmov $0x1f;
	vm3 =	vmmov $0xf;
	[tilespmem:$0x1FFC0] =	vst v0;
	v0 =	vsel vm0, $0x706, v60  }
0x4c: {  	s25 =	simm.s32 $0x2;
	s26 =	simm.s32 $0x1D00;
	s1 =	simm.s32 $0x1480;
	vm2 =	vmmov $0x7;
	vm1 =	vmmov $0x3;
	vm0 =	vmmov $0x1;
	[tilespmem:$0x1FFD0] =	vst v0  }
.LBB2_1:
0x4d: {  	[dreg:$0x8] =	wrdreg s19  }
0x4e: {  	s16 =	rddreg [dreg:$0x5];
	s21 =	simm.s32 $0x7  }
0x4f: {  	[tilespmem:s4], [sflag:$0x7] =	stream.linear.gather [hbm4b:s16+s4], $0x200, $0x38;
	[tilespmem:$0x17500] =	vst v63  }
0x50: {  	_ =	swait.ge [sflag:s21], $0x200  }
0x51: {  	[sflag:s21] =	ssyncset.done $0x0  }
0x52: {  	[sflag:s21] =	ssyncadd.s32 $0xFFFFFE00  }
0x53: {  	[tilespmem:s12], [sflag:$0x1] =	stream.linear.gather [hbm4b:s6+s4], $0x800, $0x38;
	[tilespmem:$0x17500] =	vst v63  }
0x54: {  	v0 =	vlaneseq.u32;
	s23 =	rddreg [dreg:$0x6]  }
0x55: {  	[tilespmem:s13], [sflag:$0x2] =	stream.linear.gather [hbm4b:s23+s4], $0x800, $0x38;
	[tilespmem:$0x17500] =	vst v63  }
0x56: {  	_ =	swait.ge [sflag:s14], $0x800  }
0x57: {  	[sflag:s14] =	ssyncset.done $0x0;
	v45 =	vld [tilespmem:$0x1FED0]  }
0x58: {  	[sflag:s14] =	ssyncadd.s32 $0xFFFFF800  }
0x59: {  	v0 =	vld.idx.msk [tilespmem:v0+s12+$0x0], $0xffff;
	_ =	sdelay $0x3  }
0x5a: {  	v46 =	vld [tilespmem:$0x1FEE0]  }
0x5b: {  	[tilespmem:$0x1200] =	vst v0  }
0x5c: {  	v0 =	vld.idx.msk [tilespmem:v45+s12+$0x0], $0xffff;
	_ =	sdelay $0x3  }
0x5d: {  	v47 =	vld [tilespmem:$0x1FEF0]  }
0x5e: {  	[tilespmem:$0x1210] =	vst v0  }
0x5f: {  	v0 =	vld.idx.msk [tilespmem:v46+s12+$0x0], $0xffff;
	_ =	sdelay $0x3  }
0x60: {  	v48 =	vld [tilespmem:$0x1FF00]  }
0x61: {  	[tilespmem:$0x1220] =	vst v0  }
0x62: {  	v0 =	vld.idx.msk [tilespmem:v47+s12+$0x0], $0xffff;
	_ =	sdelay $0x3  }
0x63: {  	v49 =	vld [tilespmem:$0x1FF10]  }
0x64: {  	[tilespmem:$0x1230] =	vst v0  }
0x65: {  	v0 =	vld.idx.msk [tilespmem:v48+s12+$0x0], $0xffff;
	_ =	sdelay $0x3  }
0x66: {  	v50 =	vld [tilespmem:$0x1FF20]  }
0x67: {  	[tilespmem:$0x1240] =	vst v0  }
0x68: {  	v0 =	vld.idx.msk [tilespmem:v49+s12+$0x0], $0xffff;
	_ =	sdelay $0x3  }
0x69: {  	v51 =	vld [tilespmem:$0x1FF30]  }
0x6a: {  	[tilespmem:$0x1250] =	vst v0  }
0x6b: {  	v0 =	vld.idx.msk [tilespmem:v50+s12+$0x0], $0xffff;
	_ =	sdelay $0x3  }
0x6c: {  	v52 =	vld [tilespmem:$0x1FF40]  }
0x6d: {  	[tilespmem:$0x1260] =	vst v0  }
0x6e: {  	v0 =	vld.idx.msk [tilespmem:v51+s12+$0x0], $0xffff;
	_ =	sdelay $0x3  }
0x6f: {  	v53 =	vld [tilespmem:$0x1FF50]  }
0x70: {  	[tilespmem:$0x1270] =	vst v0  }
0x71: {  	v0 =	vld.idx.msk [tilespmem:v52+s12+$0x0], $0xffff;
	_ =	sdelay $0x3  }
0x72: {  	v54 =	vld [tilespmem:$0x1FF60]  }
0x73: {  	[tilespmem:$0x1280] =	vst v0  }
0x74: {  	v0 =	vld.idx.msk [tilespmem:v53+s12+$0x0], $0xffff;
	_ =	sdelay $0x3  }
0x75: {  	v55 =	vld [tilespmem:$0x1FF70]  }
0x76: {  	[tilespmem:$0x1290] =	vst v0  }
0x77: {  	v0 =	vld.idx.msk [tilespmem:v54+s12+$0x0], $0xffff;
	_ =	sdelay $0x3  }
0x78: {  	v56 =	vld [tilespmem:$0x1FF80]  }
0x79: {  	[tilespmem:$0x12A0] =	vst v0  }
0x7a: {  	v0 =	vld.idx.msk [tilespmem:v55+s12+$0x0], $0xffff;
	_ =	sdelay $0x3  }
0x7b: {  	v57 =	vld [tilespmem:$0x1FF90]  }
0x7c: {  	[tilespmem:$0x12B0] =	vst v0  }
0x7d: {  	v0 =	vld.idx.msk [tilespmem:v56+s12+$0x0], $0xffff;
	_ =	sdelay $0x3  }
0x7e: {  	v58 =	vld [tilespmem:$0x1FFA0]  }
0x7f: {  	[tilespmem:$0x12C0] =	vst v0  }
0x80: {  	v0 =	vld.idx.msk [tilespmem:v57+s12+$0x0], $0xffff;
	_ =	sdelay $0x3  }
0x81: {  	v59 =	vld [tilespmem:$0x1FFB0]  }
0x82: {  	[tilespmem:$0x12D0] =	vst v0  }
0x83: {  	v0 =	vld.idx.msk [tilespmem:v58+s12+$0x0], $0xffff;
	_ =	sdelay $0x3  }
0x84: {  	v60 =	vld [tilespmem:$0x1FFC0]  }
0x85: {  	[tilespmem:$0x12E0] =	vst v0  }
0x86: {  	v0 =	vld.idx.msk [tilespmem:v59+s12+$0x0], $0xffff;
	_ =	sdelay $0x3  }
0x87: {  	v61 =	vld [tilespmem:$0x1FFD0]  }
0x88: {  	[tilespmem:$0x12F0] =	vst v0  }
0x89: {  	v0 =	vld.idx.msk [tilespmem:v60+s12+$0x0], $0xffff;
	_ =	sdelay $0x3  }
0x8a: {  	v62 =	vld [tilespmem:$0x1FFE0]  }
0x8b: {  	[tilespmem:$0x1300] =	vst v0  }
0x8c: {  	v0 =	vld.idx.msk [tilespmem:v61+s12+$0x0], $0xffff;
	_ =	sdelay $0x3  }
0x8d: {  	v63 =	vld [tilespmem:$0x1FFF0]  }
0x8e: {  	[tilespmem:$0x1310] =	vst v0  }
0x8f: {  	v0 =	vld.idx.msk [tilespmem:v62+s12+$0x0], $0xffff;
	_ =	sdelay $0x4  }
0x90: {  	[tilespmem:$0x1320] =	vst v0  }
0x91: {  	v0 =	vld.idx.msk [tilespmem:v63+s12+$0x0], $0xffff;
	_ =	sdelay $0x4  }
0x92: {  	s18 =	simm.s32 $0x1500;
	[tilespmem:$0x1330] =	vst v0  }
0x93: {  	[tilespmem:s18], [sflag:$0x3] =	stream.indirect.gather [hbm4b:s0+s15], $0x80, s4, s15, $0xb8;
	[tilespmem:$0x17500] =	vst v63  }
0x94: {  	s19 =	simm.s32 $0x1200;
	s18 =	simm.s32 $0x2500  }
0x95: {  	[tilespmem:s18], [sflag:$0x3] =	stream.indirect.gather [hbm4b:s2+s17], $0x80, s19, s17, $0xb8;
	[tilespmem:$0x17500] =	vst v63  }
0x96: {  	s20 =	simm.s32 $0x1280;
	s21 =	simm.s32 $0x6500  }
0x97: {  	[tilespmem:s21], [sflag:$0x3] =	stream.indirect.gather [hbm4b:s2+s17], $0x80, s20, s17, $0xb8;
	[tilespmem:$0x17500] =	vst v63  }
0x98: {  	s16 =	simm.s32 $0x0;
	s23 =	simm.s32 $0x1300  }
0x99: {  	[tilespmem:s24], [sflag:$0x3] =	stream.indirect.gather [hbm4b:s2+s22], $0x80, s23, s22, $0xb8;
	[tilespmem:$0x17500] =	vst v63  }
.LBB2_2:
0x9a: {  	v0 =	vlaneseq.u32;
	_ =	sdelay $0x1  }
0x9b: {  	_ =	swait.ge [sflag:s25], $0x800  }
0x9c: {  	[sflag:s25] =	ssyncset.done $0x0;
	v45 =	vld [tilespmem:$0x1FED0]  }
0x9d: {  	[sflag:s25] =	ssyncadd.s32 $0xFFFFF800  }
0x9e: {  	v0 =	vld.idx.msk [tilespmem:v0+s13+$0x0], $0xffff;
	_ =	sdelay $0x3  }
0x9f: {  	v46 =	vld [tilespmem:$0x1FEE0]  }
0xa0: {  	[tilespmem:$0x1380] =	vst v0  }
0xa1: {  	v0 =	vld.idx.msk [tilespmem:v45+s13+$0x0], $0xffff;
	_ =	sdelay $0x3  }
0xa2: {  	v47 =	vld [tilespmem:$0x1FEF0]  }
0xa3: {  	[tilespmem:$0x1390] =	vst v0  }
0xa4: {  	v0 =	vld.idx.msk [tilespmem:v46+s13+$0x0], $0xffff;
	_ =	sdelay $0x3  }
0xa5: {  	v48 =	vld [tilespmem:$0x1FF00]  }
0xa6: {  	[tilespmem:$0x13A0] =	vst v0  }
0xa7: {  	v0 =	vld.idx.msk [tilespmem:v47+s13+$0x0], $0xffff;
	_ =	sdelay $0x3  }
0xa8: {  	v49 =	vld [tilespmem:$0x1FF10]  }
0xa9: {  	[tilespmem:$0x13B0] =	vst v0  }
0xaa: {  	v0 =	vld.idx.msk [tilespmem:v48+s13+$0x0], $0xffff;
	_ =	sdelay $0x3  }
0xab: {  	v50 =	vld [tilespmem:$0x1FF20]  }
0xac: {  	[tilespmem:$0x13C0] =	vst v0  }
0xad: {  	v0 =	vld.idx.msk [tilespmem:v49+s13+$0x0], $0xffff;
	_ =	sdelay $0x3  }
0xae: {  	v51 =	vld [tilespmem:$0x1FF30]  }
0xaf: {  	[tilespmem:$0x13D0] =	vst v0  }
0xb0: {  	v0 =	vld.idx.msk [tilespmem:v50+s13+$0x0], $0xffff;
	_ =	sdelay $0x3  }
0xb1: {  	v52 =	vld [tilespmem:$0x1FF40]  }
0xb2: {  	[tilespmem:$0x13E0] =	vst v0  }
0xb3: {  	v0 =	vld.idx.msk [tilespmem:v51+s13+$0x0], $0xffff;
	_ =	sdelay $0x3  }
0xb4: {  	v53 =	vld [tilespmem:$0x1FF50]  }
0xb5: {  	[tilespmem:$0x13F0] =	vst v0  }
0xb6: {  	v0 =	vld.idx.msk [tilespmem:v52+s13+$0x0], $0xffff;
	_ =	sdelay $0x3  }
0xb7: {  	v54 =	vld [tilespmem:$0x1FF60]  }
0xb8: {  	[tilespmem:$0x1400] =	vst v0  }
0xb9: {  	v0 =	vld.idx.msk [tilespmem:v53+s13+$0x0], $0xffff;
	_ =	sdelay $0x3  }
0xba: {  	v55 =	vld [tilespmem:$0x1FF70]  }
0xbb: {  	[tilespmem:$0x1410] =	vst v0  }
0xbc: {  	v0 =	vld.idx.msk [tilespmem:v54+s13+$0x0], $0xffff;
	_ =	sdelay $0x3  }
0xbd: {  	v56 =	vld [tilespmem:$0x1FF80]  }
0xbe: {  	[tilespmem:$0x1420] =	vst v0  }
0xbf: {  	v0 =	vld.idx.msk [tilespmem:v55+s13+$0x0], $0xffff;
	_ =	sdelay $0x3  }
0xc0: {  	v57 =	vld [tilespmem:$0x1FF90]  }
0xc1: {  	[tilespmem:$0x1430] =	vst v0  }
0xc2: {  	v0 =	vld.idx.msk [tilespmem:v56+s13+$0x0], $0xffff;
	_ =	sdelay $0x3  }
0xc3: {  	v58 =	vld [tilespmem:$0x1FFA0]  }
0xc4: {  	[tilespmem:$0x1440] =	vst v0  }
0xc5: {  	v0 =	vld.idx.msk [tilespmem:v57+s13+$0x0], $0xffff;
	_ =	sdelay $0x3  }
0xc6: {  	v59 =	vld [tilespmem:$0x1FFB0]  }
0xc7: {  	[tilespmem:$0x1450] =	vst v0  }
0xc8: {  	v0 =	vld.idx.msk [tilespmem:v58+s13+$0x0], $0xffff;
	_ =	sdelay $0x3  }
0xc9: {  	v60 =	vld [tilespmem:$0x1FFC0]  }
0xca: {  	[tilespmem:$0x1460] =	vst v0  }
0xcb: {  	v0 =	vld.idx.msk [tilespmem:v59+s13+$0x0], $0xffff;
	_ =	sdelay $0x3  }
0xcc: {  	v61 =	vld [tilespmem:$0x1FFD0]  }
0xcd: {  	[tilespmem:$0x1470] =	vst v0  }
0xce: {  	v0 =	vld.idx.msk [tilespmem:v60+s13+$0x0], $0xffff;
	_ =	sdelay $0x3  }
0xcf: {  	v62 =	vld [tilespmem:$0x1FFE0]  }
0xd0: {  	[tilespmem:$0x1480] =	vst v0  }
0xd1: {  	v0 =	vld.idx.msk [tilespmem:v61+s13+$0x0], $0xffff;
	_ =	sdelay $0x3  }
0xd2: {  	v63 =	vld [tilespmem:$0x1FFF0]  }
0xd3: {  	[tilespmem:$0x1490] =	vst v0  }
0xd4: {  	v0 =	vld.idx.msk [tilespmem:v62+s13+$0x0], $0xffff;
	_ =	sdelay $0x4  }
0xd5: {  	[tilespmem:$0x14A0] =	vst v0  }
0xd6: {  	v0 =	vld.idx.msk [tilespmem:v63+s13+$0x0], $0xffff;
	_ =	sdelay $0x3  }
0xd7: {  	s18 =	sshll.u32 s16, $0x5  }
0xd8: {  	s18 =	sor.u32 $0x10, s18;
	[tilespmem:$0x14B0] =	vst v0  }
0xd9: {  	[tilespmem:s26], [sflag:$0x4] =	stream.indirect.gather [hbm4b:s0+s15], $0x80, s18, s15, $0xb8;
	[tilespmem:$0x17500] =	vst v63  }
0xda: {  	s19 =	sshll.u32 s16, $0x1  }
0xdb: {  	[tilespmem:s29], [sflag:$0x4] =	stream.indirect.gather [hbm4b:s2+s17], $0x80, s28, s17, $0xb8;
	[tilespmem:$0x17500] =	vst v63  }
0xdc: {  	p1 =	seq.s32 s16, $0xF;
	s19 =	sadd.s32 $0x2, s19  }
0xdd: {  	[tilespmem:s31], [sflag:$0x4] =	stream.indirect.gather [hbm4b:s2+s17], $0x80, s30, s17, $0xb8;
	[tilespmem:$0x17500] =	vst v63  }
0xde: {  	s20 =	sshll.u32 @!p1 s19, $0x8  }
0xdf: {  	[tilespmem:s3], [sflag:$0x4] =	stream.indirect.gather [hbm4b:s2+s22], $0x80, s1, s22, $0xb8;
	[tilespmem:$0x17500] =	vst v63  }
0xe0: {  	s21 =	simm.s32 @!p1 $0x0;
	s23 =	simm.s32 @!p1 $0x200;
	s20 =	sadd.s32 @!p1 s20, s6  }
0xe1: {  	[tilespmem:s23], [sflag:$0x1] =	stream.linear.gather @!p1 [hbm4b:s20+s21], $0x800, $0x38;
	[tilespmem:$0x17500] =	vst v63  }
0xe2: {  	_ =	swait.ge [sflag:s5], $0x800  }
0xe3: {  	[sflag:s5] =	ssyncset.done $0x0  }
0xe4: {  	[sflag:s5] =	ssyncadd.s32 $0xFFFFF800  }
0xe5: {  	_ =	swait.ge [sflag:s5], $0xA000  }
0xe6: {  	p0 =	seq.s32 s16, $0x0;
	[sflag:s5] =	ssyncset.done $0x0  }
0xe7: {  	s20 =	simm.s32 @!p0 $0x5;
	[sflag:s5] =	ssyncadd.s32 $0xFFFF6000  }
0xe8: {  	_ =	swait.ge @!p0 [sflag:s20], $0x800  }
0xe9: {  	[sflag:s20] =	ssyncset.done @!p0 $0x0  }
0xea: {  	s21 =	simm.s32 $0x2A00;
	[sflag:s20] =	ssyncadd.s32 @!p0 $0xFFFFF800;
	s20 =	simm.s32 $0x0  }
.LBB2_3:
0xeb: {  	v28 =	vld [tilespmem:s21+$0xFFFFFB00]  }
0xec: {  	v29 =	vld [tilespmem:s21+$0xFFFFFB10]  }
0xed: {  	v31 =	vld [tilespmem:s21+$0xFFFFFB20]  }
0xee: {  	v36 =	vld [tilespmem:s21+$0xFFFFFB30]  }
0xef: {  	v37 =	vld [tilespmem:s21+$0xFFFFFB40]  }
0xf0: {  	v39 =	vld [tilespmem:s21+$0xFFFFFB50]  }
0xf1: {  	v40 =	vld [tilespmem:s21+$0xFFFFFB60]  }
0xf2: {  	v43 =	vld [tilespmem:s21+$0xFFFFFB70]  }
0xf3: {  	v42 =	vld [tilespmem:s21+$0xFFFFFB80]  }
0xf4: {  	v46 =	vld [tilespmem:s21+$0xFFFFFB90]  }
0xf5: {  	v49 =	vld [tilespmem:s21+$0xFFFFFBA0]  }
0xf6: {  	v50 =	vld [tilespmem:s21+$0xFFFFFBB0]  }
0xf7: {  	v53 =	vld [tilespmem:s21+$0xFFFFFBC0]  }
0xf8: {  	v55 =	vld [tilespmem:s21+$0xFFFFFBD0]  }
0xf9: {  	v58 =	vld [tilespmem:s21+$0xFFFFFBE0]  }
0xfa: {  	v59 =	vld [tilespmem:s21+$0xFFFFFBF0]  }
0xfb: {  	v62 =	vld [tilespmem:s21+$0xFFFFFC00]  }
0xfc: {  	v63 =	vld [tilespmem:s21+$0xFFFFFC10]  }
0xfd: {  	v2 =	vld [tilespmem:s21+$0xFFFFFC20]  }
0xfe: {  	v3 =	vld [tilespmem:s21+$0xFFFFFC30]  }
0xff: {  	v4 =	vld [tilespmem:s21+$0xFFFFFC40]  }
0x100: {  	v5 =	vld [tilespmem:s21+$0xFFFFFC50]  }
0x101: {  	v19 =	vld [tilespmem:s21+$0xFFFFFC60]  }
0x102: {  	v56 =	vld [tilespmem:s21+$0xFFFFFC70]  }
0x103: {  	v7 =	vld [tilespmem:s21+$0xFFFFFC80]  }
0x104: {  	v8 =	vld [tilespmem:s21+$0xFFFFFC90]  }
0x105: {  	v9 =	vld [tilespmem:s21+$0xFFFFFCA0]  }
0x106: {  	v10 =	vld [tilespmem:s21+$0xFFFFFCB0]  }
0x107: {  	v11 =	vld [tilespmem:s21+$0xFFFFFCC0]  }
0x108: {  	v13 =	vld [tilespmem:s21+$0xFFFFFCD0]  }
0x109: {  	v14 =	vld [tilespmem:s21+$0xFFFFFCE0]  }
0x10a: {  	v47 =	vld [tilespmem:s21+$0xFFFFFCF0]  }
0x10b: {  	v15 =	vld [tilespmem:s21+$0xFFFFFD00]  }
0x10c: {  	v16 =	vld [tilespmem:s21+$0xFFFFFD10]  }
0x10d: {  	v17 =	vld [tilespmem:s21+$0xFFFFFD20]  }
0x10e: {  	v30 =	vld [tilespmem:s21+$0xFFFFFD30]  }
0x10f: {  	v33 =	vld [tilespmem:s21+$0xFFFFFD40]  }
0x110: {  	v44 =	vld [tilespmem:s21+$0xFFFFFD50]  }
0x111: {  	v57 =	vld [tilespmem:s21+$0xFFFFFD60]  }
0x112: {  	v0 =	vld [tilespmem:s21+$0xFFFFFD70]  }
0x113: {  	v6 =	vld [tilespmem:s21+$0xFFFFFD80]  }
0x114: {  	v12 =	vld [tilespmem:s21+$0xFFFFFD90]  }
0x115: {  	v18 =	vld [tilespmem:s21+$0xFFFFFDA0]  }
0x116: {  	v32 =	vld [tilespmem:s21+$0xFFFFFDB0]  }
0x117: {  	v38 =	vld [tilespmem:s21+$0xFFFFFDC0]  }
0x118: {  	v51 =	vld [tilespmem:s21+$0xFFFFFDD0]  }
0x119: {  	v61 =	vld [tilespmem:s21+$0xFFFFFDE0]  }
0x11a: {  	v48 =	vld [tilespmem:s21+$0xFFFFFDF0]  }
0x11b: {  	v34 =	vld [tilespmem:s21+$0xFFFFFE00]  }
0x11c: {  	v35 =	vld [tilespmem:s21+$0xFFFFFE10]  }
0x11d: {  	v52 =	vld [tilespmem:s21+$0xFFFFFE30]  }
0x11e: {  	v54 =	vld [tilespmem:s21+$0xFFFFFE40]  }
0x11f: {  	v60 =	vld [tilespmem:s21+$0xFFFFFE50]  }
0x120: {  	v41 =	vld [tilespmem:s21+$0xFFFFFE60]  }
0x121: {  	s23 =	sshra.s32 s20, $0x2;
	v45 =	vld [tilespmem:s21+$0xFFFFFE70]  }
0x122: {  	v26 =	vld [tilespmem:s23+$0x1500]  }
0x123: {  	v27 =	vld [tilespmem:s23+$0x1510]  }
0x124: {  	v25 =	vld [tilespmem:s23+$0x1520]  }
0x125: {  	v24 =	vld [tilespmem:s23+$0x1530]  }
0x126: {  	v23 =	vld [tilespmem:s23+$0x1540]  }
0x127: {  	v22 =	vld [tilespmem:s23+$0x1550]  }
0x128: {  	v21 =	vld [tilespmem:s23+$0x1560]  }
0x129: {  	v20 =	vld [tilespmem:s23+$0x1570];
	[tilespmem:$0x1FE30] =	vst v0  }
0x12a: {  	[tilespmem:$0x1FE50] =	vst v48;
	v48 =	vld [tilespmem:s21+$0xFFFFFE20]  }
0x12b: {  	[tilespmem:$0x1FEC0] =	vst v45;
	v45 =	vld [tilespmem:s21+$0xFFFFFE80]  }
0x12c: {  	[tilespmem:$0x1FE90] =	vst v41;
	v41 =	vld [tilespmem:s21+$0xFFFFFE90]  }
0x12d: {  	[tilespmem:$0x1FE20] =	vst v52;
	v52 =	vld [tilespmem:s21+$0xFFFFFEB0]  }
0x12e: {  	[tilespmem:$0x1FE40] =	vst v54;
	v54 =	vld [tilespmem:s21+$0xFFFFFEC0];
	v0 =	vmul.f32 v31, v25  }
0x12f: {  	[tilespmem:$0x1FE70] =	vst v60;
	v60 =	vld [tilespmem:s21+$0xFFFFFEA0];
	v42 =	vmul.f32 v42, v26;
	v46 =	vmul.f32 v46, v27  }
0x130: {  	v31 =	vld [tilespmem:s21+$0xFFFFFEF0];
	v7 =	vmul.f32 v7, v26;
	v8 =	vmul.f32 v8, v27  }
0x131: {  	v42 =	vadd.f32 v46, v42;
	v46 =	vld [tilespmem:s21+$0xFFFFFF30]  }
0x132: {  	v9 =	vmul.f32 v9, v25;
	v8 =	vadd.f32 v8, v7;
	v7 =	vld [tilespmem:s21+$0xFFFFFFC0];
	[tilespmem:$0x1FE60] =	vst v52  }
0x133: {  	[tilespmem:$0x1FE80] =	vst v54;
	v52 =	vmul.f32 v28, v26;
	v54 =	vmul.f32 v29, v27;
	v28 =	vld [tilespmem:s21+$0xFFFFFED0]  }
0x134: {  	v29 =	vld [tilespmem:s21+$0xFFFFFEE0]  }
0x135: {  	v8 =	vadd.f32 v9, v8;
	v9 =	vld [tilespmem:s21+$0xA0];
	v54 =	vadd.f32 v54, v52  }
0x136: {  	v52 =	vld [tilespmem:s21+$0xFFFFFF00]  }
0x137: {  	v36 =	vmul.f32 v36, v24;
	v1 =	vadd.f32 v0, v54;
	v54 =	vld [tilespmem:s21+$0xFFFFFF10]  }
0x138: {  	[tilespmem:$0x1FEA0] =	vst v28;
	v28 =	vmul.f32 v49, v25;
	v49 =	vld [tilespmem:s21+$0xFFFFFF20]  }
0x139: {  	[tilespmem:$0x1FEB0] =	vst v29;
	v29 =	vmul.f32 v37, v23;
	v37 =	vld [tilespmem:s21+$0xFFFFFF60];
	v1 =	vadd.f32 v36, v1  }
0x13a: {  	v50 =	vmul.f32 v50, v24;
	v36 =	vld [tilespmem:s21+$0xFFFFFF70];
	v0 =	vadd.f32 v28, v42  }
0x13b: {  	v42 =	vld [tilespmem:s21+$0xFFFFFF40];
	v28 =	vmul.f32 v39, v22;
	v1 =	vadd.f32 v29, v1;
	v29 =	vmul.f32 v53, v23  }
0x13c: {  	v39 =	vld [tilespmem:s21+$0xFFFFFF50];
	v53 =	vmul.f32 v62, v26;
	v62 =	vmul.f32 v63, v27  }
0x13d: {  	v63 =	vmul.f32 v55, v22;
	v55 =	vmul.f32 v58, v21;
	v58 =	vld [tilespmem:s21+$0xFFFFFF90]  }
0x13e: {  	v0 =	vadd.f32 v50, v0;
	v1 =	vadd.f32 v28, v1;
	v28 =	vld [tilespmem:s21+$0xFFFFFF80]  }
0x13f: {  	v40 =	vmul.f32 v40, v21;
	v2 =	vmul.f32 v2, v25;
	v53 =	vadd.f32 v62, v53;
	v62 =	vld [tilespmem:s21+$0xFFFFFFB0]  }
0x140: {  	v3 =	vmul.f32 v3, v24;
	v59 =	vmul.f32 v59, v20;
	v0 =	vadd.f32 v29, v0;
	v29 =	vld [tilespmem:s21+$0xFFFFFFA0]  }
0x141: {  	v10 =	vmul.f32 v10, v24;
	v1 =	vadd.f32 v40, v1;
	v2 =	vadd.f32 v2, v53;
	v53 =	vld [tilespmem:s21+$0xFFFFFFD0]  }
0x142: {  	v40 =	vmul.f32 v13, v22;
	v13 =	vld [tilespmem:s21+$0x20];
	v0 =	vadd.f32 v63, v0;
	v63 =	vmul.f32 v43, v20  }
0x143: {  	v16 =	vmul.f32 v16, v27;
	v50 =	vmul.f32 v4, v23;
	v43 =	vld [tilespmem:s21+$0xFFFFFFF0];
	v2 =	vadd.f32 v3, v2  }
0x144: {  	v19 =	vmul.f32 v19, v21;
	v0 =	vadd.f32 v55, v0;
	v55 =	vld [tilespmem:s21+$0xFFFFFFE0];
	v4 =	vadd.f32 v63, v1  }
0x145: {  	v63 =	vmul.f32 v5, v22;
	v1 =	vadd.f32 v50, v2;
	v50 =	vadd.f32 v10, v8;
	v8 =	vld [tilespmem:s21+$0x0]  }
0x146: {  	v6 =	vmul.f32 v6, v26;
	v10 =	vld [tilespmem:s21+$0x10];
	v3 =	vadd.f32 v59, v0;
	v59 =	vmul.f32 v11, v23  }
0x147: {  	v18 =	vmul.f32 v18, v25;
	v1 =	vadd.f32 v63, v1;
	v63 =	vmul.f32 v15, v26;
	v15 =	vld [tilespmem:s21+$0x30]  }
0x148: {  	v0 =	vadd.f32 v59, v50;
	v50 =	vmul.f32 v14, v21;
	v59 =	vmul.f32 v17, v25;
	v14 =	vld [tilespmem:s21+$0x80]  }
0x149: {  	v17 =	vmul.f32 v30, v24;
	v2 =	vadd.f32 v16, v63;
	v16 =	vmul.f32 v12, v27;
	v63 =	vld [tilespmem:s21+$0x40]  }
0x14a: {  	v1 =	vadd.f32 v19, v1;
	v19 =	vmul.f32 v56, v20;
	v0 =	vadd.f32 v40, v0;
	v40 =	vld [tilespmem:s21+$0x70]  }
0x14b: {  	v30 =	vmul.f32 v33, v23;
	v8 =	vmul.f32 v8, v26;
	v2 =	vadd.f32 v59, v2;
	v59 =	vld [tilespmem:s21+$0x50]  }
0x14c: {  	v10 =	vmul.f32 v10, v27;
	v6 =	vadd.f32 v16, v6;
	v1 =	vadd.f32 v19, v1;
	v16 =	vld [tilespmem:s21+$0x90]  }
0x14d: {  	v33 =	vmul.f32 v47, v20;
	v19 =	vld [tilespmem:s21+$0xC0];
	v0 =	vadd.f32 v50, v0;
	v2 =	vadd.f32 v17, v2  }
0x14e: {  	v47 =	vmul.f32 v32, v24;
	v50 =	vld [tilespmem:s21+$0x60];
	v8 =	vadd.f32 v10, v8;
	v6 =	vadd.f32 v18, v6  }
0x14f: {  	v10 =	vld [tilespmem:s21+$0x270];
	v18 =	vmul.f32 v57, v21;
	v57 =	vmul.f32 v45, v26;
	v56 =	vadd.f32 v30, v2  }
0x150: {  	v17 =	vld [tilespmem:s21+$0xB0];
	v30 =	vmul.f32 v44, v22;
	v2 =	vadd.f32 v33, v0;
	v33 =	vmul.f32 v38, v23  }
0x151: {  	v45 =	vld [tilespmem:s21+$0x100];
	v38 =	vmul.f32 v34, v26;
	v44 =	vmul.f32 v35, v27  }
0x152: {  	v32 =	vadd.f32 v47, v6;
	v47 =	vmul.f32 v51, v22;
	v35 =	vld [tilespmem:$0x1FE20]  }
0x153: {  	v51 =	vmul.f32 v61, v21;
	v61 =	vmul.f32 v41, v27;
	v11 =	vadd.f32 v44, v38;
	v38 =	vld [tilespmem:s21+$0xD0]  }
0x154: {  	v0 =	vadd.f32 v33, v32;
	v44 =	vld [tilespmem:s21+$0xE0]  }
0x155: {  	v5 =	vadd.f32 v30, v56;
	v56 =	vmul.f32 v48, v25;
	v48 =	vadd.f32 v61, v57;
	v57 =	vld [tilespmem:$0x1FE40]  }
0x156: {  	v6 =	vadd.f32 v47, v0;
	v0 =	vld [tilespmem:s21+$0xF0]  }
0x157: {  	v11 =	vadd.f32 v56, v11;
	v56 =	vld [tilespmem:$0x1FE30]  }
0x158: {  	v47 =	vld [tilespmem:s21+$0x110]  }
0x159: {  	v41 =	vmul.f32 v35, v24;
	v35 =	vld [tilespmem:$0x1FE60]  }
0x15a: {  	v6 =	vadd.f32 v51, v6;
	v51 =	vmul.f32 v60, v25;
	v60 =	vld [tilespmem:$0x1FE50]  }
0x15b: {  	v5 =	vadd.f32 v18, v5;
	v12 =	vmul.f32 v57, v23;
	v57 =	vld [tilespmem:$0x1FE80]  }
0x15c: {  	v11 =	vadd.f32 v41, v11;
	v18 =	vadd.f32 v51, v48;
	v48 =	vld [tilespmem:s21+$0x120]  }
0x15d: {  	v51 =	vld [tilespmem:$0x1FE70]  }
0x15e: {  	v41 =	vadd.f32 v12, v11;
	v12 =	vld [tilespmem:s21+$0x130];
	v30 =	vmul.f32 v35, v24  }
0x15f: {  	v61 =	vmul.f32 v60, v20;
	v60 =	vmul.f32 v52, v26;
	v52 =	vld [tilespmem:$0x1FE90]  }
0x160: {  	v32 =	vmul.f32 v56, v20;
	v56 =	vadd.f32 v30, v18;
	v30 =	vld [tilespmem:s21+$0x140]  }
0x161: {  	v18 =	vmul.f32 v57, v23;
	v57 =	vmul.f32 v49, v25;
	v49 =	vld [tilespmem:s21+$0x180]  }
0x162: {  	v11 =	vmul.f32 v51, v22;
	v51 =	vld [tilespmem:s21+$0x150]  }
0x163: {  	v33 =	vadd.f32 v32, v5;
	v32 =	vadd.f32 v61, v6;
	v61 =	vmul.f32 v54, v27;
	v54 =	vld [tilespmem:$0x1FEA0]  }
0x164: {  	v31 =	vmul.f32 v31, v20;
	v6 =	vadd.f32 v18, v56;
	v56 =	vld [tilespmem:$0x1FEB0]  }
0x165: {  	v7 =	vmul.f32 v7, v23;
	v9 =	vmul.f32 v9, v25;
	v5 =	vadd.f32 v11, v41;
	v41 =	vld [tilespmem:s21+$0x170]  }
0x166: {  	v53 =	vmul.f32 v53, v22;
	v11 =	vadd.f32 v61, v60;
	v61 =	vmul.f32 v58, v27;
	v58 =	vld [tilespmem:$0x1FEC0]  }
0x167: {  	v55 =	vmul.f32 v55, v21;
	v60 =	vmul.f32 v28, v26;
	v28 =	vld [tilespmem:s21+$0x290]  }
0x168: {  	v10 =	vmul.f32 v10, v20;
	v35 =	vmul.f32 v52, v21;
	v52 =	vld [tilespmem:s21+$0x160]  }
0x169: {  	v11 =	vadd.f32 v57, v11;
	v57 =	vmul.f32 v29, v25;
	v29 =	vld [tilespmem:s21+$0x1A0];
	v18 =	vmul.f32 v54, v22  }
0x16a: {  	v54 =	vmul.f32 v56, v21;
	v56 =	vmul.f32 v46, v24;
	v46 =	vld [tilespmem:s21+$0x190]  }
0x16b: {  	v6 =	vadd.f32 v18, v6;
	v18 =	vadd.f32 v61, v60;
	v60 =	vmul.f32 v42, v23;
	v42 =	vld [tilespmem:s21+$0x1B0]  }
0x16c: {  	v5 =	vadd.f32 v35, v5;
	v35 =	vmul.f32 v58, v20;
	v58 =	vmul.f32 v14, v26;
	v14 =	vld [tilespmem:s21+$0x240]  }
0x16d: {  	v0 =	vmul.f32 v0, v20;
	v12 =	vmul.f32 v12, v24;
	v11 =	vadd.f32 v56, v11;
	v56 =	vld [tilespmem:s21+$0x1D0]  }
0x16e: {  	v61 =	vmul.f32 v62, v24;
	v6 =	vadd.f32 v54, v6;
	v18 =	vadd.f32 v57, v18;
	v54 =	vld [tilespmem:s21+$0x1C0]  }
0x16f: {  	v57 =	vmul.f32 v13, v25;
	v13 =	vld [tilespmem:s21+$0x210];
	v62 =	vadd.f32 v60, v11;
	v60 =	vmul.f32 v39, v22  }
0x170: {  	v35 =	vadd.f32 v35, v5;
	v29 =	vmul.f32 v29, v25;
	v11 =	vld [tilespmem:s21+$0x1F0];
	v34 =	vadd.f32 v31, v6  }
0x171: {  	v61 =	vadd.f32 v61, v18;
	v18 =	vld [tilespmem:s21+$0x1E0];
	v5 =	vadd.f32 v60, v62;
	v62 =	vmul.f32 v37, v21  }
0x172: {  	v31 =	vld [tilespmem:s21+$0x200];
	v8 =	vadd.f32 v57, v8;
	v57 =	vmul.f32 v63, v23;
	v60 =	vmul.f32 v16, v27  }
0x173: {  	v16 =	vld [tilespmem:s21+$0x220];
	v6 =	vadd.f32 v7, v61;
	v61 =	vmul.f32 v15, v24;
	v5 =	vadd.f32 v62, v5  }
0x174: {  	v15 =	vld [tilespmem:s21+$0x230];
	v7 =	vadd.f32 v60, v58;
	v62 =	vmul.f32 v36, v20;
	v58 =	vmul.f32 v43, v20  }
0x175: {  	v60 =	vmul.f32 v17, v24;
	v17 =	vld [tilespmem:s21+$0x260];
	v43 =	vmul.f32 v19, v23  }
0x176: {  	v19 =	vld [tilespmem:s21+$0x2D0];
	v13 =	vmul.f32 v13, v27;
	v6 =	vadd.f32 v53, v6;
	v8 =	vadd.f32 v61, v8  }
0x177: {  	v53 =	vld [tilespmem:s21+$0x250];
	v11 =	vmul.f32 v11, v20;
	v37 =	vadd.f32 v62, v5;
	v62 =	vmul.f32 v59, v22  }
0x178: {  	v7 =	vadd.f32 v9, v7;
	v9 =	vld [tilespmem:s21+$0x280];
	v59 =	vmul.f32 v38, v22;
	v18 =	vmul.f32 v18, v21  }
0x179: {  	v6 =	vadd.f32 v55, v6;
	v61 =	vadd.f32 v57, v8;
	v55 =	vmul.f32 v45, v26;
	v45 =	vld [tilespmem:s21+$0x2E0]  }
0x17a: {  	v57 =	vmul.f32 v47, v27;
	v47 =	vmul.f32 v40, v20;
	v40 =	vld [tilespmem:s21+$0x300];
	v63 =	vadd.f32 v60, v7  }
0x17b: {  	v60 =	vmul.f32 v44, v21;
	v44 =	vld [tilespmem:s21+$0x2B0];
	v36 =	vadd.f32 v58, v6;
	v58 =	vmul.f32 v50, v21  }
0x17c: {  	v5 =	vadd.f32 v62, v61;
	v61 =	vmul.f32 v48, v25;
	v48 =	vmul.f32 v30, v23;
	v30 =	vld [tilespmem:s21+$0x2F0]  }
0x17d: {  	v8 =	vadd.f32 v57, v55;
	v62 =	vmul.f32 v49, v26;
	v49 =	vmul.f32 v42, v24;
	v42 =	vld [tilespmem:s21+$0x340]  }
0x17e: {  	v55 =	vmul.f32 v51, v22;
	v51 =	vmul.f32 v41, v20;
	v6 =	vadd.f32 v43, v63;
	v43 =	vld [tilespmem:s21+$0x2A0]  }
0x17f: {  	v17 =	vmul.f32 v17, v21;
	v63 =	vmul.f32 v46, v27;
	v46 =	vld [tilespmem:s21+$0x2C0];
	v5 =	vadd.f32 v58, v5  }
0x180: {  	v8 =	vadd.f32 v61, v8;
	v58 =	vmul.f32 v54, v23;
	v61 =	vmul.f32 v56, v22;
	v54 =	vld [tilespmem:s21+$0x390]  }
0x181: {  	v56 =	vld [tilespmem:s21+$0x3A0];
	v6 =	vadd.f32 v59, v6;
	v7 =	vadd.f32 v63, v62;
	v59 =	vmul.f32 v31, v26  }
0x182: {  	v62 =	vmul.f32 v16, v25;
	v16 =	vld [tilespmem:s21+$0x350];
	v63 =	vmul.f32 v9, v26;
	v8 =	vadd.f32 v12, v8  }
0x183: {  	v39 =	vadd.f32 v47, v5;
	v12 =	vld [tilespmem:s21+$0x310];
	v47 =	vmul.f32 v28, v27;
	v6 =	vadd.f32 v60, v6  }
0x184: {  	v28 =	vld [tilespmem:s21+$0x360];
	v7 =	vadd.f32 v29, v7;
	v60 =	vmul.f32 v52, v21;
	v52 =	vmul.f32 v14, v23  }
0x185: {  	v29 =	vld [tilespmem:s21+$0x330];
	v30 =	vmul.f32 v30, v20;
	v50 =	vadd.f32 v48, v8;
	v8 =	vadd.f32 v13, v59  }
0x186: {  	v48 =	vmul.f32 v15, v24;
	v15 =	vld [tilespmem:s21+$0x370];
	v59 =	vmul.f32 v46, v23;
	v38 =	vadd.f32 v0, v6  }
0x187: {  	v13 =	vld [tilespmem:s21+$0x3F0];
	v57 =	vadd.f32 v49, v7;
	v6 =	vadd.f32 v47, v63;
	v49 =	vmul.f32 v43, v25  }
0x188: {  	v46 =	vld [tilespmem:s21+$0x400];
	v63 =	vmul.f32 v45, v21;
	v14 =	vmul.f32 v54, v27;
	v5 =	vadd.f32 v55, v50  }
0x189: {  	v7 =	vld [tilespmem:s21+$0x320];
	v8 =	vadd.f32 v62, v8;
	v55 =	vmul.f32 v44, v24;
	v62 =	vmul.f32 v19, v22  }
0x18a: {  	v54 =	vld [tilespmem:s21+$0x420];
	v0 =	vadd.f32 v58, v57;
	v6 =	vadd.f32 v49, v6;
	v57 =	vmul.f32 v53, v22  }
0x18b: {  	v50 =	vld [tilespmem:s21+$0x380];
	v12 =	vmul.f32 v12, v27;
	v49 =	vmul.f32 v56, v25;
	v5 =	vadd.f32 v60, v5  }
0x18c: {  	v19 =	vld [tilespmem:s21+$0x3E0];
	v8 =	vadd.f32 v48, v8;
	v47 =	vmul.f32 v29, v24;
	v0 =	vadd.f32 v61, v0  }
0x18d: {  	v44 =	vld [tilespmem:s21+$0x440];
	v6 =	vadd.f32 v55, v6;
	v61 =	vmul.f32 v40, v26;
	v55 =	vmul.f32 v16, v22  }
0x18e: {  	v58 =	vld [tilespmem:s21+$0x3B0];
	v15 =	vmul.f32 v15, v20;
	v13 =	vmul.f32 v13, v20;
	v5 =	vadd.f32 v51, v5  }
0x18f: {  	v60 =	vld [tilespmem:s21+$0x3C0];
	v8 =	vadd.f32 v52, v8;
	v7 =	vmul.f32 v7, v25;
	v51 =	vmul.f32 v42, v23  }
0x190: {  	(xrf2) =	vadd.scan.msk.f32 $0xffff, v4;
	v48 =	vld [tilespmem:s21+$0x410];
	v0 =	vadd.f32 v18, v0;
	v12 =	vadd.f32 v12, v61;
	v45 =	vmul.f32 v50, v26  }
0x191: {  	v52 =	vld [tilespmem:s21+$0x490];
	v6 =	vadd.f32 v59, v6;
	v61 =	vmul.f32 v46, v26;
	v46 =	vmul.f32 v54, v25  }
0x192: {  	v50 =	vld [tilespmem:s21+$0x480];
	v54 =	vmul.f32 v19, v21;
	v8 =	vadd.f32 v57, v8;
	v7 =	vadd.f32 v7, v12  }
0x193: {  	v40 =	vld [tilespmem:s21+$0x3D0];
	v53 =	vmul.f32 v58, v24;
	v0 =	vadd.f32 v11, v0;
	v6 =	vadd.f32 v62, v6  }
0x194: {  	v56 =	vld [tilespmem:s21+$0x4A0];
	v9 =	vadd.f32 v14, v45;
	v58 =	vmul.f32 v60, v23;
	v7 =	vadd.f32 v47, v7  }
0x195: {  	(xrf2) =	vadd.scan.msk.f32 $0xffff, v3;
	v59 =	vld [tilespmem:s21+$0x430];
	v62 =	vmul.f32 v48, v27;
	v8 =	vadd.f32 v17, v8;
	v6 =	vadd.f32 v63, v6  }
0x196: {  	(xrf2) =	vadd.scan.msk.f32 $0xffff, v1;
	v45 =	vmul.f32 v28, v21;
	v9 =	vadd.f32 v49, v9;
	v63 =	vld [tilespmem:s21+$0x4B0];
	v7 =	vadd.f32 v51, v7  }
0x197: {  	(xrf2) =	vadd.scan.msk.f32 $0xffff, v2;
	v43 =	vmul.f32 v52, v27;
	v47 =	vld [tilespmem:s21+$0x4C0];
	v4 =	vadd.f32 v10, v8;
	v42 =	vmul.f32 v50, v26  }
0x198: {  	(xrf2) =	vadd.scan.msk.f32 $0xffff, v33;
	v48 =	vmul.f32 v40, v22;
	v49 =	vld [tilespmem:s21+$0x450];
	v60 =	vadd.f32 v55, v7;
	v7 =	vadd.f32 v62, v61  }
0x199: {  	(xrf2) =	vadd.scan.msk.f32 $0xffff, v32;
	v10 =	vmul.f32 v56, v25;
	v56 =	vld [tilespmem:s21+$0x4E0];
	v3 =	vadd.f32 v30, v6;
	v6 =	vadd.f32 v43, v42  }
0x19a: {  	(xrf2) =	vadd.scan.msk.f32 $0xffff, v35;
	v50 =	vmul.f32 v59, v24;
	v59, _, _ =	vpop (xrf2);
	v57 =	vadd.f32 v53, v9;
	v51 =	vld [tilespmem:s21+$0x4D0];
	v7 =	vadd.f32 v46, v7  }
0x19b: {  	(xrf2) =	vadd.scan.msk.f32 $0xffff, v34;
	v53 =	vld [tilespmem:s21+$0x460];
	v27 =	vbroadcast v59, $0xF;
	v6 =	vadd.f32 v10, v6;
	v52 =	vmul.f32 v63, v24  }
0x19c: {  	(xrf2) =	vadd.scan.msk.f32 $0xffff, v37;
	v30 =	vadd.f32 v58, v57;
	v55 =	vmul.f32 v44, v23;
	v7 =	vadd.f32 v50, v7  }
0x19d: {  	(xrf2) =	vadd.scan.msk.f32 $0xffff, v36;
	v57 =	vld [tilespmem:s21+$0x470];
	v58 =	vmul.f32 v47, v23;
	v1 =	vadd.f32 v45, v60;
	v6 =	vadd.f32 v52, v6  }
0x19e: {  	(xrf2) =	vadd.scan.msk.f32 $0xffff, v39;
	v61 =	vld [tilespmem:s21+$0x4F0];
	v2 =	vadd.f32 v48, v30;
	v60 =	vmul.f32 v49, v22;
	v7 =	vadd.f32 v55, v7  }
0x19f: {  	v62, _, _ =	vpop (xrf2);
	(xrf2) =	vadd.scan.msk.f32 $0xffff, v38;
	v25 =	vmul.f32 v56, v21;
	v11 =	vmul.f32 v51, v22;
	v6 =	vadd.f32 v58, v6  }
0x1a0: {  	v63, _, _ =	vpop (xrf2);
	(xrf2) =	vadd.scan.msk.f32 $0xffff, v5;
	v19 =	vmul.f32 v53, v21;
	v1 =	vadd.f32 v15, v1;
	v15 =	vadd.f32 v60, v7  }
0x1a1: {  	v30 =	vbroadcast v62, $0xF;
	v22, _, _ =	vpop (xrf2);
	(xrf2) =	vadd.scan.msk.f32 $0xffff, v0;
	v2 =	vadd.f32 v54, v2;
	v24 =	vadd.f32 v11, v6  }
0x1a2: {  	v33 =	vbroadcast v63, $0xF;
	v26, _, _ =	vpop (xrf2);
	(xrf2) =	vadd.scan.msk.f32 $0xffff, v4;
	v28 =	vmul.f32 v57, v20;
	v5 =	vadd.f32 v19, v15  }
0x1a3: {  	v29, _, _ =	vpop (xrf2);
	(xrf2) =	vadd.scan.msk.f32 $0xffff, v3;
	v31 =	vmul.f32 v61, v20;
	v23 =	vadd.f32 v13, v2;
	v2 =	vadd.f32 v25, v24  }
0x1a4: {  	v34 =	vbroadcast v22, $0xF;
	v3 =	vsel vm0, v27, v30;
	v32, _, _ =	vpop (xrf2);
	(xrf2) =	vadd.scan.msk.f32 $0xffff, v1;
	v5 =	vadd.f32 v28, v5  }
0x1a5: {  	v37 =	vbroadcast v26, $0xF;
	v1 =	vsel vm1, v3, v33;
	v35, _, _ =	vpop (xrf2);
	(xrf2) =	vadd.scan.msk.f32 $0xffff, v23;
	v36 =	vadd.f32 v31, v2  }
0x1a6: {  	v39 =	vbroadcast v29, $0xF;
	v1 =	vsel vm2, v1, v34;
	v38, _, _ =	vpop (xrf2);
	(xrf2) =	vadd.scan.msk.f32 $0xffff, v5  }
0x1a7: {  	v42 =	vbroadcast v32, $0xF;
	v1 =	vsel vm3, v1, v37;
	v40, _, _ =	vpop (xrf2);
	(xrf2) =	vadd.scan.msk.f32 $0xffff, v36  }
0x1a8: {  	v44 =	vbroadcast v35, $0xF;
	v1 =	vsel vm4, v1, v39;
	v41, _, _ =	vpop (xrf2)  }
0x1a9: {  	v46 =	vbroadcast v38, $0xF;
	v1 =	vsel vm5, v1, v42;
	v43, _, _ =	vpop (xrf2)  }
0x1aa: {  	v48 =	vbroadcast v40, $0xF;
	v1 =	vsel vm6, v1, v44;
	v45, _, _ =	vpop (xrf2)  }
0x1ab: {  	v0 =	vbroadcast v41, $0xF;
	v1 =	vsel vm7, v1, v46;
	v47, _, _ =	vpop (xrf2)  }
0x1ac: {  	v51 =	vbroadcast v43, $0xF;
	v1 =	vsel vm8, v1, v48;
	v49, _, _ =	vpop (xrf2)  }
0x1ad: {  	v53 =	vbroadcast v45, $0xF;
	v0 =	vsel vm9, v1, v0;
	v50, _, _ =	vpop (xrf2)  }
0x1ae: {  	v3 =	vbroadcast v47, $0xF;
	v0 =	vsel vm10, v0, v51;
	v52, _, _ =	vpop (xrf2)  }
0x1af: {  	v57 =	vbroadcast v49, $0xF;
	v0 =	vsel vm11, v0, v53;
	v55 =	vbroadcast v52, $0xF;
	v54, _, _ =	vpop (xrf2)  }
0x1b0: {  	vm15 =	vcmask $0x310;
	p2 =	sne.s32 s20, $0x1E00;
	v0 =	vsel vm12, v0, v3;
	v58 =	vbroadcast v54, $0xF;
	v56, _, _ =	vpop (xrf2)  }
.Ltmp0:
0x1b1: {  	v0 =	vsel vm13, v0, v57;
	v59 =	vnsel vm0, $0x0, v55;
	v60 =	vbroadcast v56, $0xF;
	v61, _, _ =	vpop (xrf2);
	(pc) =	sbr.rel @p2 .LBB2_3-.Ltmp0, $4  }
0x1b2: {  	v62 =	vsel vm15, v59, v58;
	vm15 =	vcmask $0x710;
	v63 =	vbroadcast v61, $0xF  }
0x1b3: {  	v0 =	vsel vm14, v0, v50;
	v1 =	vsel vm15, v62, v60;
	vm15 =	vcmask $0xB10  }
0x1b4: {  	[tilespmem:s23+$0x16500] =	vst v0;
	v1 =	vsel vm15, v1, v63  }
0x1b5: {  	s20 =	sadd.s32 $0x200, s20;
	s21 =	sadd.s32 $0xA00, s21;
	[tilespmem:s23+$0x16510] =	vst v1  }
.Ltmp1:
0x1b6: {  	(pc) =	sbr.rel @p1 .LBB2_6-.Ltmp1, $4  }
0x1b7: {  	_ = 	snop  }
0x1b8: {  	s20 =	sshll.u32 s16, $0x9  }
0x1b9: {  	s21 =	sadd.s32 s20, s8  }
0x1ba: {  	[hbm4b:s21+s4] =	stream.linear.scatter [tilespmem:s7], [sflag:$0x5], $0x800, $0x38;
	[tilespmem:$0x17500] =	vst v63  }
0x1bb: {  	v0 =	vlaneseq.u32;
	_ =	sdelay $0x1  }
0x1bc: {  	_ =	swait.ge [sflag:s14], $0x800  }
0x1bd: {  	[sflag:s14] =	ssyncset.done $0x0;
	v45 =	vld [tilespmem:$0x1FED0]  }
0x1be: {  	[sflag:s14] =	ssyncadd.s32 $0xFFFFF800  }
0x1bf: {  	v0 =	vld.idx.msk [tilespmem:v0+s12+$0x0], $0xffff;
	_ =	sdelay $0x3  }
0x1c0: {  	v46 =	vld [tilespmem:$0x1FEE0]  }
0x1c1: {  	[tilespmem:$0x1200] =	vst v0  }
0x1c2: {  	v0 =	vld.idx.msk [tilespmem:v45+s12+$0x0], $0xffff;
	_ =	sdelay $0x3  }
0x1c3: {  	v47 =	vld [tilespmem:$0x1FEF0]  }
0x1c4: {  	[tilespmem:$0x1210] =	vst v0  }
0x1c5: {  	v0 =	vld.idx.msk [tilespmem:v46+s12+$0x0], $0xffff;
	_ =	sdelay $0x3  }
0x1c6: {  	v48 =	vld [tilespmem:$0x1FF00]  }
0x1c7: {  	[tilespmem:$0x1220] =	vst v0  }
0x1c8: {  	v0 =	vld.idx.msk [tilespmem:v47+s12+$0x0], $0xffff;
	_ =	sdelay $0x3  }
0x1c9: {  	v49 =	vld [tilespmem:$0x1FF10]  }
0x1ca: {  	[tilespmem:$0x1230] =	vst v0  }
0x1cb: {  	v0 =	vld.idx.msk [tilespmem:v48+s12+$0x0], $0xffff;
	_ =	sdelay $0x3  }
0x1cc: {  	v50 =	vld [tilespmem:$0x1FF20]  }
0x1cd: {  	[tilespmem:$0x1240] =	vst v0  }
0x1ce: {  	v0 =	vld.idx.msk [tilespmem:v49+s12+$0x0], $0xffff;
	_ =	sdelay $0x3  }
0x1cf: {  	v51 =	vld [tilespmem:$0x1FF30]  }
0x1d0: {  	[tilespmem:$0x1250] =	vst v0  }
0x1d1: {  	v0 =	vld.idx.msk [tilespmem:v50+s12+$0x0], $0xffff;
	_ =	sdelay $0x3  }
0x1d2: {  	v52 =	vld [tilespmem:$0x1FF40]  }
0x1d3: {  	[tilespmem:$0x1260] =	vst v0  }
0x1d4: {  	v0 =	vld.idx.msk [tilespmem:v51+s12+$0x0], $0xffff;
	_ =	sdelay $0x3  }
0x1d5: {  	v53 =	vld [tilespmem:$0x1FF50]  }
0x1d6: {  	[tilespmem:$0x1270] =	vst v0  }
0x1d7: {  	v0 =	vld.idx.msk [tilespmem:v52+s12+$0x0], $0xffff;
	_ =	sdelay $0x3  }
0x1d8: {  	v54 =	vld [tilespmem:$0x1FF60]  }
0x1d9: {  	[tilespmem:$0x1280] =	vst v0  }
0x1da: {  	v0 =	vld.idx.msk [tilespmem:v53+s12+$0x0], $0xffff;
	_ =	sdelay $0x3  }
0x1db: {  	v55 =	vld [tilespmem:$0x1FF70]  }
0x1dc: {  	[tilespmem:$0x1290] =	vst v0  }
0x1dd: {  	v0 =	vld.idx.msk [tilespmem:v54+s12+$0x0], $0xffff;
	_ =	sdelay $0x3  }
0x1de: {  	v56 =	vld [tilespmem:$0x1FF80]  }
0x1df: {  	[tilespmem:$0x12A0] =	vst v0  }
0x1e0: {  	v0 =	vld.idx.msk [tilespmem:v55+s12+$0x0], $0xffff;
	_ =	sdelay $0x3  }
0x1e1: {  	v57 =	vld [tilespmem:$0x1FF90]  }
0x1e2: {  	[tilespmem:$0x12B0] =	vst v0  }
0x1e3: {  	v0 =	vld.idx.msk [tilespmem:v56+s12+$0x0], $0xffff;
	_ =	sdelay $0x3  }
0x1e4: {  	v58 =	vld [tilespmem:$0x1FFA0]  }
0x1e5: {  	[tilespmem:$0x12C0] =	vst v0  }
0x1e6: {  	v0 =	vld.idx.msk [tilespmem:v57+s12+$0x0], $0xffff;
	_ =	sdelay $0x3  }
0x1e7: {  	v59 =	vld [tilespmem:$0x1FFB0]  }
0x1e8: {  	[tilespmem:$0x12D0] =	vst v0  }
0x1e9: {  	v0 =	vld.idx.msk [tilespmem:v58+s12+$0x0], $0xffff;
	_ =	sdelay $0x3  }
0x1ea: {  	v60 =	vld [tilespmem:$0x1FFC0]  }
0x1eb: {  	[tilespmem:$0x12E0] =	vst v0  }
0x1ec: {  	v0 =	vld.idx.msk [tilespmem:v59+s12+$0x0], $0xffff;
	_ =	sdelay $0x3  }
0x1ed: {  	v61 =	vld [tilespmem:$0x1FFD0]  }
0x1ee: {  	[tilespmem:$0x12F0] =	vst v0  }
0x1ef: {  	v0 =	vld.idx.msk [tilespmem:v60+s12+$0x0], $0xffff;
	_ =	sdelay $0x3  }
0x1f0: {  	v62 =	vld [tilespmem:$0x1FFE0]  }
0x1f1: {  	[tilespmem:$0x1300] =	vst v0  }
0x1f2: {  	v0 =	vld.idx.msk [tilespmem:v61+s12+$0x0], $0xffff;
	_ =	sdelay $0x3  }
0x1f3: {  	v63 =	vld [tilespmem:$0x1FFF0]  }
0x1f4: {  	[tilespmem:$0x1310] =	vst v0  }
0x1f5: {  	v0 =	vld.idx.msk [tilespmem:v62+s12+$0x0], $0xffff;
	_ =	sdelay $0x4  }
0x1f6: {  	[tilespmem:$0x1320] =	vst v0  }
0x1f7: {  	v0 =	vld.idx.msk [tilespmem:v63+s12+$0x0], $0xffff;
	_ =	sdelay $0x3  }
0x1f8: {  	s19 =	sshll.u32 s19, $0x4  }
0x1f9: {  	s21 =	simm.s32 $0x1500;
	s19 =	sand.u32 $0x3FFFFFF0, s19;
	[tilespmem:$0x1330] =	vst v0  }
0x1fa: {  	[tilespmem:s21], [sflag:$0x3] =	stream.indirect.gather [hbm4b:s0+s15], $0x80, s19, s15, $0xb8;
	[tilespmem:$0x17500] =	vst v63  }
0x1fb: {  	s23 =	simm.s32 $0x2500;
	s21 =	simm.s32 $0x1200  }
0x1fc: {  	[tilespmem:s23], [sflag:$0x3] =	stream.indirect.gather [hbm4b:s2+s17], $0x80, s21, s17, $0xb8;
	[tilespmem:$0x17500] =	vst v63  }
0x1fd: {  	s21 =	simm.s32 $0x1280;
	s23 =	simm.s32 $0x6500  }
0x1fe: {  	[tilespmem:s23], [sflag:$0x3] =	stream.indirect.gather [hbm4b:s2+s17], $0x80, s21, s17, $0xb8;
	[tilespmem:$0x17500] =	vst v63  }
0x1ff: {  	s21 =	simm.s32 $0x1300  }
0x200: {  	[tilespmem:s24], [sflag:$0x3] =	stream.indirect.gather [hbm4b:s2+s22], $0x80, s21, s22, $0xb8;
	[tilespmem:$0x17500] =	vst v63  }
0x201: {  	s23 =	sadd.s32 s20, s9  }
0x202: {  	[tilespmem:s13], [sflag:$0x2] =	stream.linear.gather [hbm4b:s23+s4], $0x800, $0x38;
	[tilespmem:$0x17500] =	vst v63  }
.LBB2_6:
0x203: {  	_ =	swait.ge [sflag:s10], $0x800  }
0x204: {  	[sflag:s10] =	ssyncset.done $0x0  }
0x205: {  	[sflag:s10] =	ssyncadd.s32 $0xFFFFF800  }
0x206: {  	_ =	swait.ge [sflag:s10], $0xA000  }
0x207: {  	[sflag:s10] =	ssyncset.done $0x0  }
0x208: {  	s19 =	simm.s32 @!p0 $0x6;
	[sflag:s10] =	ssyncadd.s32 $0xFFFF6000  }
0x209: {  	_ =	swait.ge @!p0 [sflag:s19], $0x800  }
0x20a: {  	[sflag:s19] =	ssyncset.done @!p0 $0x0  }
0x20b: {  	s20 =	simm.s32 $0xCA00;
	[sflag:s19] =	ssyncadd.s32 @!p0 $0xFFFFF800;
	s19 =	simm.s32 $0x0  }
.LBB2_7:
0x20c: {  	v2 =	vld [tilespmem:s20+$0xFFFFFB00]  }
0x20d: {  	v3 =	vld [tilespmem:s20+$0xFFFFFB10]  }
0x20e: {  	v4 =	vld [tilespmem:s20+$0xFFFFFB20]  }
0x20f: {  	v5 =	vld [tilespmem:s20+$0xFFFFFB30]  }
0x210: {  	v6 =	vld [tilespmem:s20+$0xFFFFFB40]  }
0x211: {  	v7 =	vld [tilespmem:s20+$0xFFFFFB50]  }
0x212: {  	v8 =	vld [tilespmem:s20+$0xFFFFFB60]  }
0x213: {  	v30 =	vld [tilespmem:s20+$0xFFFFFB70]  }
0x214: {  	v10 =	vld [tilespmem:s20+$0xFFFFFB80]  }
0x215: {  	v11 =	vld [tilespmem:s20+$0xFFFFFB90]  }
0x216: {  	v12 =	vld [tilespmem:s20+$0xFFFFFBA0]  }
0x217: {  	v13 =	vld [tilespmem:s20+$0xFFFFFBB0]  }
0x218: {  	v14 =	vld [tilespmem:s20+$0xFFFFFBC0]  }
0x219: {  	v15 =	vld [tilespmem:s20+$0xFFFFFBD0]  }
0x21a: {  	v16 =	vld [tilespmem:s20+$0xFFFFFBE0]  }
0x21b: {  	v17 =	vld [tilespmem:s20+$0xFFFFFBF0]  }
0x21c: {  	v18 =	vld [tilespmem:s20+$0xFFFFFC00]  }
0x21d: {  	v19 =	vld [tilespmem:s20+$0xFFFFFC10]  }
0x21e: {  	v28 =	vld [tilespmem:s20+$0xFFFFFC20]  }
0x21f: {  	v29 =	vld [tilespmem:s20+$0xFFFFFC30]  }
0x220: {  	v31 =	vld [tilespmem:s20+$0xFFFFFC40]  }
0x221: {  	v40 =	vld [tilespmem:s20+$0xFFFFFC50]  }
0x222: {  	v50 =	vld [tilespmem:s20+$0xFFFFFC60]  }
0x223: {  	v51 =	vld [tilespmem:s20+$0xFFFFFC70]  }
0x224: {  	v43 =	vld [tilespmem:s20+$0xFFFFFC80]  }
0x225: {  	v53 =	vld [tilespmem:s20+$0xFFFFFC90]  }
0x226: {  	v55 =	vld [tilespmem:s20+$0xFFFFFCA0]  }
0x227: {  	v59 =	vld [tilespmem:s20+$0xFFFFFCB0]  }
0x228: {  	v63 =	vld [tilespmem:s20+$0xFFFFFCC0]  }
0x229: {  	v36 =	vld [tilespmem:s20+$0xFFFFFCD0]  }
0x22a: {  	v35 =	vld [tilespmem:s20+$0xFFFFFCE0]  }
0x22b: {  	v45 =	vld [tilespmem:s20+$0xFFFFFCF0]  }
0x22c: {  	v39 =	vld [tilespmem:s20+$0xFFFFFD00]  }
0x22d: {  	v42 =	vld [tilespmem:s20+$0xFFFFFD10]  }
0x22e: {  	v46 =	vld [tilespmem:s20+$0xFFFFFD20]  }
0x22f: {  	v49 =	vld [tilespmem:s20+$0xFFFFFD30]  }
0x230: {  	v58 =	vld [tilespmem:s20+$0xFFFFFD40]  }
0x231: {  	v62 =	vld [tilespmem:s20+$0xFFFFFD50]  }
0x232: {  	v57 =	vld [tilespmem:s20+$0xFFFFFD60]  }
0x233: {  	v0 =	vld [tilespmem:s20+$0xFFFFFD70]  }
0x234: {  	v9 =	vld [tilespmem:s20+$0xFFFFFD80]  }
0x235: {  	v1 =	vld [tilespmem:s20+$0xFFFFFD90]  }
0x236: {  	v32 =	vld [tilespmem:s20+$0xFFFFFDA0]  }
0x237: {  	v33 =	vld [tilespmem:s20+$0xFFFFFDB0]  }
0x238: {  	v38 =	vld [tilespmem:s20+$0xFFFFFDC0]  }
0x239: {  	v48 =	vld [tilespmem:s20+$0xFFFFFDD0]  }
0x23a: {  	v61 =	vld [tilespmem:s20+$0xFFFFFDE0]  }
0x23b: {  	v52 =	vld [tilespmem:s20+$0xFFFFFDF0]  }
0x23c: {  	v37 =	vld [tilespmem:s20+$0xFFFFFE00]  }
0x23d: {  	v34 =	vld [tilespmem:s20+$0xFFFFFE10]  }
0x23e: {  	v47 =	vld [tilespmem:s20+$0xFFFFFE20]  }
0x23f: {  	v56 =	vld [tilespmem:s20+$0xFFFFFE30]  }
0x240: {  	v54 =	vld [tilespmem:s20+$0xFFFFFE40]  }
0x241: {  	v60 =	vld [tilespmem:s20+$0xFFFFFE50]  }
0x242: {  	v41 =	vld [tilespmem:s20+$0xFFFFFE60]  }
0x243: {  	s21 =	sshra.s32 s19, $0x2;
	v44 =	vld [tilespmem:s20+$0xFFFFFE70]  }
0x244: {  	v26 =	vld [tilespmem:s21+$0x1D00]  }
0x245: {  	v27 =	vld [tilespmem:s21+$0x1D10]  }
0x246: {  	v25 =	vld [tilespmem:s21+$0x1D20]  }
0x247: {  	v24 =	vld [tilespmem:s21+$0x1D30]  }
0x248: {  	v23 =	vld [tilespmem:s21+$0x1D40]  }
0x249: {  	v22 =	vld [tilespmem:s21+$0x1D50]  }
0x24a: {  	v21 =	vld [tilespmem:s21+$0x1D60]  }
0x24b: {  	v20 =	vld [tilespmem:s21+$0x1D70];
	[tilespmem:$0x1FD90] =	vst v0  }
0x24c: {  	[tilespmem:$0x1FDB0] =	vst v52;
	v52 =	vld [tilespmem:s20+$0xFFFFFEB0]  }
0x24d: {  	[tilespmem:$0x1FDA0] =	vst v54;
	v54 =	vld [tilespmem:s20+$0xFFFFFEC0]  }
0x24e: {  	[tilespmem:$0x1FE00] =	vst v44;
	v44 =	vld [tilespmem:s20+$0xFFFFFE80]  }
0x24f: {  	[tilespmem:$0x1FDF0] =	vst v41;
	v41 =	vld [tilespmem:s20+$0xFFFFFE90];
	v10 =	vmul.f32 v10, v26;
	v11 =	vmul.f32 v11, v27  }
0x250: {  	[tilespmem:$0x1FDD0] =	vst v60;
	v60 =	vld [tilespmem:s20+$0xFFFFFEA0]  }
0x251: {  	v12 =	vmul.f32 v12, v25;
	v0 =	vadd.f32 v11, v10;
	v11 =	vld [tilespmem:s20+$0xFFFFFF20];
	[tilespmem:$0x1FDC0] =	vst v52  }
0x252: {  	v10 =	vld [tilespmem:s20+$0xFFFFFF30];
	[tilespmem:$0x1FDE0] =	vst v54;
	v52 =	vmul.f32 v2, v26;
	v54 =	vmul.f32 v3, v27  }
0x253: {  	v2 =	vld [tilespmem:s20+$0xFFFFFED0];
	v0 =	vadd.f32 v12, v0;
	v12 =	vmul.f32 v13, v24  }
0x254: {  	v4 =	vmul.f32 v4, v25;
	v3 =	vld [tilespmem:s20+$0xFFFFFEE0];
	v54 =	vadd.f32 v54, v52  }
0x255: {  	v14 =	vmul.f32 v14, v23;
	v52 =	vld [tilespmem:s20+$0xFFFFFEF0];
	v0 =	vadd.f32 v12, v0  }
0x256: {  	v5 =	vmul.f32 v5, v24;
	v12 =	vld [tilespmem:s20+$0xFFFFFF70];
	v4 =	vadd.f32 v4, v54  }
0x257: {  	v54 =	vld [tilespmem:s20+$0xFFFFFF10];
	v0 =	vadd.f32 v14, v0  }
0x258: {  	v14 =	vmul.f32 v15, v22;
	v15 =	vld [tilespmem:s20+$0xFFFFFF80];
	v4 =	vadd.f32 v5, v4;
	v5 =	vmul.f32 v6, v23  }
0x259: {  	v7 =	vmul.f32 v7, v22;
	v6 =	vld [tilespmem:s20+$0xFFFFFF40]  }
0x25a: {  	v0 =	vadd.f32 v14, v0;
	v14 =	vmul.f32 v43, v26;
	v43 =	vld [tilespmem:s20+$0xFFFFFFA0];
	v13 =	vadd.f32 v5, v4  }
0x25b: {  	[tilespmem:$0x1FE10] =	vst v52;
	v52 =	vld [tilespmem:s20+$0xFFFFFF00]  }
0x25c: {  	v5 =	vld [tilespmem:s20+$0xFFFFFF50];
	v7 =	vadd.f32 v7, v13;
	v13 =	vmul.f32 v18, v26;
	v18 =	vmul.f32 v19, v27  }
0x25d: {  	v8 =	vmul.f32 v8, v21;
	v16 =	vmul.f32 v16, v21;
	v4 =	vld [tilespmem:s20+$0xFFFFFF60]  }
0x25e: {  	v17 =	vmul.f32 v17, v20;
	v19 =	vld [tilespmem:s20+$0xFFFFFF90];
	v13 =	vadd.f32 v18, v13;
	v18 =	vmul.f32 v28, v25  }
0x25f: {  	v0 =	vadd.f32 v16, v0;
	v28 =	vmul.f32 v53, v27;
	v53 =	vadd.f32 v8, v7;
	v8 =	vld [tilespmem:s20+$0xFFFFFFB0]  }
0x260: {  	v7 =	vld [tilespmem:s20+$0xFFFFFFC0];
	v13 =	vadd.f32 v18, v13;
	v18 =	vmul.f32 v29, v24  }
0x261: {  	v55 =	vmul.f32 v55, v25;
	v16 =	vadd.f32 v28, v14;
	v14 =	vld [tilespmem:s20+$0xFFFFFFD0];
	v28 =	vadd.f32 v17, v0  }
0x262: {  	v17 =	vld [tilespmem:s20+$0x0];
	v13 =	vadd.f32 v18, v13;
	v18 =	vmul.f32 v30, v20;
	v30 =	vmul.f32 v31, v23  }
0x263: {  	v59 =	vmul.f32 v59, v24;
	v16 =	vadd.f32 v55, v16;
	v55 =	vld [tilespmem:s20+$0xFFFFFFE0]  }
0x264: {  	v29 =	vadd.f32 v18, v53;
	v18 =	vadd.f32 v30, v13;
	v53 =	vmul.f32 v40, v22;
	v13 =	vld [tilespmem:s20+$0xFFFFFFF0]  }
0x265: {  	v0 =	vadd.f32 v59, v16;
	v59 =	vmul.f32 v63, v23;
	v63 =	vmul.f32 v39, v26;
	v39 =	vld [tilespmem:s20+$0x10]  }
0x266: {  	v18 =	vadd.f32 v53, v18;
	v53 =	vmul.f32 v42, v27;
	v42 =	vld [tilespmem:s20+$0x20]  }
0x267: {  	v0 =	vadd.f32 v59, v0;
	v59 =	vmul.f32 v50, v21;
	v50 =	vmul.f32 v46, v25;
	v46 =	vld [tilespmem:s20+$0x30]  }
0x268: {  	v36 =	vmul.f32 v36, v22;
	v9 =	vmul.f32 v9, v26;
	(xrf2) =	vadd.scan.msk.f32 $0xffff, v29;
	v29 =	vld [tilespmem:s20+$0x430]  }
0x269: {  	v1 =	vmul.f32 v1, v27;
	v51 =	vmul.f32 v51, v20;
	v30 =	vadd.f32 v53, v63;
	v63 =	vld [tilespmem:s20+$0x40]  }
0x26a: {  	v40 =	vmul.f32 v35, v21;
	v0 =	vadd.f32 v36, v0;
	v16 =	vadd.f32 v59, v18;
	v59 =	vld [tilespmem:s20+$0x50]  }
0x26b: {  	v1 =	vadd.f32 v1, v9;
	v36 =	vmul.f32 v32, v25;
	v53 =	vadd.f32 v50, v30;
	v50 =	vld [tilespmem:s20+$0x60]  }
0x26c: {  	v35 =	vmul.f32 v49, v24;
	v0 =	vadd.f32 v40, v0;
	v40 =	vld [tilespmem:s20+$0x70]  }
0x26d: {  	v1 =	vadd.f32 v36, v1;
	v36 =	vld [tilespmem:s20+$0x80];
	v31 =	vadd.f32 v51, v16  }
0x26e: {  	(xrf2) =	vadd.scan.msk.f32 $0xffff, v28;
	v30 =	vld [tilespmem:s20+$0x90];
	v18 =	vadd.f32 v35, v53;
	v53 =	vmul.f32 v58, v23  }
0x26f: {  	v58 =	vmul.f32 v45, v20;
	(xrf2) =	vadd.scan.msk.f32 $0xffff, v31;
	v31 =	vld [tilespmem:s20+$0x4B0]  }
0x270: {  	v49 =	vmul.f32 v62, v22;
	v45 =	vadd.f32 v53, v18;
	v53 =	vmul.f32 v38, v23;
	v38 =	vld [tilespmem:s20+$0xA0]  }
0x271: {  	v33 =	vmul.f32 v33, v24;
	v9 =	vadd.f32 v58, v0;
	v58 =	vmul.f32 v37, v26;
	v37 =	vld [tilespmem:s20+$0xB0]  }
0x272: {  	v62 =	vmul.f32 v34, v27;
	v16 =	vadd.f32 v49, v45;
	v45 =	vld [tilespmem:s20+$0xC0]  }
0x273: {  	v51 =	vadd.f32 v33, v1;
	v49 =	vmul.f32 v57, v21;
	v57 =	vmul.f32 v47, v25;
	v47 =	vld [tilespmem:s20+$0xD0]  }
0x274: {  	v18 =	vadd.f32 v62, v58;
	v58 =	vmul.f32 v44, v26;
	v44 =	vld [tilespmem:s20+$0xE0]  }
0x275: {  	v0 =	vadd.f32 v53, v51;
	v51 =	vmul.f32 v48, v22;
	v48 =	vld [tilespmem:s20+$0x100]  }
0x276: {  	v53 =	vmul.f32 v61, v21;
	v61 =	vmul.f32 v56, v24;
	v56 =	vld [tilespmem:$0x1FD90]  }
0x277: {  	v1 =	vadd.f32 v51, v0;
	v0 =	vld [tilespmem:s20+$0xF0]  }
0x278: {  	v41 =	vmul.f32 v41, v27;
	v18 =	vadd.f32 v57, v18;
	v57 =	vld [tilespmem:$0x1FDA0]  }
0x279: {  	v16 =	vadd.f32 v49, v16;
	v49 =	vld [tilespmem:s20+$0x110]  }
0x27a: {  	v62 =	vadd.f32 v41, v58;
	v58 =	vld [tilespmem:$0x1FDB0]  }
0x27b: {  	v51 =	vld [tilespmem:s20+$0x140]  }
0x27c: {  	v1 =	vadd.f32 v53, v1;
	v53 =	vmul.f32 v60, v25;
	v60 =	vld [tilespmem:$0x1FDC0]  }
0x27d: {  	v35 =	vmul.f32 v56, v20;
	v56 =	vld [tilespmem:$0x1FDD0]  }
0x27e: {  	v11 =	vmul.f32 v11, v25;
	v34 =	vadd.f32 v53, v62;
	v53 =	vld [tilespmem:s20+$0x120]  }
0x27f: {  	v18 =	vadd.f32 v61, v18;
	v32 =	vmul.f32 v57, v23;
	v41 =	vmul.f32 v58, v20;
	v58 =	vld [tilespmem:$0x1FDE0]  }
0x280: {  	v10 =	vmul.f32 v10, v24;
	v33 =	vadd.f32 v35, v16;
	v35 =	vmul.f32 v19, v27;
	v19 =	vld [tilespmem:s20+$0x180]  }
0x281: {  	v61 =	vmul.f32 v60, v24;
	v62 =	vadd.f32 v32, v18;
	v32 =	vadd.f32 v41, v1;
	v41 =	vld [tilespmem:s20+$0x170]  }
0x282: {  	v60 =	vmul.f32 v54, v27;
	v54 =	vmul.f32 v43, v25;
	v43 =	vld [tilespmem:s20+$0x220]  }
0x283: {  	v2 =	vmul.f32 v2, v22;
	v18 =	vmul.f32 v56, v22;
	v56 =	vld [tilespmem:s20+$0x130]  }
0x284: {  	v3 =	vmul.f32 v3, v21;
	v12 =	vmul.f32 v12, v20;
	v57 =	vadd.f32 v61, v34;
	v61 =	vld [tilespmem:$0x1FDF0]  }
0x285: {  	v6 =	vmul.f32 v6, v23;
	v34 =	vmul.f32 v58, v23;
	v58 =	vld [tilespmem:$0x1FE00]  }
0x286: {  	v5 =	vmul.f32 v5, v22;
	v16 =	vadd.f32 v18, v62;
	v18 =	vmul.f32 v52, v26;
	v52 =	vld [tilespmem:s20+$0x150]  }
0x287: {  	v4 =	vmul.f32 v4, v21;
	v13 =	vmul.f32 v13, v20;
	v1 =	vadd.f32 v34, v57;
	v57 =	vld [tilespmem:s20+$0x160]  }
0x288: {  	v30 =	vmul.f32 v30, v27;
	v18 =	vadd.f32 v60, v18;
	v34 =	vmul.f32 v15, v26;
	v60 =	vld [tilespmem:$0x1FE10]  }
0x289: {  	v0 =	vmul.f32 v0, v20;
	v15 =	vld [tilespmem:s20+$0x1A0];
	v62 =	vmul.f32 v61, v21;
	v1 =	vadd.f32 v2, v1  }
0x28a: {  	v11 =	vadd.f32 v11, v18;
	v18 =	vld [tilespmem:s20+$0x190];
	v2 =	vadd.f32 v35, v34;
	v34 =	vmul.f32 v58, v20  }
0x28b: {  	v58 =	vmul.f32 v7, v23;
	v7 =	vld [tilespmem:s20+$0x230];
	v16 =	vadd.f32 v62, v16;
	v1 =	vadd.f32 v3, v1  }
0x28c: {  	v10 =	vadd.f32 v10, v11;
	v11 =	vld [tilespmem:s20+$0x1B0];
	v2 =	vadd.f32 v54, v2;
	v62 =	vmul.f32 v8, v24  }
0x28d: {  	v8 =	vld [tilespmem:s20+$0x1C0];
	v61 =	vmul.f32 v60, v20;
	v60 =	vmul.f32 v17, v26;
	v35 =	vadd.f32 v34, v16  }
0x28e: {  	v3 =	vld [tilespmem:s20+$0x1E0];
	v15 =	vmul.f32 v15, v25;
	v6 =	vadd.f32 v6, v10;
	v54 =	vadd.f32 v62, v2  }
0x28f: {  	v17 =	vld [tilespmem:s20+$0x290];
	v62 =	vmul.f32 v14, v22;
	v34 =	vadd.f32 v61, v1;
	v61 =	vmul.f32 v39, v27  }
0x290: {  	v10 =	vld [tilespmem:s20+$0x1D0];
	v39 =	vmul.f32 v55, v21;
	v55 =	vmul.f32 v36, v26  }
0x291: {  	v16 =	vld [tilespmem:s20+$0x1F0];
	v18 =	vmul.f32 v18, v27;
	v5 =	vadd.f32 v5, v6;
	v1 =	vadd.f32 v58, v54  }
0x292: {  	v14 =	vld [tilespmem:s20+$0x200];
	v54 =	vmul.f32 v42, v25;
	v7 =	vmul.f32 v7, v24;
	v6 =	vadd.f32 v61, v60  }
0x293: {  	v42 =	vld [tilespmem:s20+$0x210];
	v60 =	vmul.f32 v46, v24;
	v2 =	vadd.f32 v30, v55;
	v61 =	vmul.f32 v38, v25  }
0x294: {  	v30 =	vld [tilespmem:s20+$0x240];
	v11 =	vmul.f32 v11, v24;
	v3 =	vmul.f32 v3, v21;
	v1 =	vadd.f32 v62, v1  }
0x295: {  	v46 =	vld [tilespmem:s20+$0x250];
	v4 =	vadd.f32 v4, v5;
	v62 =	vmul.f32 v63, v23;
	v63 =	vmul.f32 v37, v24  }
0x296: {  	v58 =	vadd.f32 v54, v6;
	v2 =	vadd.f32 v61, v2;
	v54 =	vld [tilespmem:s20+$0x260];
	v61 =	vmul.f32 v48, v26  }
0x297: {  	v6 =	vld [tilespmem:s20+$0x270];
	v48 =	vmul.f32 v47, v22;
	v16 =	vmul.f32 v16, v20;
	v1 =	vadd.f32 v39, v1  }
0x298: {  	v47 =	vld [tilespmem:s20+$0x2D0];
	v37 =	vadd.f32 v12, v4;
	v5 =	vadd.f32 v60, v58;
	v58 =	vmul.f32 v59, v22  }
0x299: {  	v12 =	vld [tilespmem:s20+$0x280];
	v59 =	vadd.f32 v63, v2;
	v60 =	vmul.f32 v45, v23;
	v63 =	vmul.f32 v50, v21  }
0x29a: {  	v45 =	vld [tilespmem:s20+$0x2A0];
	v50 =	vmul.f32 v53, v25;
	v53 =	vmul.f32 v19, v26  }
0x29b: {  	v19 =	vld [tilespmem:s20+$0x2C0];
	v36 =	vadd.f32 v13, v1;
	v55 =	vadd.f32 v62, v5;
	v62 =	vmul.f32 v49, v27  }
0x29c: {  	v13 =	vld [tilespmem:s20+$0x310];
	v1 =	vadd.f32 v60, v59;
	v49 =	vmul.f32 v44, v21;
	v60 =	vmul.f32 v52, v22  }
0x29d: {  	v44 =	vld [tilespmem:s20+$0x2B0];
	v2 =	vadd.f32 v18, v53;
	v53 =	vmul.f32 v17, v27;
	v6 =	vmul.f32 v6, v20  }
0x29e: {  	v18 =	vld [tilespmem:s20+$0x2E0];
	v4 =	vadd.f32 v58, v55;
	v5 =	vadd.f32 v62, v61;
	v55 =	vmul.f32 v56, v24  }
0x29f: {  	v17 =	vld [tilespmem:s20+$0x360];
	v1 =	vadd.f32 v48, v1;
	v56 =	vmul.f32 v40, v20;
	v58 =	vmul.f32 v51, v23  }
0x2a0: {  	v40 =	vld [tilespmem:s20+$0x2F0];
	v2 =	vadd.f32 v15, v2;
	v62 =	vmul.f32 v8, v23;
	v48 =	vmul.f32 v42, v27  }
0x2a1: {  	v15 =	vld [tilespmem:s20+$0x300];
	v51 =	vmul.f32 v43, v25;
	v52 =	vmul.f32 v12, v26;
	v4 =	vadd.f32 v63, v4  }
0x2a2: {  	v42 =	vld [tilespmem:s20+$0x350];
	v1 =	vadd.f32 v49, v1;
	v63 =	vmul.f32 v14, v26;
	v49 =	vmul.f32 v57, v21  }
0x2a3: {  	v8 =	vld [tilespmem:s20+$0x370];
	v5 =	vadd.f32 v50, v5;
	v50 =	vmul.f32 v10, v22;
	v57 =	vmul.f32 v41, v20  }
0x2a4: {  	v61 =	vadd.f32 v11, v2;
	v2 =	vld [tilespmem:s20+$0x320];
	v13 =	vmul.f32 v13, v27;
	v18 =	vmul.f32 v18, v21  }
0x2a5: {  	v11 =	vld [tilespmem:s20+$0x330];
	v17 =	vmul.f32 v17, v21;
	v5 =	vadd.f32 v55, v5;
	v39 =	vadd.f32 v56, v4  }
0x2a6: {  	v38 =	vadd.f32 v0, v1;
	v0 =	vadd.f32 v62, v61;
	v55 =	vmul.f32 v45, v25;
	v56 =	vld [tilespmem:s20+$0x380]  }
0x2a7: {  	v1 =	vadd.f32 v53, v52;
	v61 =	vld [tilespmem:s20+$0x3A0];
	v62 =	vmul.f32 v46, v22;
	v45 =	vmul.f32 v15, v26  }
0x2a8: {  	v52 =	vld [tilespmem:s20+$0x400];
	v8 =	vmul.f32 v8, v20;
	v59 =	vadd.f32 v58, v5;
	v5 =	vadd.f32 v48, v63  }
0x2a9: {  	v41 =	vld [tilespmem:s20+$0x440];
	v0 =	vadd.f32 v50, v0;
	v58 =	vmul.f32 v30, v23;
	v48 =	vmul.f32 v54, v21  }
0x2aa: {  	v46 =	vld [tilespmem:s20+$0x3D0];
	v1 =	vadd.f32 v55, v1;
	v2 =	vmul.f32 v2, v25;
	v53 =	vmul.f32 v11, v24  }
0x2ab: {  	v63 =	vld [tilespmem:s20+$0x3B0];
	v4 =	vadd.f32 v60, v59;
	v5 =	vadd.f32 v51, v5;
	v60 =	vmul.f32 v44, v24  }
0x2ac: {  	v54 =	vld [tilespmem:s20+$0x410];
	v0 =	vadd.f32 v3, v0;
	v44 =	vmul.f32 v19, v23;
	v50 =	vmul.f32 v56, v26  }
0x2ad: {  	v10 =	vld [tilespmem:s20+$0x340];
	v55 =	vmul.f32 v61, v25;
	v30 =	vmul.f32 v52, v26;
	v4 =	vadd.f32 v49, v4  }
0x2ae: {  	v59 =	vld [tilespmem:s20+$0x390];
	v52 =	vmul.f32 v41, v23;
	v5 =	vadd.f32 v7, v5;
	v0 =	vadd.f32 v16, v0  }
0x2af: {  	v56 =	vld [tilespmem:s20+$0x480];
	v49 =	vmul.f32 v47, v22;
	v7 =	vadd.f32 v13, v45;
	v45 =	vmul.f32 v46, v22  }
0x2b0: {  	v61 =	vld [tilespmem:s20+$0x420];
	v1 =	vadd.f32 v60, v1;
	v47 =	vmul.f32 v29, v24;
	v60 =	vmul.f32 v63, v24  }
0x2b1: {  	v16 =	vld [tilespmem:s20+$0x3C0];
	v11 =	vmul.f32 v54, v27;
	v4 =	vadd.f32 v57, v4;
	v5 =	vadd.f32 v58, v5  }
0x2b2: {  	v1 =	vadd.f32 v44, v1;
	v2 =	vadd.f32 v2, v7;
	v57 =	vmul.f32 v10, v23;
	v58 =	vld [tilespmem:s20+$0x490]  }
0x2b3: {  	v43 =	vld [tilespmem:s20+$0x3E0];
	v51 =	vmul.f32 v59, v27;
	v59 =	vmul.f32 v40, v20;
	v5 =	vadd.f32 v62, v5  }
0x2b4: {  	v63 =	vld [tilespmem:s20+$0x4A0];
	v1 =	vadd.f32 v49, v1;
	v62 =	vmul.f32 v42, v22;
	v40 =	vmul.f32 v56, v26  }
0x2b5: {  	v46 =	vld [tilespmem:s20+$0x450];
	v2 =	vadd.f32 v53, v2;
	v42 =	vmul.f32 v61, v25;
	v49 =	vmul.f32 v31, v24  }
0x2b6: {  	v13 =	vld [tilespmem:s20+$0x3F0];
	v3 =	vadd.f32 v51, v50;
	v28 =	vmul.f32 v16, v23;
	v5 =	vadd.f32 v48, v5  }
0x2b7: {  	(xrf2) =	vadd.scan.msk.f32 $0xffff, v9;
	v54 =	vld [tilespmem:s20+$0x470];
	v1 =	vadd.f32 v18, v1;
	v2 =	vadd.f32 v57, v2;
	v10 =	vmul.f32 v58, v27  }
0x2b8: {  	(xrf2) =	vadd.scan.msk.f32 $0xffff, v33;
	v44 =	vld [tilespmem:s20+$0x4C0];
	v51 =	vmul.f32 v43, v21;
	v5 =	vadd.f32 v6, v5;
	v6 =	vadd.f32 v11, v30  }
0x2b9: {  	(xrf2) =	vadd.scan.msk.f32 $0xffff, v32;
	v53 =	vld [tilespmem:s20+$0x4E0];
	v7 =	vmul.f32 v63, v25;
	v3 =	vadd.f32 v55, v3;
	v9 =	vadd.f32 v10, v40  }
0x2ba: {  	(xrf2) =	vadd.scan.msk.f32 $0xffff, v35;
	v56 =	vmul.f32 v46, v22;
	v48 =	vld [tilespmem:s20+$0x4D0];
	v1 =	vadd.f32 v59, v1;
	v6 =	vadd.f32 v42, v6  }
0x2bb: {  	(xrf2) =	vadd.scan.msk.f32 $0xffff, v34;
	v50 =	vld [tilespmem:s20+$0x460];
	v13 =	vmul.f32 v13, v20;
	v3 =	vadd.f32 v60, v3;
	v7 =	vadd.f32 v7, v9  }
0x2bc: {  	(xrf2) =	vadd.scan.msk.f32 $0xffff, v37;
	v26 =	vmul.f32 v54, v20;
	v2 =	vadd.f32 v62, v2;
	v6 =	vadd.f32 v47, v6  }
0x2bd: {  	(xrf2) =	vadd.scan.msk.f32 $0xffff, v36;
	v14 =	vmul.f32 v44, v23;
	v55, _, _ =	vpop (xrf2);
	v3 =	vadd.f32 v28, v3;
	v7 =	vadd.f32 v49, v7  }
0x2be: {  	v57 =	vld [tilespmem:s20+$0x4F0];
	(xrf2) =	vadd.scan.msk.f32 $0xffff, v39;
	v25 =	vbroadcast v55, $0xF;
	v23 =	vmul.f32 v53, v21;
	v6 =	vadd.f32 v52, v6  }
0x2bf: {  	v58, _, _ =	vpop (xrf2);
	(xrf2) =	vadd.scan.msk.f32 $0xffff, v38;
	v59 =	vmul.f32 v48, v22;
	v3 =	vadd.f32 v45, v3;
	v7 =	vadd.f32 v14, v7  }
0x2c0: {  	v60, _, _ =	vpop (xrf2);
	(xrf2) =	vadd.scan.msk.f32 $0xffff, v4;
	v2 =	vadd.f32 v17, v2;
	v62 =	vmul.f32 v50, v21;
	v61 =	vadd.f32 v56, v6  }
0x2c1: {  	v29 =	vbroadcast v58, $0xF;
	v63, _, _ =	vpop (xrf2);
	(xrf2) =	vadd.scan.msk.f32 $0xffff, v0;
	v3 =	vadd.f32 v51, v3;
	v22 =	vadd.f32 v59, v7  }
0x2c2: {  	v32 =	vbroadcast v60, $0xF;
	v24, _, _ =	vpop (xrf2);
	(xrf2) =	vadd.scan.msk.f32 $0xffff, v5;
	v2 =	vadd.f32 v8, v2;
	v4 =	vadd.f32 v62, v61  }
0x2c3: {  	v30 =	vmul.f32 v57, v20;
	v27, _, _ =	vpop (xrf2);
	(xrf2) =	vadd.scan.msk.f32 $0xffff, v1;
	v19 =	vadd.f32 v13, v3;
	v28 =	vadd.f32 v23, v22  }
0x2c4: {  	v33 =	vbroadcast v63, $0xF;
	v31, _, _ =	vpop (xrf2);
	(xrf2) =	vadd.scan.msk.f32 $0xffff, v2;
	v3 =	vsel vm0, v25, v29;
	v4 =	vadd.f32 v26, v4  }
0x2c5: {  	v37 =	vbroadcast v24, $0xF;
	v34, _, _ =	vpop (xrf2);
	v36 =	vsel vm1, v3, v32;
	(xrf2) =	vadd.scan.msk.f32 $0xffff, v19;
	v35 =	vadd.f32 v30, v28  }
0x2c6: {  	v39 =	vbroadcast v27, $0xF;
	v38, _, _ =	vpop (xrf2);
	v1 =	vsel vm2, v36, v33;
	(xrf2) =	vadd.scan.msk.f32 $0xffff, v4  }
0x2c7: {  	v42 =	vbroadcast v31, $0xF;
	v40, _, _ =	vpop (xrf2);
	v1 =	vsel vm3, v1, v37;
	(xrf2) =	vadd.scan.msk.f32 $0xffff, v35  }
0x2c8: {  	v44 =	vbroadcast v34, $0xF;
	v41, _, _ =	vpop (xrf2);
	v1 =	vsel vm4, v1, v39  }
0x2c9: {  	v46 =	vbroadcast v38, $0xF;
	v43, _, _ =	vpop (xrf2);
	v1 =	vsel vm5, v1, v42  }
0x2ca: {  	v48 =	vbroadcast v40, $0xF;
	v45, _, _ =	vpop (xrf2);
	v1 =	vsel vm6, v1, v44  }
0x2cb: {  	v0 =	vbroadcast v41, $0xF;
	v47, _, _ =	vpop (xrf2);
	v1 =	vsel vm7, v1, v46  }
0x2cc: {  	v51 =	vbroadcast v43, $0xF;
	v49, _, _ =	vpop (xrf2);
	v1 =	vsel vm8, v1, v48  }
0x2cd: {  	v53 =	vbroadcast v45, $0xF;
	v50, _, _ =	vpop (xrf2);
	v0 =	vsel vm9, v1, v0  }
0x2ce: {  	v3 =	vbroadcast v47, $0xF;
	v52, _, _ =	vpop (xrf2);
	v0 =	vsel vm10, v0, v51  }
0x2cf: {  	v57 =	vbroadcast v49, $0xF;
	v55 =	vbroadcast v52, $0xF;
	v0 =	vsel vm11, v0, v53;
	v54, _, _ =	vpop (xrf2)  }
0x2d0: {  	vm15 =	vcmask $0x310;
	p0 =	sne.s32 s19, $0x1E00;
	v0 =	vsel vm12, v0, v3;
	v58 =	vbroadcast v54, $0xF;
	v56, _, _ =	vpop (xrf2)  }
.Ltmp2:
0x2d1: {  	v59 =	vnsel vm0, $0x0, v55;
	v0 =	vsel vm13, v0, v57;
	v60 =	vbroadcast v56, $0xF;
	v61, _, _ =	vpop (xrf2);
	(pc) =	sbr.rel @p0 .LBB2_7-.Ltmp2, $4  }
0x2d2: {  	v62 =	vsel vm15, v59, v58;
	vm15 =	vcmask $0x710;
	v63 =	vbroadcast v61, $0xF  }
0x2d3: {  	v0 =	vsel vm14, v0, v50;
	v1 =	vsel vm15, v62, v60;
	vm15 =	vcmask $0xB10  }
0x2d4: {  	[tilespmem:s21+$0x16D00] =	vst v0;
	v1 =	vsel vm15, v1, v63  }
0x2d5: {  	s19 =	sadd.s32 $0x200, s19;
	s20 =	sadd.s32 $0xA00, s20;
	[tilespmem:s21+$0x16D10] =	vst v1  }
0x2d6: {  	s16 =	sadd.s32 $0x1, s16  }
0x2d7: {  	p0 =	sne.s32 s16, $0x10  }
.Ltmp3:
0x2d8: {  	_ = 	snop;
	(pc) =	sbr.rel @p0 .LBB2_2-.Ltmp3, $4  }
0x2d9: {  	_ = 	snop  }
0x2da: {  	s18 =	sshll.u32 s18, $0x4  }
0x2db: {  	s18 =	sadd.s32 s18, s8  }
0x2dc: {  	[hbm4b:s18+s4] =	stream.linear.scatter [tilespmem:s11], [sflag:$0x6], $0x800, $0x38;
	[tilespmem:$0x17500] =	vst v63  }
0x2dd: {  	s16 =	simm.s32 $0x5  }
0x2de: {  	_ =	swait.ge [sflag:s16], $0x800  }
0x2df: {  	[sflag:s16] =	ssyncset.done $0x0  }
0x2e0: {  	s18 =	simm.s32 $0x6;
	[sflag:s16] =	ssyncadd.s32 $0xFFFFF800  }
0x2e1: {  	_ =	swait.ge [sflag:s18], $0x800  }
0x2e2: {  	s19 =	rddreg [dreg:$0x8]  }
0x2e3: {  	s23 =	rddreg [dreg:$0x7];
	s19 =	sadd.s32 $0x1, s19  }
0x2e4: {  	p0 =	sne.s32 s19, s23  }
.Ltmp4:
0x2e5: {  	_ = 	snop;
	(pc) =	sbr.rel @p0 .LBB2_1-.Ltmp4, $3  }
0x2e6: {  	_ =	sdelay $0x1  }
0x2e7: {  	[sflag:s18] =	ssyncset.done $0x0  }
0x2e8: {  	[sflag:s18] =	ssyncadd.s32 $0xFFFFF800  }
0x2e9: {  	_ =	sfence.sel $0x180000  }
0x2ea: {  	[bflag:$0x0] =	sbarrier.arrive $0xFFFF  }
0x2eb: {  	_ =	strace $0x90000047  }
0x2ec: {  	s0 =	stileid.u32;
	[bflag:$0x2] =	sbarrier.arrive $0xFFFF  }
0x2ed: {  	p0 =	sne.s32 s0, $0x0;
	s0 =	rddreg [dreg:$0x4]  }
0x2ee: {  	s0 =	sadd.s32 @!p0 $0x100000, s0  }
0x2ef: {  	[sflag:s0] =	ssyncadd.tile.s32 @!p0 $0x1;
	_ =	shalt  }
.Lfunc_end2:
_tile_overlayer_lowered:
.L_overlay_start_2:
0x2f0: {  	(tag) =	ssettag $0x2  }
0x2f1: {  	s0 =	rddreg [dreg:$0x0];
	s2 =	stileid.u32  }
0x2f2: {  	s1 =	rddreg [dreg:$0x1];
	p0 =	sne.s32 s2, $0x0  }
0x2f3: {  	s3 =	rddreg [dreg:$0x2];
	[bflag:$0x3] =	sbarrier.arrive $0xFFFF;
	s2 =	simm.s32 @!p0 $0x1C07  }
0x2f4: {  	[timem:s3], [sflag:s2] =	dma.local @!p0 [hbm:s0], s1  }
0x2f5: {  	s0 =	simm.s32 @!p0 $0x7  }
0x2f6: {  	_ =	swait.ge @!p0 [sflag:s0], s1  }
0x2f7: {  	s1 =	ssub.s32 @!p0 $0x0, s1;
	[sflag:s0] =	ssyncset.done @!p0 $0x0  }
0x2f8: {  	[sflag:s0] =	ssyncadd.s32 @!p0 s1  }
0x2f9: {  	[bflag:$0x3] =	sbarrier.arrive $0xFFFF  }
0x2fa: {  	_ =	shalt  }

</sc_bundles>
